<compile_context>
chip_gen: v7x
topology: tpu7x:2x2x1
jax: 0.10.2.dev20260603
libtpu: 0.0.44.dev20260713+nightly
codegen_flags: <defaults>
</compile_context>

<pallas_src>
import math

import jax
import jax.numpy as jnp
from jax import lax
from jax.experimental import pallas as pl
from jax.experimental.pallas import tpu as pltpu, tpu_sc as plsc

VOCAB = 100000
SEQ_LEN = 200
EMB_DIM = 128
BATCH = 4096

NUM_CORES = 2
NUM_SUBCORES = 16
NUM_WORKERS = NUM_CORES * NUM_SUBCORES
NB = BATCH // NUM_WORKERS
HALFS = (96, 104)
HOFFS = (0, 96)
NSTEPS = 2 * NB
LANES = 16
VECS_PER_ROW = EMB_DIM // LANES
IDX_PAD = 128
HROWS_PAD = 112
NRING = 4
SCALE = math.sqrt(float(EMB_DIM))


def _sc_body(
    inputs_hbm, token_hbm, pos_hbm, out_hbm,
    idx_v, rows_v, pos_v,
    gsem0, gsem1, gsem2, gsem3, wsem0, wsem1, wsem2, wsem3, isem,
):
    wid = lax.axis_index("c") * NUM_SUBCORES + lax.axis_index("s")
    base = wid * NB
    gsems = (gsem0, gsem1, gsem2, gsem3)
    wsems = (wsem0, wsem1, wsem2, wsem3)

    idx_load = pltpu.make_async_copy(
        inputs_hbm.at[pl.ds(base, NB)], idx_v, isem
    )
    idx_load.start()
    pltpu.sync_copy(pos_hbm, pos_v.at[pl.ds(0, SEQ_LEN)])
    idx_load.wait()

    def gather_desc(k, h, s):
        return pltpu.make_async_copy(
            token_hbm.at[idx_v.at[k, h, pl.ds(0, HALFS[h])]],
            rows_v.at[s].at[pl.ds(0, HALFS[h])],
            gsems[s],
        )

    def write_desc(k, h, s):
        return pltpu.make_async_copy(
            rows_v.at[s].at[pl.ds(0, HALFS[h])],
            out_hbm.at[base + k, pl.ds(HOFFS[h], HALFS[h])],
            wsems[s],
        )

    def fixup(k, h, s):
        def row(r, carry):
            g = r // LANES
            lane = r - g * LANES
            idx16 = idx_v[k, h, pl.ds(g * LANES, LANES)]
            lanevec = jnp.full((LANES,), lane, dtype=jnp.int32)
            splat = jnp.take_along_axis(idx16, lanevec, axis=0)
            m = jnp.where(splat != 0, 1.0, 0.0)
            pr = HOFFS[h] + r
            ts = [rows_v[s, r, pl.ds(j * LANES, LANES)] for j in range(VECS_PER_ROW)]
            ps = [pos_v[pr, pl.ds(j * LANES, LANES)] for j in range(VECS_PER_ROW)]
            for j in range(VECS_PER_ROW):
                rows_v[s, r, pl.ds(j * LANES, LANES)] = (ts[j] * SCALE + ps[j]) * m
            return carry

        lax.fori_loop(0, HALFS[h], row, 0, unroll=4)

    gather_desc(0, 0, 0).start()
    gather_desc(0, 1, 1).start()

    def quad(ko, carry):
        for q in range(NRING):
            kk = ko * NRING + q
            k = 2 * ko + (q >> 1)
            h = q & 1
            s2 = (q + 2) % NRING
            gather_desc(k, h, q).wait()
            if q < 2:
                @pl.when(kk >= 2)
                def _():
                    write_desc(k - 1, h, s2).wait()

                gather_desc(k + 1, h, s2).start()
            else:
                @pl.when(kk + 2 < NSTEPS)
                def _():
                    write_desc(k - 1, h, s2).wait()
                    gather_desc(k + 1, h, s2).start()
            fixup(k, h, q)
            write_desc(k, h, q).start()
        return carry

    lax.fori_loop(0, NSTEPS // NRING, quad, 0)
    write_desc(NB - 2, 0, 0).wait()
    write_desc(NB - 2, 1, 1).wait()
    write_desc(NB - 1, 0, 2).wait()
    write_desc(NB - 1, 1, 3).wait()


@jax.jit
def kernel(inputs, token_table, pos_table):
    h0 = jnp.pad(inputs[:, : HALFS[0]], ((0, 0), (0, IDX_PAD - HALFS[0])))
    h1 = jnp.pad(inputs[:, HALFS[0] :], ((0, 0), (0, IDX_PAD - HALFS[1])))
    inputs_p = jnp.stack([h0, h1], axis=1)
    mesh = plsc.VectorSubcoreMesh(core_axis_name="c", subcore_axis_name="s")
    run = pl.kernel(
        _sc_body,
        out_type=jax.ShapeDtypeStruct((BATCH, SEQ_LEN, EMB_DIM), jnp.float32),
        mesh=mesh,
        scratch_types=[
            pltpu.VMEM((NB, 2, IDX_PAD), jnp.int32),
            pltpu.VMEM((NRING, HROWS_PAD, EMB_DIM), jnp.float32),
            pltpu.VMEM((HROWS_PAD * 2, EMB_DIM), jnp.float32),
            pltpu.SemaphoreType.DMA,
            pltpu.SemaphoreType.DMA,
            pltpu.SemaphoreType.DMA,
            pltpu.SemaphoreType.DMA,
            pltpu.SemaphoreType.DMA,
            pltpu.SemaphoreType.DMA,
            pltpu.SemaphoreType.DMA,
            pltpu.SemaphoreType.DMA,
            pltpu.SemaphoreType.DMA,
        ],
    )
    return run(inputs_p, token_table, pos_table)

# --- scband reference (transcript-rebuilt; emitter-appended) ---
"""Pipeline reference for scband-positional-embedding-17978733101658 (READ-ONLY COPY).

The authoritative reference and input builder live on the scoring server;
editing this copy changes nothing except your own understanding.
"""

import jax, jax.numpy as jnp
import numpy as np

VOCAB = 100000
SEQ_LEN = 200
EMB_DIM = 128
BATCH = 4096


def setup_inputs(seed: int = 0) -> dict:
    key = jax.random.key(seed)
    k1, k2, k3 = jax.random.split(key, 3)
    inputs = jax.random.randint(k1, (BATCH, SEQ_LEN), 0, VOCAB, dtype=jnp.int32)
    token_table = jax.random.normal(k2, (VOCAB, EMB_DIM), dtype=jnp.float32) * 0.02
    pos_table = jax.random.normal(k3, (SEQ_LEN, EMB_DIM), dtype=jnp.float32) * 0.02
    return {"inputs": inputs, "token_table": token_table, "pos_table": pos_table}


def reference(inputs, token_table, pos_table):
    length = inputs.shape[-1]
    positions = jnp.arange(0, length, 1)
    embedded_tokens = jnp.take(token_table, inputs, axis=0)
    scale = jnp.sqrt(jnp.asarray(EMB_DIM, dtype=jnp.float32))
    embedded_tokens = embedded_tokens * scale
    embedded_positions = jnp.take(pos_table, positions, axis=0)
    full_embedding = embedded_tokens + embedded_positions
    mask = jnp.not_equal(inputs, 0)
    mask = jnp.expand_dims(mask.astype(jnp.float32), axis=-1)
    full_embedding = full_embedding * mask
    return full_embedding

if __name__ == "__main__":
    import jax
    _d = setup_inputs()
    print(jax.jit(kernel)(*tuple(_d.values())))

</pallas_src>

<mosaic_0001>
#map = affine_map<(d0, d1) -> (0, 0, 0)>
#map1 = affine_map<(d0, d1) -> (0, 0)>
module attributes {stable_mosaic.version = 14 : i64} {
  func.func @_sc_body(%arg0: i32, %arg1: i32, %arg2: memref<4096x2x128xi32, #tpu.memory_space<hbm>>, %arg3: memref<100000x128xf32, #tpu.memory_space<hbm>>, %arg4: memref<200x128xf32, #tpu.memory_space<hbm>>, %arg5: memref<4096x200x128xf32, #tpu.memory_space<hbm>>, %arg6: memref<128x2x128xi32, #tpu.memory_space<vmem>>, %arg7: memref<4x112x128xf32, #tpu.memory_space<vmem>>, %arg8: memref<224x128xf32, #tpu.memory_space<vmem>>, %arg9: memref<!tpu.dma_semaphore, #tpu.memory_space<semaphore_mem>>, %arg10: memref<!tpu.dma_semaphore, #tpu.memory_space<semaphore_mem>>, %arg11: memref<!tpu.dma_semaphore, #tpu.memory_space<semaphore_mem>>, %arg12: memref<!tpu.dma_semaphore, #tpu.memory_space<semaphore_mem>>, %arg13: memref<!tpu.dma_semaphore, #tpu.memory_space<semaphore_mem>>, %arg14: memref<!tpu.dma_semaphore, #tpu.memory_space<semaphore_mem>>, %arg15: memref<!tpu.dma_semaphore, #tpu.memory_space<semaphore_mem>>, %arg16: memref<!tpu.dma_semaphore, #tpu.memory_space<semaphore_mem>>, %arg17: memref<!tpu.dma_semaphore, #tpu.memory_space<semaphore_mem>>) attributes {dimension_semantics = [#tpu.dimension_semantics<core_parallel>, #tpu.dimension_semantics<subcore_parallel>], iteration_bounds = array<i64: 2, 16>, scalar_prefetch = 0 : i64, scratch_operands = 12 : i64, tpu.core_type = #tpu.core_type<sc_vector_subcore>, window_params = [{transform_indices = #map}, {transform_indices = #map1}, {transform_indices = #map1}, {transform_indices = #map}]} {
    %mul3A = arith.constant 16 : i32
    %mul3A_0 = arith.muli %arg0, %mul3A : i32
    %add3A = arith.addi %mul3A_0, %arg1 : i32
    %mul3A_1 = arith.constant 128 : i32
    %mul3A_2 = arith.muli %add3A, %mul3A_1 : i32
    %dma_start3A = arith.constant 0 : i32
    %dma_start3A_3 = arith.constant 0 : i32
    %dma_start3A_4 = tpu.memref_slice %arg2[%mul3A_2, %dma_start3A, %dma_start3A_3] : memref<4096x2x128xi32, #tpu.memory_space<hbm>> -> memref<128x2x128xi32, #tpu.memory_space<hbm>>
    %dma_start3A_5 = arith.constant 0 : i32
    %dma_start3A_6 = arith.constant 0 : i32
    %dma_start3A_7 = tpu.memref_slice %arg2[%mul3A_2, %dma_start3A_5, %dma_start3A_6] : memref<4096x2x128xi32, #tpu.memory_space<hbm>> -> memref<128x2x128xi32, #tpu.memory_space<hbm>>
    tpu.enqueue_dma source(%dma_start3A_7 : memref<128x2x128xi32, #tpu.memory_space<hbm>>) target(%arg6 : memref<128x2x128xi32, #tpu.memory_space<vmem>>) target_semaphore(%arg17 : memref<!tpu.dma_semaphore, #tpu.memory_space<semaphore_mem>>)
    "tpu.region"() ({
      %run_scoped3A = tpu.sem_alloc : memref<!tpu.dma_semaphore, #tpu.memory_space<semaphore_mem>>
      %dma_start3A_150 = arith.constant 0 : i32
      %dma_start3A_151 = arith.constant 0 : i32
      %dma_start3A_152 = tpu.memref_slice %arg8[%dma_start3A_150, %dma_start3A_151] : memref<224x128xf32, #tpu.memory_space<vmem>> -> memref<200x128xf32, #tpu.memory_space<vmem>>
      %dma_start3A_153 = arith.constant 0 : i32
      %dma_start3A_154 = arith.constant 0 : i32
      %dma_start3A_155 = tpu.memref_slice %arg8[%dma_start3A_153, %dma_start3A_154] : memref<224x128xf32, #tpu.memory_space<vmem>> -> memref<200x128xf32, #tpu.memory_space<vmem>>
      tpu.enqueue_dma source(%arg4 : memref<200x128xf32, #tpu.memory_space<hbm>>) target(%dma_start3A_155 : memref<200x128xf32, #tpu.memory_space<vmem>>) target_semaphore(%run_scoped3A : memref<!tpu.dma_semaphore, #tpu.memory_space<semaphore_mem>>)
      %dma_wait3A_156 = arith.constant 0 : i32
      %dma_wait3A_157 = arith.constant 0 : i32
      %dma_wait3A_158 = tpu.memref_slice %arg8[%dma_wait3A_156, %dma_wait3A_157] : memref<224x128xf32, #tpu.memory_space<vmem>> -> memref<200x128xf32, #tpu.memory_space<vmem>>
      %dma_wait3A_159 = arith.constant 0 : i32
      %dma_wait3A_160 = arith.constant 0 : i32
      %dma_wait3A_161 = tpu.memref_slice %arg8[%dma_wait3A_159, %dma_wait3A_160] : memref<224x128xf32, #tpu.memory_space<vmem>> -> memref<200x128xf32, #tpu.memory_space<vmem>>
      tpu.wait_dma2 semaphore(%run_scoped3A : memref<!tpu.dma_semaphore, #tpu.memory_space<semaphore_mem>>) src(%arg4 : memref<200x128xf32, #tpu.memory_space<hbm>>) dst(%dma_wait3A_161 : memref<200x128xf32, #tpu.memory_space<vmem>>)
      tpu.yield
    }) : () -> ()
    %dma_wait3A = arith.constant 0 : i32
    %dma_wait3A_8 = arith.constant 0 : i32
    %dma_wait3A_9 = tpu.memref_slice %arg2[%mul3A_2, %dma_wait3A, %dma_wait3A_8] : memref<4096x2x128xi32, #tpu.memory_space<hbm>> -> memref<128x2x128xi32, #tpu.memory_space<hbm>>
    %dma_wait3A_10 = arith.constant 0 : i32
    %dma_wait3A_11 = arith.constant 0 : i32
    %dma_wait3A_12 = tpu.memref_slice %arg2[%mul3A_2, %dma_wait3A_10, %dma_wait3A_11] : memref<4096x2x128xi32, #tpu.memory_space<hbm>> -> memref<128x2x128xi32, #tpu.memory_space<hbm>>
    tpu.wait_dma2 semaphore(%arg17 : memref<!tpu.dma_semaphore, #tpu.memory_space<semaphore_mem>>) src(%dma_wait3A_12 : memref<128x2x128xi32, #tpu.memory_space<hbm>>) dst(%arg6 : memref<128x2x128xi32, #tpu.memory_space<vmem>>)
    %dma_start3A_13 = arith.constant 0 : i32
    %dma_start3A_14 = arith.constant 0 : i32
    %dma_start3A_15 = arith.constant 0 : i32
    %dma_start3A_16 = arith.constant 0 : i32
    %dma_start3A_17 = arith.constant 0 : i32
    %dma_start3A_18 = tpu.memref_slice %arg7[%dma_start3A_15, %dma_start3A_16, %dma_start3A_17] : memref<4x112x128xf32, #tpu.memory_space<vmem>> -> memref<1x112x128xf32, #tpu.memory_space<vmem>>
    %dma_start3A_19 = tpu.memref_squeeze %dma_start3A_18 : memref<1x112x128xf32, #tpu.memory_space<vmem>> -> memref<112x128xf32, #tpu.memory_space<vmem>>
    %dma_start3A_20 = arith.constant 0 : i32
    %dma_start3A_21 = arith.constant 0 : i32
    %dma_start3A_22 = tpu.memref_slice %dma_start3A_19[%dma_start3A_20, %dma_start3A_21] : memref<112x128xf32, #tpu.memory_space<vmem>> -> memref<96x128xf32, #tpu.memory_space<vmem>>
    %dma_start3A_23 = arith.constant 0 : i32
    %dma_start3A_24 = tpu.memref_slice %arg6[%dma_start3A_13, %dma_start3A_14, %dma_start3A_23] : memref<128x2x128xi32, #tpu.memory_space<vmem>> -> memref<1x1x96xi32, #tpu.memory_space<vmem>>
    %dma_start3A_25 = tpu.memref_squeeze %dma_start3A_24 : memref<1x1x96xi32, #tpu.memory_space<vmem>> -> memref<96xi32, #tpu.memory_space<vmem>>
    %dma_start3A_26 = arith.constant 0 : i32
    %dma_start3A_27 = arith.constant 0 : i32
    %dma_start3A_28 = tpu.memref_slice %arg3[%dma_start3A_26, %dma_start3A_27] : memref<100000x128xf32, #tpu.memory_space<hbm>> -> memref<100000x128xf32, #tpu.memory_space<hbm>>
    tpu.enqueue_indirect_dma source(%dma_start3A_28 : memref<100000x128xf32, #tpu.memory_space<hbm>>) target(%dma_start3A_22 : memref<96x128xf32, #tpu.memory_space<vmem>>) offsets(%dma_start3A_25 : memref<96xi32, #tpu.memory_space<vmem>>) semaphore(%arg9 : memref<!tpu.dma_semaphore, #tpu.memory_space<semaphore_mem>>)
    %dma_start3A_29 = arith.constant 0 : i32
    %dma_start3A_30 = arith.constant 1 : i32
    %dma_start3A_31 = arith.constant 1 : i32
    %dma_start3A_32 = arith.constant 0 : i32
    %dma_start3A_33 = arith.constant 0 : i32
    %dma_start3A_34 = tpu.memref_slice %arg7[%dma_start3A_31, %dma_start3A_32, %dma_start3A_33] : memref<4x112x128xf32, #tpu.memory_space<vmem>> -> memref<1x112x128xf32, #tpu.memory_space<vmem>>
    %dma_start3A_35 = tpu.memref_squeeze %dma_start3A_34 : memref<1x112x128xf32, #tpu.memory_space<vmem>> -> memref<112x128xf32, #tpu.memory_space<vmem>>
    %dma_start3A_36 = arith.constant 0 : i32
    %dma_start3A_37 = arith.constant 0 : i32
    %dma_start3A_38 = tpu.memref_slice %dma_start3A_35[%dma_start3A_36, %dma_start3A_37] : memref<112x128xf32, #tpu.memory_space<vmem>> -> memref<104x128xf32, #tpu.memory_space<vmem>>
    %dma_start3A_39 = arith.constant 0 : i32
    %dma_start3A_40 = tpu.memref_slice %arg6[%dma_start3A_29, %dma_start3A_30, %dma_start3A_39] : memref<128x2x128xi32, #tpu.memory_space<vmem>> -> memref<1x1x104xi32, #tpu.memory_space<vmem>>
    %dma_start3A_41 = tpu.memref_squeeze %dma_start3A_40 : memref<1x1x104xi32, #tpu.memory_space<vmem>> -> memref<104xi32, #tpu.memory_space<vmem>>
    %dma_start3A_42 = arith.constant 0 : i32
    %dma_start3A_43 = arith.constant 0 : i32
    %dma_start3A_44 = tpu.memref_slice %arg3[%dma_start3A_42, %dma_start3A_43] : memref<100000x128xf32, #tpu.memory_space<hbm>> -> memref<100000x128xf32, #tpu.memory_space<hbm>>
    tpu.enqueue_indirect_dma source(%dma_start3A_44 : memref<100000x128xf32, #tpu.memory_space<hbm>>) target(%dma_start3A_38 : memref<104x128xf32, #tpu.memory_space<vmem>>) offsets(%dma_start3A_41 : memref<104xi32, #tpu.memory_space<vmem>>) semaphore(%arg10 : memref<!tpu.dma_semaphore, #tpu.memory_space<semaphore_mem>>)
    %scan3A = arith.constant 0 : i32
    %scan3A_45 = arith.constant 0 : i32
    %scan3A_46 = arith.constant 64 : i32
    %scan3A_47 = arith.addi %scan3A_45, %scan3A_46 : i32
    %scan3A_48 = arith.constant 1 : i32
    scf.for %scan3A_150 = %scan3A_45 to %scan3A_47 step %scan3A_48  : i32 {
      %mul3A_151 = arith.constant 4 : i32
      %mul3A_152 = arith.muli %scan3A_150, %mul3A_151 : i32
      %add3A_153 = arith.constant 0 : i32
      %add3A_154 = arith.addi %mul3A_152, %add3A_153 : i32
      %mul3A_155 = arith.constant 2 : i32
      %mul3A_156 = arith.muli %mul3A_155, %scan3A_150 : i32
      %add3A_157 = arith.constant 0 : i32
      %add3A_158 = arith.addi %mul3A_156, %add3A_157 : i32
      %dma_wait3A_159 = arith.constant 0 : i32
      %dma_wait3A_160 = arith.constant 0 : i32
      %dma_wait3A_161 = arith.constant 0 : i32
      %dma_wait3A_162 = arith.constant 0 : i32
      %dma_wait3A_163 = tpu.memref_slice %arg7[%dma_wait3A_160, %dma_wait3A_161, %dma_wait3A_162] : memref<4x112x128xf32, #tpu.memory_space<vmem>> -> memref<1x112x128xf32, #tpu.memory_space<vmem>>
      %dma_wait3A_164 = tpu.memref_squeeze %dma_wait3A_163 : memref<1x112x128xf32, #tpu.memory_space<vmem>> -> memref<112x128xf32, #tpu.memory_space<vmem>>
      %dma_wait3A_165 = arith.constant 0 : i32
      %dma_wait3A_166 = arith.constant 0 : i32
      %dma_wait3A_167 = tpu.memref_slice %dma_wait3A_164[%dma_wait3A_165, %dma_wait3A_166] : memref<112x128xf32, #tpu.memory_space<vmem>> -> memref<96x128xf32, #tpu.memory_space<vmem>>
      %dma_wait3A_168 = arith.constant 0 : i32
      %dma_wait3A_169 = tpu.memref_slice %arg6[%add3A_158, %dma_wait3A_159, %dma_wait3A_168] : memref<128x2x128xi32, #tpu.memory_space<vmem>> -> memref<1x1x96xi32, #tpu.memory_space<vmem>>
      %dma_wait3A_170 = tpu.memref_squeeze %dma_wait3A_169 : memref<1x1x96xi32, #tpu.memory_space<vmem>> -> memref<96xi32, #tpu.memory_space<vmem>>
      %dma_wait3A_171 = arith.constant 0 : i32
      %dma_wait3A_172 = arith.constant 0 : i32
      %dma_wait3A_173 = tpu.memref_slice %arg3[%dma_wait3A_171, %dma_wait3A_172] : memref<100000x128xf32, #tpu.memory_space<hbm>> -> memref<100000x128xf32, #tpu.memory_space<hbm>>
      tpu.wait_indirect_dma semaphore(%arg9 : memref<!tpu.dma_semaphore, #tpu.memory_space<semaphore_mem>>) src(%dma_wait3A_173 : memref<100000x128xf32, #tpu.memory_space<hbm>>) dst(%dma_wait3A_167 : memref<96x128xf32, #tpu.memory_space<vmem>>)
      %ge3A = arith.constant 2 : i32
      %ge3A_174 = arith.cmpi sge, %add3A_154, %ge3A : i32
      %convert_element_type3A = arith.extui %ge3A_174 : i1 to i32
      %cond3A = arith.constant 0 : i32
      %cond3A_175 = arith.cmpi ne, %convert_element_type3A, %cond3A : i32
      scf.if %cond3A_175 {
        %sub3A = arith.constant 1 : i32
        %sub3A_417 = arith.subi %add3A_158, %sub3A : i32
        %add3A_418 = arith.addi %mul3A_2, %sub3A_417 : i32
        %dma_wait3A_419 = arith.constant 2 : i32
        %dma_wait3A_420 = arith.constant 0 : i32
        %dma_wait3A_421 = arith.constant 0 : i32
        %dma_wait3A_422 = tpu.memref_slice %arg7[%dma_wait3A_419, %dma_wait3A_420, %dma_wait3A_421] : memref<4x112x128xf32, #tpu.memory_space<vmem>> -> memref<1x112x128xf32, #tpu.memory_space<vmem>>
        %dma_wait3A_423 = tpu.memref_squeeze %dma_wait3A_422 : memref<1x112x128xf32, #tpu.memory_space<vmem>> -> memref<112x128xf32, #tpu.memory_space<vmem>>
        %dma_wait3A_424 = arith.constant 0 : i32
        %dma_wait3A_425 = arith.constant 0 : i32
        %dma_wait3A_426 = tpu.memref_slice %dma_wait3A_423[%dma_wait3A_424, %dma_wait3A_425] : memref<112x128xf32, #tpu.memory_space<vmem>> -> memref<96x128xf32, #tpu.memory_space<vmem>>
        %dma_wait3A_427 = arith.constant 0 : i32
        %dma_wait3A_428 = arith.constant 0 : i32
        %dma_wait3A_429 = tpu.memref_slice %arg5[%add3A_418, %dma_wait3A_427, %dma_wait3A_428] : memref<4096x200x128xf32, #tpu.memory_space<hbm>> -> memref<1x96x128xf32, #tpu.memory_space<hbm>>
        %dma_wait3A_430 = tpu.memref_squeeze %dma_wait3A_429 : memref<1x96x128xf32, #tpu.memory_space<hbm>> -> memref<96x128xf32, #tpu.memory_space<hbm>>
        %dma_wait3A_431 = arith.constant 0 : i32
        %dma_wait3A_432 = arith.constant 0 : i32
        %dma_wait3A_433 = tpu.memref_slice %arg5[%add3A_418, %dma_wait3A_431, %dma_wait3A_432] : memref<4096x200x128xf32, #tpu.memory_space<hbm>> -> memref<1x96x128xf32, #tpu.memory_space<hbm>>
        %dma_wait3A_434 = tpu.memref_squeeze %dma_wait3A_433 : memref<1x96x128xf32, #tpu.memory_space<hbm>> -> memref<96x128xf32, #tpu.memory_space<hbm>>
        %dma_wait3A_435 = arith.constant 0 : i32
        %dma_wait3A_436 = arith.constant 0 : i32
        %dma_wait3A_437 = tpu.memref_slice %arg7[%dma_wait3A_419, %dma_wait3A_435, %dma_wait3A_436] : memref<4x112x128xf32, #tpu.memory_space<vmem>> -> memref<1x112x128xf32, #tpu.memory_space<vmem>>
        %dma_wait3A_438 = tpu.memref_squeeze %dma_wait3A_437 : memref<1x112x128xf32, #tpu.memory_space<vmem>> -> memref<112x128xf32, #tpu.memory_space<vmem>>
        %dma_wait3A_439 = arith.constant 0 : i32
        %dma_wait3A_440 = arith.constant 0 : i32
        %dma_wait3A_441 = tpu.memref_slice %dma_wait3A_438[%dma_wait3A_439, %dma_wait3A_440] : memref<112x128xf32, #tpu.memory_space<vmem>> -> memref<96x128xf32, #tpu.memory_space<vmem>>
        tpu.wait_dma2 semaphore(%arg15 : memref<!tpu.dma_semaphore, #tpu.memory_space<semaphore_mem>>) src(%dma_wait3A_441 : memref<96x128xf32, #tpu.memory_space<vmem>>) dst(%dma_wait3A_434 : memref<96x128xf32, #tpu.memory_space<hbm>>)
      } else {
      }
      %add3A_176 = arith.constant 1 : i32
      %add3A_177 = arith.addi %add3A_158, %add3A_176 : i32
      %dma_start3A_178 = arith.constant 0 : i32
      %dma_start3A_179 = arith.constant 2 : i32
      %dma_start3A_180 = arith.constant 0 : i32
      %dma_start3A_181 = arith.constant 0 : i32
      %dma_start3A_182 = tpu.memref_slice %arg7[%dma_start3A_179, %dma_start3A_180, %dma_start3A_181] : memref<4x112x128xf32, #tpu.memory_space<vmem>> -> memref<1x112x128xf32, #tpu.memory_space<vmem>>
      %dma_start3A_183 = tpu.memref_squeeze %dma_start3A_182 : memref<1x112x128xf32, #tpu.memory_space<vmem>> -> memref<112x128xf32, #tpu.memory_space<vmem>>
      %dma_start3A_184 = arith.constant 0 : i32
      %dma_start3A_185 = arith.constant 0 : i32
      %dma_start3A_186 = tpu.memref_slice %dma_start3A_183[%dma_start3A_184, %dma_start3A_185] : memref<112x128xf32, #tpu.memory_space<vmem>> -> memref<96x128xf32, #tpu.memory_space<vmem>>
      %dma_start3A_187 = arith.constant 0 : i32
      %dma_start3A_188 = tpu.memref_slice %arg6[%add3A_177, %dma_start3A_178, %dma_start3A_187] : memref<128x2x128xi32, #tpu.memory_space<vmem>> -> memref<1x1x96xi32, #tpu.memory_space<vmem>>
      %dma_start3A_189 = tpu.memref_squeeze %dma_start3A_188 : memref<1x1x96xi32, #tpu.memory_space<vmem>> -> memref<96xi32, #tpu.memory_space<vmem>>
      %dma_start3A_190 = arith.constant 0 : i32
      %dma_start3A_191 = arith.constant 0 : i32
      %dma_start3A_192 = tpu.memref_slice %arg3[%dma_start3A_190, %dma_start3A_191] : memref<100000x128xf32, #tpu.memory_space<hbm>> -> memref<100000x128xf32, #tpu.memory_space<hbm>>
      tpu.enqueue_indirect_dma source(%dma_start3A_192 : memref<100000x128xf32, #tpu.memory_space<hbm>>) target(%dma_start3A_186 : memref<96x128xf32, #tpu.memory_space<vmem>>) offsets(%dma_start3A_189 : memref<96xi32, #tpu.memory_space<vmem>>) semaphore(%arg11 : memref<!tpu.dma_semaphore, #tpu.memory_space<semaphore_mem>>)
      %scan3A_193 = arith.constant 0 : i32
      %scan3A_194 = arith.constant 0 : i32
      %scan3A_195 = arith.constant 96 : i32
      %scan3A_196 = arith.addi %scan3A_194, %scan3A_195 : i32
      %scan3A_197 = arith.constant 4 : i32
      scf.for %scan3A_417 = %scan3A_194 to %scan3A_196 step %scan3A_197  : i32 {
        %jit3A = arith.constant 16 : i32
        %div3A = arith.divsi %scan3A_417, %jit3A : i32
        %sign3A = arith.constant 0 : i32
        %sign3A_418 = arith.cmpi sgt, %scan3A_417, %sign3A : i32
        %sign3A_419 = arith.extui %sign3A_418 : i1 to i32
        %sign3A_420 = arith.constant 0 : i32
        %sign3A_421 = arith.cmpi slt, %scan3A_417, %sign3A_420 : i32
        %sign3A_422 = arith.extui %sign3A_421 : i1 to i32
        %sign3A_423 = arith.subi %sign3A_419, %sign3A_422 : i32
        %sign3A_424 = arith.constant 0 : i32
        %sign3A_425 = arith.cmpi sgt, %jit3A, %sign3A_424 : i32
        %sign3A_426 = arith.extui %sign3A_425 : i1 to i32
        %sign3A_427 = arith.constant 0 : i32
        %sign3A_428 = arith.cmpi slt, %jit3A, %sign3A_427 : i32
        %sign3A_429 = arith.extui %sign3A_428 : i1 to i32
        %sign3A_430 = arith.subi %sign3A_426, %sign3A_429 : i32
        %ne3A = arith.cmpi ne, %sign3A_423, %sign3A_430 : i32
        %rem3A = arith.remsi %scan3A_417, %jit3A : i32
        %ne3A_431 = arith.constant 0 : i32
        %ne3A_432 = arith.cmpi ne, %rem3A, %ne3A_431 : i32
        %and3A = arith.andi %ne3A, %ne3A_432 : i1
        %sub3A = arith.constant 1 : i32
        %sub3A_433 = arith.subi %div3A, %sub3A : i32
        %select_n3A = arith.select %and3A, %sub3A_433, %div3A : i32
        %mul3A_434 = arith.constant 16 : i32
        %mul3A_435 = arith.muli %select_n3A, %mul3A_434 : i32
        %sub3A_436 = arith.subi %scan3A_417, %mul3A_435 : i32
        %mul3A_437 = arith.constant 16 : i32
        %mul3A_438 = arith.muli %select_n3A, %mul3A_437 : i32
        %get3A = arith.constant 0 : i32
        %get3A_439 = arith.index_cast %add3A_158 : i32 to index
        %get3A_440 = arith.index_cast %get3A : i32 to index
        %get3A_441 = arith.index_cast %mul3A_438 : i32 to index
        %get3A_442 = tpu.vector_load %arg6[%get3A_439, %get3A_440, %get3A_441] {strides = array<i32>} : memref<128x2x128xi32, #tpu.memory_space<vmem>>, vector<1x1x16xi32>,
        %get3A_443 = vector.shape_cast %get3A_442 : vector<1x1x16xi32> to vector<16xi32>
        %broadcast_in_dim3A = vector.broadcast %sub3A_436 : i32 to vector<16xi32>
        %lt3A_444 = arith.constant 0 : i32
        %lt3A_445 = vector.broadcast %lt3A_444 : i32 to vector<16xi32>
        %lt3A_446 = arith.cmpi slt, %broadcast_in_dim3A, %lt3A_445 : vector<16xi32>
        %add3A_447 = arith.constant 16 : i32
        %add3A_448 = vector.broadcast %add3A_447 : i32 to vector<16xi32>
        %add3A_449 = arith.addi %broadcast_in_dim3A, %add3A_448 : vector<16xi32>
        %select_n3A_450 = arith.select %lt3A_446, %add3A_449, %broadcast_in_dim3A : vector<16xi1>, vector<16xi32>
        %reshape3A = vector.shape_cast %select_n3A_450 : vector<16xi32> to vector<16x1xi32>
        %gather3A = vector.shape_cast %reshape3A : vector<16x1xi32> to vector<16xi32>
        %gather3A_451 = tpu.dynamic_gather %get3A_443[%gather3A] in [0] : vector<16xi32>, vector<16xi32> -> vector<16xi32>
        %ne3A_452 = arith.constant 0 : i32
        %ne3A_453 = vector.broadcast %ne3A_452 : i32 to vector<16xi32>
        %ne3A_454 = arith.cmpi ne, %gather3A_451, %ne3A_453 : vector<16xi32>
        %jit3A_455 = arith.constant 1.000000e+00 : f32
        %jit3A_456 = arith.constant 0.000000e+00 : f32
        %broadcast_in_dim3A_457 = vector.broadcast %jit3A_455 : f32 to vector<16xf32>
        %broadcast_in_dim3A_458 = vector.broadcast %jit3A_456 : f32 to vector<16xf32>
        %select_n3A_459 = arith.select %ne3A_454, %broadcast_in_dim3A_457, %broadcast_in_dim3A_458 : vector<16xi1>, vector<16xf32>
        %add3A_460 = arith.constant 0 : i32
        %add3A_461 = arith.addi %add3A_460, %scan3A_417 : i32
        %get3A_462 = arith.constant 0 : i32
        %get3A_463 = arith.index_cast %get3A_462 : i32 to index
        %get3A_464 = arith.index_cast %scan3A_417 : i32 to index
        %get3A_465 = arith.constant 0 : index
        %get3A_466 = tpu.vector_load %arg7[%get3A_463, %get3A_464, %get3A_465] {strides = array<i32>} : memref<4x112x128xf32, #tpu.memory_space<vmem>>, vector<1x1x16xf32>,
        %get3A_467 = vector.shape_cast %get3A_466 : vector<1x1x16xf32> to vector<16xf32>
        %get3A_468 = arith.constant 0 : i32
        %get3A_469 = arith.index_cast %get3A_468 : i32 to index
        %get3A_470 = arith.index_cast %scan3A_417 : i32 to index
        %get3A_471 = arith.constant 16 : index
        %get3A_472 = tpu.vector_load %arg7[%get3A_469, %get3A_470, %get3A_471] {strides = array<i32>} : memref<4x112x128xf32, #tpu.memory_space<vmem>>, vector<1x1x16xf32>,
        %get3A_473 = vector.shape_cast %get3A_472 : vector<1x1x16xf32> to vector<16xf32>
        %get3A_474 = arith.constant 0 : i32
        %get3A_475 = arith.index_cast %get3A_474 : i32 to index
        %get3A_476 = arith.index_cast %scan3A_417 : i32 to index
        %get3A_477 = arith.constant 32 : index
        %get3A_478 = tpu.vector_load %arg7[%get3A_475, %get3A_476, %get3A_477] {strides = array<i32>} : memref<4x112x128xf32, #tpu.memory_space<vmem>>, vector<1x1x16xf32>,
        %get3A_479 = vector.shape_cast %get3A_478 : vector<1x1x16xf32> to vector<16xf32>
        %get3A_480 = arith.constant 0 : i32
        %get3A_481 = arith.index_cast %get3A_480 : i32 to index
        %get3A_482 = arith.index_cast %scan3A_417 : i32 to index
        %get3A_483 = arith.constant 48 : index
        %get3A_484 = tpu.vector_load %arg7[%get3A_481, %get3A_482, %get3A_483] {strides = array<i32>} : memref<4x112x128xf32, #tpu.memory_space<vmem>>, vector<1x1x16xf32>,
        %get3A_485 = vector.shape_cast %get3A_484 : vector<1x1x16xf32> to vector<16xf32>
        %get3A_486 = arith.constant 0 : i32
        %get3A_487 = arith.index_cast %get3A_486 : i32 to index
        %get3A_488 = arith.index_cast %scan3A_417 : i32 to index
        %get3A_489 = arith.constant 64 : index
        %get3A_490 = tpu.vector_load %arg7[%get3A_487, %get3A_488, %get3A_489] {strides = array<i32>} : memref<4x112x128xf32, #tpu.memory_space<vmem>>, vector<1x1x16xf32>,
        %get3A_491 = vector.shape_cast %get3A_490 : vector<1x1x16xf32> to vector<16xf32>
        %get3A_492 = arith.constant 0 : i32
        %get3A_493 = arith.index_cast %get3A_492 : i32 to index
        %get3A_494 = arith.index_cast %scan3A_417 : i32 to index
        %get3A_495 = arith.constant 80 : index
        %get3A_496 = tpu.vector_load %arg7[%get3A_493, %get3A_494, %get3A_495] {strides = array<i32>} : memref<4x112x128xf32, #tpu.memory_space<vmem>>, vector<1x1x16xf32>,
        %get3A_497 = vector.shape_cast %get3A_496 : vector<1x1x16xf32> to vector<16xf32>
        %get3A_498 = arith.constant 0 : i32
        %get3A_499 = arith.index_cast %get3A_498 : i32 to index
        %get3A_500 = arith.index_cast %scan3A_417 : i32 to index
        %get3A_501 = arith.constant 96 : index
        %get3A_502 = tpu.vector_load %arg7[%get3A_499, %get3A_500, %get3A_501] {strides = array<i32>} : memref<4x112x128xf32, #tpu.memory_space<vmem>>, vector<1x1x16xf32>,
        %get3A_503 = vector.shape_cast %get3A_502 : vector<1x1x16xf32> to vector<16xf32>
        %get3A_504 = arith.constant 0 : i32
        %get3A_505 = arith.index_cast %get3A_504 : i32 to index
        %get3A_506 = arith.index_cast %scan3A_417 : i32 to index
        %get3A_507 = arith.constant 112 : index
        %get3A_508 = tpu.vector_load %arg7[%get3A_505, %get3A_506, %get3A_507] {strides = array<i32>} : memref<4x112x128xf32, #tpu.memory_space<vmem>>, vector<1x1x16xf32>,
        %get3A_509 = vector.shape_cast %get3A_508 : vector<1x1x16xf32> to vector<16xf32>
        %get3A_510 = arith.index_cast %add3A_461 : i32 to index
        %get3A_511 = arith.constant 0 : index
        %get3A_512 = tpu.vector_load %arg8[%get3A_510, %get3A_511] {strides = array<i32>} : memref<224x128xf32, #tpu.memory_space<vmem>>, vector<1x16xf32>,
        %get3A_513 = vector.shape_cast %get3A_512 : vector<1x16xf32> to vector<16xf32>
        %get3A_514 = arith.index_cast %add3A_461 : i32 to index
        %get3A_515 = arith.constant 16 : index
        %get3A_516 = tpu.vector_load %arg8[%get3A_514, %get3A_515] {strides = array<i32>} : memref<224x128xf32, #tpu.memory_space<vmem>>, vector<1x16xf32>,
        %get3A_517 = vector.shape_cast %get3A_516 : vector<1x16xf32> to vector<16xf32>
        %get3A_518 = arith.index_cast %add3A_461 : i32 to index
        %get3A_519 = arith.constant 32 : index
        %get3A_520 = tpu.vector_load %arg8[%get3A_518, %get3A_519] {strides = array<i32>} : memref<224x128xf32, #tpu.memory_space<vmem>>, vector<1x16xf32>,
        %get3A_521 = vector.shape_cast %get3A_520 : vector<1x16xf32> to vector<16xf32>
        %get3A_522 = arith.index_cast %add3A_461 : i32 to index
        %get3A_523 = arith.constant 48 : index
        %get3A_524 = tpu.vector_load %arg8[%get3A_522, %get3A_523] {strides = array<i32>} : memref<224x128xf32, #tpu.memory_space<vmem>>, vector<1x16xf32>,
        %get3A_525 = vector.shape_cast %get3A_524 : vector<1x16xf32> to vector<16xf32>
        %get3A_526 = arith.index_cast %add3A_461 : i32 to index
        %get3A_527 = arith.constant 64 : index
        %get3A_528 = tpu.vector_load %arg8[%get3A_526, %get3A_527] {strides = array<i32>} : memref<224x128xf32, #tpu.memory_space<vmem>>, vector<1x16xf32>,
        %get3A_529 = vector.shape_cast %get3A_528 : vector<1x16xf32> to vector<16xf32>
        %get3A_530 = arith.index_cast %add3A_461 : i32 to index
        %get3A_531 = arith.constant 80 : index
        %get3A_532 = tpu.vector_load %arg8[%get3A_530, %get3A_531] {strides = array<i32>} : memref<224x128xf32, #tpu.memory_space<vmem>>, vector<1x16xf32>,
        %get3A_533 = vector.shape_cast %get3A_532 : vector<1x16xf32> to vector<16xf32>
        %get3A_534 = arith.index_cast %add3A_461 : i32 to index
        %get3A_535 = arith.constant 96 : index
        %get3A_536 = tpu.vector_load %arg8[%get3A_534, %get3A_535] {strides = array<i32>} : memref<224x128xf32, #tpu.memory_space<vmem>>, vector<1x16xf32>,
        %get3A_537 = vector.shape_cast %get3A_536 : vector<1x16xf32> to vector<16xf32>
        %get3A_538 = arith.index_cast %add3A_461 : i32 to index
        %get3A_539 = arith.constant 112 : index
        %get3A_540 = tpu.vector_load %arg8[%get3A_538, %get3A_539] {strides = array<i32>} : memref<224x128xf32, #tpu.memory_space<vmem>>, vector<1x16xf32>,
        %get3A_541 = vector.shape_cast %get3A_540 : vector<1x16xf32> to vector<16xf32>
        %mul3A_542 = arith.constant 11.3137083 : f32
        %mul3A_543 = vector.broadcast %mul3A_542 : f32 to vector<16xf32>
        %mul3A_544 = arith.mulf %get3A_467, %mul3A_543 : vector<16xf32>
        %add3A_545 = arith.addf %mul3A_544, %get3A_513 : vector<16xf32>
        %mul3A_546 = arith.mulf %add3A_545, %select_n3A_459 : vector<16xf32>
        %swap3A = arith.constant 0 : i32
        %swap3A_547 = arith.index_cast %swap3A : i32 to index
        %swap3A_548 = arith.index_cast %scan3A_417 : i32 to index
        %swap3A_549 = arith.constant 0 : index
        %swap3A_550 = tpu.vector_load %arg7[%swap3A_547, %swap3A_548, %swap3A_549] {strides = array<i32>} : memref<4x112x128xf32, #tpu.memory_space<vmem>>, vector<1x1x16xf32>,
        %swap3A_551 = vector.shape_cast %swap3A_550 : vector<1x1x16xf32> to vector<16xf32>
        %swap3A_552 = vector.shape_cast %mul3A_546 : vector<16xf32> to vector<1x1x16xf32>
        tpu.vector_store %arg7[%swap3A_547, %swap3A_548, %swap3A_549], %swap3A_552 {strides = array<i32>} : memref<4x112x128xf32, #tpu.memory_space<vmem>>, vector<1x1x16xf32>,
        %mul3A_553 = arith.constant 11.3137083 : f32
        %mul3A_554 = vector.broadcast %mul3A_553 : f32 to vector<16xf32>
        %mul3A_555 = arith.mulf %get3A_473, %mul3A_554 : vector<16xf32>
        %add3A_556 = arith.addf %mul3A_555, %get3A_517 : vector<16xf32>
        %mul3A_557 = arith.mulf %add3A_556, %select_n3A_459 : vector<16xf32>
        %swap3A_558 = arith.constant 0 : i32
        %swap3A_559 = arith.index_cast %swap3A_558 : i32 to index
        %swap3A_560 = arith.index_cast %scan3A_417 : i32 to index
        %swap3A_561 = arith.constant 16 : index
        %swap3A_562 = tpu.vector_load %arg7[%swap3A_559, %swap3A_560, %swap3A_561] {strides = array<i32>} : memref<4x112x128xf32, #tpu.memory_space<vmem>>, vector<1x1x16xf32>,
        %swap3A_563 = vector.shape_cast %swap3A_562 : vector<1x1x16xf32> to vector<16xf32>
        %swap3A_564 = vector.shape_cast %mul3A_557 : vector<16xf32> to vector<1x1x16xf32>
        tpu.vector_store %arg7[%swap3A_559, %swap3A_560, %swap3A_561], %swap3A_564 {strides = array<i32>} : memref<4x112x128xf32, #tpu.memory_space<vmem>>, vector<1x1x16xf32>,
        %mul3A_565 = arith.constant 11.3137083 : f32
        %mul3A_566 = vector.broadcast %mul3A_565 : f32 to vector<16xf32>
        %mul3A_567 = arith.mulf %get3A_479, %mul3A_566 : vector<16xf32>
        %add3A_568 = arith.addf %mul3A_567, %get3A_521 : vector<16xf32>
        %mul3A_569 = arith.mulf %add3A_568, %select_n3A_459 : vector<16xf32>
        %swap3A_570 = arith.constant 0 : i32
        %swap3A_571 = arith.index_cast %swap3A_570 : i32 to index
        %swap3A_572 = arith.index_cast %scan3A_417 : i32 to index
        %swap3A_573 = arith.constant 32 : index
        %swap3A_574 = tpu.vector_load %arg7[%swap3A_571, %swap3A_572, %swap3A_573] {strides = array<i32>} : memref<4x112x128xf32, #tpu.memory_space<vmem>>, vector<1x1x16xf32>,
        %swap3A_575 = vector.shape_cast %swap3A_574 : vector<1x1x16xf32> to vector<16xf32>
        %swap3A_576 = vector.shape_cast %mul3A_569 : vector<16xf32> to vector<1x1x16xf32>
        tpu.vector_store %arg7[%swap3A_571, %swap3A_572, %swap3A_573], %swap3A_576 {strides = array<i32>} : memref<4x112x128xf32, #tpu.memory_space<vmem>>, vector<1x1x16xf32>,
        %mul3A_577 = arith.constant 11.3137083 : f32
        %mul3A_578 = vector.broadcast %mul3A_577 : f32 to vector<16xf32>
        %mul3A_579 = arith.mulf %get3A_485, %mul3A_578 : vector<16xf32>
        %add3A_580 = arith.addf %mul3A_579, %get3A_525 : vector<16xf32>
        %mul3A_581 = arith.mulf %add3A_580, %select_n3A_459 : vector<16xf32>
        %swap3A_582 = arith.constant 0 : i32
        %swap3A_583 = arith.index_cast %swap3A_582 : i32 to index
        %swap3A_584 = arith.index_cast %scan3A_417 : i32 to index
        %swap3A_585 = arith.constant 48 : index
        %swap3A_586 = tpu.vector_load %arg7[%swap3A_583, %swap3A_584, %swap3A_585] {strides = array<i32>} : memref<4x112x128xf32, #tpu.memory_space<vmem>>, vector<1x1x16xf32>,
        %swap3A_587 = vector.shape_cast %swap3A_586 : vector<1x1x16xf32> to vector<16xf32>
        %swap3A_588 = vector.shape_cast %mul3A_581 : vector<16xf32> to vector<1x1x16xf32>
        tpu.vector_store %arg7[%swap3A_583, %swap3A_584, %swap3A_585], %swap3A_588 {strides = array<i32>} : memref<4x112x128xf32, #tpu.memory_space<vmem>>, vector<1x1x16xf32>,
        %mul3A_589 = arith.constant 11.3137083 : f32
        %mul3A_590 = vector.broadcast %mul3A_589 : f32 to vector<16xf32>
        %mul3A_591 = arith.mulf %get3A_491, %mul3A_590 : vector<16xf32>
        %add3A_592 = arith.addf %mul3A_591, %get3A_529 : vector<16xf32>
        %mul3A_593 = arith.mulf %add3A_592, %select_n3A_459 : vector<16xf32>
        %swap3A_594 = arith.constant 0 : i32
        %swap3A_595 = arith.index_cast %swap3A_594 : i32 to index
        %swap3A_596 = arith.index_cast %scan3A_417 : i32 to index
        %swap3A_597 = arith.constant 64 : index
        %swap3A_598 = tpu.vector_load %arg7[%swap3A_595, %swap3A_596, %swap3A_597] {strides = array<i32>} : memref<4x112x128xf32, #tpu.memory_space<vmem>>, vector<1x1x16xf32>,
        %swap3A_599 = vector.shape_cast %swap3A_598 : vector<1x1x16xf32> to vector<16xf32>
        %swap3A_600 = vector.shape_cast %mul3A_593 : vector<16xf32> to vector<1x1x16xf32>
        tpu.vector_store %arg7[%swap3A_595, %swap3A_596, %swap3A_597], %swap3A_600 {strides = array<i32>} : memref<4x112x128xf32, #tpu.memory_space<vmem>>, vector<1x1x16xf32>,
        %mul3A_601 = arith.constant 11.3137083 : f32
        %mul3A_602 = vector.broadcast %mul3A_601 : f32 to vector<16xf32>
        %mul3A_603 = arith.mulf %get3A_497, %mul3A_602 : vector<16xf32>
        %add3A_604 = arith.addf %mul3A_603, %get3A_533 : vector<16xf32>
        %mul3A_605 = arith.mulf %add3A_604, %select_n3A_459 : vector<16xf32>
        %swap3A_606 = arith.constant 0 : i32
        %swap3A_607 = arith.index_cast %swap3A_606 : i32 to index
        %swap3A_608 = arith.index_cast %scan3A_417 : i32 to index
        %swap3A_609 = arith.constant 80 : index
        %swap3A_610 = tpu.vector_load %arg7[%swap3A_607, %swap3A_608, %swap3A_609] {strides = array<i32>} : memref<4x112x128xf32, #tpu.memory_space<vmem>>, vector<1x1x16xf32>,
        %swap3A_611 = vector.shape_cast %swap3A_610 : vector<1x1x16xf32> to vector<16xf32>
        %swap3A_612 = vector.shape_cast %mul3A_605 : vector<16xf32> to vector<1x1x16xf32>
        tpu.vector_store %arg7[%swap3A_607, %swap3A_608, %swap3A_609], %swap3A_612 {strides = array<i32>} : memref<4x112x128xf32, #tpu.memory_space<vmem>>, vector<1x1x16xf32>,
        %mul3A_613 = arith.constant 11.3137083 : f32
        %mul3A_614 = vector.broadcast %mul3A_613 : f32 to vector<16xf32>
        %mul3A_615 = arith.mulf %get3A_503, %mul3A_614 : vector<16xf32>
        %add3A_616 = arith.addf %mul3A_615, %get3A_537 : vector<16xf32>
        %mul3A_617 = arith.mulf %add3A_616, %select_n3A_459 : vector<16xf32>
        %swap3A_618 = arith.constant 0 : i32
        %swap3A_619 = arith.index_cast %swap3A_618 : i32 to index
        %swap3A_620 = arith.index_cast %scan3A_417 : i32 to index
        %swap3A_621 = arith.constant 96 : index
        %swap3A_622 = tpu.vector_load %arg7[%swap3A_619, %swap3A_620, %swap3A_621] {strides = array<i32>} : memref<4x112x128xf32, #tpu.memory_space<vmem>>, vector<1x1x16xf32>,
        %swap3A_623 = vector.shape_cast %swap3A_622 : vector<1x1x16xf32> to vector<16xf32>
        %swap3A_624 = vector.shape_cast %mul3A_617 : vector<16xf32> to vector<1x1x16xf32>
        tpu.vector_store %arg7[%swap3A_619, %swap3A_620, %swap3A_621], %swap3A_624 {strides = array<i32>} : memref<4x112x128xf32, #tpu.memory_space<vmem>>, vector<1x1x16xf32>,
        %mul3A_625 = arith.constant 11.3137083 : f32
        %mul3A_626 = vector.broadcast %mul3A_625 : f32 to vector<16xf32>
        %mul3A_627 = arith.mulf %get3A_509, %mul3A_626 : vector<16xf32>
        %add3A_628 = arith.addf %mul3A_627, %get3A_541 : vector<16xf32>
        %mul3A_629 = arith.mulf %add3A_628, %select_n3A_459 : vector<16xf32>
        %swap3A_630 = arith.constant 0 : i32
        %swap3A_631 = arith.index_cast %swap3A_630 : i32 to index
        %swap3A_632 = arith.index_cast %scan3A_417 : i32 to index
        %swap3A_633 = arith.constant 112 : index
        %swap3A_634 = tpu.vector_load %arg7[%swap3A_631, %swap3A_632, %swap3A_633] {strides = array<i32>} : memref<4x112x128xf32, #tpu.memory_space<vmem>>, vector<1x1x16xf32>,
        %swap3A_635 = vector.shape_cast %swap3A_634 : vector<1x1x16xf32> to vector<16xf32>
        %swap3A_636 = vector.shape_cast %mul3A_629 : vector<16xf32> to vector<1x1x16xf32>
        tpu.vector_store %arg7[%swap3A_631, %swap3A_632, %swap3A_633], %swap3A_636 {strides = array<i32>} : memref<4x112x128xf32, #tpu.memory_space<vmem>>, vector<1x1x16xf32>,
        %scan3A_637 = arith.constant 1 : i32
        %scan3A_638 = arith.addi %scan3A_417, %scan3A_637 : i32
        %jit3A_639 = arith.constant 16 : i32
        %div3A_640 = arith.divsi %scan3A_638, %jit3A_639 : i32
        %sign3A_641 = arith.constant 0 : i32
        %sign3A_642 = arith.cmpi sgt, %scan3A_638, %sign3A_641 : i32
        %sign3A_643 = arith.extui %sign3A_642 : i1 to i32
        %sign3A_644 = arith.constant 0 : i32
        %sign3A_645 = arith.cmpi slt, %scan3A_638, %sign3A_644 : i32
        %sign3A_646 = arith.extui %sign3A_645 : i1 to i32
        %sign3A_647 = arith.subi %sign3A_643, %sign3A_646 : i32
        %sign3A_648 = arith.constant 0 : i32
        %sign3A_649 = arith.cmpi sgt, %jit3A_639, %sign3A_648 : i32
        %sign3A_650 = arith.extui %sign3A_649 : i1 to i32
        %sign3A_651 = arith.constant 0 : i32
        %sign3A_652 = arith.cmpi slt, %jit3A_639, %sign3A_651 : i32
        %sign3A_653 = arith.extui %sign3A_652 : i1 to i32
        %sign3A_654 = arith.subi %sign3A_650, %sign3A_653 : i32
        %ne3A_655 = arith.cmpi ne, %sign3A_647, %sign3A_654 : i32
        %rem3A_656 = arith.remsi %scan3A_638, %jit3A_639 : i32
        %ne3A_657 = arith.constant 0 : i32
        %ne3A_658 = arith.cmpi ne, %rem3A_656, %ne3A_657 : i32
        %and3A_659 = arith.andi %ne3A_655, %ne3A_658 : i1
        %sub3A_660 = arith.constant 1 : i32
        %sub3A_661 = arith.subi %div3A_640, %sub3A_660 : i32
        %select_n3A_662 = arith.select %and3A_659, %sub3A_661, %div3A_640 : i32
        %mul3A_663 = arith.constant 16 : i32
        %mul3A_664 = arith.muli %select_n3A_662, %mul3A_663 : i32
        %sub3A_665 = arith.subi %scan3A_638, %mul3A_664 : i32
        %mul3A_666 = arith.constant 16 : i32
        %mul3A_667 = arith.muli %select_n3A_662, %mul3A_666 : i32
        %get3A_668 = arith.constant 0 : i32
        %get3A_669 = arith.index_cast %add3A_158 : i32 to index
        %get3A_670 = arith.index_cast %get3A_668 : i32 to index
        %get3A_671 = arith.index_cast %mul3A_667 : i32 to index
        %get3A_672 = tpu.vector_load %arg6[%get3A_669, %get3A_670, %get3A_671] {strides = array<i32>} : memref<128x2x128xi32, #tpu.memory_space<vmem>>, vector<1x1x16xi32>,
        %get3A_673 = vector.shape_cast %get3A_672 : vector<1x1x16xi32> to vector<16xi32>
        %broadcast_in_dim3A_674 = vector.broadcast %sub3A_665 : i32 to vector<16xi32>
        %lt3A_675 = arith.constant 0 : i32
        %lt3A_676 = vector.broadcast %lt3A_675 : i32 to vector<16xi32>
        %lt3A_677 = arith.cmpi slt, %broadcast_in_dim3A_674, %lt3A_676 : vector<16xi32>
        %add3A_678 = arith.constant 16 : i32
        %add3A_679 = vector.broadcast %add3A_678 : i32 to vector<16xi32>
        %add3A_680 = arith.addi %broadcast_in_dim3A_674, %add3A_679 : vector<16xi32>
        %select_n3A_681 = arith.select %lt3A_677, %add3A_680, %broadcast_in_dim3A_674 : vector<16xi1>, vector<16xi32>
        %reshape3A_682 = vector.shape_cast %select_n3A_681 : vector<16xi32> to vector<16x1xi32>
        %gather3A_683 = vector.shape_cast %reshape3A_682 : vector<16x1xi32> to vector<16xi32>
        %gather3A_684 = tpu.dynamic_gather %get3A_673[%gather3A_683] in [0] : vector<16xi32>, vector<16xi32> -> vector<16xi32>
        %ne3A_685 = arith.constant 0 : i32
        %ne3A_686 = vector.broadcast %ne3A_685 : i32 to vector<16xi32>
        %ne3A_687 = arith.cmpi ne, %gather3A_684, %ne3A_686 : vector<16xi32>
        %jit3A_688 = arith.constant 1.000000e+00 : f32
        %jit3A_689 = arith.constant 0.000000e+00 : f32
        %broadcast_in_dim3A_690 = vector.broadcast %jit3A_688 : f32 to vector<16xf32>
        %broadcast_in_dim3A_691 = vector.broadcast %jit3A_689 : f32 to vector<16xf32>
        %select_n3A_692 = arith.select %ne3A_687, %broadcast_in_dim3A_690, %broadcast_in_dim3A_691 : vector<16xi1>, vector<16xf32>
        %add3A_693 = arith.constant 0 : i32
        %add3A_694 = arith.addi %add3A_693, %scan3A_638 : i32
        %get3A_695 = arith.constant 0 : i32
        %get3A_696 = arith.index_cast %get3A_695 : i32 to index
        %get3A_697 = arith.index_cast %scan3A_638 : i32 to index
        %get3A_698 = arith.constant 0 : index
        %get3A_699 = tpu.vector_load %arg7[%get3A_696, %get3A_697, %get3A_698] {strides = array<i32>} : memref<4x112x128xf32, #tpu.memory_space<vmem>>, vector<1x1x16xf32>,
        %get3A_700 = vector.shape_cast %get3A_699 : vector<1x1x16xf32> to vector<16xf32>
        %get3A_701 = arith.constant 0 : i32
        %get3A_702 = arith.index_cast %get3A_701 : i32 to index
        %get3A_703 = arith.index_cast %scan3A_638 : i32 to index
        %get3A_704 = arith.constant 16 : index
        %get3A_705 = tpu.vector_load %arg7[%get3A_702, %get3A_703, %get3A_704] {strides = array<i32>} : memref<4x112x128xf32, #tpu.memory_space<vmem>>, vector<1x1x16xf32>,
        %get3A_706 = vector.shape_cast %get3A_705 : vector<1x1x16xf32> to vector<16xf32>
        %get3A_707 = arith.constant 0 : i32
        %get3A_708 = arith.index_cast %get3A_707 : i32 to index
        %get3A_709 = arith.index_cast %scan3A_638 : i32 to index
        %get3A_710 = arith.constant 32 : index
        %get3A_711 = tpu.vector_load %arg7[%get3A_708, %get3A_709, %get3A_710] {strides = array<i32>} : memref<4x112x128xf32, #tpu.memory_space<vmem>>, vector<1x1x16xf32>,
        %get3A_712 = vector.shape_cast %get3A_711 : vector<1x1x16xf32> to vector<16xf32>
        %get3A_713 = arith.constant 0 : i32
        %get3A_714 = arith.index_cast %get3A_713 : i32 to index
        %get3A_715 = arith.index_cast %scan3A_638 : i32 to index
        %get3A_716 = arith.constant 48 : index
        %get3A_717 = tpu.vector_load %arg7[%get3A_714, %get3A_715, %get3A_716] {strides = array<i32>} : memref<4x112x128xf32, #tpu.memory_space<vmem>>, vector<1x1x16xf32>,
        %get3A_718 = vector.shape_cast %get3A_717 : vector<1x1x16xf32> to vector<16xf32>
        %get3A_719 = arith.constant 0 : i32
        %get3A_720 = arith.index_cast %get3A_719 : i32 to index
        %get3A_721 = arith.index_cast %scan3A_638 : i32 to index
        %get3A_722 = arith.constant 64 : index
        %get3A_723 = tpu.vector_load %arg7[%get3A_720, %get3A_721, %get3A_722] {strides = array<i32>} : memref<4x112x128xf32, #tpu.memory_space<vmem>>, vector<1x1x16xf32>,
        %get3A_724 = vector.shape_cast %get3A_723 : vector<1x1x16xf32> to vector<16xf32>
        %get3A_725 = arith.constant 0 : i32
        %get3A_726 = arith.index_cast %get3A_725 : i32 to index
        %get3A_727 = arith.index_cast %scan3A_638 : i32 to index
        %get3A_728 = arith.constant 80 : index
        %get3A_729 = tpu.vector_load %arg7[%get3A_726, %get3A_727, %get3A_728] {strides = array<i32>} : memref<4x112x128xf32, #tpu.memory_space<vmem>>, vector<1x1x16xf32>,
        %get3A_730 = vector.shape_cast %get3A_729 : vector<1x1x16xf32> to vector<16xf32>
        %get3A_731 = arith.constant 0 : i32
        %get3A_732 = arith.index_cast %get3A_731 : i32 to index
        %get3A_733 = arith.index_cast %scan3A_638 : i32 to index
        %get3A_734 = arith.constant 96 : index
        %get3A_735 = tpu.vector_load %arg7[%get3A_732, %get3A_733, %get3A_734] {strides = array<i32>} : memref<4x112x128xf32, #tpu.memory_space<vmem>>, vector<1x1x16xf32>,
        %get3A_736 = vector.shape_cast %get3A_735 : vector<1x1x16xf32> to vector<16xf32>
        %get3A_737 = arith.constant 0 : i32
        %get3A_738 = arith.index_cast %get3A_737 : i32 to index
        %get3A_739 = arith.index_cast %scan3A_638 : i32 to index
        %get3A_740 = arith.constant 112 : index
        %get3A_741 = tpu.vector_load %arg7[%get3A_738, %get3A_739, %get3A_740] {strides = array<i32>} : memref<4x112x128xf32, #tpu.memory_space<vmem>>, vector<1x1x16xf32>,
        %get3A_742 = vector.shape_cast %get3A_741 : vector<1x1x16xf32> to vector<16xf32>
        %get3A_743 = arith.index_cast %add3A_694 : i32 to index
        %get3A_744 = arith.constant 0 : index
        %get3A_745 = tpu.vector_load %arg8[%get3A_743, %get3A_744] {strides = array<i32>} : memref<224x128xf32, #tpu.memory_space<vmem>>, vector<1x16xf32>,
        %get3A_746 = vector.shape_cast %get3A_745 : vector<1x16xf32> to vector<16xf32>
        %get3A_747 = arith.index_cast %add3A_694 : i32 to index
        %get3A_748 = arith.constant 16 : index
        %get3A_749 = tpu.vector_load %arg8[%get3A_747, %get3A_748] {strides = array<i32>} : memref<224x128xf32, #tpu.memory_space<vmem>>, vector<1x16xf32>,
        %get3A_750 = vector.shape_cast %get3A_749 : vector<1x16xf32> to vector<16xf32>
        %get3A_751 = arith.index_cast %add3A_694 : i32 to index
        %get3A_752 = arith.constant 32 : index
        %get3A_753 = tpu.vector_load %arg8[%get3A_751, %get3A_752] {strides = array<i32>} : memref<224x128xf32, #tpu.memory_space<vmem>>, vector<1x16xf32>,
        %get3A_754 = vector.shape_cast %get3A_753 : vector<1x16xf32> to vector<16xf32>
        %get3A_755 = arith.index_cast %add3A_694 : i32 to index
        %get3A_756 = arith.constant 48 : index
        %get3A_757 = tpu.vector_load %arg8[%get3A_755, %get3A_756] {strides = array<i32>} : memref<224x128xf32, #tpu.memory_space<vmem>>, vector<1x16xf32>,
        %get3A_758 = vector.shape_cast %get3A_757 : vector<1x16xf32> to vector<16xf32>
        %get3A_759 = arith.index_cast %add3A_694 : i32 to index
        %get3A_760 = arith.constant 64 : index
        %get3A_761 = tpu.vector_load %arg8[%get3A_759, %get3A_760] {strides = array<i32>} : memref<224x128xf32, #tpu.memory_space<vmem>>, vector<1x16xf32>,
        %get3A_762 = vector.shape_cast %get3A_761 : vector<1x16xf32> to vector<16xf32>
        %get3A_763 = arith.index_cast %add3A_694 : i32 to index
        %get3A_764 = arith.constant 80 : index
        %get3A_765 = tpu.vector_load %arg8[%get3A_763, %get3A_764] {strides = array<i32>} : memref<224x128xf32, #tpu.memory_space<vmem>>, vector<1x16xf32>,
        %get3A_766 = vector.shape_cast %get3A_765 : vector<1x16xf32> to vector<16xf32>
        %get3A_767 = arith.index_cast %add3A_694 : i32 to index
        %get3A_768 = arith.constant 96 : index
        %get3A_769 = tpu.vector_load %arg8[%get3A_767, %get3A_768] {strides = array<i32>} : memref<224x128xf32, #tpu.memory_space<vmem>>, vector<1x16xf32>,
        %get3A_770 = vector.shape_cast %get3A_769 : vector<1x16xf32> to vector<16xf32>
        %get3A_771 = arith.index_cast %add3A_694 : i32 to index
        %get3A_772 = arith.constant 112 : index
        %get3A_773 = tpu.vector_load %arg8[%get3A_771, %get3A_772] {strides = array<i32>} : memref<224x128xf32, #tpu.memory_space<vmem>>, vector<1x16xf32>,
        %get3A_774 = vector.shape_cast %get3A_773 : vector<1x16xf32> to vector<16xf32>
        %mul3A_775 = arith.constant 11.3137083 : f32
        %mul3A_776 = vector.broadcast %mul3A_775 : f32 to vector<16xf32>
        %mul3A_777 = arith.mulf %get3A_700, %mul3A_776 : vector<16xf32>
        %add3A_778 = arith.addf %mul3A_777, %get3A_746 : vector<16xf32>
        %mul3A_779 = arith.mulf %add3A_778, %select_n3A_692 : vector<16xf32>
        %swap3A_780 = arith.constant 0 : i32
        %swap3A_781 = arith.index_cast %swap3A_780 : i32 to index
        %swap3A_782 = arith.index_cast %scan3A_638 : i32 to index
        %swap3A_783 = arith.constant 0 : index
        %swap3A_784 = tpu.vector_load %arg7[%swap3A_781, %swap3A_782, %swap3A_783] {strides = array<i32>} : memref<4x112x128xf32, #tpu.memory_space<vmem>>, vector<1x1x16xf32>,
        %swap3A_785 = vector.shape_cast %swap3A_784 : vector<1x1x16xf32> to vector<16xf32>
        %swap3A_786 = vector.shape_cast %mul3A_779 : vector<16xf32> to vector<1x1x16xf32>
        tpu.vector_store %arg7[%swap3A_781, %swap3A_782, %swap3A_783], %swap3A_786 {strides = array<i32>} : memref<4x112x128xf32, #tpu.memory_space<vmem>>, vector<1x1x16xf32>,
        %mul3A_787 = arith.constant 11.3137083 : f32
        %mul3A_788 = vector.broadcast %mul3A_787 : f32 to vector<16xf32>
        %mul3A_789 = arith.mulf %get3A_706, %mul3A_788 : vector<16xf32>
        %add3A_790 = arith.addf %mul3A_789, %get3A_750 : vector<16xf32>
        %mul3A_791 = arith.mulf %add3A_790, %select_n3A_692 : vector<16xf32>
        %swap3A_792 = arith.constant 0 : i32
        %swap3A_793 = arith.index_cast %swap3A_792 : i32 to index
        %swap3A_794 = arith.index_cast %scan3A_638 : i32 to index
        %swap3A_795 = arith.constant 16 : index
        %swap3A_796 = tpu.vector_load %arg7[%swap3A_793, %swap3A_794, %swap3A_795] {strides = array<i32>} : memref<4x112x128xf32, #tpu.memory_space<vmem>>, vector<1x1x16xf32>,
        %swap3A_797 = vector.shape_cast %swap3A_796 : vector<1x1x16xf32> to vector<16xf32>
        %swap3A_798 = vector.shape_cast %mul3A_791 : vector<16xf32> to vector<1x1x16xf32>
        tpu.vector_store %arg7[%swap3A_793, %swap3A_794, %swap3A_795], %swap3A_798 {strides = array<i32>} : memref<4x112x128xf32, #tpu.memory_space<vmem>>, vector<1x1x16xf32>,
        %mul3A_799 = arith.constant 11.3137083 : f32
        %mul3A_800 = vector.broadcast %mul3A_799 : f32 to vector<16xf32>
        %mul3A_801 = arith.mulf %get3A_712, %mul3A_800 : vector<16xf32>
        %add3A_802 = arith.addf %mul3A_801, %get3A_754 : vector<16xf32>
        %mul3A_803 = arith.mulf %add3A_802, %select_n3A_692 : vector<16xf32>
        %swap3A_804 = arith.constant 0 : i32
        %swap3A_805 = arith.index_cast %swap3A_804 : i32 to index
        %swap3A_806 = arith.index_cast %scan3A_638 : i32 to index
        %swap3A_807 = arith.constant 32 : index
        %swap3A_808 = tpu.vector_load %arg7[%swap3A_805, %swap3A_806, %swap3A_807] {strides = array<i32>} : memref<4x112x128xf32, #tpu.memory_space<vmem>>, vector<1x1x16xf32>,
        %swap3A_809 = vector.shape_cast %swap3A_808 : vector<1x1x16xf32> to vector<16xf32>
        %swap3A_810 = vector.shape_cast %mul3A_803 : vector<16xf32> to vector<1x1x16xf32>
        tpu.vector_store %arg7[%swap3A_805, %swap3A_806, %swap3A_807], %swap3A_810 {strides = array<i32>} : memref<4x112x128xf32, #tpu.memory_space<vmem>>, vector<1x1x16xf32>,
        %mul3A_811 = arith.constant 11.3137083 : f32
        %mul3A_812 = vector.broadcast %mul3A_811 : f32 to vector<16xf32>
        %mul3A_813 = arith.mulf %get3A_718, %mul3A_812 : vector<16xf32>
        %add3A_814 = arith.addf %mul3A_813, %get3A_758 : vector<16xf32>
        %mul3A_815 = arith.mulf %add3A_814, %select_n3A_692 : vector<16xf32>
        %swap3A_816 = arith.constant 0 : i32
        %swap3A_817 = arith.index_cast %swap3A_816 : i32 to index
        %swap3A_818 = arith.index_cast %scan3A_638 : i32 to index
        %swap3A_819 = arith.constant 48 : index
        %swap3A_820 = tpu.vector_load %arg7[%swap3A_817, %swap3A_818, %swap3A_819] {strides = array<i32>} : memref<4x112x128xf32, #tpu.memory_space<vmem>>, vector<1x1x16xf32>,
        %swap3A_821 = vector.shape_cast %swap3A_820 : vector<1x1x16xf32> to vector<16xf32>
        %swap3A_822 = vector.shape_cast %mul3A_815 : vector<16xf32> to vector<1x1x16xf32>
        tpu.vector_store %arg7[%swap3A_817, %swap3A_818, %swap3A_819], %swap3A_822 {strides = array<i32>} : memref<4x112x128xf32, #tpu.memory_space<vmem>>, vector<1x1x16xf32>,
        %mul3A_823 = arith.constant 11.3137083 : f32
        %mul3A_824 = vector.broadcast %mul3A_823 : f32 to vector<16xf32>
        %mul3A_825 = arith.mulf %get3A_724, %mul3A_824 : vector<16xf32>
        %add3A_826 = arith.addf %mul3A_825, %get3A_762 : vector<16xf32>
        %mul3A_827 = arith.mulf %add3A_826, %select_n3A_692 : vector<16xf32>
        %swap3A_828 = arith.constant 0 : i32
        %swap3A_829 = arith.index_cast %swap3A_828 : i32 to index
        %swap3A_830 = arith.index_cast %scan3A_638 : i32 to index
        %swap3A_831 = arith.constant 64 : index
        %swap3A_832 = tpu.vector_load %arg7[%swap3A_829, %swap3A_830, %swap3A_831] {strides = array<i32>} : memref<4x112x128xf32, #tpu.memory_space<vmem>>, vector<1x1x16xf32>,
        %swap3A_833 = vector.shape_cast %swap3A_832 : vector<1x1x16xf32> to vector<16xf32>
        %swap3A_834 = vector.shape_cast %mul3A_827 : vector<16xf32> to vector<1x1x16xf32>
        tpu.vector_store %arg7[%swap3A_829, %swap3A_830, %swap3A_831], %swap3A_834 {strides = array<i32>} : memref<4x112x128xf32, #tpu.memory_space<vmem>>, vector<1x1x16xf32>,
        %mul3A_835 = arith.constant 11.3137083 : f32
        %mul3A_836 = vector.broadcast %mul3A_835 : f32 to vector<16xf32>
        %mul3A_837 = arith.mulf %get3A_730, %mul3A_836 : vector<16xf32>
        %add3A_838 = arith.addf %mul3A_837, %get3A_766 : vector<16xf32>
        %mul3A_839 = arith.mulf %add3A_838, %select_n3A_692 : vector<16xf32>
        %swap3A_840 = arith.constant 0 : i32
        %swap3A_841 = arith.index_cast %swap3A_840 : i32 to index
        %swap3A_842 = arith.index_cast %scan3A_638 : i32 to index
        %swap3A_843 = arith.constant 80 : index
        %swap3A_844 = tpu.vector_load %arg7[%swap3A_841, %swap3A_842, %swap3A_843] {strides = array<i32>} : memref<4x112x128xf32, #tpu.memory_space<vmem>>, vector<1x1x16xf32>,
        %swap3A_845 = vector.shape_cast %swap3A_844 : vector<1x1x16xf32> to vector<16xf32>
        %swap3A_846 = vector.shape_cast %mul3A_839 : vector<16xf32> to vector<1x1x16xf32>
        tpu.vector_store %arg7[%swap3A_841, %swap3A_842, %swap3A_843], %swap3A_846 {strides = array<i32>} : memref<4x112x128xf32, #tpu.memory_space<vmem>>, vector<1x1x16xf32>,
        %mul3A_847 = arith.constant 11.3137083 : f32
        %mul3A_848 = vector.broadcast %mul3A_847 : f32 to vector<16xf32>
        %mul3A_849 = arith.mulf %get3A_736, %mul3A_848 : vector<16xf32>
        %add3A_850 = arith.addf %mul3A_849, %get3A_770 : vector<16xf32>
        %mul3A_851 = arith.mulf %add3A_850, %select_n3A_692 : vector<16xf32>
        %swap3A_852 = arith.constant 0 : i32
        %swap3A_853 = arith.index_cast %swap3A_852 : i32 to index
        %swap3A_854 = arith.index_cast %scan3A_638 : i32 to index
        %swap3A_855 = arith.constant 96 : index
        %swap3A_856 = tpu.vector_load %arg7[%swap3A_853, %swap3A_854, %swap3A_855] {strides = array<i32>} : memref<4x112x128xf32, #tpu.memory_space<vmem>>, vector<1x1x16xf32>,
        %swap3A_857 = vector.shape_cast %swap3A_856 : vector<1x1x16xf32> to vector<16xf32>
        %swap3A_858 = vector.shape_cast %mul3A_851 : vector<16xf32> to vector<1x1x16xf32>
        tpu.vector_store %arg7[%swap3A_853, %swap3A_854, %swap3A_855], %swap3A_858 {strides = array<i32>} : memref<4x112x128xf32, #tpu.memory_space<vmem>>, vector<1x1x16xf32>,
        %mul3A_859 = arith.constant 11.3137083 : f32
        %mul3A_860 = vector.broadcast %mul3A_859 : f32 to vector<16xf32>
        %mul3A_861 = arith.mulf %get3A_742, %mul3A_860 : vector<16xf32>
        %add3A_862 = arith.addf %mul3A_861, %get3A_774 : vector<16xf32>
        %mul3A_863 = arith.mulf %add3A_862, %select_n3A_692 : vector<16xf32>
        %swap3A_864 = arith.constant 0 : i32
        %swap3A_865 = arith.index_cast %swap3A_864 : i32 to index
        %swap3A_866 = arith.index_cast %scan3A_638 : i32 to index
        %swap3A_867 = arith.constant 112 : index
        %swap3A_868 = tpu.vector_load %arg7[%swap3A_865, %swap3A_866, %swap3A_867] {strides = array<i32>} : memref<4x112x128xf32, #tpu.memory_space<vmem>>, vector<1x1x16xf32>,
        %swap3A_869 = vector.shape_cast %swap3A_868 : vector<1x1x16xf32> to vector<16xf32>
        %swap3A_870 = vector.shape_cast %mul3A_863 : vector<16xf32> to vector<1x1x16xf32>
        tpu.vector_store %arg7[%swap3A_865, %swap3A_866, %swap3A_867], %swap3A_870 {strides = array<i32>} : memref<4x112x128xf32, #tpu.memory_space<vmem>>, vector<1x1x16xf32>,
        %scan3A_871 = arith.constant 2 : i32
        %scan3A_872 = arith.addi %scan3A_417, %scan3A_871 : i32
        %jit3A_873 = arith.constant 16 : i32
        %div3A_874 = arith.divsi %scan3A_872, %jit3A_873 : i32
        %sign3A_875 = arith.constant 0 : i32
        %sign3A_876 = arith.cmpi sgt, %scan3A_872, %sign3A_875 : i32
        %sign3A_877 = arith.extui %sign3A_876 : i1 to i32
        %sign3A_878 = arith.constant 0 : i32
        %sign3A_879 = arith.cmpi slt, %scan3A_872, %sign3A_878 : i32
        %sign3A_880 = arith.extui %sign3A_879 : i1 to i32
        %sign3A_881 = arith.subi %sign3A_877, %sign3A_880 : i32
        %sign3A_882 = arith.constant 0 : i32
        %sign3A_883 = arith.cmpi sgt, %jit3A_873, %sign3A_882 : i32
        %sign3A_884 = arith.extui %sign3A_883 : i1 to i32
        %sign3A_885 = arith.constant 0 : i32
        %sign3A_886 = arith.cmpi slt, %jit3A_873, %sign3A_885 : i32
        %sign3A_887 = arith.extui %sign3A_886 : i1 to i32
        %sign3A_888 = arith.subi %sign3A_884, %sign3A_887 : i32
        %ne3A_889 = arith.cmpi ne, %sign3A_881, %sign3A_888 : i32
        %rem3A_890 = arith.remsi %scan3A_872, %jit3A_873 : i32
        %ne3A_891 = arith.constant 0 : i32
        %ne3A_892 = arith.cmpi ne, %rem3A_890, %ne3A_891 : i32
        %and3A_893 = arith.andi %ne3A_889, %ne3A_892 : i1
        %sub3A_894 = arith.constant 1 : i32
        %sub3A_895 = arith.subi %div3A_874, %sub3A_894 : i32
        %select_n3A_896 = arith.select %and3A_893, %sub3A_895, %div3A_874 : i32
        %mul3A_897 = arith.constant 16 : i32
        %mul3A_898 = arith.muli %select_n3A_896, %mul3A_897 : i32
        %sub3A_899 = arith.subi %scan3A_872, %mul3A_898 : i32
        %mul3A_900 = arith.constant 16 : i32
        %mul3A_901 = arith.muli %select_n3A_896, %mul3A_900 : i32
        %get3A_902 = arith.constant 0 : i32
        %get3A_903 = arith.index_cast %add3A_158 : i32 to index
        %get3A_904 = arith.index_cast %get3A_902 : i32 to index
        %get3A_905 = arith.index_cast %mul3A_901 : i32 to index
        %get3A_906 = tpu.vector_load %arg6[%get3A_903, %get3A_904, %get3A_905] {strides = array<i32>} : memref<128x2x128xi32, #tpu.memory_space<vmem>>, vector<1x1x16xi32>,
        %get3A_907 = vector.shape_cast %get3A_906 : vector<1x1x16xi32> to vector<16xi32>
        %broadcast_in_dim3A_908 = vector.broadcast %sub3A_899 : i32 to vector<16xi32>
        %lt3A_909 = arith.constant 0 : i32
        %lt3A_910 = vector.broadcast %lt3A_909 : i32 to vector<16xi32>
        %lt3A_911 = arith.cmpi slt, %broadcast_in_dim3A_908, %lt3A_910 : vector<16xi32>
        %add3A_912 = arith.constant 16 : i32
        %add3A_913 = vector.broadcast %add3A_912 : i32 to vector<16xi32>
        %add3A_914 = arith.addi %broadcast_in_dim3A_908, %add3A_913 : vector<16xi32>
        %select_n3A_915 = arith.select %lt3A_911, %add3A_914, %broadcast_in_dim3A_908 : vector<16xi1>, vector<16xi32>
        %reshape3A_916 = vector.shape_cast %select_n3A_915 : vector<16xi32> to vector<16x1xi32>
        %gather3A_917 = vector.shape_cast %reshape3A_916 : vector<16x1xi32> to vector<16xi32>
        %gather3A_918 = tpu.dynamic_gather %get3A_907[%gather3A_917] in [0] : vector<16xi32>, vector<16xi32> -> vector<16xi32>
        %ne3A_919 = arith.constant 0 : i32
        %ne3A_920 = vector.broadcast %ne3A_919 : i32 to vector<16xi32>
        %ne3A_921 = arith.cmpi ne, %gather3A_918, %ne3A_920 : vector<16xi32>
        %jit3A_922 = arith.constant 1.000000e+00 : f32
        %jit3A_923 = arith.constant 0.000000e+00 : f32
        %broadcast_in_dim3A_924 = vector.broadcast %jit3A_922 : f32 to vector<16xf32>
        %broadcast_in_dim3A_925 = vector.broadcast %jit3A_923 : f32 to vector<16xf32>
        %select_n3A_926 = arith.select %ne3A_921, %broadcast_in_dim3A_924, %broadcast_in_dim3A_925 : vector<16xi1>, vector<16xf32>
        %add3A_927 = arith.constant 0 : i32
        %add3A_928 = arith.addi %add3A_927, %scan3A_872 : i32
        %get3A_929 = arith.constant 0 : i32
        %get3A_930 = arith.index_cast %get3A_929 : i32 to index
        %get3A_931 = arith.index_cast %scan3A_872 : i32 to index
        %get3A_932 = arith.constant 0 : index
        %get3A_933 = tpu.vector_load %arg7[%get3A_930, %get3A_931, %get3A_932] {strides = array<i32>} : memref<4x112x128xf32, #tpu.memory_space<vmem>>, vector<1x1x16xf32>,
        %get3A_934 = vector.shape_cast %get3A_933 : vector<1x1x16xf32> to vector<16xf32>
        %get3A_935 = arith.constant 0 : i32
        %get3A_936 = arith.index_cast %get3A_935 : i32 to index
        %get3A_937 = arith.index_cast %scan3A_872 : i32 to index
        %get3A_938 = arith.constant 16 : index
        %get3A_939 = tpu.vector_load %arg7[%get3A_936, %get3A_937, %get3A_938] {strides = array<i32>} : memref<4x112x128xf32, #tpu.memory_space<vmem>>, vector<1x1x16xf32>,
        %get3A_940 = vector.shape_cast %get3A_939 : vector<1x1x16xf32> to vector<16xf32>
        %get3A_941 = arith.constant 0 : i32
        %get3A_942 = arith.index_cast %get3A_941 : i32 to index
        %get3A_943 = arith.index_cast %scan3A_872 : i32 to index
        %get3A_944 = arith.constant 32 : index
        %get3A_945 = tpu.vector_load %arg7[%get3A_942, %get3A_943, %get3A_944] {strides = array<i32>} : memref<4x112x128xf32, #tpu.memory_space<vmem>>, vector<1x1x16xf32>,
        %get3A_946 = vector.shape_cast %get3A_945 : vector<1x1x16xf32> to vector<16xf32>
        %get3A_947 = arith.constant 0 : i32
        %get3A_948 = arith.index_cast %get3A_947 : i32 to index
        %get3A_949 = arith.index_cast %scan3A_872 : i32 to index
        %get3A_950 = arith.constant 48 : index
        %get3A_951 = tpu.vector_load %arg7[%get3A_948, %get3A_949, %get3A_950] {strides = array<i32>} : memref<4x112x128xf32, #tpu.memory_space<vmem>>, vector<1x1x16xf32>,
        %get3A_952 = vector.shape_cast %get3A_951 : vector<1x1x16xf32> to vector<16xf32>
        %get3A_953 = arith.constant 0 : i32
        %get3A_954 = arith.index_cast %get3A_953 : i32 to index
        %get3A_955 = arith.index_cast %scan3A_872 : i32 to index
        %get3A_956 = arith.constant 64 : index
        %get3A_957 = tpu.vector_load %arg7[%get3A_954, %get3A_955, %get3A_956] {strides = array<i32>} : memref<4x112x128xf32, #tpu.memory_space<vmem>>, vector<1x1x16xf32>,
        %get3A_958 = vector.shape_cast %get3A_957 : vector<1x1x16xf32> to vector<16xf32>
        %get3A_959 = arith.constant 0 : i32
        %get3A_960 = arith.index_cast %get3A_959 : i32 to index
        %get3A_961 = arith.index_cast %scan3A_872 : i32 to index
        %get3A_962 = arith.constant 80 : index
        %get3A_963 = tpu.vector_load %arg7[%get3A_960, %get3A_961, %get3A_962] {strides = array<i32>} : memref<4x112x128xf32, #tpu.memory_space<vmem>>, vector<1x1x16xf32>,
        %get3A_964 = vector.shape_cast %get3A_963 : vector<1x1x16xf32> to vector<16xf32>
        %get3A_965 = arith.constant 0 : i32
        %get3A_966 = arith.index_cast %get3A_965 : i32 to index
        %get3A_967 = arith.index_cast %scan3A_872 : i32 to index
        %get3A_968 = arith.constant 96 : index
        %get3A_969 = tpu.vector_load %arg7[%get3A_966, %get3A_967, %get3A_968] {strides = array<i32>} : memref<4x112x128xf32, #tpu.memory_space<vmem>>, vector<1x1x16xf32>,
        %get3A_970 = vector.shape_cast %get3A_969 : vector<1x1x16xf32> to vector<16xf32>
        %get3A_971 = arith.constant 0 : i32
        %get3A_972 = arith.index_cast %get3A_971 : i32 to index
        %get3A_973 = arith.index_cast %scan3A_872 : i32 to index
        %get3A_974 = arith.constant 112 : index
        %get3A_975 = tpu.vector_load %arg7[%get3A_972, %get3A_973, %get3A_974] {strides = array<i32>} : memref<4x112x128xf32, #tpu.memory_space<vmem>>, vector<1x1x16xf32>,
        %get3A_976 = vector.shape_cast %get3A_975 : vector<1x1x16xf32> to vector<16xf32>
        %get3A_977 = arith.index_cast %add3A_928 : i32 to index
        %get3A_978 = arith.constant 0 : index
        %get3A_979 = tpu.vector_load %arg8[%get3A_977, %get3A_978] {strides = array<i32>} : memref<224x128xf32, #tpu.memory_space<vmem>>, vector<1x16xf32>,
        %get3A_980 = vector.shape_cast %get3A_979 : vector<1x16xf32> to vector<16xf32>
        %get3A_981 = arith.index_cast %add3A_928 : i32 to index
        %get3A_982 = arith.constant 16 : index
        %get3A_983 = tpu.vector_load %arg8[%get3A_981, %get3A_982] {strides = array<i32>} : memref<224x128xf32, #tpu.memory_space<vmem>>, vector<1x16xf32>,
        %get3A_984 = vector.shape_cast %get3A_983 : vector<1x16xf32> to vector<16xf32>
        %get3A_985 = arith.index_cast %add3A_928 : i32 to index
        %get3A_986 = arith.constant 32 : index
        %get3A_987 = tpu.vector_load %arg8[%get3A_985, %get3A_986] {strides = array<i32>} : memref<224x128xf32, #tpu.memory_space<vmem>>, vector<1x16xf32>,
        %get3A_988 = vector.shape_cast %get3A_987 : vector<1x16xf32> to vector<16xf32>
        %get3A_989 = arith.index_cast %add3A_928 : i32 to index
        %get3A_990 = arith.constant 48 : index
        %get3A_991 = tpu.vector_load %arg8[%get3A_989, %get3A_990] {strides = array<i32>} : memref<224x128xf32, #tpu.memory_space<vmem>>, vector<1x16xf32>,
        %get3A_992 = vector.shape_cast %get3A_991 : vector<1x16xf32> to vector<16xf32>
        %get3A_993 = arith.index_cast %add3A_928 : i32 to index
        %get3A_994 = arith.constant 64 : index
        %get3A_995 = tpu.vector_load %arg8[%get3A_993, %get3A_994] {strides = array<i32>} : memref<224x128xf32, #tpu.memory_space<vmem>>, vector<1x16xf32>,
        %get3A_996 = vector.shape_cast %get3A_995 : vector<1x16xf32> to vector<16xf32>
        %get3A_997 = arith.index_cast %add3A_928 : i32 to index
        %get3A_998 = arith.constant 80 : index
        %get3A_999 = tpu.vector_load %arg8[%get3A_997, %get3A_998] {strides = array<i32>} : memref<224x128xf32, #tpu.memory_space<vmem>>, vector<1x16xf32>,
        %get3A_1000 = vector.shape_cast %get3A_999 : vector<1x16xf32> to vector<16xf32>
        %get3A_1001 = arith.index_cast %add3A_928 : i32 to index
        %get3A_1002 = arith.constant 96 : index
        %get3A_1003 = tpu.vector_load %arg8[%get3A_1001, %get3A_1002] {strides = array<i32>} : memref<224x128xf32, #tpu.memory_space<vmem>>, vector<1x16xf32>,
        %get3A_1004 = vector.shape_cast %get3A_1003 : vector<1x16xf32> to vector<16xf32>
        %get3A_1005 = arith.index_cast %add3A_928 : i32 to index
        %get3A_1006 = arith.constant 112 : index
        %get3A_1007 = tpu.vector_load %arg8[%get3A_1005, %get3A_1006] {strides = array<i32>} : memref<224x128xf32, #tpu.memory_space<vmem>>, vector<1x16xf32>,
        %get3A_1008 = vector.shape_cast %get3A_1007 : vector<1x16xf32> to vector<16xf32>
        %mul3A_1009 = arith.constant 11.3137083 : f32
        %mul3A_1010 = vector.broadcast %mul3A_1009 : f32 to vector<16xf32>
        %mul3A_1011 = arith.mulf %get3A_934, %mul3A_1010 : vector<16xf32>
        %add3A_1012 = arith.addf %mul3A_1011, %get3A_980 : vector<16xf32>
        %mul3A_1013 = arith.mulf %add3A_1012, %select_n3A_926 : vector<16xf32>
        %swap3A_1014 = arith.constant 0 : i32
        %swap3A_1015 = arith.index_cast %swap3A_1014 : i32 to index
        %swap3A_1016 = arith.index_cast %scan3A_872 : i32 to index
        %swap3A_1017 = arith.constant 0 : index
        %swap3A_1018 = tpu.vector_load %arg7[%swap3A_1015, %swap3A_1016, %swap3A_1017] {strides = array<i32>} : memref<4x112x128xf32, #tpu.memory_space<vmem>>, vector<1x1x16xf32>,
        %swap3A_1019 = vector.shape_cast %swap3A_1018 : vector<1x1x16xf32> to vector<16xf32>
        %swap3A_1020 = vector.shape_cast %mul3A_1013 : vector<16xf32> to vector<1x1x16xf32>
        tpu.vector_store %arg7[%swap3A_1015, %swap3A_1016, %swap3A_1017], %swap3A_1020 {strides = array<i32>} : memref<4x112x128xf32, #tpu.memory_space<vmem>>, vector<1x1x16xf32>,
        %mul3A_1021 = arith.constant 11.3137083 : f32
        %mul3A_1022 = vector.broadcast %mul3A_1021 : f32 to vector<16xf32>
        %mul3A_1023 = arith.mulf %get3A_940, %mul3A_1022 : vector<16xf32>
        %add3A_1024 = arith.addf %mul3A_1023, %get3A_984 : vector<16xf32>
        %mul3A_1025 = arith.mulf %add3A_1024, %select_n3A_926 : vector<16xf32>
        %swap3A_1026 = arith.constant 0 : i32
        %swap3A_1027 = arith.index_cast %swap3A_1026 : i32 to index
        %swap3A_1028 = arith.index_cast %scan3A_872 : i32 to index
        %swap3A_1029 = arith.constant 16 : index
        %swap3A_1030 = tpu.vector_load %arg7[%swap3A_1027, %swap3A_1028, %swap3A_1029] {strides = array<i32>} : memref<4x112x128xf32, #tpu.memory_space<vmem>>, vector<1x1x16xf32>,
        %swap3A_1031 = vector.shape_cast %swap3A_1030 : vector<1x1x16xf32> to vector<16xf32>
        %swap3A_1032 = vector.shape_cast %mul3A_1025 : vector<16xf32> to vector<1x1x16xf32>
        tpu.vector_store %arg7[%swap3A_1027, %swap3A_1028, %swap3A_1029], %swap3A_1032 {strides = array<i32>} : memref<4x112x128xf32, #tpu.memory_space<vmem>>, vector<1x1x16xf32>,
        %mul3A_1033 = arith.constant 11.3137083 : f32
        %mul3A_1034 = vector.broadcast %mul3A_1033 : f32 to vector<16xf32>
        %mul3A_1035 = arith.mulf %get3A_946, %mul3A_1034 : vector<16xf32>
        %add3A_1036 = arith.addf %mul3A_1035, %get3A_988 : vector<16xf32>
        %mul3A_1037 = arith.mulf %add3A_1036, %select_n3A_926 : vector<16xf32>
        %swap3A_1038 = arith.constant 0 : i32
        %swap3A_1039 = arith.index_cast %swap3A_1038 : i32 to index
        %swap3A_1040 = arith.index_cast %scan3A_872 : i32 to index
        %swap3A_1041 = arith.constant 32 : index
        %swap3A_1042 = tpu.vector_load %arg7[%swap3A_1039, %swap3A_1040, %swap3A_1041] {strides = array<i32>} : memref<4x112x128xf32, #tpu.memory_space<vmem>>, vector<1x1x16xf32>,
        %swap3A_1043 = vector.shape_cast %swap3A_1042 : vector<1x1x16xf32> to vector<16xf32>
        %swap3A_1044 = vector.shape_cast %mul3A_1037 : vector<16xf32> to vector<1x1x16xf32>
        tpu.vector_store %arg7[%swap3A_1039, %swap3A_1040, %swap3A_1041], %swap3A_1044 {strides = array<i32>} : memref<4x112x128xf32, #tpu.memory_space<vmem>>, vector<1x1x16xf32>,
        %mul3A_1045 = arith.constant 11.3137083 : f32
        %mul3A_1046 = vector.broadcast %mul3A_1045 : f32 to vector<16xf32>
        %mul3A_1047 = arith.mulf %get3A_952, %mul3A_1046 : vector<16xf32>
        %add3A_1048 = arith.addf %mul3A_1047, %get3A_992 : vector<16xf32>
        %mul3A_1049 = arith.mulf %add3A_1048, %select_n3A_926 : vector<16xf32>
        %swap3A_1050 = arith.constant 0 : i32
        %swap3A_1051 = arith.index_cast %swap3A_1050 : i32 to index
        %swap3A_1052 = arith.index_cast %scan3A_872 : i32 to index
        %swap3A_1053 = arith.constant 48 : index
        %swap3A_1054 = tpu.vector_load %arg7[%swap3A_1051, %swap3A_1052, %swap3A_1053] {strides = array<i32>} : memref<4x112x128xf32, #tpu.memory_space<vmem>>, vector<1x1x16xf32>,
        %swap3A_1055 = vector.shape_cast %swap3A_1054 : vector<1x1x16xf32> to vector<16xf32>
        %swap3A_1056 = vector.shape_cast %mul3A_1049 : vector<16xf32> to vector<1x1x16xf32>
        tpu.vector_store %arg7[%swap3A_1051, %swap3A_1052, %swap3A_1053], %swap3A_1056 {strides = array<i32>} : memref<4x112x128xf32, #tpu.memory_space<vmem>>, vector<1x1x16xf32>,
        %mul3A_1057 = arith.constant 11.3137083 : f32
        %mul3A_1058 = vector.broadcast %mul3A_1057 : f32 to vector<16xf32>
        %mul3A_1059 = arith.mulf %get3A_958, %mul3A_1058 : vector<16xf32>
        %add3A_1060 = arith.addf %mul3A_1059, %get3A_996 : vector<16xf32>
        %mul3A_1061 = arith.mulf %add3A_1060, %select_n3A_926 : vector<16xf32>
        %swap3A_1062 = arith.constant 0 : i32
        %swap3A_1063 = arith.index_cast %swap3A_1062 : i32 to index
        %swap3A_1064 = arith.index_cast %scan3A_872 : i32 to index
        %swap3A_1065 = arith.constant 64 : index
        %swap3A_1066 = tpu.vector_load %arg7[%swap3A_1063, %swap3A_1064, %swap3A_1065] {strides = array<i32>} : memref<4x112x128xf32, #tpu.memory_space<vmem>>, vector<1x1x16xf32>,
        %swap3A_1067 = vector.shape_cast %swap3A_1066 : vector<1x1x16xf32> to vector<16xf32>
        %swap3A_1068 = vector.shape_cast %mul3A_1061 : vector<16xf32> to vector<1x1x16xf32>
        tpu.vector_store %arg7[%swap3A_1063, %swap3A_1064, %swap3A_1065], %swap3A_1068 {strides = array<i32>} : memref<4x112x128xf32, #tpu.memory_space<vmem>>, vector<1x1x16xf32>,
        %mul3A_1069 = arith.constant 11.3137083 : f32
        %mul3A_1070 = vector.broadcast %mul3A_1069 : f32 to vector<16xf32>
        %mul3A_1071 = arith.mulf %get3A_964, %mul3A_1070 : vector<16xf32>
        %add3A_1072 = arith.addf %mul3A_1071, %get3A_1000 : vector<16xf32>
        %mul3A_1073 = arith.mulf %add3A_1072, %select_n3A_926 : vector<16xf32>
        %swap3A_1074 = arith.constant 0 : i32
        %swap3A_1075 = arith.index_cast %swap3A_1074 : i32 to index
        %swap3A_1076 = arith.index_cast %scan3A_872 : i32 to index
        %swap3A_1077 = arith.constant 80 : index
        %swap3A_1078 = tpu.vector_load %arg7[%swap3A_1075, %swap3A_1076, %swap3A_1077] {strides = array<i32>} : memref<4x112x128xf32, #tpu.memory_space<vmem>>, vector<1x1x16xf32>,
        %swap3A_1079 = vector.shape_cast %swap3A_1078 : vector<1x1x16xf32> to vector<16xf32>
        %swap3A_1080 = vector.shape_cast %mul3A_1073 : vector<16xf32> to vector<1x1x16xf32>
        tpu.vector_store %arg7[%swap3A_1075, %swap3A_1076, %swap3A_1077], %swap3A_1080 {strides = array<i32>} : memref<4x112x128xf32, #tpu.memory_space<vmem>>, vector<1x1x16xf32>,
        %mul3A_1081 = arith.constant 11.3137083 : f32
        %mul3A_1082 = vector.broadcast %mul3A_1081 : f32 to vector<16xf32>
        %mul3A_1083 = arith.mulf %get3A_970, %mul3A_1082 : vector<16xf32>
        %add3A_1084 = arith.addf %mul3A_1083, %get3A_1004 : vector<16xf32>
        %mul3A_1085 = arith.mulf %add3A_1084, %select_n3A_926 : vector<16xf32>
        %swap3A_1086 = arith.constant 0 : i32
        %swap3A_1087 = arith.index_cast %swap3A_1086 : i32 to index
        %swap3A_1088 = arith.index_cast %scan3A_872 : i32 to index
        %swap3A_1089 = arith.constant 96 : index
        %swap3A_1090 = tpu.vector_load %arg7[%swap3A_1087, %swap3A_1088, %swap3A_1089] {strides = array<i32>} : memref<4x112x128xf32, #tpu.memory_space<vmem>>, vector<1x1x16xf32>,
        %swap3A_1091 = vector.shape_cast %swap3A_1090 : vector<1x1x16xf32> to vector<16xf32>
        %swap3A_1092 = vector.shape_cast %mul3A_1085 : vector<16xf32> to vector<1x1x16xf32>
        tpu.vector_store %arg7[%swap3A_1087, %swap3A_1088, %swap3A_1089], %swap3A_1092 {strides = array<i32>} : memref<4x112x128xf32, #tpu.memory_space<vmem>>, vector<1x1x16xf32>,
        %mul3A_1093 = arith.constant 11.3137083 : f32
        %mul3A_1094 = vector.broadcast %mul3A_1093 : f32 to vector<16xf32>
        %mul3A_1095 = arith.mulf %get3A_976, %mul3A_1094 : vector<16xf32>
        %add3A_1096 = arith.addf %mul3A_1095, %get3A_1008 : vector<16xf32>
        %mul3A_1097 = arith.mulf %add3A_1096, %select_n3A_926 : vector<16xf32>
        %swap3A_1098 = arith.constant 0 : i32
        %swap3A_1099 = arith.index_cast %swap3A_1098 : i32 to index
        %swap3A_1100 = arith.index_cast %scan3A_872 : i32 to index
        %swap3A_1101 = arith.constant 112 : index
        %swap3A_1102 = tpu.vector_load %arg7[%swap3A_1099, %swap3A_1100, %swap3A_1101] {strides = array<i32>} : memref<4x112x128xf32, #tpu.memory_space<vmem>>, vector<1x1x16xf32>,
        %swap3A_1103 = vector.shape_cast %swap3A_1102 : vector<1x1x16xf32> to vector<16xf32>
        %swap3A_1104 = vector.shape_cast %mul3A_1097 : vector<16xf32> to vector<1x1x16xf32>
        tpu.vector_store %arg7[%swap3A_1099, %swap3A_1100, %swap3A_1101], %swap3A_1104 {strides = array<i32>} : memref<4x112x128xf32, #tpu.memory_space<vmem>>, vector<1x1x16xf32>,
        %scan3A_1105 = arith.constant 3 : i32
        %scan3A_1106 = arith.addi %scan3A_417, %scan3A_1105 : i32
        %jit3A_1107 = arith.constant 16 : i32
        %div3A_1108 = arith.divsi %scan3A_1106, %jit3A_1107 : i32
        %sign3A_1109 = arith.constant 0 : i32
        %sign3A_1110 = arith.cmpi sgt, %scan3A_1106, %sign3A_1109 : i32
        %sign3A_1111 = arith.extui %sign3A_1110 : i1 to i32
        %sign3A_1112 = arith.constant 0 : i32
        %sign3A_1113 = arith.cmpi slt, %scan3A_1106, %sign3A_1112 : i32
        %sign3A_1114 = arith.extui %sign3A_1113 : i1 to i32
        %sign3A_1115 = arith.subi %sign3A_1111, %sign3A_1114 : i32
        %sign3A_1116 = arith.constant 0 : i32
        %sign3A_1117 = arith.cmpi sgt, %jit3A_1107, %sign3A_1116 : i32
        %sign3A_1118 = arith.extui %sign3A_1117 : i1 to i32
        %sign3A_1119 = arith.constant 0 : i32
        %sign3A_1120 = arith.cmpi slt, %jit3A_1107, %sign3A_1119 : i32
        %sign3A_1121 = arith.extui %sign3A_1120 : i1 to i32
        %sign3A_1122 = arith.subi %sign3A_1118, %sign3A_1121 : i32
        %ne3A_1123 = arith.cmpi ne, %sign3A_1115, %sign3A_1122 : i32
        %rem3A_1124 = arith.remsi %scan3A_1106, %jit3A_1107 : i32
        %ne3A_1125 = arith.constant 0 : i32
        %ne3A_1126 = arith.cmpi ne, %rem3A_1124, %ne3A_1125 : i32
        %and3A_1127 = arith.andi %ne3A_1123, %ne3A_1126 : i1
        %sub3A_1128 = arith.constant 1 : i32
        %sub3A_1129 = arith.subi %div3A_1108, %sub3A_1128 : i32
        %select_n3A_1130 = arith.select %and3A_1127, %sub3A_1129, %div3A_1108 : i32
        %mul3A_1131 = arith.constant 16 : i32
        %mul3A_1132 = arith.muli %select_n3A_1130, %mul3A_1131 : i32
        %sub3A_1133 = arith.subi %scan3A_1106, %mul3A_1132 : i32
        %mul3A_1134 = arith.constant 16 : i32
        %mul3A_1135 = arith.muli %select_n3A_1130, %mul3A_1134 : i32
        %get3A_1136 = arith.constant 0 : i32
        %get3A_1137 = arith.index_cast %add3A_158 : i32 to index
        %get3A_1138 = arith.index_cast %get3A_1136 : i32 to index
        %get3A_1139 = arith.index_cast %mul3A_1135 : i32 to index
        %get3A_1140 = tpu.vector_load %arg6[%get3A_1137, %get3A_1138, %get3A_1139] {strides = array<i32>} : memref<128x2x128xi32, #tpu.memory_space<vmem>>, vector<1x1x16xi32>,
        %get3A_1141 = vector.shape_cast %get3A_1140 : vector<1x1x16xi32> to vector<16xi32>
        %broadcast_in_dim3A_1142 = vector.broadcast %sub3A_1133 : i32 to vector<16xi32>
        %lt3A_1143 = arith.constant 0 : i32
        %lt3A_1144 = vector.broadcast %lt3A_1143 : i32 to vector<16xi32>
        %lt3A_1145 = arith.cmpi slt, %broadcast_in_dim3A_1142, %lt3A_1144 : vector<16xi32>
        %add3A_1146 = arith.constant 16 : i32
        %add3A_1147 = vector.broadcast %add3A_1146 : i32 to vector<16xi32>
        %add3A_1148 = arith.addi %broadcast_in_dim3A_1142, %add3A_1147 : vector<16xi32>
        %select_n3A_1149 = arith.select %lt3A_1145, %add3A_1148, %broadcast_in_dim3A_1142 : vector<16xi1>, vector<16xi32>
        %reshape3A_1150 = vector.shape_cast %select_n3A_1149 : vector<16xi32> to vector<16x1xi32>
        %gather3A_1151 = vector.shape_cast %reshape3A_1150 : vector<16x1xi32> to vector<16xi32>
        %gather3A_1152 = tpu.dynamic_gather %get3A_1141[%gather3A_1151] in [0] : vector<16xi32>, vector<16xi32> -> vector<16xi32>
        %ne3A_1153 = arith.constant 0 : i32
        %ne3A_1154 = vector.broadcast %ne3A_1153 : i32 to vector<16xi32>
        %ne3A_1155 = arith.cmpi ne, %gather3A_1152, %ne3A_1154 : vector<16xi32>
        %jit3A_1156 = arith.constant 1.000000e+00 : f32
        %jit3A_1157 = arith.constant 0.000000e+00 : f32
        %broadcast_in_dim3A_1158 = vector.broadcast %jit3A_1156 : f32 to vector<16xf32>
        %broadcast_in_dim3A_1159 = vector.broadcast %jit3A_1157 : f32 to vector<16xf32>
        %select_n3A_1160 = arith.select %ne3A_1155, %broadcast_in_dim3A_1158, %broadcast_in_dim3A_1159 : vector<16xi1>, vector<16xf32>
        %add3A_1161 = arith.constant 0 : i32
        %add3A_1162 = arith.addi %add3A_1161, %scan3A_1106 : i32
        %get3A_1163 = arith.constant 0 : i32
        %get3A_1164 = arith.index_cast %get3A_1163 : i32 to index
        %get3A_1165 = arith.index_cast %scan3A_1106 : i32 to index
        %get3A_1166 = arith.constant 0 : index
        %get3A_1167 = tpu.vector_load %arg7[%get3A_1164, %get3A_1165, %get3A_1166] {strides = array<i32>} : memref<4x112x128xf32, #tpu.memory_space<vmem>>, vector<1x1x16xf32>,
        %get3A_1168 = vector.shape_cast %get3A_1167 : vector<1x1x16xf32> to vector<16xf32>
        %get3A_1169 = arith.constant 0 : i32
        %get3A_1170 = arith.index_cast %get3A_1169 : i32 to index
        %get3A_1171 = arith.index_cast %scan3A_1106 : i32 to index
        %get3A_1172 = arith.constant 16 : index
        %get3A_1173 = tpu.vector_load %arg7[%get3A_1170, %get3A_1171, %get3A_1172] {strides = array<i32>} : memref<4x112x128xf32, #tpu.memory_space<vmem>>, vector<1x1x16xf32>,
        %get3A_1174 = vector.shape_cast %get3A_1173 : vector<1x1x16xf32> to vector<16xf32>
        %get3A_1175 = arith.constant 0 : i32
        %get3A_1176 = arith.index_cast %get3A_1175 : i32 to index
        %get3A_1177 = arith.index_cast %scan3A_1106 : i32 to index
        %get3A_1178 = arith.constant 32 : index
        %get3A_1179 = tpu.vector_load %arg7[%get3A_1176, %get3A_1177, %get3A_1178] {strides = array<i32>} : memref<4x112x128xf32, #tpu.memory_space<vmem>>, vector<1x1x16xf32>,
        %get3A_1180 = vector.shape_cast %get3A_1179 : vector<1x1x16xf32> to vector<16xf32>
        %get3A_1181 = arith.constant 0 : i32
        %get3A_1182 = arith.index_cast %get3A_1181 : i32 to index
        %get3A_1183 = arith.index_cast %scan3A_1106 : i32 to index
        %get3A_1184 = arith.constant 48 : index
        %get3A_1185 = tpu.vector_load %arg7[%get3A_1182, %get3A_1183, %get3A_1184] {strides = array<i32>} : memref<4x112x128xf32, #tpu.memory_space<vmem>>, vector<1x1x16xf32>,
        %get3A_1186 = vector.shape_cast %get3A_1185 : vector<1x1x16xf32> to vector<16xf32>
        %get3A_1187 = arith.constant 0 : i32
        %get3A_1188 = arith.index_cast %get3A_1187 : i32 to index
        %get3A_1189 = arith.index_cast %scan3A_1106 : i32 to index
        %get3A_1190 = arith.constant 64 : index
        %get3A_1191 = tpu.vector_load %arg7[%get3A_1188, %get3A_1189, %get3A_1190] {strides = array<i32>} : memref<4x112x128xf32, #tpu.memory_space<vmem>>, vector<1x1x16xf32>,
        %get3A_1192 = vector.shape_cast %get3A_1191 : vector<1x1x16xf32> to vector<16xf32>
        %get3A_1193 = arith.constant 0 : i32
        %get3A_1194 = arith.index_cast %get3A_1193 : i32 to index
        %get3A_1195 = arith.index_cast %scan3A_1106 : i32 to index
        %get3A_1196 = arith.constant 80 : index
        %get3A_1197 = tpu.vector_load %arg7[%get3A_1194, %get3A_1195, %get3A_1196] {strides = array<i32>} : memref<4x112x128xf32, #tpu.memory_space<vmem>>, vector<1x1x16xf32>,
        %get3A_1198 = vector.shape_cast %get3A_1197 : vector<1x1x16xf32> to vector<16xf32>
        %get3A_1199 = arith.constant 0 : i32
        %get3A_1200 = arith.index_cast %get3A_1199 : i32 to index
        %get3A_1201 = arith.index_cast %scan3A_1106 : i32 to index
        %get3A_1202 = arith.constant 96 : index
        %get3A_1203 = tpu.vector_load %arg7[%get3A_1200, %get3A_1201, %get3A_1202] {strides = array<i32>} : memref<4x112x128xf32, #tpu.memory_space<vmem>>, vector<1x1x16xf32>,
        %get3A_1204 = vector.shape_cast %get3A_1203 : vector<1x1x16xf32> to vector<16xf32>
        %get3A_1205 = arith.constant 0 : i32
        %get3A_1206 = arith.index_cast %get3A_1205 : i32 to index
        %get3A_1207 = arith.index_cast %scan3A_1106 : i32 to index
        %get3A_1208 = arith.constant 112 : index
        %get3A_1209 = tpu.vector_load %arg7[%get3A_1206, %get3A_1207, %get3A_1208] {strides = array<i32>} : memref<4x112x128xf32, #tpu.memory_space<vmem>>, vector<1x1x16xf32>,
        %get3A_1210 = vector.shape_cast %get3A_1209 : vector<1x1x16xf32> to vector<16xf32>
        %get3A_1211 = arith.index_cast %add3A_1162 : i32 to index
        %get3A_1212 = arith.constant 0 : index
        %get3A_1213 = tpu.vector_load %arg8[%get3A_1211, %get3A_1212] {strides = array<i32>} : memref<224x128xf32, #tpu.memory_space<vmem>>, vector<1x16xf32>,
        %get3A_1214 = vector.shape_cast %get3A_1213 : vector<1x16xf32> to vector<16xf32>
        %get3A_1215 = arith.index_cast %add3A_1162 : i32 to index
        %get3A_1216 = arith.constant 16 : index
        %get3A_1217 = tpu.vector_load %arg8[%get3A_1215, %get3A_1216] {strides = array<i32>} : memref<224x128xf32, #tpu.memory_space<vmem>>, vector<1x16xf32>,
        %get3A_1218 = vector.shape_cast %get3A_1217 : vector<1x16xf32> to vector<16xf32>
        %get3A_1219 = arith.index_cast %add3A_1162 : i32 to index
        %get3A_1220 = arith.constant 32 : index
        %get3A_1221 = tpu.vector_load %arg8[%get3A_1219, %get3A_1220] {strides = array<i32>} : memref<224x128xf32, #tpu.memory_space<vmem>>, vector<1x16xf32>,
        %get3A_1222 = vector.shape_cast %get3A_1221 : vector<1x16xf32> to vector<16xf32>
        %get3A_1223 = arith.index_cast %add3A_1162 : i32 to index
        %get3A_1224 = arith.constant 48 : index
        %get3A_1225 = tpu.vector_load %arg8[%get3A_1223, %get3A_1224] {strides = array<i32>} : memref<224x128xf32, #tpu.memory_space<vmem>>, vector<1x16xf32>,
        %get3A_1226 = vector.shape_cast %get3A_1225 : vector<1x16xf32> to vector<16xf32>
        %get3A_1227 = arith.index_cast %add3A_1162 : i32 to index
        %get3A_1228 = arith.constant 64 : index
        %get3A_1229 = tpu.vector_load %arg8[%get3A_1227, %get3A_1228] {strides = array<i32>} : memref<224x128xf32, #tpu.memory_space<vmem>>, vector<1x16xf32>,
        %get3A_1230 = vector.shape_cast %get3A_1229 : vector<1x16xf32> to vector<16xf32>
        %get3A_1231 = arith.index_cast %add3A_1162 : i32 to index
        %get3A_1232 = arith.constant 80 : index
        %get3A_1233 = tpu.vector_load %arg8[%get3A_1231, %get3A_1232] {strides = array<i32>} : memref<224x128xf32, #tpu.memory_space<vmem>>, vector<1x16xf32>,
        %get3A_1234 = vector.shape_cast %get3A_1233 : vector<1x16xf32> to vector<16xf32>
        %get3A_1235 = arith.index_cast %add3A_1162 : i32 to index
        %get3A_1236 = arith.constant 96 : index
        %get3A_1237 = tpu.vector_load %arg8[%get3A_1235, %get3A_1236] {strides = array<i32>} : memref<224x128xf32, #tpu.memory_space<vmem>>, vector<1x16xf32>,
        %get3A_1238 = vector.shape_cast %get3A_1237 : vector<1x16xf32> to vector<16xf32>
        %get3A_1239 = arith.index_cast %add3A_1162 : i32 to index
        %get3A_1240 = arith.constant 112 : index
        %get3A_1241 = tpu.vector_load %arg8[%get3A_1239, %get3A_1240] {strides = array<i32>} : memref<224x128xf32, #tpu.memory_space<vmem>>, vector<1x16xf32>,
        %get3A_1242 = vector.shape_cast %get3A_1241 : vector<1x16xf32> to vector<16xf32>
        %mul3A_1243 = arith.constant 11.3137083 : f32
        %mul3A_1244 = vector.broadcast %mul3A_1243 : f32 to vector<16xf32>
        %mul3A_1245 = arith.mulf %get3A_1168, %mul3A_1244 : vector<16xf32>
        %add3A_1246 = arith.addf %mul3A_1245, %get3A_1214 : vector<16xf32>
        %mul3A_1247 = arith.mulf %add3A_1246, %select_n3A_1160 : vector<16xf32>
        %swap3A_1248 = arith.constant 0 : i32
        %swap3A_1249 = arith.index_cast %swap3A_1248 : i32 to index
        %swap3A_1250 = arith.index_cast %scan3A_1106 : i32 to index
        %swap3A_1251 = arith.constant 0 : index
        %swap3A_1252 = tpu.vector_load %arg7[%swap3A_1249, %swap3A_1250, %swap3A_1251] {strides = array<i32>} : memref<4x112x128xf32, #tpu.memory_space<vmem>>, vector<1x1x16xf32>,
        %swap3A_1253 = vector.shape_cast %swap3A_1252 : vector<1x1x16xf32> to vector<16xf32>
        %swap3A_1254 = vector.shape_cast %mul3A_1247 : vector<16xf32> to vector<1x1x16xf32>
        tpu.vector_store %arg7[%swap3A_1249, %swap3A_1250, %swap3A_1251], %swap3A_1254 {strides = array<i32>} : memref<4x112x128xf32, #tpu.memory_space<vmem>>, vector<1x1x16xf32>,
        %mul3A_1255 = arith.constant 11.3137083 : f32
        %mul3A_1256 = vector.broadcast %mul3A_1255 : f32 to vector<16xf32>
        %mul3A_1257 = arith.mulf %get3A_1174, %mul3A_1256 : vector<16xf32>
        %add3A_1258 = arith.addf %mul3A_1257, %get3A_1218 : vector<16xf32>
        %mul3A_1259 = arith.mulf %add3A_1258, %select_n3A_1160 : vector<16xf32>
        %swap3A_1260 = arith.constant 0 : i32
        %swap3A_1261 = arith.index_cast %swap3A_1260 : i32 to index
        %swap3A_1262 = arith.index_cast %scan3A_1106 : i32 to index
        %swap3A_1263 = arith.constant 16 : index
        %swap3A_1264 = tpu.vector_load %arg7[%swap3A_1261, %swap3A_1262, %swap3A_1263] {strides = array<i32>} : memref<4x112x128xf32, #tpu.memory_space<vmem>>, vector<1x1x16xf32>,
        %swap3A_1265 = vector.shape_cast %swap3A_1264 : vector<1x1x16xf32> to vector<16xf32>
        %swap3A_1266 = vector.shape_cast %mul3A_1259 : vector<16xf32> to vector<1x1x16xf32>
        tpu.vector_store %arg7[%swap3A_1261, %swap3A_1262, %swap3A_1263], %swap3A_1266 {strides = array<i32>} : memref<4x112x128xf32, #tpu.memory_space<vmem>>, vector<1x1x16xf32>,
        %mul3A_1267 = arith.constant 11.3137083 : f32
        %mul3A_1268 = vector.broadcast %mul3A_1267 : f32 to vector<16xf32>
        %mul3A_1269 = arith.mulf %get3A_1180, %mul3A_1268 : vector<16xf32>
        %add3A_1270 = arith.addf %mul3A_1269, %get3A_1222 : vector<16xf32>
        %mul3A_1271 = arith.mulf %add3A_1270, %select_n3A_1160 : vector<16xf32>
        %swap3A_1272 = arith.constant 0 : i32
        %swap3A_1273 = arith.index_cast %swap3A_1272 : i32 to index
        %swap3A_1274 = arith.index_cast %scan3A_1106 : i32 to index
        %swap3A_1275 = arith.constant 32 : index
        %swap3A_1276 = tpu.vector_load %arg7[%swap3A_1273, %swap3A_1274, %swap3A_1275] {strides = array<i32>} : memref<4x112x128xf32, #tpu.memory_space<vmem>>, vector<1x1x16xf32>,
        %swap3A_1277 = vector.shape_cast %swap3A_1276 : vector<1x1x16xf32> to vector<16xf32>
        %swap3A_1278 = vector.shape_cast %mul3A_1271 : vector<16xf32> to vector<1x1x16xf32>
        tpu.vector_store %arg7[%swap3A_1273, %swap3A_1274, %swap3A_1275], %swap3A_1278 {strides = array<i32>} : memref<4x112x128xf32, #tpu.memory_space<vmem>>, vector<1x1x16xf32>,
        %mul3A_1279 = arith.constant 11.3137083 : f32
        %mul3A_1280 = vector.broadcast %mul3A_1279 : f32 to vector<16xf32>
        %mul3A_1281 = arith.mulf %get3A_1186, %mul3A_1280 : vector<16xf32>
        %add3A_1282 = arith.addf %mul3A_1281, %get3A_1226 : vector<16xf32>
        %mul3A_1283 = arith.mulf %add3A_1282, %select_n3A_1160 : vector<16xf32>
        %swap3A_1284 = arith.constant 0 : i32
        %swap3A_1285 = arith.index_cast %swap3A_1284 : i32 to index
        %swap3A_1286 = arith.index_cast %scan3A_1106 : i32 to index
        %swap3A_1287 = arith.constant 48 : index
        %swap3A_1288 = tpu.vector_load %arg7[%swap3A_1285, %swap3A_1286, %swap3A_1287] {strides = array<i32>} : memref<4x112x128xf32, #tpu.memory_space<vmem>>, vector<1x1x16xf32>,
        %swap3A_1289 = vector.shape_cast %swap3A_1288 : vector<1x1x16xf32> to vector<16xf32>
        %swap3A_1290 = vector.shape_cast %mul3A_1283 : vector<16xf32> to vector<1x1x16xf32>
        tpu.vector_store %arg7[%swap3A_1285, %swap3A_1286, %swap3A_1287], %swap3A_1290 {strides = array<i32>} : memref<4x112x128xf32, #tpu.memory_space<vmem>>, vector<1x1x16xf32>,
        %mul3A_1291 = arith.constant 11.3137083 : f32
        %mul3A_1292 = vector.broadcast %mul3A_1291 : f32 to vector<16xf32>
        %mul3A_1293 = arith.mulf %get3A_1192, %mul3A_1292 : vector<16xf32>
        %add3A_1294 = arith.addf %mul3A_1293, %get3A_1230 : vector<16xf32>
        %mul3A_1295 = arith.mulf %add3A_1294, %select_n3A_1160 : vector<16xf32>
        %swap3A_1296 = arith.constant 0 : i32
        %swap3A_1297 = arith.index_cast %swap3A_1296 : i32 to index
        %swap3A_1298 = arith.index_cast %scan3A_1106 : i32 to index
        %swap3A_1299 = arith.constant 64 : index
        %swap3A_1300 = tpu.vector_load %arg7[%swap3A_1297, %swap3A_1298, %swap3A_1299] {strides = array<i32>} : memref<4x112x128xf32, #tpu.memory_space<vmem>>, vector<1x1x16xf32>,
        %swap3A_1301 = vector.shape_cast %swap3A_1300 : vector<1x1x16xf32> to vector<16xf32>
        %swap3A_1302 = vector.shape_cast %mul3A_1295 : vector<16xf32> to vector<1x1x16xf32>
        tpu.vector_store %arg7[%swap3A_1297, %swap3A_1298, %swap3A_1299], %swap3A_1302 {strides = array<i32>} : memref<4x112x128xf32, #tpu.memory_space<vmem>>, vector<1x1x16xf32>,
        %mul3A_1303 = arith.constant 11.3137083 : f32
        %mul3A_1304 = vector.broadcast %mul3A_1303 : f32 to vector<16xf32>
        %mul3A_1305 = arith.mulf %get3A_1198, %mul3A_1304 : vector<16xf32>
        %add3A_1306 = arith.addf %mul3A_1305, %get3A_1234 : vector<16xf32>
        %mul3A_1307 = arith.mulf %add3A_1306, %select_n3A_1160 : vector<16xf32>
        %swap3A_1308 = arith.constant 0 : i32
        %swap3A_1309 = arith.index_cast %swap3A_1308 : i32 to index
        %swap3A_1310 = arith.index_cast %scan3A_1106 : i32 to index
        %swap3A_1311 = arith.constant 80 : index
        %swap3A_1312 = tpu.vector_load %arg7[%swap3A_1309, %swap3A_1310, %swap3A_1311] {strides = array<i32>} : memref<4x112x128xf32, #tpu.memory_space<vmem>>, vector<1x1x16xf32>,
        %swap3A_1313 = vector.shape_cast %swap3A_1312 : vector<1x1x16xf32> to vector<16xf32>
        %swap3A_1314 = vector.shape_cast %mul3A_1307 : vector<16xf32> to vector<1x1x16xf32>
        tpu.vector_store %arg7[%swap3A_1309, %swap3A_1310, %swap3A_1311], %swap3A_1314 {strides = array<i32>} : memref<4x112x128xf32, #tpu.memory_space<vmem>>, vector<1x1x16xf32>,
        %mul3A_1315 = arith.constant 11.3137083 : f32
        %mul3A_1316 = vector.broadcast %mul3A_1315 : f32 to vector<16xf32>
        %mul3A_1317 = arith.mulf %get3A_1204, %mul3A_1316 : vector<16xf32>
        %add3A_1318 = arith.addf %mul3A_1317, %get3A_1238 : vector<16xf32>
        %mul3A_1319 = arith.mulf %add3A_1318, %select_n3A_1160 : vector<16xf32>
        %swap3A_1320 = arith.constant 0 : i32
        %swap3A_1321 = arith.index_cast %swap3A_1320 : i32 to index
        %swap3A_1322 = arith.index_cast %scan3A_1106 : i32 to index
        %swap3A_1323 = arith.constant 96 : index
        %swap3A_1324 = tpu.vector_load %arg7[%swap3A_1321, %swap3A_1322, %swap3A_1323] {strides = array<i32>} : memref<4x112x128xf32, #tpu.memory_space<vmem>>, vector<1x1x16xf32>,
        %swap3A_1325 = vector.shape_cast %swap3A_1324 : vector<1x1x16xf32> to vector<16xf32>
        %swap3A_1326 = vector.shape_cast %mul3A_1319 : vector<16xf32> to vector<1x1x16xf32>
        tpu.vector_store %arg7[%swap3A_1321, %swap3A_1322, %swap3A_1323], %swap3A_1326 {strides = array<i32>} : memref<4x112x128xf32, #tpu.memory_space<vmem>>, vector<1x1x16xf32>,
        %mul3A_1327 = arith.constant 11.3137083 : f32
        %mul3A_1328 = vector.broadcast %mul3A_1327 : f32 to vector<16xf32>
        %mul3A_1329 = arith.mulf %get3A_1210, %mul3A_1328 : vector<16xf32>
        %add3A_1330 = arith.addf %mul3A_1329, %get3A_1242 : vector<16xf32>
        %mul3A_1331 = arith.mulf %add3A_1330, %select_n3A_1160 : vector<16xf32>
        %swap3A_1332 = arith.constant 0 : i32
        %swap3A_1333 = arith.index_cast %swap3A_1332 : i32 to index
        %swap3A_1334 = arith.index_cast %scan3A_1106 : i32 to index
        %swap3A_1335 = arith.constant 112 : index
        %swap3A_1336 = tpu.vector_load %arg7[%swap3A_1333, %swap3A_1334, %swap3A_1335] {strides = array<i32>} : memref<4x112x128xf32, #tpu.memory_space<vmem>>, vector<1x1x16xf32>,
        %swap3A_1337 = vector.shape_cast %swap3A_1336 : vector<1x1x16xf32> to vector<16xf32>
        %swap3A_1338 = vector.shape_cast %mul3A_1331 : vector<16xf32> to vector<1x1x16xf32>
        tpu.vector_store %arg7[%swap3A_1333, %swap3A_1334, %swap3A_1335], %swap3A_1338 {strides = array<i32>} : memref<4x112x128xf32, #tpu.memory_space<vmem>>, vector<1x1x16xf32>,
      }
      %scan3A_198 = arith.constant 96 : i32
      %add3A_199 = arith.addi %mul3A_2, %add3A_158 : i32
      %dma_start3A_200 = arith.constant 0 : i32
      %dma_start3A_201 = arith.constant 0 : i32
      %dma_start3A_202 = arith.constant 0 : i32
      %dma_start3A_203 = tpu.memref_slice %arg7[%dma_start3A_200, %dma_start3A_201, %dma_start3A_202] : memref<4x112x128xf32, #tpu.memory_space<vmem>> -> memref<1x112x128xf32, #tpu.memory_space<vmem>>
      %dma_start3A_204 = tpu.memref_squeeze %dma_start3A_203 : memref<1x112x128xf32, #tpu.memory_space<vmem>> -> memref<112x128xf32, #tpu.memory_space<vmem>>
      %dma_start3A_205 = arith.constant 0 : i32
      %dma_start3A_206 = arith.constant 0 : i32
      %dma_start3A_207 = tpu.memref_slice %dma_start3A_204[%dma_start3A_205, %dma_start3A_206] : memref<112x128xf32, #tpu.memory_space<vmem>> -> memref<96x128xf32, #tpu.memory_space<vmem>>
      %dma_start3A_208 = arith.constant 0 : i32
      %dma_start3A_209 = arith.constant 0 : i32
      %dma_start3A_210 = tpu.memref_slice %arg5[%add3A_199, %dma_start3A_208, %dma_start3A_209] : memref<4096x200x128xf32, #tpu.memory_space<hbm>> -> memref<1x96x128xf32, #tpu.memory_space<hbm>>
      %dma_start3A_211 = tpu.memref_squeeze %dma_start3A_210 : memref<1x96x128xf32, #tpu.memory_space<hbm>> -> memref<96x128xf32, #tpu.memory_space<hbm>>
      %dma_start3A_212 = arith.constant 0 : i32
      %dma_start3A_213 = arith.constant 0 : i32
      %dma_start3A_214 = tpu.memref_slice %arg5[%add3A_199, %dma_start3A_212, %dma_start3A_213] : memref<4096x200x128xf32, #tpu.memory_space<hbm>> -> memref<1x96x128xf32, #tpu.memory_space<hbm>>
      %dma_start3A_215 = tpu.memref_squeeze %dma_start3A_214 : memref<1x96x128xf32, #tpu.memory_space<hbm>> -> memref<96x128xf32, #tpu.memory_space<hbm>>
      %dma_start3A_216 = arith.constant 0 : i32
      %dma_start3A_217 = arith.constant 0 : i32
      %dma_start3A_218 = tpu.memref_slice %arg7[%dma_start3A_200, %dma_start3A_216, %dma_start3A_217] : memref<4x112x128xf32, #tpu.memory_space<vmem>> -> memref<1x112x128xf32, #tpu.memory_space<vmem>>
      %dma_start3A_219 = tpu.memref_squeeze %dma_start3A_218 : memref<1x112x128xf32, #tpu.memory_space<vmem>> -> memref<112x128xf32, #tpu.memory_space<vmem>>
      %dma_start3A_220 = arith.constant 0 : i32
      %dma_start3A_221 = arith.constant 0 : i32
      %dma_start3A_222 = tpu.memref_slice %dma_start3A_219[%dma_start3A_220, %dma_start3A_221] : memref<112x128xf32, #tpu.memory_space<vmem>> -> memref<96x128xf32, #tpu.memory_space<vmem>>
      tpu.enqueue_dma source(%dma_start3A_222 : memref<96x128xf32, #tpu.memory_space<vmem>>) target(%dma_start3A_215 : memref<96x128xf32, #tpu.memory_space<hbm>>) target_semaphore(%arg13 : memref<!tpu.dma_semaphore, #tpu.memory_space<semaphore_mem>>)
      %mul3A_223 = arith.constant 4 : i32
      %mul3A_224 = arith.muli %scan3A_150, %mul3A_223 : i32
      %add3A_225 = arith.constant 1 : i32
      %add3A_226 = arith.addi %mul3A_224, %add3A_225 : i32
      %mul3A_227 = arith.constant 2 : i32
      %mul3A_228 = arith.muli %mul3A_227, %scan3A_150 : i32
      %add3A_229 = arith.constant 0 : i32
      %add3A_230 = arith.addi %mul3A_228, %add3A_229 : i32
      %dma_wait3A_231 = arith.constant 1 : i32
      %dma_wait3A_232 = arith.constant 1 : i32
      %dma_wait3A_233 = arith.constant 0 : i32
      %dma_wait3A_234 = arith.constant 0 : i32
      %dma_wait3A_235 = tpu.memref_slice %arg7[%dma_wait3A_232, %dma_wait3A_233, %dma_wait3A_234] : memref<4x112x128xf32, #tpu.memory_space<vmem>> -> memref<1x112x128xf32, #tpu.memory_space<vmem>>
      %dma_wait3A_236 = tpu.memref_squeeze %dma_wait3A_235 : memref<1x112x128xf32, #tpu.memory_space<vmem>> -> memref<112x128xf32, #tpu.memory_space<vmem>>
      %dma_wait3A_237 = arith.constant 0 : i32
      %dma_wait3A_238 = arith.constant 0 : i32
      %dma_wait3A_239 = tpu.memref_slice %dma_wait3A_236[%dma_wait3A_237, %dma_wait3A_238] : memref<112x128xf32, #tpu.memory_space<vmem>> -> memref<104x128xf32, #tpu.memory_space<vmem>>
      %dma_wait3A_240 = arith.constant 0 : i32
      %dma_wait3A_241 = tpu.memref_slice %arg6[%add3A_230, %dma_wait3A_231, %dma_wait3A_240] : memref<128x2x128xi32, #tpu.memory_space<vmem>> -> memref<1x1x104xi32, #tpu.memory_space<vmem>>
      %dma_wait3A_242 = tpu.memref_squeeze %dma_wait3A_241 : memref<1x1x104xi32, #tpu.memory_space<vmem>> -> memref<104xi32, #tpu.memory_space<vmem>>
      %dma_wait3A_243 = arith.constant 0 : i32
      %dma_wait3A_244 = arith.constant 0 : i32
      %dma_wait3A_245 = tpu.memref_slice %arg3[%dma_wait3A_243, %dma_wait3A_244] : memref<100000x128xf32, #tpu.memory_space<hbm>> -> memref<100000x128xf32, #tpu.memory_space<hbm>>
      tpu.wait_indirect_dma semaphore(%arg10 : memref<!tpu.dma_semaphore, #tpu.memory_space<semaphore_mem>>) src(%dma_wait3A_245 : memref<100000x128xf32, #tpu.memory_space<hbm>>) dst(%dma_wait3A_239 : memref<104x128xf32, #tpu.memory_space<vmem>>)
      %ge3A_246 = arith.constant 2 : i32
      %ge3A_247 = arith.cmpi sge, %add3A_226, %ge3A_246 : i32
      %convert_element_type3A_248 = arith.extui %ge3A_247 : i1 to i32
      %cond3A_249 = arith.constant 0 : i32
      %cond3A_250 = arith.cmpi ne, %convert_element_type3A_248, %cond3A_249 : i32
      scf.if %cond3A_250 {
        %sub3A = arith.constant 1 : i32
        %sub3A_417 = arith.subi %add3A_230, %sub3A : i32
        %add3A_418 = arith.addi %mul3A_2, %sub3A_417 : i32
        %dma_wait3A_419 = arith.constant 3 : i32
        %dma_wait3A_420 = arith.constant 0 : i32
        %dma_wait3A_421 = arith.constant 0 : i32
        %dma_wait3A_422 = tpu.memref_slice %arg7[%dma_wait3A_419, %dma_wait3A_420, %dma_wait3A_421] : memref<4x112x128xf32, #tpu.memory_space<vmem>> -> memref<1x112x128xf32, #tpu.memory_space<vmem>>
        %dma_wait3A_423 = tpu.memref_squeeze %dma_wait3A_422 : memref<1x112x128xf32, #tpu.memory_space<vmem>> -> memref<112x128xf32, #tpu.memory_space<vmem>>
        %dma_wait3A_424 = arith.constant 0 : i32
        %dma_wait3A_425 = arith.constant 0 : i32
        %dma_wait3A_426 = tpu.memref_slice %dma_wait3A_423[%dma_wait3A_424, %dma_wait3A_425] : memref<112x128xf32, #tpu.memory_space<vmem>> -> memref<104x128xf32, #tpu.memory_space<vmem>>
        %dma_wait3A_427 = arith.constant 96 : i32
        %dma_wait3A_428 = arith.constant 0 : i32
        %dma_wait3A_429 = tpu.memref_slice %arg5[%add3A_418, %dma_wait3A_427, %dma_wait3A_428] : memref<4096x200x128xf32, #tpu.memory_space<hbm>> -> memref<1x104x128xf32, #tpu.memory_space<hbm>>
        %dma_wait3A_430 = tpu.memref_squeeze %dma_wait3A_429 : memref<1x104x128xf32, #tpu.memory_space<hbm>> -> memref<104x128xf32, #tpu.memory_space<hbm>>
        %dma_wait3A_431 = arith.constant 96 : i32
        %dma_wait3A_432 = arith.constant 0 : i32
        %dma_wait3A_433 = tpu.memref_slice %arg5[%add3A_418, %dma_wait3A_431, %dma_wait3A_432] : memref<4096x200x128xf32, #tpu.memory_space<hbm>> -> memref<1x104x128xf32, #tpu.memory_space<hbm>>
        %dma_wait3A_434 = tpu.memref_squeeze %dma_wait3A_433 : memref<1x104x128xf32, #tpu.memory_space<hbm>> -> memref<104x128xf32, #tpu.memory_space<hbm>>
        %dma_wait3A_435 = arith.constant 0 : i32
        %dma_wait3A_436 = arith.constant 0 : i32
        %dma_wait3A_437 = tpu.memref_slice %arg7[%dma_wait3A_419, %dma_wait3A_435, %dma_wait3A_436] : memref<4x112x128xf32, #tpu.memory_space<vmem>> -> memref<1x112x128xf32, #tpu.memory_space<vmem>>
        %dma_wait3A_438 = tpu.memref_squeeze %dma_wait3A_437 : memref<1x112x128xf32, #tpu.memory_space<vmem>> -> memref<112x128xf32, #tpu.memory_space<vmem>>
        %dma_wait3A_439 = arith.constant 0 : i32
        %dma_wait3A_440 = arith.constant 0 : i32
        %dma_wait3A_441 = tpu.memref_slice %dma_wait3A_438[%dma_wait3A_439, %dma_wait3A_440] : memref<112x128xf32, #tpu.memory_space<vmem>> -> memref<104x128xf32, #tpu.memory_space<vmem>>
        tpu.wait_dma2 semaphore(%arg16 : memref<!tpu.dma_semaphore, #tpu.memory_space<semaphore_mem>>) src(%dma_wait3A_441 : memref<104x128xf32, #tpu.memory_space<vmem>>) dst(%dma_wait3A_434 : memref<104x128xf32, #tpu.memory_space<hbm>>)
      } else {
      }
      %add3A_251 = arith.constant 1 : i32
      %add3A_252 = arith.addi %add3A_230, %add3A_251 : i32
      %dma_start3A_253 = arith.constant 1 : i32
      %dma_start3A_254 = arith.constant 3 : i32
      %dma_start3A_255 = arith.constant 0 : i32
      %dma_start3A_256 = arith.constant 0 : i32
      %dma_start3A_257 = tpu.memref_slice %arg7[%dma_start3A_254, %dma_start3A_255, %dma_start3A_256] : memref<4x112x128xf32, #tpu.memory_space<vmem>> -> memref<1x112x128xf32, #tpu.memory_space<vmem>>
      %dma_start3A_258 = tpu.memref_squeeze %dma_start3A_257 : memref<1x112x128xf32, #tpu.memory_space<vmem>> -> memref<112x128xf32, #tpu.memory_space<vmem>>
      %dma_start3A_259 = arith.constant 0 : i32
      %dma_start3A_260 = arith.constant 0 : i32
      %dma_start3A_261 = tpu.memref_slice %dma_start3A_258[%dma_start3A_259, %dma_start3A_260] : memref<112x128xf32, #tpu.memory_space<vmem>> -> memref<104x128xf32, #tpu.memory_space<vmem>>
      %dma_start3A_262 = arith.constant 0 : i32
      %dma_start3A_263 = tpu.memref_slice %arg6[%add3A_252, %dma_start3A_253, %dma_start3A_262] : memref<128x2x128xi32, #tpu.memory_space<vmem>> -> memref<1x1x104xi32, #tpu.memory_space<vmem>>
      %dma_start3A_264 = tpu.memref_squeeze %dma_start3A_263 : memref<1x1x104xi32, #tpu.memory_space<vmem>> -> memref<104xi32, #tpu.memory_space<vmem>>
      %dma_start3A_265 = arith.constant 0 : i32
      %dma_start3A_266 = arith.constant 0 : i32
      %dma_start3A_267 = tpu.memref_slice %arg3[%dma_start3A_265, %dma_start3A_266] : memref<100000x128xf32, #tpu.memory_space<hbm>> -> memref<100000x128xf32, #tpu.memory_space<hbm>>
      tpu.enqueue_indirect_dma source(%dma_start3A_267 : memref<100000x128xf32, #tpu.memory_space<hbm>>) target(%dma_start3A_261 : memref<104x128xf32, #tpu.memory_space<vmem>>) offsets(%dma_start3A_264 : memref<104xi32, #tpu.memory_space<vmem>>) semaphore(%arg12 : memref<!tpu.dma_semaphore, #tpu.memory_space<semaphore_mem>>)
      %scan3A_268 = arith.constant 0 : i32
      %scan3A_269 = arith.constant 0 : i32
      %scan3A_270 = arith.constant 104 : i32
      %scan3A_271 = arith.addi %scan3A_269, %scan3A_270 : i32
      %scan3A_272 = arith.constant 4 : i32
      scf.for %scan3A_417 = %scan3A_269 to %scan3A_271 step %scan3A_272  : i32 {
        %jit3A = arith.constant 16 : i32
        %div3A = arith.divsi %scan3A_417, %jit3A : i32
        %sign3A = arith.constant 0 : i32
        %sign3A_418 = arith.cmpi sgt, %scan3A_417, %sign3A : i32
        %sign3A_419 = arith.extui %sign3A_418 : i1 to i32
        %sign3A_420 = arith.constant 0 : i32
        %sign3A_421 = arith.cmpi slt, %scan3A_417, %sign3A_420 : i32
        %sign3A_422 = arith.extui %sign3A_421 : i1 to i32
        %sign3A_423 = arith.subi %sign3A_419, %sign3A_422 : i32
        %sign3A_424 = arith.constant 0 : i32
        %sign3A_425 = arith.cmpi sgt, %jit3A, %sign3A_424 : i32
        %sign3A_426 = arith.extui %sign3A_425 : i1 to i32
        %sign3A_427 = arith.constant 0 : i32
        %sign3A_428 = arith.cmpi slt, %jit3A, %sign3A_427 : i32
        %sign3A_429 = arith.extui %sign3A_428 : i1 to i32
        %sign3A_430 = arith.subi %sign3A_426, %sign3A_429 : i32
        %ne3A = arith.cmpi ne, %sign3A_423, %sign3A_430 : i32
        %rem3A = arith.remsi %scan3A_417, %jit3A : i32
        %ne3A_431 = arith.constant 0 : i32
        %ne3A_432 = arith.cmpi ne, %rem3A, %ne3A_431 : i32
        %and3A = arith.andi %ne3A, %ne3A_432 : i1
        %sub3A = arith.constant 1 : i32
        %sub3A_433 = arith.subi %div3A, %sub3A : i32
        %select_n3A = arith.select %and3A, %sub3A_433, %div3A : i32
        %mul3A_434 = arith.constant 16 : i32
        %mul3A_435 = arith.muli %select_n3A, %mul3A_434 : i32
        %sub3A_436 = arith.subi %scan3A_417, %mul3A_435 : i32
        %mul3A_437 = arith.constant 16 : i32
        %mul3A_438 = arith.muli %select_n3A, %mul3A_437 : i32
        %get3A = arith.constant 1 : i32
        %get3A_439 = arith.index_cast %add3A_230 : i32 to index
        %get3A_440 = arith.index_cast %get3A : i32 to index
        %get3A_441 = arith.index_cast %mul3A_438 : i32 to index
        %get3A_442 = tpu.vector_load %arg6[%get3A_439, %get3A_440, %get3A_441] {strides = array<i32>} : memref<128x2x128xi32, #tpu.memory_space<vmem>>, vector<1x1x16xi32>,
        %get3A_443 = vector.shape_cast %get3A_442 : vector<1x1x16xi32> to vector<16xi32>
        %broadcast_in_dim3A = vector.broadcast %sub3A_436 : i32 to vector<16xi32>
        %lt3A_444 = arith.constant 0 : i32
        %lt3A_445 = vector.broadcast %lt3A_444 : i32 to vector<16xi32>
        %lt3A_446 = arith.cmpi slt, %broadcast_in_dim3A, %lt3A_445 : vector<16xi32>
        %add3A_447 = arith.constant 16 : i32
        %add3A_448 = vector.broadcast %add3A_447 : i32 to vector<16xi32>
        %add3A_449 = arith.addi %broadcast_in_dim3A, %add3A_448 : vector<16xi32>
        %select_n3A_450 = arith.select %lt3A_446, %add3A_449, %broadcast_in_dim3A : vector<16xi1>, vector<16xi32>
        %reshape3A = vector.shape_cast %select_n3A_450 : vector<16xi32> to vector<16x1xi32>
        %gather3A = vector.shape_cast %reshape3A : vector<16x1xi32> to vector<16xi32>
        %gather3A_451 = tpu.dynamic_gather %get3A_443[%gather3A] in [0] : vector<16xi32>, vector<16xi32> -> vector<16xi32>
        %ne3A_452 = arith.constant 0 : i32
        %ne3A_453 = vector.broadcast %ne3A_452 : i32 to vector<16xi32>
        %ne3A_454 = arith.cmpi ne, %gather3A_451, %ne3A_453 : vector<16xi32>
        %jit3A_455 = arith.constant 1.000000e+00 : f32
        %jit3A_456 = arith.constant 0.000000e+00 : f32
        %broadcast_in_dim3A_457 = vector.broadcast %jit3A_455 : f32 to vector<16xf32>
        %broadcast_in_dim3A_458 = vector.broadcast %jit3A_456 : f32 to vector<16xf32>
        %select_n3A_459 = arith.select %ne3A_454, %broadcast_in_dim3A_457, %broadcast_in_dim3A_458 : vector<16xi1>, vector<16xf32>
        %add3A_460 = arith.constant 96 : i32
        %add3A_461 = arith.addi %add3A_460, %scan3A_417 : i32
        %get3A_462 = arith.constant 1 : i32
        %get3A_463 = arith.index_cast %get3A_462 : i32 to index
        %get3A_464 = arith.index_cast %scan3A_417 : i32 to index
        %get3A_465 = arith.constant 0 : index
        %get3A_466 = tpu.vector_load %arg7[%get3A_463, %get3A_464, %get3A_465] {strides = array<i32>} : memref<4x112x128xf32, #tpu.memory_space<vmem>>, vector<1x1x16xf32>,
        %get3A_467 = vector.shape_cast %get3A_466 : vector<1x1x16xf32> to vector<16xf32>
        %get3A_468 = arith.constant 1 : i32
        %get3A_469 = arith.index_cast %get3A_468 : i32 to index
        %get3A_470 = arith.index_cast %scan3A_417 : i32 to index
        %get3A_471 = arith.constant 16 : index
        %get3A_472 = tpu.vector_load %arg7[%get3A_469, %get3A_470, %get3A_471] {strides = array<i32>} : memref<4x112x128xf32, #tpu.memory_space<vmem>>, vector<1x1x16xf32>,
        %get3A_473 = vector.shape_cast %get3A_472 : vector<1x1x16xf32> to vector<16xf32>
        %get3A_474 = arith.constant 1 : i32
        %get3A_475 = arith.index_cast %get3A_474 : i32 to index
        %get3A_476 = arith.index_cast %scan3A_417 : i32 to index
        %get3A_477 = arith.constant 32 : index
        %get3A_478 = tpu.vector_load %arg7[%get3A_475, %get3A_476, %get3A_477] {strides = array<i32>} : memref<4x112x128xf32, #tpu.memory_space<vmem>>, vector<1x1x16xf32>,
        %get3A_479 = vector.shape_cast %get3A_478 : vector<1x1x16xf32> to vector<16xf32>
        %get3A_480 = arith.constant 1 : i32
        %get3A_481 = arith.index_cast %get3A_480 : i32 to index
        %get3A_482 = arith.index_cast %scan3A_417 : i32 to index
        %get3A_483 = arith.constant 48 : index
        %get3A_484 = tpu.vector_load %arg7[%get3A_481, %get3A_482, %get3A_483] {strides = array<i32>} : memref<4x112x128xf32, #tpu.memory_space<vmem>>, vector<1x1x16xf32>,
        %get3A_485 = vector.shape_cast %get3A_484 : vector<1x1x16xf32> to vector<16xf32>
        %get3A_486 = arith.constant 1 : i32
        %get3A_487 = arith.index_cast %get3A_486 : i32 to index
        %get3A_488 = arith.index_cast %scan3A_417 : i32 to index
        %get3A_489 = arith.constant 64 : index
        %get3A_490 = tpu.vector_load %arg7[%get3A_487, %get3A_488, %get3A_489] {strides = array<i32>} : memref<4x112x128xf32, #tpu.memory_space<vmem>>, vector<1x1x16xf32>,
        %get3A_491 = vector.shape_cast %get3A_490 : vector<1x1x16xf32> to vector<16xf32>
        %get3A_492 = arith.constant 1 : i32
        %get3A_493 = arith.index_cast %get3A_492 : i32 to index
        %get3A_494 = arith.index_cast %scan3A_417 : i32 to index
        %get3A_495 = arith.constant 80 : index
        %get3A_496 = tpu.vector_load %arg7[%get3A_493, %get3A_494, %get3A_495] {strides = array<i32>} : memref<4x112x128xf32, #tpu.memory_space<vmem>>, vector<1x1x16xf32>,
        %get3A_497 = vector.shape_cast %get3A_496 : vector<1x1x16xf32> to vector<16xf32>
        %get3A_498 = arith.constant 1 : i32
        %get3A_499 = arith.index_cast %get3A_498 : i32 to index
        %get3A_500 = arith.index_cast %scan3A_417 : i32 to index
        %get3A_501 = arith.constant 96 : index
        %get3A_502 = tpu.vector_load %arg7[%get3A_499, %get3A_500, %get3A_501] {strides = array<i32>} : memref<4x112x128xf32, #tpu.memory_space<vmem>>, vector<1x1x16xf32>,
        %get3A_503 = vector.shape_cast %get3A_502 : vector<1x1x16xf32> to vector<16xf32>
        %get3A_504 = arith.constant 1 : i32
        %get3A_505 = arith.index_cast %get3A_504 : i32 to index
        %get3A_506 = arith.index_cast %scan3A_417 : i32 to index
        %get3A_507 = arith.constant 112 : index
        %get3A_508 = tpu.vector_load %arg7[%get3A_505, %get3A_506, %get3A_507] {strides = array<i32>} : memref<4x112x128xf32, #tpu.memory_space<vmem>>, vector<1x1x16xf32>,
        %get3A_509 = vector.shape_cast %get3A_508 : vector<1x1x16xf32> to vector<16xf32>
        %get3A_510 = arith.index_cast %add3A_461 : i32 to index
        %get3A_511 = arith.constant 0 : index
        %get3A_512 = tpu.vector_load %arg8[%get3A_510, %get3A_511] {strides = array<i32>} : memref<224x128xf32, #tpu.memory_space<vmem>>, vector<1x16xf32>,
        %get3A_513 = vector.shape_cast %get3A_512 : vector<1x16xf32> to vector<16xf32>
        %get3A_514 = arith.index_cast %add3A_461 : i32 to index
        %get3A_515 = arith.constant 16 : index
        %get3A_516 = tpu.vector_load %arg8[%get3A_514, %get3A_515] {strides = array<i32>} : memref<224x128xf32, #tpu.memory_space<vmem>>, vector<1x16xf32>,
        %get3A_517 = vector.shape_cast %get3A_516 : vector<1x16xf32> to vector<16xf32>
        %get3A_518 = arith.index_cast %add3A_461 : i32 to index
        %get3A_519 = arith.constant 32 : index
        %get3A_520 = tpu.vector_load %arg8[%get3A_518, %get3A_519] {strides = array<i32>} : memref<224x128xf32, #tpu.memory_space<vmem>>, vector<1x16xf32>,
        %get3A_521 = vector.shape_cast %get3A_520 : vector<1x16xf32> to vector<16xf32>
        %get3A_522 = arith.index_cast %add3A_461 : i32 to index
        %get3A_523 = arith.constant 48 : index
        %get3A_524 = tpu.vector_load %arg8[%get3A_522, %get3A_523] {strides = array<i32>} : memref<224x128xf32, #tpu.memory_space<vmem>>, vector<1x16xf32>,
        %get3A_525 = vector.shape_cast %get3A_524 : vector<1x16xf32> to vector<16xf32>
        %get3A_526 = arith.index_cast %add3A_461 : i32 to index
        %get3A_527 = arith.constant 64 : index
        %get3A_528 = tpu.vector_load %arg8[%get3A_526, %get3A_527] {strides = array<i32>} : memref<224x128xf32, #tpu.memory_space<vmem>>, vector<1x16xf32>,
        %get3A_529 = vector.shape_cast %get3A_528 : vector<1x16xf32> to vector<16xf32>
        %get3A_530 = arith.index_cast %add3A_461 : i32 to index
        %get3A_531 = arith.constant 80 : index
        %get3A_532 = tpu.vector_load %arg8[%get3A_530, %get3A_531] {strides = array<i32>} : memref<224x128xf32, #tpu.memory_space<vmem>>, vector<1x16xf32>,
        %get3A_533 = vector.shape_cast %get3A_532 : vector<1x16xf32> to vector<16xf32>
        %get3A_534 = arith.index_cast %add3A_461 : i32 to index
        %get3A_535 = arith.constant 96 : index
        %get3A_536 = tpu.vector_load %arg8[%get3A_534, %get3A_535] {strides = array<i32>} : memref<224x128xf32, #tpu.memory_space<vmem>>, vector<1x16xf32>,
        %get3A_537 = vector.shape_cast %get3A_536 : vector<1x16xf32> to vector<16xf32>
        %get3A_538 = arith.index_cast %add3A_461 : i32 to index
        %get3A_539 = arith.constant 112 : index
        %get3A_540 = tpu.vector_load %arg8[%get3A_538, %get3A_539] {strides = array<i32>} : memref<224x128xf32, #tpu.memory_space<vmem>>, vector<1x16xf32>,
        %get3A_541 = vector.shape_cast %get3A_540 : vector<1x16xf32> to vector<16xf32>
        %mul3A_542 = arith.constant 11.3137083 : f32
        %mul3A_543 = vector.broadcast %mul3A_542 : f32 to vector<16xf32>
        %mul3A_544 = arith.mulf %get3A_467, %mul3A_543 : vector<16xf32>
        %add3A_545 = arith.addf %mul3A_544, %get3A_513 : vector<16xf32>
        %mul3A_546 = arith.mulf %add3A_545, %select_n3A_459 : vector<16xf32>
        %swap3A = arith.constant 1 : i32
        %swap3A_547 = arith.index_cast %swap3A : i32 to index
        %swap3A_548 = arith.index_cast %scan3A_417 : i32 to index
        %swap3A_549 = arith.constant 0 : index
        %swap3A_550 = tpu.vector_load %arg7[%swap3A_547, %swap3A_548, %swap3A_549] {strides = array<i32>} : memref<4x112x128xf32, #tpu.memory_space<vmem>>, vector<1x1x16xf32>,
        %swap3A_551 = vector.shape_cast %swap3A_550 : vector<1x1x16xf32> to vector<16xf32>
        %swap3A_552 = vector.shape_cast %mul3A_546 : vector<16xf32> to vector<1x1x16xf32>
        tpu.vector_store %arg7[%swap3A_547, %swap3A_548, %swap3A_549], %swap3A_552 {strides = array<i32>} : memref<4x112x128xf32, #tpu.memory_space<vmem>>, vector<1x1x16xf32>,
        %mul3A_553 = arith.constant 11.3137083 : f32
        %mul3A_554 = vector.broadcast %mul3A_553 : f32 to vector<16xf32>
        %mul3A_555 = arith.mulf %get3A_473, %mul3A_554 : vector<16xf32>
        %add3A_556 = arith.addf %mul3A_555, %get3A_517 : vector<16xf32>
        %mul3A_557 = arith.mulf %add3A_556, %select_n3A_459 : vector<16xf32>
        %swap3A_558 = arith.constant 1 : i32
        %swap3A_559 = arith.index_cast %swap3A_558 : i32 to index
        %swap3A_560 = arith.index_cast %scan3A_417 : i32 to index
        %swap3A_561 = arith.constant 16 : index
        %swap3A_562 = tpu.vector_load %arg7[%swap3A_559, %swap3A_560, %swap3A_561] {strides = array<i32>} : memref<4x112x128xf32, #tpu.memory_space<vmem>>, vector<1x1x16xf32>,
        %swap3A_563 = vector.shape_cast %swap3A_562 : vector<1x1x16xf32> to vector<16xf32>
        %swap3A_564 = vector.shape_cast %mul3A_557 : vector<16xf32> to vector<1x1x16xf32>
        tpu.vector_store %arg7[%swap3A_559, %swap3A_560, %swap3A_561], %swap3A_564 {strides = array<i32>} : memref<4x112x128xf32, #tpu.memory_space<vmem>>, vector<1x1x16xf32>,
        %mul3A_565 = arith.constant 11.3137083 : f32
        %mul3A_566 = vector.broadcast %mul3A_565 : f32 to vector<16xf32>
        %mul3A_567 = arith.mulf %get3A_479, %mul3A_566 : vector<16xf32>
        %add3A_568 = arith.addf %mul3A_567, %get3A_521 : vector<16xf32>
        %mul3A_569 = arith.mulf %add3A_568, %select_n3A_459 : vector<16xf32>
        %swap3A_570 = arith.constant 1 : i32
        %swap3A_571 = arith.index_cast %swap3A_570 : i32 to index
        %swap3A_572 = arith.index_cast %scan3A_417 : i32 to index
        %swap3A_573 = arith.constant 32 : index
        %swap3A_574 = tpu.vector_load %arg7[%swap3A_571, %swap3A_572, %swap3A_573] {strides = array<i32>} : memref<4x112x128xf32, #tpu.memory_space<vmem>>, vector<1x1x16xf32>,
        %swap3A_575 = vector.shape_cast %swap3A_574 : vector<1x1x16xf32> to vector<16xf32>
        %swap3A_576 = vector.shape_cast %mul3A_569 : vector<16xf32> to vector<1x1x16xf32>
        tpu.vector_store %arg7[%swap3A_571, %swap3A_572, %swap3A_573], %swap3A_576 {strides = array<i32>} : memref<4x112x128xf32, #tpu.memory_space<vmem>>, vector<1x1x16xf32>,
        %mul3A_577 = arith.constant 11.3137083 : f32
        %mul3A_578 = vector.broadcast %mul3A_577 : f32 to vector<16xf32>
        %mul3A_579 = arith.mulf %get3A_485, %mul3A_578 : vector<16xf32>
        %add3A_580 = arith.addf %mul3A_579, %get3A_525 : vector<16xf32>
        %mul3A_581 = arith.mulf %add3A_580, %select_n3A_459 : vector<16xf32>
        %swap3A_582 = arith.constant 1 : i32
        %swap3A_583 = arith.index_cast %swap3A_582 : i32 to index
        %swap3A_584 = arith.index_cast %scan3A_417 : i32 to index
        %swap3A_585 = arith.constant 48 : index
        %swap3A_586 = tpu.vector_load %arg7[%swap3A_583, %swap3A_584, %swap3A_585] {strides = array<i32>} : memref<4x112x128xf32, #tpu.memory_space<vmem>>, vector<1x1x16xf32>,
        %swap3A_587 = vector.shape_cast %swap3A_586 : vector<1x1x16xf32> to vector<16xf32>
        %swap3A_588 = vector.shape_cast %mul3A_581 : vector<16xf32> to vector<1x1x16xf32>
        tpu.vector_store %arg7[%swap3A_583, %swap3A_584, %swap3A_585], %swap3A_588 {strides = array<i32>} : memref<4x112x128xf32, #tpu.memory_space<vmem>>, vector<1x1x16xf32>,
        %mul3A_589 = arith.constant 11.3137083 : f32
        %mul3A_590 = vector.broadcast %mul3A_589 : f32 to vector<16xf32>
        %mul3A_591 = arith.mulf %get3A_491, %mul3A_590 : vector<16xf32>
        %add3A_592 = arith.addf %mul3A_591, %get3A_529 : vector<16xf32>
        %mul3A_593 = arith.mulf %add3A_592, %select_n3A_459 : vector<16xf32>
        %swap3A_594 = arith.constant 1 : i32
        %swap3A_595 = arith.index_cast %swap3A_594 : i32 to index
        %swap3A_596 = arith.index_cast %scan3A_417 : i32 to index
        %swap3A_597 = arith.constant 64 : index
        %swap3A_598 = tpu.vector_load %arg7[%swap3A_595, %swap3A_596, %swap3A_597] {strides = array<i32>} : memref<4x112x128xf32, #tpu.memory_space<vmem>>, vector<1x1x16xf32>,
        %swap3A_599 = vector.shape_cast %swap3A_598 : vector<1x1x16xf32> to vector<16xf32>
        %swap3A_600 = vector.shape_cast %mul3A_593 : vector<16xf32> to vector<1x1x16xf32>
        tpu.vector_store %arg7[%swap3A_595, %swap3A_596, %swap3A_597], %swap3A_600 {strides = array<i32>} : memref<4x112x128xf32, #tpu.memory_space<vmem>>, vector<1x1x16xf32>,
        %mul3A_601 = arith.constant 11.3137083 : f32
        %mul3A_602 = vector.broadcast %mul3A_601 : f32 to vector<16xf32>
        %mul3A_603 = arith.mulf %get3A_497, %mul3A_602 : vector<16xf32>
        %add3A_604 = arith.addf %mul3A_603, %get3A_533 : vector<16xf32>
        %mul3A_605 = arith.mulf %add3A_604, %select_n3A_459 : vector<16xf32>
        %swap3A_606 = arith.constant 1 : i32
        %swap3A_607 = arith.index_cast %swap3A_606 : i32 to index
        %swap3A_608 = arith.index_cast %scan3A_417 : i32 to index
        %swap3A_609 = arith.constant 80 : index
        %swap3A_610 = tpu.vector_load %arg7[%swap3A_607, %swap3A_608, %swap3A_609] {strides = array<i32>} : memref<4x112x128xf32, #tpu.memory_space<vmem>>, vector<1x1x16xf32>,
        %swap3A_611 = vector.shape_cast %swap3A_610 : vector<1x1x16xf32> to vector<16xf32>
        %swap3A_612 = vector.shape_cast %mul3A_605 : vector<16xf32> to vector<1x1x16xf32>
        tpu.vector_store %arg7[%swap3A_607, %swap3A_608, %swap3A_609], %swap3A_612 {strides = array<i32>} : memref<4x112x128xf32, #tpu.memory_space<vmem>>, vector<1x1x16xf32>,
        %mul3A_613 = arith.constant 11.3137083 : f32
        %mul3A_614 = vector.broadcast %mul3A_613 : f32 to vector<16xf32>
        %mul3A_615 = arith.mulf %get3A_503, %mul3A_614 : vector<16xf32>
        %add3A_616 = arith.addf %mul3A_615, %get3A_537 : vector<16xf32>
        %mul3A_617 = arith.mulf %add3A_616, %select_n3A_459 : vector<16xf32>
        %swap3A_618 = arith.constant 1 : i32
        %swap3A_619 = arith.index_cast %swap3A_618 : i32 to index
        %swap3A_620 = arith.index_cast %scan3A_417 : i32 to index
        %swap3A_621 = arith.constant 96 : index
        %swap3A_622 = tpu.vector_load %arg7[%swap3A_619, %swap3A_620, %swap3A_621] {strides = array<i32>} : memref<4x112x128xf32, #tpu.memory_space<vmem>>, vector<1x1x16xf32>,
        %swap3A_623 = vector.shape_cast %swap3A_622 : vector<1x1x16xf32> to vector<16xf32>
        %swap3A_624 = vector.shape_cast %mul3A_617 : vector<16xf32> to vector<1x1x16xf32>
        tpu.vector_store %arg7[%swap3A_619, %swap3A_620, %swap3A_621], %swap3A_624 {strides = array<i32>} : memref<4x112x128xf32, #tpu.memory_space<vmem>>, vector<1x1x16xf32>,
        %mul3A_625 = arith.constant 11.3137083 : f32
        %mul3A_626 = vector.broadcast %mul3A_625 : f32 to vector<16xf32>
        %mul3A_627 = arith.mulf %get3A_509, %mul3A_626 : vector<16xf32>
        %add3A_628 = arith.addf %mul3A_627, %get3A_541 : vector<16xf32>
        %mul3A_629 = arith.mulf %add3A_628, %select_n3A_459 : vector<16xf32>
        %swap3A_630 = arith.constant 1 : i32
        %swap3A_631 = arith.index_cast %swap3A_630 : i32 to index
        %swap3A_632 = arith.index_cast %scan3A_417 : i32 to index
        %swap3A_633 = arith.constant 112 : index
        %swap3A_634 = tpu.vector_load %arg7[%swap3A_631, %swap3A_632, %swap3A_633] {strides = array<i32>} : memref<4x112x128xf32, #tpu.memory_space<vmem>>, vector<1x1x16xf32>,
        %swap3A_635 = vector.shape_cast %swap3A_634 : vector<1x1x16xf32> to vector<16xf32>
        %swap3A_636 = vector.shape_cast %mul3A_629 : vector<16xf32> to vector<1x1x16xf32>
        tpu.vector_store %arg7[%swap3A_631, %swap3A_632, %swap3A_633], %swap3A_636 {strides = array<i32>} : memref<4x112x128xf32, #tpu.memory_space<vmem>>, vector<1x1x16xf32>,
        %scan3A_637 = arith.constant 1 : i32
        %scan3A_638 = arith.addi %scan3A_417, %scan3A_637 : i32
        %jit3A_639 = arith.constant 16 : i32
        %div3A_640 = arith.divsi %scan3A_638, %jit3A_639 : i32
        %sign3A_641 = arith.constant 0 : i32
        %sign3A_642 = arith.cmpi sgt, %scan3A_638, %sign3A_641 : i32
        %sign3A_643 = arith.extui %sign3A_642 : i1 to i32
        %sign3A_644 = arith.constant 0 : i32
        %sign3A_645 = arith.cmpi slt, %scan3A_638, %sign3A_644 : i32
        %sign3A_646 = arith.extui %sign3A_645 : i1 to i32
        %sign3A_647 = arith.subi %sign3A_643, %sign3A_646 : i32
        %sign3A_648 = arith.constant 0 : i32
        %sign3A_649 = arith.cmpi sgt, %jit3A_639, %sign3A_648 : i32
        %sign3A_650 = arith.extui %sign3A_649 : i1 to i32
        %sign3A_651 = arith.constant 0 : i32
        %sign3A_652 = arith.cmpi slt, %jit3A_639, %sign3A_651 : i32
        %sign3A_653 = arith.extui %sign3A_652 : i1 to i32
        %sign3A_654 = arith.subi %sign3A_650, %sign3A_653 : i32
        %ne3A_655 = arith.cmpi ne, %sign3A_647, %sign3A_654 : i32
        %rem3A_656 = arith.remsi %scan3A_638, %jit3A_639 : i32
        %ne3A_657 = arith.constant 0 : i32
        %ne3A_658 = arith.cmpi ne, %rem3A_656, %ne3A_657 : i32
        %and3A_659 = arith.andi %ne3A_655, %ne3A_658 : i1
        %sub3A_660 = arith.constant 1 : i32
        %sub3A_661 = arith.subi %div3A_640, %sub3A_660 : i32
        %select_n3A_662 = arith.select %and3A_659, %sub3A_661, %div3A_640 : i32
        %mul3A_663 = arith.constant 16 : i32
        %mul3A_664 = arith.muli %select_n3A_662, %mul3A_663 : i32
        %sub3A_665 = arith.subi %scan3A_638, %mul3A_664 : i32
        %mul3A_666 = arith.constant 16 : i32
        %mul3A_667 = arith.muli %select_n3A_662, %mul3A_666 : i32
        %get3A_668 = arith.constant 1 : i32
        %get3A_669 = arith.index_cast %add3A_230 : i32 to index
        %get3A_670 = arith.index_cast %get3A_668 : i32 to index
        %get3A_671 = arith.index_cast %mul3A_667 : i32 to index
        %get3A_672 = tpu.vector_load %arg6[%get3A_669, %get3A_670, %get3A_671] {strides = array<i32>} : memref<128x2x128xi32, #tpu.memory_space<vmem>>, vector<1x1x16xi32>,
        %get3A_673 = vector.shape_cast %get3A_672 : vector<1x1x16xi32> to vector<16xi32>
        %broadcast_in_dim3A_674 = vector.broadcast %sub3A_665 : i32 to vector<16xi32>
        %lt3A_675 = arith.constant 0 : i32
        %lt3A_676 = vector.broadcast %lt3A_675 : i32 to vector<16xi32>
        %lt3A_677 = arith.cmpi slt, %broadcast_in_dim3A_674, %lt3A_676 : vector<16xi32>
        %add3A_678 = arith.constant 16 : i32
        %add3A_679 = vector.broadcast %add3A_678 : i32 to vector<16xi32>
        %add3A_680 = arith.addi %broadcast_in_dim3A_674, %add3A_679 : vector<16xi32>
        %select_n3A_681 = arith.select %lt3A_677, %add3A_680, %broadcast_in_dim3A_674 : vector<16xi1>, vector<16xi32>
        %reshape3A_682 = vector.shape_cast %select_n3A_681 : vector<16xi32> to vector<16x1xi32>
        %gather3A_683 = vector.shape_cast %reshape3A_682 : vector<16x1xi32> to vector<16xi32>
        %gather3A_684 = tpu.dynamic_gather %get3A_673[%gather3A_683] in [0] : vector<16xi32>, vector<16xi32> -> vector<16xi32>
        %ne3A_685 = arith.constant 0 : i32
        %ne3A_686 = vector.broadcast %ne3A_685 : i32 to vector<16xi32>
        %ne3A_687 = arith.cmpi ne, %gather3A_684, %ne3A_686 : vector<16xi32>
        %jit3A_688 = arith.constant 1.000000e+00 : f32
        %jit3A_689 = arith.constant 0.000000e+00 : f32
        %broadcast_in_dim3A_690 = vector.broadcast %jit3A_688 : f32 to vector<16xf32>
        %broadcast_in_dim3A_691 = vector.broadcast %jit3A_689 : f32 to vector<16xf32>
        %select_n3A_692 = arith.select %ne3A_687, %broadcast_in_dim3A_690, %broadcast_in_dim3A_691 : vector<16xi1>, vector<16xf32>
        %add3A_693 = arith.constant 96 : i32
        %add3A_694 = arith.addi %add3A_693, %scan3A_638 : i32
        %get3A_695 = arith.constant 1 : i32
        %get3A_696 = arith.index_cast %get3A_695 : i32 to index
        %get3A_697 = arith.index_cast %scan3A_638 : i32 to index
        %get3A_698 = arith.constant 0 : index
        %get3A_699 = tpu.vector_load %arg7[%get3A_696, %get3A_697, %get3A_698] {strides = array<i32>} : memref<4x112x128xf32, #tpu.memory_space<vmem>>, vector<1x1x16xf32>,
        %get3A_700 = vector.shape_cast %get3A_699 : vector<1x1x16xf32> to vector<16xf32>
        %get3A_701 = arith.constant 1 : i32
        %get3A_702 = arith.index_cast %get3A_701 : i32 to index
        %get3A_703 = arith.index_cast %scan3A_638 : i32 to index
        %get3A_704 = arith.constant 16 : index
        %get3A_705 = tpu.vector_load %arg7[%get3A_702, %get3A_703, %get3A_704] {strides = array<i32>} : memref<4x112x128xf32, #tpu.memory_space<vmem>>, vector<1x1x16xf32>,
        %get3A_706 = vector.shape_cast %get3A_705 : vector<1x1x16xf32> to vector<16xf32>
        %get3A_707 = arith.constant 1 : i32
        %get3A_708 = arith.index_cast %get3A_707 : i32 to index
        %get3A_709 = arith.index_cast %scan3A_638 : i32 to index
        %get3A_710 = arith.constant 32 : index
        %get3A_711 = tpu.vector_load %arg7[%get3A_708, %get3A_709, %get3A_710] {strides = array<i32>} : memref<4x112x128xf32, #tpu.memory_space<vmem>>, vector<1x1x16xf32>,
        %get3A_712 = vector.shape_cast %get3A_711 : vector<1x1x16xf32> to vector<16xf32>
        %get3A_713 = arith.constant 1 : i32
        %get3A_714 = arith.index_cast %get3A_713 : i32 to index
        %get3A_715 = arith.index_cast %scan3A_638 : i32 to index
        %get3A_716 = arith.constant 48 : index
        %get3A_717 = tpu.vector_load %arg7[%get3A_714, %get3A_715, %get3A_716] {strides = array<i32>} : memref<4x112x128xf32, #tpu.memory_space<vmem>>, vector<1x1x16xf32>,
        %get3A_718 = vector.shape_cast %get3A_717 : vector<1x1x16xf32> to vector<16xf32>
        %get3A_719 = arith.constant 1 : i32
        %get3A_720 = arith.index_cast %get3A_719 : i32 to index
        %get3A_721 = arith.index_cast %scan3A_638 : i32 to index
        %get3A_722 = arith.constant 64 : index
        %get3A_723 = tpu.vector_load %arg7[%get3A_720, %get3A_721, %get3A_722] {strides = array<i32>} : memref<4x112x128xf32, #tpu.memory_space<vmem>>, vector<1x1x16xf32>,
        %get3A_724 = vector.shape_cast %get3A_723 : vector<1x1x16xf32> to vector<16xf32>
        %get3A_725 = arith.constant 1 : i32
        %get3A_726 = arith.index_cast %get3A_725 : i32 to index
        %get3A_727 = arith.index_cast %scan3A_638 : i32 to index
        %get3A_728 = arith.constant 80 : index
        %get3A_729 = tpu.vector_load %arg7[%get3A_726, %get3A_727, %get3A_728] {strides = array<i32>} : memref<4x112x128xf32, #tpu.memory_space<vmem>>, vector<1x1x16xf32>,
        %get3A_730 = vector.shape_cast %get3A_729 : vector<1x1x16xf32> to vector<16xf32>
        %get3A_731 = arith.constant 1 : i32
        %get3A_732 = arith.index_cast %get3A_731 : i32 to index
        %get3A_733 = arith.index_cast %scan3A_638 : i32 to index
        %get3A_734 = arith.constant 96 : index
        %get3A_735 = tpu.vector_load %arg7[%get3A_732, %get3A_733, %get3A_734] {strides = array<i32>} : memref<4x112x128xf32, #tpu.memory_space<vmem>>, vector<1x1x16xf32>,
        %get3A_736 = vector.shape_cast %get3A_735 : vector<1x1x16xf32> to vector<16xf32>
        %get3A_737 = arith.constant 1 : i32
        %get3A_738 = arith.index_cast %get3A_737 : i32 to index
        %get3A_739 = arith.index_cast %scan3A_638 : i32 to index
        %get3A_740 = arith.constant 112 : index
        %get3A_741 = tpu.vector_load %arg7[%get3A_738, %get3A_739, %get3A_740] {strides = array<i32>} : memref<4x112x128xf32, #tpu.memory_space<vmem>>, vector<1x1x16xf32>,
        %get3A_742 = vector.shape_cast %get3A_741 : vector<1x1x16xf32> to vector<16xf32>
        %get3A_743 = arith.index_cast %add3A_694 : i32 to index
        %get3A_744 = arith.constant 0 : index
        %get3A_745 = tpu.vector_load %arg8[%get3A_743, %get3A_744] {strides = array<i32>} : memref<224x128xf32, #tpu.memory_space<vmem>>, vector<1x16xf32>,
        %get3A_746 = vector.shape_cast %get3A_745 : vector<1x16xf32> to vector<16xf32>
        %get3A_747 = arith.index_cast %add3A_694 : i32 to index
        %get3A_748 = arith.constant 16 : index
        %get3A_749 = tpu.vector_load %arg8[%get3A_747, %get3A_748] {strides = array<i32>} : memref<224x128xf32, #tpu.memory_space<vmem>>, vector<1x16xf32>,
        %get3A_750 = vector.shape_cast %get3A_749 : vector<1x16xf32> to vector<16xf32>
        %get3A_751 = arith.index_cast %add3A_694 : i32 to index
        %get3A_752 = arith.constant 32 : index
        %get3A_753 = tpu.vector_load %arg8[%get3A_751, %get3A_752] {strides = array<i32>} : memref<224x128xf32, #tpu.memory_space<vmem>>, vector<1x16xf32>,
        %get3A_754 = vector.shape_cast %get3A_753 : vector<1x16xf32> to vector<16xf32>
        %get3A_755 = arith.index_cast %add3A_694 : i32 to index
        %get3A_756 = arith.constant 48 : index
        %get3A_757 = tpu.vector_load %arg8[%get3A_755, %get3A_756] {strides = array<i32>} : memref<224x128xf32, #tpu.memory_space<vmem>>, vector<1x16xf32>,
        %get3A_758 = vector.shape_cast %get3A_757 : vector<1x16xf32> to vector<16xf32>
        %get3A_759 = arith.index_cast %add3A_694 : i32 to index
        %get3A_760 = arith.constant 64 : index
        %get3A_761 = tpu.vector_load %arg8[%get3A_759, %get3A_760] {strides = array<i32>} : memref<224x128xf32, #tpu.memory_space<vmem>>, vector<1x16xf32>,
        %get3A_762 = vector.shape_cast %get3A_761 : vector<1x16xf32> to vector<16xf32>
        %get3A_763 = arith.index_cast %add3A_694 : i32 to index
        %get3A_764 = arith.constant 80 : index
        %get3A_765 = tpu.vector_load %arg8[%get3A_763, %get3A_764] {strides = array<i32>} : memref<224x128xf32, #tpu.memory_space<vmem>>, vector<1x16xf32>,
        %get3A_766 = vector.shape_cast %get3A_765 : vector<1x16xf32> to vector<16xf32>
        %get3A_767 = arith.index_cast %add3A_694 : i32 to index
        %get3A_768 = arith.constant 96 : index
        %get3A_769 = tpu.vector_load %arg8[%get3A_767, %get3A_768] {strides = array<i32>} : memref<224x128xf32, #tpu.memory_space<vmem>>, vector<1x16xf32>,
        %get3A_770 = vector.shape_cast %get3A_769 : vector<1x16xf32> to vector<16xf32>
        %get3A_771 = arith.index_cast %add3A_694 : i32 to index
        %get3A_772 = arith.constant 112 : index
        %get3A_773 = tpu.vector_load %arg8[%get3A_771, %get3A_772] {strides = array<i32>} : memref<224x128xf32, #tpu.memory_space<vmem>>, vector<1x16xf32>,
        %get3A_774 = vector.shape_cast %get3A_773 : vector<1x16xf32> to vector<16xf32>
        %mul3A_775 = arith.constant 11.3137083 : f32
        %mul3A_776 = vector.broadcast %mul3A_775 : f32 to vector<16xf32>
        %mul3A_777 = arith.mulf %get3A_700, %mul3A_776 : vector<16xf32>
        %add3A_778 = arith.addf %mul3A_777, %get3A_746 : vector<16xf32>
        %mul3A_779 = arith.mulf %add3A_778, %select_n3A_692 : vector<16xf32>
        %swap3A_780 = arith.constant 1 : i32
        %swap3A_781 = arith.index_cast %swap3A_780 : i32 to index
        %swap3A_782 = arith.index_cast %scan3A_638 : i32 to index
        %swap3A_783 = arith.constant 0 : index
        %swap3A_784 = tpu.vector_load %arg7[%swap3A_781, %swap3A_782, %swap3A_783] {strides = array<i32>} : memref<4x112x128xf32, #tpu.memory_space<vmem>>, vector<1x1x16xf32>,
        %swap3A_785 = vector.shape_cast %swap3A_784 : vector<1x1x16xf32> to vector<16xf32>
        %swap3A_786 = vector.shape_cast %mul3A_779 : vector<16xf32> to vector<1x1x16xf32>
        tpu.vector_store %arg7[%swap3A_781, %swap3A_782, %swap3A_783], %swap3A_786 {strides = array<i32>} : memref<4x112x128xf32, #tpu.memory_space<vmem>>, vector<1x1x16xf32>,
        %mul3A_787 = arith.constant 11.3137083 : f32
        %mul3A_788 = vector.broadcast %mul3A_787 : f32 to vector<16xf32>
        %mul3A_789 = arith.mulf %get3A_706, %mul3A_788 : vector<16xf32>
        %add3A_790 = arith.addf %mul3A_789, %get3A_750 : vector<16xf32>
        %mul3A_791 = arith.mulf %add3A_790, %select_n3A_692 : vector<16xf32>
        %swap3A_792 = arith.constant 1 : i32
        %swap3A_793 = arith.index_cast %swap3A_792 : i32 to index
        %swap3A_794 = arith.index_cast %scan3A_638 : i32 to index
        %swap3A_795 = arith.constant 16 : index
        %swap3A_796 = tpu.vector_load %arg7[%swap3A_793, %swap3A_794, %swap3A_795] {strides = array<i32>} : memref<4x112x128xf32, #tpu.memory_space<vmem>>, vector<1x1x16xf32>,
        %swap3A_797 = vector.shape_cast %swap3A_796 : vector<1x1x16xf32> to vector<16xf32>
        %swap3A_798 = vector.shape_cast %mul3A_791 : vector<16xf32> to vector<1x1x16xf32>
        tpu.vector_store %arg7[%swap3A_793, %swap3A_794, %swap3A_795], %swap3A_798 {strides = array<i32>} : memref<4x112x128xf32, #tpu.memory_space<vmem>>, vector<1x1x16xf32>,
        %mul3A_799 = arith.constant 11.3137083 : f32
        %mul3A_800 = vector.broadcast %mul3A_799 : f32 to vector<16xf32>
        %mul3A_801 = arith.mulf %get3A_712, %mul3A_800 : vector<16xf32>
        %add3A_802 = arith.addf %mul3A_801, %get3A_754 : vector<16xf32>
        %mul3A_803 = arith.mulf %add3A_802, %select_n3A_692 : vector<16xf32>
        %swap3A_804 = arith.constant 1 : i32
        %swap3A_805 = arith.index_cast %swap3A_804 : i32 to index
        %swap3A_806 = arith.index_cast %scan3A_638 : i32 to index
        %swap3A_807 = arith.constant 32 : index
        %swap3A_808 = tpu.vector_load %arg7[%swap3A_805, %swap3A_806, %swap3A_807] {strides = array<i32>} : memref<4x112x128xf32, #tpu.memory_space<vmem>>, vector<1x1x16xf32>,
        %swap3A_809 = vector.shape_cast %swap3A_808 : vector<1x1x16xf32> to vector<16xf32>
        %swap3A_810 = vector.shape_cast %mul3A_803 : vector<16xf32> to vector<1x1x16xf32>
        tpu.vector_store %arg7[%swap3A_805, %swap3A_806, %swap3A_807], %swap3A_810 {strides = array<i32>} : memref<4x112x128xf32, #tpu.memory_space<vmem>>, vector<1x1x16xf32>,
        %mul3A_811 = arith.constant 11.3137083 : f32
        %mul3A_812 = vector.broadcast %mul3A_811 : f32 to vector<16xf32>
        %mul3A_813 = arith.mulf %get3A_718, %mul3A_812 : vector<16xf32>
        %add3A_814 = arith.addf %mul3A_813, %get3A_758 : vector<16xf32>
        %mul3A_815 = arith.mulf %add3A_814, %select_n3A_692 : vector<16xf32>
        %swap3A_816 = arith.constant 1 : i32
        %swap3A_817 = arith.index_cast %swap3A_816 : i32 to index
        %swap3A_818 = arith.index_cast %scan3A_638 : i32 to index
        %swap3A_819 = arith.constant 48 : index
        %swap3A_820 = tpu.vector_load %arg7[%swap3A_817, %swap3A_818, %swap3A_819] {strides = array<i32>} : memref<4x112x128xf32, #tpu.memory_space<vmem>>, vector<1x1x16xf32>,
        %swap3A_821 = vector.shape_cast %swap3A_820 : vector<1x1x16xf32> to vector<16xf32>
        %swap3A_822 = vector.shape_cast %mul3A_815 : vector<16xf32> to vector<1x1x16xf32>
        tpu.vector_store %arg7[%swap3A_817, %swap3A_818, %swap3A_819], %swap3A_822 {strides = array<i32>} : memref<4x112x128xf32, #tpu.memory_space<vmem>>, vector<1x1x16xf32>,
        %mul3A_823 = arith.constant 11.3137083 : f32
        %mul3A_824 = vector.broadcast %mul3A_823 : f32 to vector<16xf32>
        %mul3A_825 = arith.mulf %get3A_724, %mul3A_824 : vector<16xf32>
        %add3A_826 = arith.addf %mul3A_825, %get3A_762 : vector<16xf32>
        %mul3A_827 = arith.mulf %add3A_826, %select_n3A_692 : vector<16xf32>
        %swap3A_828 = arith.constant 1 : i32
        %swap3A_829 = arith.index_cast %swap3A_828 : i32 to index
        %swap3A_830 = arith.index_cast %scan3A_638 : i32 to index
        %swap3A_831 = arith.constant 64 : index
        %swap3A_832 = tpu.vector_load %arg7[%swap3A_829, %swap3A_830, %swap3A_831] {strides = array<i32>} : memref<4x112x128xf32, #tpu.memory_space<vmem>>, vector<1x1x16xf32>,
        %swap3A_833 = vector.shape_cast %swap3A_832 : vector<1x1x16xf32> to vector<16xf32>
        %swap3A_834 = vector.shape_cast %mul3A_827 : vector<16xf32> to vector<1x1x16xf32>
        tpu.vector_store %arg7[%swap3A_829, %swap3A_830, %swap3A_831], %swap3A_834 {strides = array<i32>} : memref<4x112x128xf32, #tpu.memory_space<vmem>>, vector<1x1x16xf32>,
        %mul3A_835 = arith.constant 11.3137083 : f32
        %mul3A_836 = vector.broadcast %mul3A_835 : f32 to vector<16xf32>
        %mul3A_837 = arith.mulf %get3A_730, %mul3A_836 : vector<16xf32>
        %add3A_838 = arith.addf %mul3A_837, %get3A_766 : vector<16xf32>
        %mul3A_839 = arith.mulf %add3A_838, %select_n3A_692 : vector<16xf32>
        %swap3A_840 = arith.constant 1 : i32
        %swap3A_841 = arith.index_cast %swap3A_840 : i32 to index
        %swap3A_842 = arith.index_cast %scan3A_638 : i32 to index
        %swap3A_843 = arith.constant 80 : index
        %swap3A_844 = tpu.vector_load %arg7[%swap3A_841, %swap3A_842, %swap3A_843] {strides = array<i32>} : memref<4x112x128xf32, #tpu.memory_space<vmem>>, vector<1x1x16xf32>,
        %swap3A_845 = vector.shape_cast %swap3A_844 : vector<1x1x16xf32> to vector<16xf32>
        %swap3A_846 = vector.shape_cast %mul3A_839 : vector<16xf32> to vector<1x1x16xf32>
        tpu.vector_store %arg7[%swap3A_841, %swap3A_842, %swap3A_843], %swap3A_846 {strides = array<i32>} : memref<4x112x128xf32, #tpu.memory_space<vmem>>, vector<1x1x16xf32>,
        %mul3A_847 = arith.constant 11.3137083 : f32
        %mul3A_848 = vector.broadcast %mul3A_847 : f32 to vector<16xf32>
        %mul3A_849 = arith.mulf %get3A_736, %mul3A_848 : vector<16xf32>
        %add3A_850 = arith.addf %mul3A_849, %get3A_770 : vector<16xf32>
        %mul3A_851 = arith.mulf %add3A_850, %select_n3A_692 : vector<16xf32>
        %swap3A_852 = arith.constant 1 : i32
        %swap3A_853 = arith.index_cast %swap3A_852 : i32 to index
        %swap3A_854 = arith.index_cast %scan3A_638 : i32 to index
        %swap3A_855 = arith.constant 96 : index
        %swap3A_856 = tpu.vector_load %arg7[%swap3A_853, %swap3A_854, %swap3A_855] {strides = array<i32>} : memref<4x112x128xf32, #tpu.memory_space<vmem>>, vector<1x1x16xf32>,
        %swap3A_857 = vector.shape_cast %swap3A_856 : vector<1x1x16xf32> to vector<16xf32>
        %swap3A_858 = vector.shape_cast %mul3A_851 : vector<16xf32> to vector<1x1x16xf32>
        tpu.vector_store %arg7[%swap3A_853, %swap3A_854, %swap3A_855], %swap3A_858 {strides = array<i32>} : memref<4x112x128xf32, #tpu.memory_space<vmem>>, vector<1x1x16xf32>,
        %mul3A_859 = arith.constant 11.3137083 : f32
        %mul3A_860 = vector.broadcast %mul3A_859 : f32 to vector<16xf32>
        %mul3A_861 = arith.mulf %get3A_742, %mul3A_860 : vector<16xf32>
        %add3A_862 = arith.addf %mul3A_861, %get3A_774 : vector<16xf32>
        %mul3A_863 = arith.mulf %add3A_862, %select_n3A_692 : vector<16xf32>
        %swap3A_864 = arith.constant 1 : i32
        %swap3A_865 = arith.index_cast %swap3A_864 : i32 to index
        %swap3A_866 = arith.index_cast %scan3A_638 : i32 to index
        %swap3A_867 = arith.constant 112 : index
        %swap3A_868 = tpu.vector_load %arg7[%swap3A_865, %swap3A_866, %swap3A_867] {strides = array<i32>} : memref<4x112x128xf32, #tpu.memory_space<vmem>>, vector<1x1x16xf32>,
        %swap3A_869 = vector.shape_cast %swap3A_868 : vector<1x1x16xf32> to vector<16xf32>
        %swap3A_870 = vector.shape_cast %mul3A_863 : vector<16xf32> to vector<1x1x16xf32>
        tpu.vector_store %arg7[%swap3A_865, %swap3A_866, %swap3A_867], %swap3A_870 {strides = array<i32>} : memref<4x112x128xf32, #tpu.memory_space<vmem>>, vector<1x1x16xf32>,
        %scan3A_871 = arith.constant 2 : i32
        %scan3A_872 = arith.addi %scan3A_417, %scan3A_871 : i32
        %jit3A_873 = arith.constant 16 : i32
        %div3A_874 = arith.divsi %scan3A_872, %jit3A_873 : i32
        %sign3A_875 = arith.constant 0 : i32
        %sign3A_876 = arith.cmpi sgt, %scan3A_872, %sign3A_875 : i32
        %sign3A_877 = arith.extui %sign3A_876 : i1 to i32
        %sign3A_878 = arith.constant 0 : i32
        %sign3A_879 = arith.cmpi slt, %scan3A_872, %sign3A_878 : i32
        %sign3A_880 = arith.extui %sign3A_879 : i1 to i32
        %sign3A_881 = arith.subi %sign3A_877, %sign3A_880 : i32
        %sign3A_882 = arith.constant 0 : i32
        %sign3A_883 = arith.cmpi sgt, %jit3A_873, %sign3A_882 : i32
        %sign3A_884 = arith.extui %sign3A_883 : i1 to i32
        %sign3A_885 = arith.constant 0 : i32
        %sign3A_886 = arith.cmpi slt, %jit3A_873, %sign3A_885 : i32
        %sign3A_887 = arith.extui %sign3A_886 : i1 to i32
        %sign3A_888 = arith.subi %sign3A_884, %sign3A_887 : i32
        %ne3A_889 = arith.cmpi ne, %sign3A_881, %sign3A_888 : i32
        %rem3A_890 = arith.remsi %scan3A_872, %jit3A_873 : i32
        %ne3A_891 = arith.constant 0 : i32
        %ne3A_892 = arith.cmpi ne, %rem3A_890, %ne3A_891 : i32
        %and3A_893 = arith.andi %ne3A_889, %ne3A_892 : i1
        %sub3A_894 = arith.constant 1 : i32
        %sub3A_895 = arith.subi %div3A_874, %sub3A_894 : i32
        %select_n3A_896 = arith.select %and3A_893, %sub3A_895, %div3A_874 : i32
        %mul3A_897 = arith.constant 16 : i32
        %mul3A_898 = arith.muli %select_n3A_896, %mul3A_897 : i32
        %sub3A_899 = arith.subi %scan3A_872, %mul3A_898 : i32
        %mul3A_900 = arith.constant 16 : i32
        %mul3A_901 = arith.muli %select_n3A_896, %mul3A_900 : i32
        %get3A_902 = arith.constant 1 : i32
        %get3A_903 = arith.index_cast %add3A_230 : i32 to index
        %get3A_904 = arith.index_cast %get3A_902 : i32 to index
        %get3A_905 = arith.index_cast %mul3A_901 : i32 to index
        %get3A_906 = tpu.vector_load %arg6[%get3A_903, %get3A_904, %get3A_905] {strides = array<i32>} : memref<128x2x128xi32, #tpu.memory_space<vmem>>, vector<1x1x16xi32>,
        %get3A_907 = vector.shape_cast %get3A_906 : vector<1x1x16xi32> to vector<16xi32>
        %broadcast_in_dim3A_908 = vector.broadcast %sub3A_899 : i32 to vector<16xi32>
        %lt3A_909 = arith.constant 0 : i32
        %lt3A_910 = vector.broadcast %lt3A_909 : i32 to vector<16xi32>
        %lt3A_911 = arith.cmpi slt, %broadcast_in_dim3A_908, %lt3A_910 : vector<16xi32>
        %add3A_912 = arith.constant 16 : i32
        %add3A_913 = vector.broadcast %add3A_912 : i32 to vector<16xi32>
        %add3A_914 = arith.addi %broadcast_in_dim3A_908, %add3A_913 : vector<16xi32>
        %select_n3A_915 = arith.select %lt3A_911, %add3A_914, %broadcast_in_dim3A_908 : vector<16xi1>, vector<16xi32>
        %reshape3A_916 = vector.shape_cast %select_n3A_915 : vector<16xi32> to vector<16x1xi32>
        %gather3A_917 = vector.shape_cast %reshape3A_916 : vector<16x1xi32> to vector<16xi32>
        %gather3A_918 = tpu.dynamic_gather %get3A_907[%gather3A_917] in [0] : vector<16xi32>, vector<16xi32> -> vector<16xi32>
        %ne3A_919 = arith.constant 0 : i32
        %ne3A_920 = vector.broadcast %ne3A_919 : i32 to vector<16xi32>
        %ne3A_921 = arith.cmpi ne, %gather3A_918, %ne3A_920 : vector<16xi32>
        %jit3A_922 = arith.constant 1.000000e+00 : f32
        %jit3A_923 = arith.constant 0.000000e+00 : f32
        %broadcast_in_dim3A_924 = vector.broadcast %jit3A_922 : f32 to vector<16xf32>
        %broadcast_in_dim3A_925 = vector.broadcast %jit3A_923 : f32 to vector<16xf32>
        %select_n3A_926 = arith.select %ne3A_921, %broadcast_in_dim3A_924, %broadcast_in_dim3A_925 : vector<16xi1>, vector<16xf32>
        %add3A_927 = arith.constant 96 : i32
        %add3A_928 = arith.addi %add3A_927, %scan3A_872 : i32
        %get3A_929 = arith.constant 1 : i32
        %get3A_930 = arith.index_cast %get3A_929 : i32 to index
        %get3A_931 = arith.index_cast %scan3A_872 : i32 to index
        %get3A_932 = arith.constant 0 : index
        %get3A_933 = tpu.vector_load %arg7[%get3A_930, %get3A_931, %get3A_932] {strides = array<i32>} : memref<4x112x128xf32, #tpu.memory_space<vmem>>, vector<1x1x16xf32>,
        %get3A_934 = vector.shape_cast %get3A_933 : vector<1x1x16xf32> to vector<16xf32>
        %get3A_935 = arith.constant 1 : i32
        %get3A_936 = arith.index_cast %get3A_935 : i32 to index
        %get3A_937 = arith.index_cast %scan3A_872 : i32 to index
        %get3A_938 = arith.constant 16 : index
        %get3A_939 = tpu.vector_load %arg7[%get3A_936, %get3A_937, %get3A_938] {strides = array<i32>} : memref<4x112x128xf32, #tpu.memory_space<vmem>>, vector<1x1x16xf32>,
        %get3A_940 = vector.shape_cast %get3A_939 : vector<1x1x16xf32> to vector<16xf32>
        %get3A_941 = arith.constant 1 : i32
        %get3A_942 = arith.index_cast %get3A_941 : i32 to index
        %get3A_943 = arith.index_cast %scan3A_872 : i32 to index
        %get3A_944 = arith.constant 32 : index
        %get3A_945 = tpu.vector_load %arg7[%get3A_942, %get3A_943, %get3A_944] {strides = array<i32>} : memref<4x112x128xf32, #tpu.memory_space<vmem>>, vector<1x1x16xf32>,
        %get3A_946 = vector.shape_cast %get3A_945 : vector<1x1x16xf32> to vector<16xf32>
        %get3A_947 = arith.constant 1 : i32
        %get3A_948 = arith.index_cast %get3A_947 : i32 to index
        %get3A_949 = arith.index_cast %scan3A_872 : i32 to index
        %get3A_950 = arith.constant 48 : index
        %get3A_951 = tpu.vector_load %arg7[%get3A_948, %get3A_949, %get3A_950] {strides = array<i32>} : memref<4x112x128xf32, #tpu.memory_space<vmem>>, vector<1x1x16xf32>,
        %get3A_952 = vector.shape_cast %get3A_951 : vector<1x1x16xf32> to vector<16xf32>
        %get3A_953 = arith.constant 1 : i32
        %get3A_954 = arith.index_cast %get3A_953 : i32 to index
        %get3A_955 = arith.index_cast %scan3A_872 : i32 to index
        %get3A_956 = arith.constant 64 : index
        %get3A_957 = tpu.vector_load %arg7[%get3A_954, %get3A_955, %get3A_956] {strides = array<i32>} : memref<4x112x128xf32, #tpu.memory_space<vmem>>, vector<1x1x16xf32>,
        %get3A_958 = vector.shape_cast %get3A_957 : vector<1x1x16xf32> to vector<16xf32>
        %get3A_959 = arith.constant 1 : i32
        %get3A_960 = arith.index_cast %get3A_959 : i32 to index
        %get3A_961 = arith.index_cast %scan3A_872 : i32 to index
        %get3A_962 = arith.constant 80 : index
        %get3A_963 = tpu.vector_load %arg7[%get3A_960, %get3A_961, %get3A_962] {strides = array<i32>} : memref<4x112x128xf32, #tpu.memory_space<vmem>>, vector<1x1x16xf32>,
        %get3A_964 = vector.shape_cast %get3A_963 : vector<1x1x16xf32> to vector<16xf32>
        %get3A_965 = arith.constant 1 : i32
        %get3A_966 = arith.index_cast %get3A_965 : i32 to index
        %get3A_967 = arith.index_cast %scan3A_872 : i32 to index
        %get3A_968 = arith.constant 96 : index
        %get3A_969 = tpu.vector_load %arg7[%get3A_966, %get3A_967, %get3A_968] {strides = array<i32>} : memref<4x112x128xf32, #tpu.memory_space<vmem>>, vector<1x1x16xf32>,
        %get3A_970 = vector.shape_cast %get3A_969 : vector<1x1x16xf32> to vector<16xf32>
        %get3A_971 = arith.constant 1 : i32
        %get3A_972 = arith.index_cast %get3A_971 : i32 to index
        %get3A_973 = arith.index_cast %scan3A_872 : i32 to index
        %get3A_974 = arith.constant 112 : index
        %get3A_975 = tpu.vector_load %arg7[%get3A_972, %get3A_973, %get3A_974] {strides = array<i32>} : memref<4x112x128xf32, #tpu.memory_space<vmem>>, vector<1x1x16xf32>,
        %get3A_976 = vector.shape_cast %get3A_975 : vector<1x1x16xf32> to vector<16xf32>
        %get3A_977 = arith.index_cast %add3A_928 : i32 to index
        %get3A_978 = arith.constant 0 : index
        %get3A_979 = tpu.vector_load %arg8[%get3A_977, %get3A_978] {strides = array<i32>} : memref<224x128xf32, #tpu.memory_space<vmem>>, vector<1x16xf32>,
        %get3A_980 = vector.shape_cast %get3A_979 : vector<1x16xf32> to vector<16xf32>
        %get3A_981 = arith.index_cast %add3A_928 : i32 to index
        %get3A_982 = arith.constant 16 : index
        %get3A_983 = tpu.vector_load %arg8[%get3A_981, %get3A_982] {strides = array<i32>} : memref<224x128xf32, #tpu.memory_space<vmem>>, vector<1x16xf32>,
        %get3A_984 = vector.shape_cast %get3A_983 : vector<1x16xf32> to vector<16xf32>
        %get3A_985 = arith.index_cast %add3A_928 : i32 to index
        %get3A_986 = arith.constant 32 : index
        %get3A_987 = tpu.vector_load %arg8[%get3A_985, %get3A_986] {strides = array<i32>} : memref<224x128xf32, #tpu.memory_space<vmem>>, vector<1x16xf32>,
        %get3A_988 = vector.shape_cast %get3A_987 : vector<1x16xf32> to vector<16xf32>
        %get3A_989 = arith.index_cast %add3A_928 : i32 to index
        %get3A_990 = arith.constant 48 : index
        %get3A_991 = tpu.vector_load %arg8[%get3A_989, %get3A_990] {strides = array<i32>} : memref<224x128xf32, #tpu.memory_space<vmem>>, vector<1x16xf32>,
        %get3A_992 = vector.shape_cast %get3A_991 : vector<1x16xf32> to vector<16xf32>
        %get3A_993 = arith.index_cast %add3A_928 : i32 to index
        %get3A_994 = arith.constant 64 : index
        %get3A_995 = tpu.vector_load %arg8[%get3A_993, %get3A_994] {strides = array<i32>} : memref<224x128xf32, #tpu.memory_space<vmem>>, vector<1x16xf32>,
        %get3A_996 = vector.shape_cast %get3A_995 : vector<1x16xf32> to vector<16xf32>
        %get3A_997 = arith.index_cast %add3A_928 : i32 to index
        %get3A_998 = arith.constant 80 : index
        %get3A_999 = tpu.vector_load %arg8[%get3A_997, %get3A_998] {strides = array<i32>} : memref<224x128xf32, #tpu.memory_space<vmem>>, vector<1x16xf32>,
        %get3A_1000 = vector.shape_cast %get3A_999 : vector<1x16xf32> to vector<16xf32>
        %get3A_1001 = arith.index_cast %add3A_928 : i32 to index
        %get3A_1002 = arith.constant 96 : index
        %get3A_1003 = tpu.vector_load %arg8[%get3A_1001, %get3A_1002] {strides = array<i32>} : memref<224x128xf32, #tpu.memory_space<vmem>>, vector<1x16xf32>,
        %get3A_1004 = vector.shape_cast %get3A_1003 : vector<1x16xf32> to vector<16xf32>
        %get3A_1005 = arith.index_cast %add3A_928 : i32 to index
        %get3A_1006 = arith.constant 112 : index
        %get3A_1007 = tpu.vector_load %arg8[%get3A_1005, %get3A_1006] {strides = array<i32>} : memref<224x128xf32, #tpu.memory_space<vmem>>, vector<1x16xf32>,
        %get3A_1008 = vector.shape_cast %get3A_1007 : vector<1x16xf32> to vector<16xf32>
        %mul3A_1009 = arith.constant 11.3137083 : f32
        %mul3A_1010 = vector.broadcast %mul3A_1009 : f32 to vector<16xf32>
        %mul3A_1011 = arith.mulf %get3A_934, %mul3A_1010 : vector<16xf32>
        %add3A_1012 = arith.addf %mul3A_1011, %get3A_980 : vector<16xf32>
        %mul3A_1013 = arith.mulf %add3A_1012, %select_n3A_926 : vector<16xf32>
        %swap3A_1014 = arith.constant 1 : i32
        %swap3A_1015 = arith.index_cast %swap3A_1014 : i32 to index
        %swap3A_1016 = arith.index_cast %scan3A_872 : i32 to index
        %swap3A_1017 = arith.constant 0 : index
        %swap3A_1018 = tpu.vector_load %arg7[%swap3A_1015, %swap3A_1016, %swap3A_1017] {strides = array<i32>} : memref<4x112x128xf32, #tpu.memory_space<vmem>>, vector<1x1x16xf32>,
        %swap3A_1019 = vector.shape_cast %swap3A_1018 : vector<1x1x16xf32> to vector<16xf32>
        %swap3A_1020 = vector.shape_cast %mul3A_1013 : vector<16xf32> to vector<1x1x16xf32>
        tpu.vector_store %arg7[%swap3A_1015, %swap3A_1016, %swap3A_1017], %swap3A_1020 {strides = array<i32>} : memref<4x112x128xf32, #tpu.memory_space<vmem>>, vector<1x1x16xf32>,
        %mul3A_1021 = arith.constant 11.3137083 : f32
        %mul3A_1022 = vector.broadcast %mul3A_1021 : f32 to vector<16xf32>
        %mul3A_1023 = arith.mulf %get3A_940, %mul3A_1022 : vector<16xf32>
        %add3A_1024 = arith.addf %mul3A_1023, %get3A_984 : vector<16xf32>
        %mul3A_1025 = arith.mulf %add3A_1024, %select_n3A_926 : vector<16xf32>
        %swap3A_1026 = arith.constant 1 : i32
        %swap3A_1027 = arith.index_cast %swap3A_1026 : i32 to index
        %swap3A_1028 = arith.index_cast %scan3A_872 : i32 to index
        %swap3A_1029 = arith.constant 16 : index
        %swap3A_1030 = tpu.vector_load %arg7[%swap3A_1027, %swap3A_1028, %swap3A_1029] {strides = array<i32>} : memref<4x112x128xf32, #tpu.memory_space<vmem>>, vector<1x1x16xf32>,
        %swap3A_1031 = vector.shape_cast %swap3A_1030 : vector<1x1x16xf32> to vector<16xf32>
        %swap3A_1032 = vector.shape_cast %mul3A_1025 : vector<16xf32> to vector<1x1x16xf32>
        tpu.vector_store %arg7[%swap3A_1027, %swap3A_1028, %swap3A_1029], %swap3A_1032 {strides = array<i32>} : memref<4x112x128xf32, #tpu.memory_space<vmem>>, vector<1x1x16xf32>,
        %mul3A_1033 = arith.constant 11.3137083 : f32
        %mul3A_1034 = vector.broadcast %mul3A_1033 : f32 to vector<16xf32>
        %mul3A_1035 = arith.mulf %get3A_946, %mul3A_1034 : vector<16xf32>
        %add3A_1036 = arith.addf %mul3A_1035, %get3A_988 : vector<16xf32>
        %mul3A_1037 = arith.mulf %add3A_1036, %select_n3A_926 : vector<16xf32>
        %swap3A_1038 = arith.constant 1 : i32
        %swap3A_1039 = arith.index_cast %swap3A_1038 : i32 to index
        %swap3A_1040 = arith.index_cast %scan3A_872 : i32 to index
        %swap3A_1041 = arith.constant 32 : index
        %swap3A_1042 = tpu.vector_load %arg7[%swap3A_1039, %swap3A_1040, %swap3A_1041] {strides = array<i32>} : memref<4x112x128xf32, #tpu.memory_space<vmem>>, vector<1x1x16xf32>,
        %swap3A_1043 = vector.shape_cast %swap3A_1042 : vector<1x1x16xf32> to vector<16xf32>
        %swap3A_1044 = vector.shape_cast %mul3A_1037 : vector<16xf32> to vector<1x1x16xf32>
        tpu.vector_store %arg7[%swap3A_1039, %swap3A_1040, %swap3A_1041], %swap3A_1044 {strides = array<i32>} : memref<4x112x128xf32, #tpu.memory_space<vmem>>, vector<1x1x16xf32>,
        %mul3A_1045 = arith.constant 11.3137083 : f32
        %mul3A_1046 = vector.broadcast %mul3A_1045 : f32 to vector<16xf32>
        %mul3A_1047 = arith.mulf %get3A_952, %mul3A_1046 : vector<16xf32>
        %add3A_1048 = arith.addf %mul3A_1047, %get3A_992 : vector<16xf32>
        %mul3A_1049 = arith.mulf %add3A_1048, %select_n3A_926 : vector<16xf32>
        %swap3A_1050 = arith.constant 1 : i32
        %swap3A_1051 = arith.index_cast %swap3A_1050 : i32 to index
        %swap3A_1052 = arith.index_cast %scan3A_872 : i32 to index
        %swap3A_1053 = arith.constant 48 : index
        %swap3A_1054 = tpu.vector_load %arg7[%swap3A_1051, %swap3A_1052, %swap3A_1053] {strides = array<i32>} : memref<4x112x128xf32, #tpu.memory_space<vmem>>, vector<1x1x16xf32>,
        %swap3A_1055 = vector.shape_cast %swap3A_1054 : vector<1x1x16xf32> to vector<16xf32>
        %swap3A_1056 = vector.shape_cast %mul3A_1049 : vector<16xf32> to vector<1x1x16xf32>
        tpu.vector_store %arg7[%swap3A_1051, %swap3A_1052, %swap3A_1053], %swap3A_1056 {strides = array<i32>} : memref<4x112x128xf32, #tpu.memory_space<vmem>>, vector<1x1x16xf32>,
        %mul3A_1057 = arith.constant 11.3137083 : f32
        %mul3A_1058 = vector.broadcast %mul3A_1057 : f32 to vector<16xf32>
        %mul3A_1059 = arith.mulf %get3A_958, %mul3A_1058 : vector<16xf32>
        %add3A_1060 = arith.addf %mul3A_1059, %get3A_996 : vector<16xf32>
        %mul3A_1061 = arith.mulf %add3A_1060, %select_n3A_926 : vector<16xf32>
        %swap3A_1062 = arith.constant 1 : i32
        %swap3A_1063 = arith.index_cast %swap3A_1062 : i32 to index
        %swap3A_1064 = arith.index_cast %scan3A_872 : i32 to index
        %swap3A_1065 = arith.constant 64 : index
        %swap3A_1066 = tpu.vector_load %arg7[%swap3A_1063, %swap3A_1064, %swap3A_1065] {strides = array<i32>} : memref<4x112x128xf32, #tpu.memory_space<vmem>>, vector<1x1x16xf32>,
        %swap3A_1067 = vector.shape_cast %swap3A_1066 : vector<1x1x16xf32> to vector<16xf32>
        %swap3A_1068 = vector.shape_cast %mul3A_1061 : vector<16xf32> to vector<1x1x16xf32>
        tpu.vector_store %arg7[%swap3A_1063, %swap3A_1064, %swap3A_1065], %swap3A_1068 {strides = array<i32>} : memref<4x112x128xf32, #tpu.memory_space<vmem>>, vector<1x1x16xf32>,
        %mul3A_1069 = arith.constant 11.3137083 : f32
        %mul3A_1070 = vector.broadcast %mul3A_1069 : f32 to vector<16xf32>
        %mul3A_1071 = arith.mulf %get3A_964, %mul3A_1070 : vector<16xf32>
        %add3A_1072 = arith.addf %mul3A_1071, %get3A_1000 : vector<16xf32>
        %mul3A_1073 = arith.mulf %add3A_1072, %select_n3A_926 : vector<16xf32>
        %swap3A_1074 = arith.constant 1 : i32
        %swap3A_1075 = arith.index_cast %swap3A_1074 : i32 to index
        %swap3A_1076 = arith.index_cast %scan3A_872 : i32 to index
        %swap3A_1077 = arith.constant 80 : index
        %swap3A_1078 = tpu.vector_load %arg7[%swap3A_1075, %swap3A_1076, %swap3A_1077] {strides = array<i32>} : memref<4x112x128xf32, #tpu.memory_space<vmem>>, vector<1x1x16xf32>,
        %swap3A_1079 = vector.shape_cast %swap3A_1078 : vector<1x1x16xf32> to vector<16xf32>
        %swap3A_1080 = vector.shape_cast %mul3A_1073 : vector<16xf32> to vector<1x1x16xf32>
        tpu.vector_store %arg7[%swap3A_1075, %swap3A_1076, %swap3A_1077], %swap3A_1080 {strides = array<i32>} : memref<4x112x128xf32, #tpu.memory_space<vmem>>, vector<1x1x16xf32>,
        %mul3A_1081 = arith.constant 11.3137083 : f32
        %mul3A_1082 = vector.broadcast %mul3A_1081 : f32 to vector<16xf32>
        %mul3A_1083 = arith.mulf %get3A_970, %mul3A_1082 : vector<16xf32>
        %add3A_1084 = arith.addf %mul3A_1083, %get3A_1004 : vector<16xf32>
        %mul3A_1085 = arith.mulf %add3A_1084, %select_n3A_926 : vector<16xf32>
        %swap3A_1086 = arith.constant 1 : i32
        %swap3A_1087 = arith.index_cast %swap3A_1086 : i32 to index
        %swap3A_1088 = arith.index_cast %scan3A_872 : i32 to index
        %swap3A_1089 = arith.constant 96 : index
        %swap3A_1090 = tpu.vector_load %arg7[%swap3A_1087, %swap3A_1088, %swap3A_1089] {strides = array<i32>} : memref<4x112x128xf32, #tpu.memory_space<vmem>>, vector<1x1x16xf32>,
        %swap3A_1091 = vector.shape_cast %swap3A_1090 : vector<1x1x16xf32> to vector<16xf32>
        %swap3A_1092 = vector.shape_cast %mul3A_1085 : vector<16xf32> to vector<1x1x16xf32>
        tpu.vector_store %arg7[%swap3A_1087, %swap3A_1088, %swap3A_1089], %swap3A_1092 {strides = array<i32>} : memref<4x112x128xf32, #tpu.memory_space<vmem>>, vector<1x1x16xf32>,
        %mul3A_1093 = arith.constant 11.3137083 : f32
        %mul3A_1094 = vector.broadcast %mul3A_1093 : f32 to vector<16xf32>
        %mul3A_1095 = arith.mulf %get3A_976, %mul3A_1094 : vector<16xf32>
        %add3A_1096 = arith.addf %mul3A_1095, %get3A_1008 : vector<16xf32>
        %mul3A_1097 = arith.mulf %add3A_1096, %select_n3A_926 : vector<16xf32>
        %swap3A_1098 = arith.constant 1 : i32
        %swap3A_1099 = arith.index_cast %swap3A_1098 : i32 to index
        %swap3A_1100 = arith.index_cast %scan3A_872 : i32 to index
        %swap3A_1101 = arith.constant 112 : index
        %swap3A_1102 = tpu.vector_load %arg7[%swap3A_1099, %swap3A_1100, %swap3A_1101] {strides = array<i32>} : memref<4x112x128xf32, #tpu.memory_space<vmem>>, vector<1x1x16xf32>,
        %swap3A_1103 = vector.shape_cast %swap3A_1102 : vector<1x1x16xf32> to vector<16xf32>
        %swap3A_1104 = vector.shape_cast %mul3A_1097 : vector<16xf32> to vector<1x1x16xf32>
        tpu.vector_store %arg7[%swap3A_1099, %swap3A_1100, %swap3A_1101], %swap3A_1104 {strides = array<i32>} : memref<4x112x128xf32, #tpu.memory_space<vmem>>, vector<1x1x16xf32>,
        %scan3A_1105 = arith.constant 3 : i32
        %scan3A_1106 = arith.addi %scan3A_417, %scan3A_1105 : i32
        %jit3A_1107 = arith.constant 16 : i32
        %div3A_1108 = arith.divsi %scan3A_1106, %jit3A_1107 : i32
        %sign3A_1109 = arith.constant 0 : i32
        %sign3A_1110 = arith.cmpi sgt, %scan3A_1106, %sign3A_1109 : i32
        %sign3A_1111 = arith.extui %sign3A_1110 : i1 to i32
        %sign3A_1112 = arith.constant 0 : i32
        %sign3A_1113 = arith.cmpi slt, %scan3A_1106, %sign3A_1112 : i32
        %sign3A_1114 = arith.extui %sign3A_1113 : i1 to i32
        %sign3A_1115 = arith.subi %sign3A_1111, %sign3A_1114 : i32
        %sign3A_1116 = arith.constant 0 : i32
        %sign3A_1117 = arith.cmpi sgt, %jit3A_1107, %sign3A_1116 : i32
        %sign3A_1118 = arith.extui %sign3A_1117 : i1 to i32
        %sign3A_1119 = arith.constant 0 : i32
        %sign3A_1120 = arith.cmpi slt, %jit3A_1107, %sign3A_1119 : i32
        %sign3A_1121 = arith.extui %sign3A_1120 : i1 to i32
        %sign3A_1122 = arith.subi %sign3A_1118, %sign3A_1121 : i32
        %ne3A_1123 = arith.cmpi ne, %sign3A_1115, %sign3A_1122 : i32
        %rem3A_1124 = arith.remsi %scan3A_1106, %jit3A_1107 : i32
        %ne3A_1125 = arith.constant 0 : i32
        %ne3A_1126 = arith.cmpi ne, %rem3A_1124, %ne3A_1125 : i32
        %and3A_1127 = arith.andi %ne3A_1123, %ne3A_1126 : i1
        %sub3A_1128 = arith.constant 1 : i32
        %sub3A_1129 = arith.subi %div3A_1108, %sub3A_1128 : i32
        %select_n3A_1130 = arith.select %and3A_1127, %sub3A_1129, %div3A_1108 : i32
        %mul3A_1131 = arith.constant 16 : i32
        %mul3A_1132 = arith.muli %select_n3A_1130, %mul3A_1131 : i32
        %sub3A_1133 = arith.subi %scan3A_1106, %mul3A_1132 : i32
        %mul3A_1134 = arith.constant 16 : i32
        %mul3A_1135 = arith.muli %select_n3A_1130, %mul3A_1134 : i32
        %get3A_1136 = arith.constant 1 : i32
        %get3A_1137 = arith.index_cast %add3A_230 : i32 to index
        %get3A_1138 = arith.index_cast %get3A_1136 : i32 to index
        %get3A_1139 = arith.index_cast %mul3A_1135 : i32 to index
        %get3A_1140 = tpu.vector_load %arg6[%get3A_1137, %get3A_1138, %get3A_1139] {strides = array<i32>} : memref<128x2x128xi32, #tpu.memory_space<vmem>>, vector<1x1x16xi32>,
        %get3A_1141 = vector.shape_cast %get3A_1140 : vector<1x1x16xi32> to vector<16xi32>
        %broadcast_in_dim3A_1142 = vector.broadcast %sub3A_1133 : i32 to vector<16xi32>
        %lt3A_1143 = arith.constant 0 : i32
        %lt3A_1144 = vector.broadcast %lt3A_1143 : i32 to vector<16xi32>
        %lt3A_1145 = arith.cmpi slt, %broadcast_in_dim3A_1142, %lt3A_1144 : vector<16xi32>
        %add3A_1146 = arith.constant 16 : i32
        %add3A_1147 = vector.broadcast %add3A_1146 : i32 to vector<16xi32>
        %add3A_1148 = arith.addi %broadcast_in_dim3A_1142, %add3A_1147 : vector<16xi32>
        %select_n3A_1149 = arith.select %lt3A_1145, %add3A_1148, %broadcast_in_dim3A_1142 : vector<16xi1>, vector<16xi32>
        %reshape3A_1150 = vector.shape_cast %select_n3A_1149 : vector<16xi32> to vector<16x1xi32>
        %gather3A_1151 = vector.shape_cast %reshape3A_1150 : vector<16x1xi32> to vector<16xi32>
        %gather3A_1152 = tpu.dynamic_gather %get3A_1141[%gather3A_1151] in [0] : vector<16xi32>, vector<16xi32> -> vector<16xi32>
        %ne3A_1153 = arith.constant 0 : i32
        %ne3A_1154 = vector.broadcast %ne3A_1153 : i32 to vector<16xi32>
        %ne3A_1155 = arith.cmpi ne, %gather3A_1152, %ne3A_1154 : vector<16xi32>
        %jit3A_1156 = arith.constant 1.000000e+00 : f32
        %jit3A_1157 = arith.constant 0.000000e+00 : f32
        %broadcast_in_dim3A_1158 = vector.broadcast %jit3A_1156 : f32 to vector<16xf32>
        %broadcast_in_dim3A_1159 = vector.broadcast %jit3A_1157 : f32 to vector<16xf32>
        %select_n3A_1160 = arith.select %ne3A_1155, %broadcast_in_dim3A_1158, %broadcast_in_dim3A_1159 : vector<16xi1>, vector<16xf32>
        %add3A_1161 = arith.constant 96 : i32
        %add3A_1162 = arith.addi %add3A_1161, %scan3A_1106 : i32
        %get3A_1163 = arith.constant 1 : i32
        %get3A_1164 = arith.index_cast %get3A_1163 : i32 to index
        %get3A_1165 = arith.index_cast %scan3A_1106 : i32 to index
        %get3A_1166 = arith.constant 0 : index
        %get3A_1167 = tpu.vector_load %arg7[%get3A_1164, %get3A_1165, %get3A_1166] {strides = array<i32>} : memref<4x112x128xf32, #tpu.memory_space<vmem>>, vector<1x1x16xf32>,
        %get3A_1168 = vector.shape_cast %get3A_1167 : vector<1x1x16xf32> to vector<16xf32>
        %get3A_1169 = arith.constant 1 : i32
        %get3A_1170 = arith.index_cast %get3A_1169 : i32 to index
        %get3A_1171 = arith.index_cast %scan3A_1106 : i32 to index
        %get3A_1172 = arith.constant 16 : index
        %get3A_1173 = tpu.vector_load %arg7[%get3A_1170, %get3A_1171, %get3A_1172] {strides = array<i32>} : memref<4x112x128xf32, #tpu.memory_space<vmem>>, vector<1x1x16xf32>,
        %get3A_1174 = vector.shape_cast %get3A_1173 : vector<1x1x16xf32> to vector<16xf32>
        %get3A_1175 = arith.constant 1 : i32
        %get3A_1176 = arith.index_cast %get3A_1175 : i32 to index
        %get3A_1177 = arith.index_cast %scan3A_1106 : i32 to index
        %get3A_1178 = arith.constant 32 : index
        %get3A_1179 = tpu.vector_load %arg7[%get3A_1176, %get3A_1177, %get3A_1178] {strides = array<i32>} : memref<4x112x128xf32, #tpu.memory_space<vmem>>, vector<1x1x16xf32>,
        %get3A_1180 = vector.shape_cast %get3A_1179 : vector<1x1x16xf32> to vector<16xf32>
        %get3A_1181 = arith.constant 1 : i32
        %get3A_1182 = arith.index_cast %get3A_1181 : i32 to index
        %get3A_1183 = arith.index_cast %scan3A_1106 : i32 to index
        %get3A_1184 = arith.constant 48 : index
        %get3A_1185 = tpu.vector_load %arg7[%get3A_1182, %get3A_1183, %get3A_1184] {strides = array<i32>} : memref<4x112x128xf32, #tpu.memory_space<vmem>>, vector<1x1x16xf32>,
        %get3A_1186 = vector.shape_cast %get3A_1185 : vector<1x1x16xf32> to vector<16xf32>
        %get3A_1187 = arith.constant 1 : i32
        %get3A_1188 = arith.index_cast %get3A_1187 : i32 to index
        %get3A_1189 = arith.index_cast %scan3A_1106 : i32 to index
        %get3A_1190 = arith.constant 64 : index
        %get3A_1191 = tpu.vector_load %arg7[%get3A_1188, %get3A_1189, %get3A_1190] {strides = array<i32>} : memref<4x112x128xf32, #tpu.memory_space<vmem>>, vector<1x1x16xf32>,
        %get3A_1192 = vector.shape_cast %get3A_1191 : vector<1x1x16xf32> to vector<16xf32>
        %get3A_1193 = arith.constant 1 : i32
        %get3A_1194 = arith.index_cast %get3A_1193 : i32 to index
        %get3A_1195 = arith.index_cast %scan3A_1106 : i32 to index
        %get3A_1196 = arith.constant 80 : index
        %get3A_1197 = tpu.vector_load %arg7[%get3A_1194, %get3A_1195, %get3A_1196] {strides = array<i32>} : memref<4x112x128xf32, #tpu.memory_space<vmem>>, vector<1x1x16xf32>,
        %get3A_1198 = vector.shape_cast %get3A_1197 : vector<1x1x16xf32> to vector<16xf32>
        %get3A_1199 = arith.constant 1 : i32
        %get3A_1200 = arith.index_cast %get3A_1199 : i32 to index
        %get3A_1201 = arith.index_cast %scan3A_1106 : i32 to index
        %get3A_1202 = arith.constant 96 : index
        %get3A_1203 = tpu.vector_load %arg7[%get3A_1200, %get3A_1201, %get3A_1202] {strides = array<i32>} : memref<4x112x128xf32, #tpu.memory_space<vmem>>, vector<1x1x16xf32>,
        %get3A_1204 = vector.shape_cast %get3A_1203 : vector<1x1x16xf32> to vector<16xf32>
        %get3A_1205 = arith.constant 1 : i32
        %get3A_1206 = arith.index_cast %get3A_1205 : i32 to index
        %get3A_1207 = arith.index_cast %scan3A_1106 : i32 to index
        %get3A_1208 = arith.constant 112 : index
        %get3A_1209 = tpu.vector_load %arg7[%get3A_1206, %get3A_1207, %get3A_1208] {strides = array<i32>} : memref<4x112x128xf32, #tpu.memory_space<vmem>>, vector<1x1x16xf32>,
        %get3A_1210 = vector.shape_cast %get3A_1209 : vector<1x1x16xf32> to vector<16xf32>
        %get3A_1211 = arith.index_cast %add3A_1162 : i32 to index
        %get3A_1212 = arith.constant 0 : index
        %get3A_1213 = tpu.vector_load %arg8[%get3A_1211, %get3A_1212] {strides = array<i32>} : memref<224x128xf32, #tpu.memory_space<vmem>>, vector<1x16xf32>,
        %get3A_1214 = vector.shape_cast %get3A_1213 : vector<1x16xf32> to vector<16xf32>
        %get3A_1215 = arith.index_cast %add3A_1162 : i32 to index
        %get3A_1216 = arith.constant 16 : index
        %get3A_1217 = tpu.vector_load %arg8[%get3A_1215, %get3A_1216] {strides = array<i32>} : memref<224x128xf32, #tpu.memory_space<vmem>>, vector<1x16xf32>,
        %get3A_1218 = vector.shape_cast %get3A_1217 : vector<1x16xf32> to vector<16xf32>
        %get3A_1219 = arith.index_cast %add3A_1162 : i32 to index
        %get3A_1220 = arith.constant 32 : index
        %get3A_1221 = tpu.vector_load %arg8[%get3A_1219, %get3A_1220] {strides = array<i32>} : memref<224x128xf32, #tpu.memory_space<vmem>>, vector<1x16xf32>,
        %get3A_1222 = vector.shape_cast %get3A_1221 : vector<1x16xf32> to vector<16xf32>
        %get3A_1223 = arith.index_cast %add3A_1162 : i32 to index
        %get3A_1224 = arith.constant 48 : index
        %get3A_1225 = tpu.vector_load %arg8[%get3A_1223, %get3A_1224] {strides = array<i32>} : memref<224x128xf32, #tpu.memory_space<vmem>>, vector<1x16xf32>,
        %get3A_1226 = vector.shape_cast %get3A_1225 : vector<1x16xf32> to vector<16xf32>
        %get3A_1227 = arith.index_cast %add3A_1162 : i32 to index
        %get3A_1228 = arith.constant 64 : index
        %get3A_1229 = tpu.vector_load %arg8[%get3A_1227, %get3A_1228] {strides = array<i32>} : memref<224x128xf32, #tpu.memory_space<vmem>>, vector<1x16xf32>,
        %get3A_1230 = vector.shape_cast %get3A_1229 : vector<1x16xf32> to vector<16xf32>
        %get3A_1231 = arith.index_cast %add3A_1162 : i32 to index
        %get3A_1232 = arith.constant 80 : index
        %get3A_1233 = tpu.vector_load %arg8[%get3A_1231, %get3A_1232] {strides = array<i32>} : memref<224x128xf32, #tpu.memory_space<vmem>>, vector<1x16xf32>,
        %get3A_1234 = vector.shape_cast %get3A_1233 : vector<1x16xf32> to vector<16xf32>
        %get3A_1235 = arith.index_cast %add3A_1162 : i32 to index
        %get3A_1236 = arith.constant 96 : index
        %get3A_1237 = tpu.vector_load %arg8[%get3A_1235, %get3A_1236] {strides = array<i32>} : memref<224x128xf32, #tpu.memory_space<vmem>>, vector<1x16xf32>,
        %get3A_1238 = vector.shape_cast %get3A_1237 : vector<1x16xf32> to vector<16xf32>
        %get3A_1239 = arith.index_cast %add3A_1162 : i32 to index
        %get3A_1240 = arith.constant 112 : index
        %get3A_1241 = tpu.vector_load %arg8[%get3A_1239, %get3A_1240] {strides = array<i32>} : memref<224x128xf32, #tpu.memory_space<vmem>>, vector<1x16xf32>,
        %get3A_1242 = vector.shape_cast %get3A_1241 : vector<1x16xf32> to vector<16xf32>
        %mul3A_1243 = arith.constant 11.3137083 : f32
        %mul3A_1244 = vector.broadcast %mul3A_1243 : f32 to vector<16xf32>
        %mul3A_1245 = arith.mulf %get3A_1168, %mul3A_1244 : vector<16xf32>
        %add3A_1246 = arith.addf %mul3A_1245, %get3A_1214 : vector<16xf32>
        %mul3A_1247 = arith.mulf %add3A_1246, %select_n3A_1160 : vector<16xf32>
        %swap3A_1248 = arith.constant 1 : i32
        %swap3A_1249 = arith.index_cast %swap3A_1248 : i32 to index
        %swap3A_1250 = arith.index_cast %scan3A_1106 : i32 to index
        %swap3A_1251 = arith.constant 0 : index
        %swap3A_1252 = tpu.vector_load %arg7[%swap3A_1249, %swap3A_1250, %swap3A_1251] {strides = array<i32>} : memref<4x112x128xf32, #tpu.memory_space<vmem>>, vector<1x1x16xf32>,
        %swap3A_1253 = vector.shape_cast %swap3A_1252 : vector<1x1x16xf32> to vector<16xf32>
        %swap3A_1254 = vector.shape_cast %mul3A_1247 : vector<16xf32> to vector<1x1x16xf32>
        tpu.vector_store %arg7[%swap3A_1249, %swap3A_1250, %swap3A_1251], %swap3A_1254 {strides = array<i32>} : memref<4x112x128xf32, #tpu.memory_space<vmem>>, vector<1x1x16xf32>,
        %mul3A_1255 = arith.constant 11.3137083 : f32
        %mul3A_1256 = vector.broadcast %mul3A_1255 : f32 to vector<16xf32>
        %mul3A_1257 = arith.mulf %get3A_1174, %mul3A_1256 : vector<16xf32>
        %add3A_1258 = arith.addf %mul3A_1257, %get3A_1218 : vector<16xf32>
        %mul3A_1259 = arith.mulf %add3A_1258, %select_n3A_1160 : vector<16xf32>
        %swap3A_1260 = arith.constant 1 : i32
        %swap3A_1261 = arith.index_cast %swap3A_1260 : i32 to index
        %swap3A_1262 = arith.index_cast %scan3A_1106 : i32 to index
        %swap3A_1263 = arith.constant 16 : index
        %swap3A_1264 = tpu.vector_load %arg7[%swap3A_1261, %swap3A_1262, %swap3A_1263] {strides = array<i32>} : memref<4x112x128xf32, #tpu.memory_space<vmem>>, vector<1x1x16xf32>,
        %swap3A_1265 = vector.shape_cast %swap3A_1264 : vector<1x1x16xf32> to vector<16xf32>
        %swap3A_1266 = vector.shape_cast %mul3A_1259 : vector<16xf32> to vector<1x1x16xf32>
        tpu.vector_store %arg7[%swap3A_1261, %swap3A_1262, %swap3A_1263], %swap3A_1266 {strides = array<i32>} : memref<4x112x128xf32, #tpu.memory_space<vmem>>, vector<1x1x16xf32>,
        %mul3A_1267 = arith.constant 11.3137083 : f32
        %mul3A_1268 = vector.broadcast %mul3A_1267 : f32 to vector<16xf32>
        %mul3A_1269 = arith.mulf %get3A_1180, %mul3A_1268 : vector<16xf32>
        %add3A_1270 = arith.addf %mul3A_1269, %get3A_1222 : vector<16xf32>
        %mul3A_1271 = arith.mulf %add3A_1270, %select_n3A_1160 : vector<16xf32>
        %swap3A_1272 = arith.constant 1 : i32
        %swap3A_1273 = arith.index_cast %swap3A_1272 : i32 to index
        %swap3A_1274 = arith.index_cast %scan3A_1106 : i32 to index
        %swap3A_1275 = arith.constant 32 : index
        %swap3A_1276 = tpu.vector_load %arg7[%swap3A_1273, %swap3A_1274, %swap3A_1275] {strides = array<i32>} : memref<4x112x128xf32, #tpu.memory_space<vmem>>, vector<1x1x16xf32>,
        %swap3A_1277 = vector.shape_cast %swap3A_1276 : vector<1x1x16xf32> to vector<16xf32>
        %swap3A_1278 = vector.shape_cast %mul3A_1271 : vector<16xf32> to vector<1x1x16xf32>
        tpu.vector_store %arg7[%swap3A_1273, %swap3A_1274, %swap3A_1275], %swap3A_1278 {strides = array<i32>} : memref<4x112x128xf32, #tpu.memory_space<vmem>>, vector<1x1x16xf32>,
        %mul3A_1279 = arith.constant 11.3137083 : f32
        %mul3A_1280 = vector.broadcast %mul3A_1279 : f32 to vector<16xf32>
        %mul3A_1281 = arith.mulf %get3A_1186, %mul3A_1280 : vector<16xf32>
        %add3A_1282 = arith.addf %mul3A_1281, %get3A_1226 : vector<16xf32>
        %mul3A_1283 = arith.mulf %add3A_1282, %select_n3A_1160 : vector<16xf32>
        %swap3A_1284 = arith.constant 1 : i32
        %swap3A_1285 = arith.index_cast %swap3A_1284 : i32 to index
        %swap3A_1286 = arith.index_cast %scan3A_1106 : i32 to index
        %swap3A_1287 = arith.constant 48 : index
        %swap3A_1288 = tpu.vector_load %arg7[%swap3A_1285, %swap3A_1286, %swap3A_1287] {strides = array<i32>} : memref<4x112x128xf32, #tpu.memory_space<vmem>>, vector<1x1x16xf32>,
        %swap3A_1289 = vector.shape_cast %swap3A_1288 : vector<1x1x16xf32> to vector<16xf32>
        %swap3A_1290 = vector.shape_cast %mul3A_1283 : vector<16xf32> to vector<1x1x16xf32>
        tpu.vector_store %arg7[%swap3A_1285, %swap3A_1286, %swap3A_1287], %swap3A_1290 {strides = array<i32>} : memref<4x112x128xf32, #tpu.memory_space<vmem>>, vector<1x1x16xf32>,
        %mul3A_1291 = arith.constant 11.3137083 : f32
        %mul3A_1292 = vector.broadcast %mul3A_1291 : f32 to vector<16xf32>
        %mul3A_1293 = arith.mulf %get3A_1192, %mul3A_1292 : vector<16xf32>
        %add3A_1294 = arith.addf %mul3A_1293, %get3A_1230 : vector<16xf32>
        %mul3A_1295 = arith.mulf %add3A_1294, %select_n3A_1160 : vector<16xf32>
        %swap3A_1296 = arith.constant 1 : i32
        %swap3A_1297 = arith.index_cast %swap3A_1296 : i32 to index
        %swap3A_1298 = arith.index_cast %scan3A_1106 : i32 to index
        %swap3A_1299 = arith.constant 64 : index
        %swap3A_1300 = tpu.vector_load %arg7[%swap3A_1297, %swap3A_1298, %swap3A_1299] {strides = array<i32>} : memref<4x112x128xf32, #tpu.memory_space<vmem>>, vector<1x1x16xf32>,
        %swap3A_1301 = vector.shape_cast %swap3A_1300 : vector<1x1x16xf32> to vector<16xf32>
        %swap3A_1302 = vector.shape_cast %mul3A_1295 : vector<16xf32> to vector<1x1x16xf32>
        tpu.vector_store %arg7[%swap3A_1297, %swap3A_1298, %swap3A_1299], %swap3A_1302 {strides = array<i32>} : memref<4x112x128xf32, #tpu.memory_space<vmem>>, vector<1x1x16xf32>,
        %mul3A_1303 = arith.constant 11.3137083 : f32
        %mul3A_1304 = vector.broadcast %mul3A_1303 : f32 to vector<16xf32>
        %mul3A_1305 = arith.mulf %get3A_1198, %mul3A_1304 : vector<16xf32>
        %add3A_1306 = arith.addf %mul3A_1305, %get3A_1234 : vector<16xf32>
        %mul3A_1307 = arith.mulf %add3A_1306, %select_n3A_1160 : vector<16xf32>
        %swap3A_1308 = arith.constant 1 : i32
        %swap3A_1309 = arith.index_cast %swap3A_1308 : i32 to index
        %swap3A_1310 = arith.index_cast %scan3A_1106 : i32 to index
        %swap3A_1311 = arith.constant 80 : index
        %swap3A_1312 = tpu.vector_load %arg7[%swap3A_1309, %swap3A_1310, %swap3A_1311] {strides = array<i32>} : memref<4x112x128xf32, #tpu.memory_space<vmem>>, vector<1x1x16xf32>,
        %swap3A_1313 = vector.shape_cast %swap3A_1312 : vector<1x1x16xf32> to vector<16xf32>
        %swap3A_1314 = vector.shape_cast %mul3A_1307 : vector<16xf32> to vector<1x1x16xf32>
        tpu.vector_store %arg7[%swap3A_1309, %swap3A_1310, %swap3A_1311], %swap3A_1314 {strides = array<i32>} : memref<4x112x128xf32, #tpu.memory_space<vmem>>, vector<1x1x16xf32>,
        %mul3A_1315 = arith.constant 11.3137083 : f32
        %mul3A_1316 = vector.broadcast %mul3A_1315 : f32 to vector<16xf32>
        %mul3A_1317 = arith.mulf %get3A_1204, %mul3A_1316 : vector<16xf32>
        %add3A_1318 = arith.addf %mul3A_1317, %get3A_1238 : vector<16xf32>
        %mul3A_1319 = arith.mulf %add3A_1318, %select_n3A_1160 : vector<16xf32>
        %swap3A_1320 = arith.constant 1 : i32
        %swap3A_1321 = arith.index_cast %swap3A_1320 : i32 to index
        %swap3A_1322 = arith.index_cast %scan3A_1106 : i32 to index
        %swap3A_1323 = arith.constant 96 : index
        %swap3A_1324 = tpu.vector_load %arg7[%swap3A_1321, %swap3A_1322, %swap3A_1323] {strides = array<i32>} : memref<4x112x128xf32, #tpu.memory_space<vmem>>, vector<1x1x16xf32>,
        %swap3A_1325 = vector.shape_cast %swap3A_1324 : vector<1x1x16xf32> to vector<16xf32>
        %swap3A_1326 = vector.shape_cast %mul3A_1319 : vector<16xf32> to vector<1x1x16xf32>
        tpu.vector_store %arg7[%swap3A_1321, %swap3A_1322, %swap3A_1323], %swap3A_1326 {strides = array<i32>} : memref<4x112x128xf32, #tpu.memory_space<vmem>>, vector<1x1x16xf32>,
        %mul3A_1327 = arith.constant 11.3137083 : f32
        %mul3A_1328 = vector.broadcast %mul3A_1327 : f32 to vector<16xf32>
        %mul3A_1329 = arith.mulf %get3A_1210, %mul3A_1328 : vector<16xf32>
        %add3A_1330 = arith.addf %mul3A_1329, %get3A_1242 : vector<16xf32>
        %mul3A_1331 = arith.mulf %add3A_1330, %select_n3A_1160 : vector<16xf32>
        %swap3A_1332 = arith.constant 1 : i32
        %swap3A_1333 = arith.index_cast %swap3A_1332 : i32 to index
        %swap3A_1334 = arith.index_cast %scan3A_1106 : i32 to index
        %swap3A_1335 = arith.constant 112 : index
        %swap3A_1336 = tpu.vector_load %arg7[%swap3A_1333, %swap3A_1334, %swap3A_1335] {strides = array<i32>} : memref<4x112x128xf32, #tpu.memory_space<vmem>>, vector<1x1x16xf32>,
        %swap3A_1337 = vector.shape_cast %swap3A_1336 : vector<1x1x16xf32> to vector<16xf32>
        %swap3A_1338 = vector.shape_cast %mul3A_1331 : vector<16xf32> to vector<1x1x16xf32>
        tpu.vector_store %arg7[%swap3A_1333, %swap3A_1334, %swap3A_1335], %swap3A_1338 {strides = array<i32>} : memref<4x112x128xf32, #tpu.memory_space<vmem>>, vector<1x1x16xf32>,
      }
      %scan3A_273 = arith.constant 104 : i32
      %add3A_274 = arith.addi %mul3A_2, %add3A_230 : i32
      %dma_start3A_275 = arith.constant 1 : i32
      %dma_start3A_276 = arith.constant 0 : i32
      %dma_start3A_277 = arith.constant 0 : i32
      %dma_start3A_278 = tpu.memref_slice %arg7[%dma_start3A_275, %dma_start3A_276, %dma_start3A_277] : memref<4x112x128xf32, #tpu.memory_space<vmem>> -> memref<1x112x128xf32, #tpu.memory_space<vmem>>
      %dma_start3A_279 = tpu.memref_squeeze %dma_start3A_278 : memref<1x112x128xf32, #tpu.memory_space<vmem>> -> memref<112x128xf32, #tpu.memory_space<vmem>>
      %dma_start3A_280 = arith.constant 0 : i32
      %dma_start3A_281 = arith.constant 0 : i32
      %dma_start3A_282 = tpu.memref_slice %dma_start3A_279[%dma_start3A_280, %dma_start3A_281] : memref<112x128xf32, #tpu.memory_space<vmem>> -> memref<104x128xf32, #tpu.memory_space<vmem>>
      %dma_start3A_283 = arith.constant 96 : i32
      %dma_start3A_284 = arith.constant 0 : i32
      %dma_start3A_285 = tpu.memref_slice %arg5[%add3A_274, %dma_start3A_283, %dma_start3A_284] : memref<4096x200x128xf32, #tpu.memory_space<hbm>> -> memref<1x104x128xf32, #tpu.memory_space<hbm>>
      %dma_start3A_286 = tpu.memref_squeeze %dma_start3A_285 : memref<1x104x128xf32, #tpu.memory_space<hbm>> -> memref<104x128xf32, #tpu.memory_space<hbm>>
      %dma_start3A_287 = arith.constant 96 : i32
      %dma_start3A_288 = arith.constant 0 : i32
      %dma_start3A_289 = tpu.memref_slice %arg5[%add3A_274, %dma_start3A_287, %dma_start3A_288] : memref<4096x200x128xf32, #tpu.memory_space<hbm>> -> memref<1x104x128xf32, #tpu.memory_space<hbm>>
      %dma_start3A_290 = tpu.memref_squeeze %dma_start3A_289 : memref<1x104x128xf32, #tpu.memory_space<hbm>> -> memref<104x128xf32, #tpu.memory_space<hbm>>
      %dma_start3A_291 = arith.constant 0 : i32
      %dma_start3A_292 = arith.constant 0 : i32
      %dma_start3A_293 = tpu.memref_slice %arg7[%dma_start3A_275, %dma_start3A_291, %dma_start3A_292] : memref<4x112x128xf32, #tpu.memory_space<vmem>> -> memref<1x112x128xf32, #tpu.memory_space<vmem>>
      %dma_start3A_294 = tpu.memref_squeeze %dma_start3A_293 : memref<1x112x128xf32, #tpu.memory_space<vmem>> -> memref<112x128xf32, #tpu.memory_space<vmem>>
      %dma_start3A_295 = arith.constant 0 : i32
      %dma_start3A_296 = arith.constant 0 : i32
      %dma_start3A_297 = tpu.memref_slice %dma_start3A_294[%dma_start3A_295, %dma_start3A_296] : memref<112x128xf32, #tpu.memory_space<vmem>> -> memref<104x128xf32, #tpu.memory_space<vmem>>
      tpu.enqueue_dma source(%dma_start3A_297 : memref<104x128xf32, #tpu.memory_space<vmem>>) target(%dma_start3A_290 : memref<104x128xf32, #tpu.memory_space<hbm>>) target_semaphore(%arg14 : memref<!tpu.dma_semaphore, #tpu.memory_space<semaphore_mem>>)
      %mul3A_298 = arith.constant 4 : i32
      %mul3A_299 = arith.muli %scan3A_150, %mul3A_298 : i32
      %add3A_300 = arith.constant 2 : i32
      %add3A_301 = arith.addi %mul3A_299, %add3A_300 : i32
      %mul3A_302 = arith.constant 2 : i32
      %mul3A_303 = arith.muli %mul3A_302, %scan3A_150 : i32
      %add3A_304 = arith.constant 1 : i32
      %add3A_305 = arith.addi %mul3A_303, %add3A_304 : i32
      %dma_wait3A_306 = arith.constant 0 : i32
      %dma_wait3A_307 = arith.constant 2 : i32
      %dma_wait3A_308 = arith.constant 0 : i32
      %dma_wait3A_309 = arith.constant 0 : i32
      %dma_wait3A_310 = tpu.memref_slice %arg7[%dma_wait3A_307, %dma_wait3A_308, %dma_wait3A_309] : memref<4x112x128xf32, #tpu.memory_space<vmem>> -> memref<1x112x128xf32, #tpu.memory_space<vmem>>
      %dma_wait3A_311 = tpu.memref_squeeze %dma_wait3A_310 : memref<1x112x128xf32, #tpu.memory_space<vmem>> -> memref<112x128xf32, #tpu.memory_space<vmem>>
      %dma_wait3A_312 = arith.constant 0 : i32
      %dma_wait3A_313 = arith.constant 0 : i32
      %dma_wait3A_314 = tpu.memref_slice %dma_wait3A_311[%dma_wait3A_312, %dma_wait3A_313] : memref<112x128xf32, #tpu.memory_space<vmem>> -> memref<96x128xf32, #tpu.memory_space<vmem>>
      %dma_wait3A_315 = arith.constant 0 : i32
      %dma_wait3A_316 = tpu.memref_slice %arg6[%add3A_305, %dma_wait3A_306, %dma_wait3A_315] : memref<128x2x128xi32, #tpu.memory_space<vmem>> -> memref<1x1x96xi32, #tpu.memory_space<vmem>>
      %dma_wait3A_317 = tpu.memref_squeeze %dma_wait3A_316 : memref<1x1x96xi32, #tpu.memory_space<vmem>> -> memref<96xi32, #tpu.memory_space<vmem>>
      %dma_wait3A_318 = arith.constant 0 : i32
      %dma_wait3A_319 = arith.constant 0 : i32
      %dma_wait3A_320 = tpu.memref_slice %arg3[%dma_wait3A_318, %dma_wait3A_319] : memref<100000x128xf32, #tpu.memory_space<hbm>> -> memref<100000x128xf32, #tpu.memory_space<hbm>>
      tpu.wait_indirect_dma semaphore(%arg11 : memref<!tpu.dma_semaphore, #tpu.memory_space<semaphore_mem>>) src(%dma_wait3A_320 : memref<100000x128xf32, #tpu.memory_space<hbm>>) dst(%dma_wait3A_314 : memref<96x128xf32, #tpu.memory_space<vmem>>)
      %add3A_321 = arith.constant 2 : i32
      %add3A_322 = arith.addi %add3A_301, %add3A_321 : i32
      %lt3A = arith.constant 256 : i32
      %lt3A_323 = arith.cmpi slt, %add3A_322, %lt3A : i32
      %convert_element_type3A_324 = arith.extui %lt3A_323 : i1 to i32
      %cond3A_325 = arith.constant 0 : i32
      %cond3A_326 = arith.cmpi ne, %convert_element_type3A_324, %cond3A_325 : i32
      scf.if %cond3A_326 {
        %sub3A = arith.constant 1 : i32
        %sub3A_417 = arith.subi %add3A_305, %sub3A : i32
        %add3A_418 = arith.addi %mul3A_2, %sub3A_417 : i32
        %dma_wait3A_419 = arith.constant 0 : i32
        %dma_wait3A_420 = arith.constant 0 : i32
        %dma_wait3A_421 = arith.constant 0 : i32
        %dma_wait3A_422 = tpu.memref_slice %arg7[%dma_wait3A_419, %dma_wait3A_420, %dma_wait3A_421] : memref<4x112x128xf32, #tpu.memory_space<vmem>> -> memref<1x112x128xf32, #tpu.memory_space<vmem>>
        %dma_wait3A_423 = tpu.memref_squeeze %dma_wait3A_422 : memref<1x112x128xf32, #tpu.memory_space<vmem>> -> memref<112x128xf32, #tpu.memory_space<vmem>>
        %dma_wait3A_424 = arith.constant 0 : i32
        %dma_wait3A_425 = arith.constant 0 : i32
        %dma_wait3A_426 = tpu.memref_slice %dma_wait3A_423[%dma_wait3A_424, %dma_wait3A_425] : memref<112x128xf32, #tpu.memory_space<vmem>> -> memref<96x128xf32, #tpu.memory_space<vmem>>
        %dma_wait3A_427 = arith.constant 0 : i32
        %dma_wait3A_428 = arith.constant 0 : i32
        %dma_wait3A_429 = tpu.memref_slice %arg5[%add3A_418, %dma_wait3A_427, %dma_wait3A_428] : memref<4096x200x128xf32, #tpu.memory_space<hbm>> -> memref<1x96x128xf32, #tpu.memory_space<hbm>>
        %dma_wait3A_430 = tpu.memref_squeeze %dma_wait3A_429 : memref<1x96x128xf32, #tpu.memory_space<hbm>> -> memref<96x128xf32, #tpu.memory_space<hbm>>
        %dma_wait3A_431 = arith.constant 0 : i32
        %dma_wait3A_432 = arith.constant 0 : i32
        %dma_wait3A_433 = tpu.memref_slice %arg5[%add3A_418, %dma_wait3A_431, %dma_wait3A_432] : memref<4096x200x128xf32, #tpu.memory_space<hbm>> -> memref<1x96x128xf32, #tpu.memory_space<hbm>>
        %dma_wait3A_434 = tpu.memref_squeeze %dma_wait3A_433 : memref<1x96x128xf32, #tpu.memory_space<hbm>> -> memref<96x128xf32, #tpu.memory_space<hbm>>
        %dma_wait3A_435 = arith.constant 0 : i32
        %dma_wait3A_436 = arith.constant 0 : i32
        %dma_wait3A_437 = tpu.memref_slice %arg7[%dma_wait3A_419, %dma_wait3A_435, %dma_wait3A_436] : memref<4x112x128xf32, #tpu.memory_space<vmem>> -> memref<1x112x128xf32, #tpu.memory_space<vmem>>
        %dma_wait3A_438 = tpu.memref_squeeze %dma_wait3A_437 : memref<1x112x128xf32, #tpu.memory_space<vmem>> -> memref<112x128xf32, #tpu.memory_space<vmem>>
        %dma_wait3A_439 = arith.constant 0 : i32
        %dma_wait3A_440 = arith.constant 0 : i32
        %dma_wait3A_441 = tpu.memref_slice %dma_wait3A_438[%dma_wait3A_439, %dma_wait3A_440] : memref<112x128xf32, #tpu.memory_space<vmem>> -> memref<96x128xf32, #tpu.memory_space<vmem>>
        tpu.wait_dma2 semaphore(%arg13 : memref<!tpu.dma_semaphore, #tpu.memory_space<semaphore_mem>>) src(%dma_wait3A_441 : memref<96x128xf32, #tpu.memory_space<vmem>>) dst(%dma_wait3A_434 : memref<96x128xf32, #tpu.memory_space<hbm>>)
        %add3A_442 = arith.constant 1 : i32
        %add3A_443 = arith.addi %add3A_305, %add3A_442 : i32
        %dma_start3A_444 = arith.constant 0 : i32
        %dma_start3A_445 = arith.constant 0 : i32
        %dma_start3A_446 = arith.constant 0 : i32
        %dma_start3A_447 = arith.constant 0 : i32
        %dma_start3A_448 = tpu.memref_slice %arg7[%dma_start3A_445, %dma_start3A_446, %dma_start3A_447] : memref<4x112x128xf32, #tpu.memory_space<vmem>> -> memref<1x112x128xf32, #tpu.memory_space<vmem>>
        %dma_start3A_449 = tpu.memref_squeeze %dma_start3A_448 : memref<1x112x128xf32, #tpu.memory_space<vmem>> -> memref<112x128xf32, #tpu.memory_space<vmem>>
        %dma_start3A_450 = arith.constant 0 : i32
        %dma_start3A_451 = arith.constant 0 : i32
        %dma_start3A_452 = tpu.memref_slice %dma_start3A_449[%dma_start3A_450, %dma_start3A_451] : memref<112x128xf32, #tpu.memory_space<vmem>> -> memref<96x128xf32, #tpu.memory_space<vmem>>
        %dma_start3A_453 = arith.constant 0 : i32
        %dma_start3A_454 = tpu.memref_slice %arg6[%add3A_443, %dma_start3A_444, %dma_start3A_453] : memref<128x2x128xi32, #tpu.memory_space<vmem>> -> memref<1x1x96xi32, #tpu.memory_space<vmem>>
        %dma_start3A_455 = tpu.memref_squeeze %dma_start3A_454 : memref<1x1x96xi32, #tpu.memory_space<vmem>> -> memref<96xi32, #tpu.memory_space<vmem>>
        %dma_start3A_456 = arith.constant 0 : i32
        %dma_start3A_457 = arith.constant 0 : i32
        %dma_start3A_458 = tpu.memref_slice %arg3[%dma_start3A_456, %dma_start3A_457] : memref<100000x128xf32, #tpu.memory_space<hbm>> -> memref<100000x128xf32, #tpu.memory_space<hbm>>
        tpu.enqueue_indirect_dma source(%dma_start3A_458 : memref<100000x128xf32, #tpu.memory_space<hbm>>) target(%dma_start3A_452 : memref<96x128xf32, #tpu.memory_space<vmem>>) offsets(%dma_start3A_455 : memref<96xi32, #tpu.memory_space<vmem>>) semaphore(%arg9 : memref<!tpu.dma_semaphore, #tpu.memory_space<semaphore_mem>>)
      } else {
      }
      %scan3A_327 = arith.constant 0 : i32
      %scan3A_328 = arith.constant 0 : i32
      %scan3A_329 = arith.constant 96 : i32
      %scan3A_330 = arith.addi %scan3A_328, %scan3A_329 : i32
      %scan3A_331 = arith.constant 4 : i32
      scf.for %scan3A_417 = %scan3A_328 to %scan3A_330 step %scan3A_331  : i32 {
        %jit3A = arith.constant 16 : i32
        %div3A = arith.divsi %scan3A_417, %jit3A : i32
        %sign3A = arith.constant 0 : i32
        %sign3A_418 = arith.cmpi sgt, %scan3A_417, %sign3A : i32
        %sign3A_419 = arith.extui %sign3A_418 : i1 to i32
        %sign3A_420 = arith.constant 0 : i32
        %sign3A_421 = arith.cmpi slt, %scan3A_417, %sign3A_420 : i32
        %sign3A_422 = arith.extui %sign3A_421 : i1 to i32
        %sign3A_423 = arith.subi %sign3A_419, %sign3A_422 : i32
        %sign3A_424 = arith.constant 0 : i32
        %sign3A_425 = arith.cmpi sgt, %jit3A, %sign3A_424 : i32
        %sign3A_426 = arith.extui %sign3A_425 : i1 to i32
        %sign3A_427 = arith.constant 0 : i32
        %sign3A_428 = arith.cmpi slt, %jit3A, %sign3A_427 : i32
        %sign3A_429 = arith.extui %sign3A_428 : i1 to i32
        %sign3A_430 = arith.subi %sign3A_426, %sign3A_429 : i32
        %ne3A = arith.cmpi ne, %sign3A_423, %sign3A_430 : i32
        %rem3A = arith.remsi %scan3A_417, %jit3A : i32
        %ne3A_431 = arith.constant 0 : i32
        %ne3A_432 = arith.cmpi ne, %rem3A, %ne3A_431 : i32
        %and3A = arith.andi %ne3A, %ne3A_432 : i1
        %sub3A = arith.constant 1 : i32
        %sub3A_433 = arith.subi %div3A, %sub3A : i32
        %select_n3A = arith.select %and3A, %sub3A_433, %div3A : i32
        %mul3A_434 = arith.constant 16 : i32
        %mul3A_435 = arith.muli %select_n3A, %mul3A_434 : i32
        %sub3A_436 = arith.subi %scan3A_417, %mul3A_435 : i32
        %mul3A_437 = arith.constant 16 : i32
        %mul3A_438 = arith.muli %select_n3A, %mul3A_437 : i32
        %get3A = arith.constant 0 : i32
        %get3A_439 = arith.index_cast %add3A_305 : i32 to index
        %get3A_440 = arith.index_cast %get3A : i32 to index
        %get3A_441 = arith.index_cast %mul3A_438 : i32 to index
        %get3A_442 = tpu.vector_load %arg6[%get3A_439, %get3A_440, %get3A_441] {strides = array<i32>} : memref<128x2x128xi32, #tpu.memory_space<vmem>>, vector<1x1x16xi32>,
        %get3A_443 = vector.shape_cast %get3A_442 : vector<1x1x16xi32> to vector<16xi32>
        %broadcast_in_dim3A = vector.broadcast %sub3A_436 : i32 to vector<16xi32>
        %lt3A_444 = arith.constant 0 : i32
        %lt3A_445 = vector.broadcast %lt3A_444 : i32 to vector<16xi32>
        %lt3A_446 = arith.cmpi slt, %broadcast_in_dim3A, %lt3A_445 : vector<16xi32>
        %add3A_447 = arith.constant 16 : i32
        %add3A_448 = vector.broadcast %add3A_447 : i32 to vector<16xi32>
        %add3A_449 = arith.addi %broadcast_in_dim3A, %add3A_448 : vector<16xi32>
        %select_n3A_450 = arith.select %lt3A_446, %add3A_449, %broadcast_in_dim3A : vector<16xi1>, vector<16xi32>
        %reshape3A = vector.shape_cast %select_n3A_450 : vector<16xi32> to vector<16x1xi32>
        %gather3A = vector.shape_cast %reshape3A : vector<16x1xi32> to vector<16xi32>
        %gather3A_451 = tpu.dynamic_gather %get3A_443[%gather3A] in [0] : vector<16xi32>, vector<16xi32> -> vector<16xi32>
        %ne3A_452 = arith.constant 0 : i32
        %ne3A_453 = vector.broadcast %ne3A_452 : i32 to vector<16xi32>
        %ne3A_454 = arith.cmpi ne, %gather3A_451, %ne3A_453 : vector<16xi32>
        %jit3A_455 = arith.constant 1.000000e+00 : f32
        %jit3A_456 = arith.constant 0.000000e+00 : f32
        %broadcast_in_dim3A_457 = vector.broadcast %jit3A_455 : f32 to vector<16xf32>
        %broadcast_in_dim3A_458 = vector.broadcast %jit3A_456 : f32 to vector<16xf32>
        %select_n3A_459 = arith.select %ne3A_454, %broadcast_in_dim3A_457, %broadcast_in_dim3A_458 : vector<16xi1>, vector<16xf32>
        %add3A_460 = arith.constant 0 : i32
        %add3A_461 = arith.addi %add3A_460, %scan3A_417 : i32
        %get3A_462 = arith.constant 2 : i32
        %get3A_463 = arith.index_cast %get3A_462 : i32 to index
        %get3A_464 = arith.index_cast %scan3A_417 : i32 to index
        %get3A_465 = arith.constant 0 : index
        %get3A_466 = tpu.vector_load %arg7[%get3A_463, %get3A_464, %get3A_465] {strides = array<i32>} : memref<4x112x128xf32, #tpu.memory_space<vmem>>, vector<1x1x16xf32>,
        %get3A_467 = vector.shape_cast %get3A_466 : vector<1x1x16xf32> to vector<16xf32>
        %get3A_468 = arith.constant 2 : i32
        %get3A_469 = arith.index_cast %get3A_468 : i32 to index
        %get3A_470 = arith.index_cast %scan3A_417 : i32 to index
        %get3A_471 = arith.constant 16 : index
        %get3A_472 = tpu.vector_load %arg7[%get3A_469, %get3A_470, %get3A_471] {strides = array<i32>} : memref<4x112x128xf32, #tpu.memory_space<vmem>>, vector<1x1x16xf32>,
        %get3A_473 = vector.shape_cast %get3A_472 : vector<1x1x16xf32> to vector<16xf32>
        %get3A_474 = arith.constant 2 : i32
        %get3A_475 = arith.index_cast %get3A_474 : i32 to index
        %get3A_476 = arith.index_cast %scan3A_417 : i32 to index
        %get3A_477 = arith.constant 32 : index
        %get3A_478 = tpu.vector_load %arg7[%get3A_475, %get3A_476, %get3A_477] {strides = array<i32>} : memref<4x112x128xf32, #tpu.memory_space<vmem>>, vector<1x1x16xf32>,
        %get3A_479 = vector.shape_cast %get3A_478 : vector<1x1x16xf32> to vector<16xf32>
        %get3A_480 = arith.constant 2 : i32
        %get3A_481 = arith.index_cast %get3A_480 : i32 to index
        %get3A_482 = arith.index_cast %scan3A_417 : i32 to index
        %get3A_483 = arith.constant 48 : index
        %get3A_484 = tpu.vector_load %arg7[%get3A_481, %get3A_482, %get3A_483] {strides = array<i32>} : memref<4x112x128xf32, #tpu.memory_space<vmem>>, vector<1x1x16xf32>,
        %get3A_485 = vector.shape_cast %get3A_484 : vector<1x1x16xf32> to vector<16xf32>
        %get3A_486 = arith.constant 2 : i32
        %get3A_487 = arith.index_cast %get3A_486 : i32 to index
        %get3A_488 = arith.index_cast %scan3A_417 : i32 to index
        %get3A_489 = arith.constant 64 : index
        %get3A_490 = tpu.vector_load %arg7[%get3A_487, %get3A_488, %get3A_489] {strides = array<i32>} : memref<4x112x128xf32, #tpu.memory_space<vmem>>, vector<1x1x16xf32>,
        %get3A_491 = vector.shape_cast %get3A_490 : vector<1x1x16xf32> to vector<16xf32>
        %get3A_492 = arith.constant 2 : i32
        %get3A_493 = arith.index_cast %get3A_492 : i32 to index
        %get3A_494 = arith.index_cast %scan3A_417 : i32 to index
        %get3A_495 = arith.constant 80 : index
        %get3A_496 = tpu.vector_load %arg7[%get3A_493, %get3A_494, %get3A_495] {strides = array<i32>} : memref<4x112x128xf32, #tpu.memory_space<vmem>>, vector<1x1x16xf32>,
        %get3A_497 = vector.shape_cast %get3A_496 : vector<1x1x16xf32> to vector<16xf32>
        %get3A_498 = arith.constant 2 : i32
        %get3A_499 = arith.index_cast %get3A_498 : i32 to index
        %get3A_500 = arith.index_cast %scan3A_417 : i32 to index
        %get3A_501 = arith.constant 96 : index
        %get3A_502 = tpu.vector_load %arg7[%get3A_499, %get3A_500, %get3A_501] {strides = array<i32>} : memref<4x112x128xf32, #tpu.memory_space<vmem>>, vector<1x1x16xf32>,
        %get3A_503 = vector.shape_cast %get3A_502 : vector<1x1x16xf32> to vector<16xf32>
        %get3A_504 = arith.constant 2 : i32
        %get3A_505 = arith.index_cast %get3A_504 : i32 to index
        %get3A_506 = arith.index_cast %scan3A_417 : i32 to index
        %get3A_507 = arith.constant 112 : index
        %get3A_508 = tpu.vector_load %arg7[%get3A_505, %get3A_506, %get3A_507] {strides = array<i32>} : memref<4x112x128xf32, #tpu.memory_space<vmem>>, vector<1x1x16xf32>,
        %get3A_509 = vector.shape_cast %get3A_508 : vector<1x1x16xf32> to vector<16xf32>
        %get3A_510 = arith.index_cast %add3A_461 : i32 to index
        %get3A_511 = arith.constant 0 : index
        %get3A_512 = tpu.vector_load %arg8[%get3A_510, %get3A_511] {strides = array<i32>} : memref<224x128xf32, #tpu.memory_space<vmem>>, vector<1x16xf32>,
        %get3A_513 = vector.shape_cast %get3A_512 : vector<1x16xf32> to vector<16xf32>
        %get3A_514 = arith.index_cast %add3A_461 : i32 to index
        %get3A_515 = arith.constant 16 : index
        %get3A_516 = tpu.vector_load %arg8[%get3A_514, %get3A_515] {strides = array<i32>} : memref<224x128xf32, #tpu.memory_space<vmem>>, vector<1x16xf32>,
        %get3A_517 = vector.shape_cast %get3A_516 : vector<1x16xf32> to vector<16xf32>
        %get3A_518 = arith.index_cast %add3A_461 : i32 to index
        %get3A_519 = arith.constant 32 : index
        %get3A_520 = tpu.vector_load %arg8[%get3A_518, %get3A_519] {strides = array<i32>} : memref<224x128xf32, #tpu.memory_space<vmem>>, vector<1x16xf32>,
        %get3A_521 = vector.shape_cast %get3A_520 : vector<1x16xf32> to vector<16xf32>
        %get3A_522 = arith.index_cast %add3A_461 : i32 to index
        %get3A_523 = arith.constant 48 : index
        %get3A_524 = tpu.vector_load %arg8[%get3A_522, %get3A_523] {strides = array<i32>} : memref<224x128xf32, #tpu.memory_space<vmem>>, vector<1x16xf32>,
        %get3A_525 = vector.shape_cast %get3A_524 : vector<1x16xf32> to vector<16xf32>
        %get3A_526 = arith.index_cast %add3A_461 : i32 to index
        %get3A_527 = arith.constant 64 : index
        %get3A_528 = tpu.vector_load %arg8[%get3A_526, %get3A_527] {strides = array<i32>} : memref<224x128xf32, #tpu.memory_space<vmem>>, vector<1x16xf32>,
        %get3A_529 = vector.shape_cast %get3A_528 : vector<1x16xf32> to vector<16xf32>
        %get3A_530 = arith.index_cast %add3A_461 : i32 to index
        %get3A_531 = arith.constant 80 : index
        %get3A_532 = tpu.vector_load %arg8[%get3A_530, %get3A_531] {strides = array<i32>} : memref<224x128xf32, #tpu.memory_space<vmem>>, vector<1x16xf32>,
        %get3A_533 = vector.shape_cast %get3A_532 : vector<1x16xf32> to vector<16xf32>
        %get3A_534 = arith.index_cast %add3A_461 : i32 to index
        %get3A_535 = arith.constant 96 : index
        %get3A_536 = tpu.vector_load %arg8[%get3A_534, %get3A_535] {strides = array<i32>} : memref<224x128xf32, #tpu.memory_space<vmem>>, vector<1x16xf32>,
        %get3A_537 = vector.shape_cast %get3A_536 : vector<1x16xf32> to vector<16xf32>
        %get3A_538 = arith.index_cast %add3A_461 : i32 to index
        %get3A_539 = arith.constant 112 : index
        %get3A_540 = tpu.vector_load %arg8[%get3A_538, %get3A_539] {strides = array<i32>} : memref<224x128xf32, #tpu.memory_space<vmem>>, vector<1x16xf32>,
        %get3A_541 = vector.shape_cast %get3A_540 : vector<1x16xf32> to vector<16xf32>
        %mul3A_542 = arith.constant 11.3137083 : f32
        %mul3A_543 = vector.broadcast %mul3A_542 : f32 to vector<16xf32>
        %mul3A_544 = arith.mulf %get3A_467, %mul3A_543 : vector<16xf32>
        %add3A_545 = arith.addf %mul3A_544, %get3A_513 : vector<16xf32>
        %mul3A_546 = arith.mulf %add3A_545, %select_n3A_459 : vector<16xf32>
        %swap3A = arith.constant 2 : i32
        %swap3A_547 = arith.index_cast %swap3A : i32 to index
        %swap3A_548 = arith.index_cast %scan3A_417 : i32 to index
        %swap3A_549 = arith.constant 0 : index
        %swap3A_550 = tpu.vector_load %arg7[%swap3A_547, %swap3A_548, %swap3A_549] {strides = array<i32>} : memref<4x112x128xf32, #tpu.memory_space<vmem>>, vector<1x1x16xf32>,
        %swap3A_551 = vector.shape_cast %swap3A_550 : vector<1x1x16xf32> to vector<16xf32>
        %swap3A_552 = vector.shape_cast %mul3A_546 : vector<16xf32> to vector<1x1x16xf32>
        tpu.vector_store %arg7[%swap3A_547, %swap3A_548, %swap3A_549], %swap3A_552 {strides = array<i32>} : memref<4x112x128xf32, #tpu.memory_space<vmem>>, vector<1x1x16xf32>,
        %mul3A_553 = arith.constant 11.3137083 : f32
        %mul3A_554 = vector.broadcast %mul3A_553 : f32 to vector<16xf32>
        %mul3A_555 = arith.mulf %get3A_473, %mul3A_554 : vector<16xf32>
        %add3A_556 = arith.addf %mul3A_555, %get3A_517 : vector<16xf32>
        %mul3A_557 = arith.mulf %add3A_556, %select_n3A_459 : vector<16xf32>
        %swap3A_558 = arith.constant 2 : i32
        %swap3A_559 = arith.index_cast %swap3A_558 : i32 to index
        %swap3A_560 = arith.index_cast %scan3A_417 : i32 to index
        %swap3A_561 = arith.constant 16 : index
        %swap3A_562 = tpu.vector_load %arg7[%swap3A_559, %swap3A_560, %swap3A_561] {strides = array<i32>} : memref<4x112x128xf32, #tpu.memory_space<vmem>>, vector<1x1x16xf32>,
        %swap3A_563 = vector.shape_cast %swap3A_562 : vector<1x1x16xf32> to vector<16xf32>
        %swap3A_564 = vector.shape_cast %mul3A_557 : vector<16xf32> to vector<1x1x16xf32>
        tpu.vector_store %arg7[%swap3A_559, %swap3A_560, %swap3A_561], %swap3A_564 {strides = array<i32>} : memref<4x112x128xf32, #tpu.memory_space<vmem>>, vector<1x1x16xf32>,
        %mul3A_565 = arith.constant 11.3137083 : f32
        %mul3A_566 = vector.broadcast %mul3A_565 : f32 to vector<16xf32>
        %mul3A_567 = arith.mulf %get3A_479, %mul3A_566 : vector<16xf32>
        %add3A_568 = arith.addf %mul3A_567, %get3A_521 : vector<16xf32>
        %mul3A_569 = arith.mulf %add3A_568, %select_n3A_459 : vector<16xf32>
        %swap3A_570 = arith.constant 2 : i32
        %swap3A_571 = arith.index_cast %swap3A_570 : i32 to index
        %swap3A_572 = arith.index_cast %scan3A_417 : i32 to index
        %swap3A_573 = arith.constant 32 : index
        %swap3A_574 = tpu.vector_load %arg7[%swap3A_571, %swap3A_572, %swap3A_573] {strides = array<i32>} : memref<4x112x128xf32, #tpu.memory_space<vmem>>, vector<1x1x16xf32>,
        %swap3A_575 = vector.shape_cast %swap3A_574 : vector<1x1x16xf32> to vector<16xf32>
        %swap3A_576 = vector.shape_cast %mul3A_569 : vector<16xf32> to vector<1x1x16xf32>
        tpu.vector_store %arg7[%swap3A_571, %swap3A_572, %swap3A_573], %swap3A_576 {strides = array<i32>} : memref<4x112x128xf32, #tpu.memory_space<vmem>>, vector<1x1x16xf32>,
        %mul3A_577 = arith.constant 11.3137083 : f32
        %mul3A_578 = vector.broadcast %mul3A_577 : f32 to vector<16xf32>
        %mul3A_579 = arith.mulf %get3A_485, %mul3A_578 : vector<16xf32>
        %add3A_580 = arith.addf %mul3A_579, %get3A_525 : vector<16xf32>
        %mul3A_581 = arith.mulf %add3A_580, %select_n3A_459 : vector<16xf32>
        %swap3A_582 = arith.constant 2 : i32
        %swap3A_583 = arith.index_cast %swap3A_582 : i32 to index
        %swap3A_584 = arith.index_cast %scan3A_417 : i32 to index
        %swap3A_585 = arith.constant 48 : index
        %swap3A_586 = tpu.vector_load %arg7[%swap3A_583, %swap3A_584, %swap3A_585] {strides = array<i32>} : memref<4x112x128xf32, #tpu.memory_space<vmem>>, vector<1x1x16xf32>,
        %swap3A_587 = vector.shape_cast %swap3A_586 : vector<1x1x16xf32> to vector<16xf32>
        %swap3A_588 = vector.shape_cast %mul3A_581 : vector<16xf32> to vector<1x1x16xf32>
        tpu.vector_store %arg7[%swap3A_583, %swap3A_584, %swap3A_585], %swap3A_588 {strides = array<i32>} : memref<4x112x128xf32, #tpu.memory_space<vmem>>, vector<1x1x16xf32>,
        %mul3A_589 = arith.constant 11.3137083 : f32
        %mul3A_590 = vector.broadcast %mul3A_589 : f32 to vector<16xf32>
        %mul3A_591 = arith.mulf %get3A_491, %mul3A_590 : vector<16xf32>
        %add3A_592 = arith.addf %mul3A_591, %get3A_529 : vector<16xf32>
        %mul3A_593 = arith.mulf %add3A_592, %select_n3A_459 : vector<16xf32>
        %swap3A_594 = arith.constant 2 : i32
        %swap3A_595 = arith.index_cast %swap3A_594 : i32 to index
        %swap3A_596 = arith.index_cast %scan3A_417 : i32 to index
        %swap3A_597 = arith.constant 64 : index
        %swap3A_598 = tpu.vector_load %arg7[%swap3A_595, %swap3A_596, %swap3A_597] {strides = array<i32>} : memref<4x112x128xf32, #tpu.memory_space<vmem>>, vector<1x1x16xf32>,
        %swap3A_599 = vector.shape_cast %swap3A_598 : vector<1x1x16xf32> to vector<16xf32>
        %swap3A_600 = vector.shape_cast %mul3A_593 : vector<16xf32> to vector<1x1x16xf32>
        tpu.vector_store %arg7[%swap3A_595, %swap3A_596, %swap3A_597], %swap3A_600 {strides = array<i32>} : memref<4x112x128xf32, #tpu.memory_space<vmem>>, vector<1x1x16xf32>,
        %mul3A_601 = arith.constant 11.3137083 : f32
        %mul3A_602 = vector.broadcast %mul3A_601 : f32 to vector<16xf32>
        %mul3A_603 = arith.mulf %get3A_497, %mul3A_602 : vector<16xf32>
        %add3A_604 = arith.addf %mul3A_603, %get3A_533 : vector<16xf32>
        %mul3A_605 = arith.mulf %add3A_604, %select_n3A_459 : vector<16xf32>
        %swap3A_606 = arith.constant 2 : i32
        %swap3A_607 = arith.index_cast %swap3A_606 : i32 to index
        %swap3A_608 = arith.index_cast %scan3A_417 : i32 to index
        %swap3A_609 = arith.constant 80 : index
        %swap3A_610 = tpu.vector_load %arg7[%swap3A_607, %swap3A_608, %swap3A_609] {strides = array<i32>} : memref<4x112x128xf32, #tpu.memory_space<vmem>>, vector<1x1x16xf32>,
        %swap3A_611 = vector.shape_cast %swap3A_610 : vector<1x1x16xf32> to vector<16xf32>
        %swap3A_612 = vector.shape_cast %mul3A_605 : vector<16xf32> to vector<1x1x16xf32>
        tpu.vector_store %arg7[%swap3A_607, %swap3A_608, %swap3A_609], %swap3A_612 {strides = array<i32>} : memref<4x112x128xf32, #tpu.memory_space<vmem>>, vector<1x1x16xf32>,
        %mul3A_613 = arith.constant 11.3137083 : f32
        %mul3A_614 = vector.broadcast %mul3A_613 : f32 to vector<16xf32>
        %mul3A_615 = arith.mulf %get3A_503, %mul3A_614 : vector<16xf32>
        %add3A_616 = arith.addf %mul3A_615, %get3A_537 : vector<16xf32>
        %mul3A_617 = arith.mulf %add3A_616, %select_n3A_459 : vector<16xf32>
        %swap3A_618 = arith.constant 2 : i32
        %swap3A_619 = arith.index_cast %swap3A_618 : i32 to index
        %swap3A_620 = arith.index_cast %scan3A_417 : i32 to index
        %swap3A_621 = arith.constant 96 : index
        %swap3A_622 = tpu.vector_load %arg7[%swap3A_619, %swap3A_620, %swap3A_621] {strides = array<i32>} : memref<4x112x128xf32, #tpu.memory_space<vmem>>, vector<1x1x16xf32>,
        %swap3A_623 = vector.shape_cast %swap3A_622 : vector<1x1x16xf32> to vector<16xf32>
        %swap3A_624 = vector.shape_cast %mul3A_617 : vector<16xf32> to vector<1x1x16xf32>
        tpu.vector_store %arg7[%swap3A_619, %swap3A_620, %swap3A_621], %swap3A_624 {strides = array<i32>} : memref<4x112x128xf32, #tpu.memory_space<vmem>>, vector<1x1x16xf32>,
        %mul3A_625 = arith.constant 11.3137083 : f32
        %mul3A_626 = vector.broadcast %mul3A_625 : f32 to vector<16xf32>
        %mul3A_627 = arith.mulf %get3A_509, %mul3A_626 : vector<16xf32>
        %add3A_628 = arith.addf %mul3A_627, %get3A_541 : vector<16xf32>
        %mul3A_629 = arith.mulf %add3A_628, %select_n3A_459 : vector<16xf32>
        %swap3A_630 = arith.constant 2 : i32
        %swap3A_631 = arith.index_cast %swap3A_630 : i32 to index
        %swap3A_632 = arith.index_cast %scan3A_417 : i32 to index
        %swap3A_633 = arith.constant 112 : index
        %swap3A_634 = tpu.vector_load %arg7[%swap3A_631, %swap3A_632, %swap3A_633] {strides = array<i32>} : memref<4x112x128xf32, #tpu.memory_space<vmem>>, vector<1x1x16xf32>,
        %swap3A_635 = vector.shape_cast %swap3A_634 : vector<1x1x16xf32> to vector<16xf32>
        %swap3A_636 = vector.shape_cast %mul3A_629 : vector<16xf32> to vector<1x1x16xf32>
        tpu.vector_store %arg7[%swap3A_631, %swap3A_632, %swap3A_633], %swap3A_636 {strides = array<i32>} : memref<4x112x128xf32, #tpu.memory_space<vmem>>, vector<1x1x16xf32>,
        %scan3A_637 = arith.constant 1 : i32
        %scan3A_638 = arith.addi %scan3A_417, %scan3A_637 : i32
        %jit3A_639 = arith.constant 16 : i32
        %div3A_640 = arith.divsi %scan3A_638, %jit3A_639 : i32
        %sign3A_641 = arith.constant 0 : i32
        %sign3A_642 = arith.cmpi sgt, %scan3A_638, %sign3A_641 : i32
        %sign3A_643 = arith.extui %sign3A_642 : i1 to i32
        %sign3A_644 = arith.constant 0 : i32
        %sign3A_645 = arith.cmpi slt, %scan3A_638, %sign3A_644 : i32
        %sign3A_646 = arith.extui %sign3A_645 : i1 to i32
        %sign3A_647 = arith.subi %sign3A_643, %sign3A_646 : i32
        %sign3A_648 = arith.constant 0 : i32
        %sign3A_649 = arith.cmpi sgt, %jit3A_639, %sign3A_648 : i32
        %sign3A_650 = arith.extui %sign3A_649 : i1 to i32
        %sign3A_651 = arith.constant 0 : i32
        %sign3A_652 = arith.cmpi slt, %jit3A_639, %sign3A_651 : i32
        %sign3A_653 = arith.extui %sign3A_652 : i1 to i32
        %sign3A_654 = arith.subi %sign3A_650, %sign3A_653 : i32
        %ne3A_655 = arith.cmpi ne, %sign3A_647, %sign3A_654 : i32
        %rem3A_656 = arith.remsi %scan3A_638, %jit3A_639 : i32
        %ne3A_657 = arith.constant 0 : i32
        %ne3A_658 = arith.cmpi ne, %rem3A_656, %ne3A_657 : i32
        %and3A_659 = arith.andi %ne3A_655, %ne3A_658 : i1
        %sub3A_660 = arith.constant 1 : i32
        %sub3A_661 = arith.subi %div3A_640, %sub3A_660 : i32
        %select_n3A_662 = arith.select %and3A_659, %sub3A_661, %div3A_640 : i32
        %mul3A_663 = arith.constant 16 : i32
        %mul3A_664 = arith.muli %select_n3A_662, %mul3A_663 : i32
        %sub3A_665 = arith.subi %scan3A_638, %mul3A_664 : i32
        %mul3A_666 = arith.constant 16 : i32
        %mul3A_667 = arith.muli %select_n3A_662, %mul3A_666 : i32
        %get3A_668 = arith.constant 0 : i32
        %get3A_669 = arith.index_cast %add3A_305 : i32 to index
        %get3A_670 = arith.index_cast %get3A_668 : i32 to index
        %get3A_671 = arith.index_cast %mul3A_667 : i32 to index
        %get3A_672 = tpu.vector_load %arg6[%get3A_669, %get3A_670, %get3A_671] {strides = array<i32>} : memref<128x2x128xi32, #tpu.memory_space<vmem>>, vector<1x1x16xi32>,
        %get3A_673 = vector.shape_cast %get3A_672 : vector<1x1x16xi32> to vector<16xi32>
        %broadcast_in_dim3A_674 = vector.broadcast %sub3A_665 : i32 to vector<16xi32>
        %lt3A_675 = arith.constant 0 : i32
        %lt3A_676 = vector.broadcast %lt3A_675 : i32 to vector<16xi32>
        %lt3A_677 = arith.cmpi slt, %broadcast_in_dim3A_674, %lt3A_676 : vector<16xi32>
        %add3A_678 = arith.constant 16 : i32
        %add3A_679 = vector.broadcast %add3A_678 : i32 to vector<16xi32>
        %add3A_680 = arith.addi %broadcast_in_dim3A_674, %add3A_679 : vector<16xi32>
        %select_n3A_681 = arith.select %lt3A_677, %add3A_680, %broadcast_in_dim3A_674 : vector<16xi1>, vector<16xi32>
        %reshape3A_682 = vector.shape_cast %select_n3A_681 : vector<16xi32> to vector<16x1xi32>
        %gather3A_683 = vector.shape_cast %reshape3A_682 : vector<16x1xi32> to vector<16xi32>
        %gather3A_684 = tpu.dynamic_gather %get3A_673[%gather3A_683] in [0] : vector<16xi32>, vector<16xi32> -> vector<16xi32>
        %ne3A_685 = arith.constant 0 : i32
        %ne3A_686 = vector.broadcast %ne3A_685 : i32 to vector<16xi32>
        %ne3A_687 = arith.cmpi ne, %gather3A_684, %ne3A_686 : vector<16xi32>
        %jit3A_688 = arith.constant 1.000000e+00 : f32
        %jit3A_689 = arith.constant 0.000000e+00 : f32
        %broadcast_in_dim3A_690 = vector.broadcast %jit3A_688 : f32 to vector<16xf32>
        %broadcast_in_dim3A_691 = vector.broadcast %jit3A_689 : f32 to vector<16xf32>
        %select_n3A_692 = arith.select %ne3A_687, %broadcast_in_dim3A_690, %broadcast_in_dim3A_691 : vector<16xi1>, vector<16xf32>
        %add3A_693 = arith.constant 0 : i32
        %add3A_694 = arith.addi %add3A_693, %scan3A_638 : i32
        %get3A_695 = arith.constant 2 : i32
        %get3A_696 = arith.index_cast %get3A_695 : i32 to index
        %get3A_697 = arith.index_cast %scan3A_638 : i32 to index
        %get3A_698 = arith.constant 0 : index
        %get3A_699 = tpu.vector_load %arg7[%get3A_696, %get3A_697, %get3A_698] {strides = array<i32>} : memref<4x112x128xf32, #tpu.memory_space<vmem>>, vector<1x1x16xf32>,
        %get3A_700 = vector.shape_cast %get3A_699 : vector<1x1x16xf32> to vector<16xf32>
        %get3A_701 = arith.constant 2 : i32
        %get3A_702 = arith.index_cast %get3A_701 : i32 to index
        %get3A_703 = arith.index_cast %scan3A_638 : i32 to index
        %get3A_704 = arith.constant 16 : index
        %get3A_705 = tpu.vector_load %arg7[%get3A_702, %get3A_703, %get3A_704] {strides = array<i32>} : memref<4x112x128xf32, #tpu.memory_space<vmem>>, vector<1x1x16xf32>,
        %get3A_706 = vector.shape_cast %get3A_705 : vector<1x1x16xf32> to vector<16xf32>
        %get3A_707 = arith.constant 2 : i32
        %get3A_708 = arith.index_cast %get3A_707 : i32 to index
        %get3A_709 = arith.index_cast %scan3A_638 : i32 to index
        %get3A_710 = arith.constant 32 : index
        %get3A_711 = tpu.vector_load %arg7[%get3A_708, %get3A_709, %get3A_710] {strides = array<i32>} : memref<4x112x128xf32, #tpu.memory_space<vmem>>, vector<1x1x16xf32>,
        %get3A_712 = vector.shape_cast %get3A_711 : vector<1x1x16xf32> to vector<16xf32>
        %get3A_713 = arith.constant 2 : i32
        %get3A_714 = arith.index_cast %get3A_713 : i32 to index
        %get3A_715 = arith.index_cast %scan3A_638 : i32 to index
        %get3A_716 = arith.constant 48 : index
        %get3A_717 = tpu.vector_load %arg7[%get3A_714, %get3A_715, %get3A_716] {strides = array<i32>} : memref<4x112x128xf32, #tpu.memory_space<vmem>>, vector<1x1x16xf32>,
        %get3A_718 = vector.shape_cast %get3A_717 : vector<1x1x16xf32> to vector<16xf32>
        %get3A_719 = arith.constant 2 : i32
        %get3A_720 = arith.index_cast %get3A_719 : i32 to index
        %get3A_721 = arith.index_cast %scan3A_638 : i32 to index
        %get3A_722 = arith.constant 64 : index
        %get3A_723 = tpu.vector_load %arg7[%get3A_720, %get3A_721, %get3A_722] {strides = array<i32>} : memref<4x112x128xf32, #tpu.memory_space<vmem>>, vector<1x1x16xf32>,
        %get3A_724 = vector.shape_cast %get3A_723 : vector<1x1x16xf32> to vector<16xf32>
        %get3A_725 = arith.constant 2 : i32
        %get3A_726 = arith.index_cast %get3A_725 : i32 to index
        %get3A_727 = arith.index_cast %scan3A_638 : i32 to index
        %get3A_728 = arith.constant 80 : index
        %get3A_729 = tpu.vector_load %arg7[%get3A_726, %get3A_727, %get3A_728] {strides = array<i32>} : memref<4x112x128xf32, #tpu.memory_space<vmem>>, vector<1x1x16xf32>,
        %get3A_730 = vector.shape_cast %get3A_729 : vector<1x1x16xf32> to vector<16xf32>
        %get3A_731 = arith.constant 2 : i32
        %get3A_732 = arith.index_cast %get3A_731 : i32 to index
        %get3A_733 = arith.index_cast %scan3A_638 : i32 to index
        %get3A_734 = arith.constant 96 : index
        %get3A_735 = tpu.vector_load %arg7[%get3A_732, %get3A_733, %get3A_734] {strides = array<i32>} : memref<4x112x128xf32, #tpu.memory_space<vmem>>, vector<1x1x16xf32>,
        %get3A_736 = vector.shape_cast %get3A_735 : vector<1x1x16xf32> to vector<16xf32>
        %get3A_737 = arith.constant 2 : i32
        %get3A_738 = arith.index_cast %get3A_737 : i32 to index
        %get3A_739 = arith.index_cast %scan3A_638 : i32 to index
        %get3A_740 = arith.constant 112 : index
        %get3A_741 = tpu.vector_load %arg7[%get3A_738, %get3A_739, %get3A_740] {strides = array<i32>} : memref<4x112x128xf32, #tpu.memory_space<vmem>>, vector<1x1x16xf32>,
        %get3A_742 = vector.shape_cast %get3A_741 : vector<1x1x16xf32> to vector<16xf32>
        %get3A_743 = arith.index_cast %add3A_694 : i32 to index
        %get3A_744 = arith.constant 0 : index
        %get3A_745 = tpu.vector_load %arg8[%get3A_743, %get3A_744] {strides = array<i32>} : memref<224x128xf32, #tpu.memory_space<vmem>>, vector<1x16xf32>,
        %get3A_746 = vector.shape_cast %get3A_745 : vector<1x16xf32> to vector<16xf32>
        %get3A_747 = arith.index_cast %add3A_694 : i32 to index
        %get3A_748 = arith.constant 16 : index
        %get3A_749 = tpu.vector_load %arg8[%get3A_747, %get3A_748] {strides = array<i32>} : memref<224x128xf32, #tpu.memory_space<vmem>>, vector<1x16xf32>,
        %get3A_750 = vector.shape_cast %get3A_749 : vector<1x16xf32> to vector<16xf32>
        %get3A_751 = arith.index_cast %add3A_694 : i32 to index
        %get3A_752 = arith.constant 32 : index
        %get3A_753 = tpu.vector_load %arg8[%get3A_751, %get3A_752] {strides = array<i32>} : memref<224x128xf32, #tpu.memory_space<vmem>>, vector<1x16xf32>,
        %get3A_754 = vector.shape_cast %get3A_753 : vector<1x16xf32> to vector<16xf32>
        %get3A_755 = arith.index_cast %add3A_694 : i32 to index
        %get3A_756 = arith.constant 48 : index
        %get3A_757 = tpu.vector_load %arg8[%get3A_755, %get3A_756] {strides = array<i32>} : memref<224x128xf32, #tpu.memory_space<vmem>>, vector<1x16xf32>,
        %get3A_758 = vector.shape_cast %get3A_757 : vector<1x16xf32> to vector<16xf32>
        %get3A_759 = arith.index_cast %add3A_694 : i32 to index
        %get3A_760 = arith.constant 64 : index
        %get3A_761 = tpu.vector_load %arg8[%get3A_759, %get3A_760] {strides = array<i32>} : memref<224x128xf32, #tpu.memory_space<vmem>>, vector<1x16xf32>,
        %get3A_762 = vector.shape_cast %get3A_761 : vector<1x16xf32> to vector<16xf32>
        %get3A_763 = arith.index_cast %add3A_694 : i32 to index
        %get3A_764 = arith.constant 80 : index
        %get3A_765 = tpu.vector_load %arg8[%get3A_763, %get3A_764] {strides = array<i32>} : memref<224x128xf32, #tpu.memory_space<vmem>>, vector<1x16xf32>,
        %get3A_766 = vector.shape_cast %get3A_765 : vector<1x16xf32> to vector<16xf32>
        %get3A_767 = arith.index_cast %add3A_694 : i32 to index
        %get3A_768 = arith.constant 96 : index
        %get3A_769 = tpu.vector_load %arg8[%get3A_767, %get3A_768] {strides = array<i32>} : memref<224x128xf32, #tpu.memory_space<vmem>>, vector<1x16xf32>,
        %get3A_770 = vector.shape_cast %get3A_769 : vector<1x16xf32> to vector<16xf32>
        %get3A_771 = arith.index_cast %add3A_694 : i32 to index
        %get3A_772 = arith.constant 112 : index
        %get3A_773 = tpu.vector_load %arg8[%get3A_771, %get3A_772] {strides = array<i32>} : memref<224x128xf32, #tpu.memory_space<vmem>>, vector<1x16xf32>,
        %get3A_774 = vector.shape_cast %get3A_773 : vector<1x16xf32> to vector<16xf32>
        %mul3A_775 = arith.constant 11.3137083 : f32
        %mul3A_776 = vector.broadcast %mul3A_775 : f32 to vector<16xf32>
        %mul3A_777 = arith.mulf %get3A_700, %mul3A_776 : vector<16xf32>
        %add3A_778 = arith.addf %mul3A_777, %get3A_746 : vector<16xf32>
        %mul3A_779 = arith.mulf %add3A_778, %select_n3A_692 : vector<16xf32>
        %swap3A_780 = arith.constant 2 : i32
        %swap3A_781 = arith.index_cast %swap3A_780 : i32 to index
        %swap3A_782 = arith.index_cast %scan3A_638 : i32 to index
        %swap3A_783 = arith.constant 0 : index
        %swap3A_784 = tpu.vector_load %arg7[%swap3A_781, %swap3A_782, %swap3A_783] {strides = array<i32>} : memref<4x112x128xf32, #tpu.memory_space<vmem>>, vector<1x1x16xf32>,
        %swap3A_785 = vector.shape_cast %swap3A_784 : vector<1x1x16xf32> to vector<16xf32>
        %swap3A_786 = vector.shape_cast %mul3A_779 : vector<16xf32> to vector<1x1x16xf32>
        tpu.vector_store %arg7[%swap3A_781, %swap3A_782, %swap3A_783], %swap3A_786 {strides = array<i32>} : memref<4x112x128xf32, #tpu.memory_space<vmem>>, vector<1x1x16xf32>,
        %mul3A_787 = arith.constant 11.3137083 : f32
        %mul3A_788 = vector.broadcast %mul3A_787 : f32 to vector<16xf32>
        %mul3A_789 = arith.mulf %get3A_706, %mul3A_788 : vector<16xf32>
        %add3A_790 = arith.addf %mul3A_789, %get3A_750 : vector<16xf32>
        %mul3A_791 = arith.mulf %add3A_790, %select_n3A_692 : vector<16xf32>
        %swap3A_792 = arith.constant 2 : i32
        %swap3A_793 = arith.index_cast %swap3A_792 : i32 to index
        %swap3A_794 = arith.index_cast %scan3A_638 : i32 to index
        %swap3A_795 = arith.constant 16 : index
        %swap3A_796 = tpu.vector_load %arg7[%swap3A_793, %swap3A_794, %swap3A_795] {strides = array<i32>} : memref<4x112x128xf32, #tpu.memory_space<vmem>>, vector<1x1x16xf32>,
        %swap3A_797 = vector.shape_cast %swap3A_796 : vector<1x1x16xf32> to vector<16xf32>
        %swap3A_798 = vector.shape_cast %mul3A_791 : vector<16xf32> to vector<1x1x16xf32>
        tpu.vector_store %arg7[%swap3A_793, %swap3A_794, %swap3A_795], %swap3A_798 {strides = array<i32>} : memref<4x112x128xf32, #tpu.memory_space<vmem>>, vector<1x1x16xf32>,
        %mul3A_799 = arith.constant 11.3137083 : f32
        %mul3A_800 = vector.broadcast %mul3A_799 : f32 to vector<16xf32>
        %mul3A_801 = arith.mulf %get3A_712, %mul3A_800 : vector<16xf32>
        %add3A_802 = arith.addf %mul3A_801, %get3A_754 : vector<16xf32>
        %mul3A_803 = arith.mulf %add3A_802, %select_n3A_692 : vector<16xf32>
        %swap3A_804 = arith.constant 2 : i32
        %swap3A_805 = arith.index_cast %swap3A_804 : i32 to index
        %swap3A_806 = arith.index_cast %scan3A_638 : i32 to index
        %swap3A_807 = arith.constant 32 : index
        %swap3A_808 = tpu.vector_load %arg7[%swap3A_805, %swap3A_806, %swap3A_807] {strides = array<i32>} : memref<4x112x128xf32, #tpu.memory_space<vmem>>, vector<1x1x16xf32>,
        %swap3A_809 = vector.shape_cast %swap3A_808 : vector<1x1x16xf32> to vector<16xf32>
        %swap3A_810 = vector.shape_cast %mul3A_803 : vector<16xf32> to vector<1x1x16xf32>
        tpu.vector_store %arg7[%swap3A_805, %swap3A_806, %swap3A_807], %swap3A_810 {strides = array<i32>} : memref<4x112x128xf32, #tpu.memory_space<vmem>>, vector<1x1x16xf32>,
        %mul3A_811 = arith.constant 11.3137083 : f32
        %mul3A_812 = vector.broadcast %mul3A_811 : f32 to vector<16xf32>
        %mul3A_813 = arith.mulf %get3A_718, %mul3A_812 : vector<16xf32>
        %add3A_814 = arith.addf %mul3A_813, %get3A_758 : vector<16xf32>
        %mul3A_815 = arith.mulf %add3A_814, %select_n3A_692 : vector<16xf32>
        %swap3A_816 = arith.constant 2 : i32
        %swap3A_817 = arith.index_cast %swap3A_816 : i32 to index
        %swap3A_818 = arith.index_cast %scan3A_638 : i32 to index
        %swap3A_819 = arith.constant 48 : index
        %swap3A_820 = tpu.vector_load %arg7[%swap3A_817, %swap3A_818, %swap3A_819] {strides = array<i32>} : memref<4x112x128xf32, #tpu.memory_space<vmem>>, vector<1x1x16xf32>,
        %swap3A_821 = vector.shape_cast %swap3A_820 : vector<1x1x16xf32> to vector<16xf32>
        %swap3A_822 = vector.shape_cast %mul3A_815 : vector<16xf32> to vector<1x1x16xf32>
        tpu.vector_store %arg7[%swap3A_817, %swap3A_818, %swap3A_819], %swap3A_822 {strides = array<i32>} : memref<4x112x128xf32, #tpu.memory_space<vmem>>, vector<1x1x16xf32>,
        %mul3A_823 = arith.constant 11.3137083 : f32
        %mul3A_824 = vector.broadcast %mul3A_823 : f32 to vector<16xf32>
        %mul3A_825 = arith.mulf %get3A_724, %mul3A_824 : vector<16xf32>
        %add3A_826 = arith.addf %mul3A_825, %get3A_762 : vector<16xf32>
        %mul3A_827 = arith.mulf %add3A_826, %select_n3A_692 : vector<16xf32>
        %swap3A_828 = arith.constant 2 : i32
        %swap3A_829 = arith.index_cast %swap3A_828 : i32 to index
        %swap3A_830 = arith.index_cast %scan3A_638 : i32 to index
        %swap3A_831 = arith.constant 64 : index
        %swap3A_832 = tpu.vector_load %arg7[%swap3A_829, %swap3A_830, %swap3A_831] {strides = array<i32>} : memref<4x112x128xf32, #tpu.memory_space<vmem>>, vector<1x1x16xf32>,
        %swap3A_833 = vector.shape_cast %swap3A_832 : vector<1x1x16xf32> to vector<16xf32>
        %swap3A_834 = vector.shape_cast %mul3A_827 : vector<16xf32> to vector<1x1x16xf32>
        tpu.vector_store %arg7[%swap3A_829, %swap3A_830, %swap3A_831], %swap3A_834 {strides = array<i32>} : memref<4x112x128xf32, #tpu.memory_space<vmem>>, vector<1x1x16xf32>,
        %mul3A_835 = arith.constant 11.3137083 : f32
        %mul3A_836 = vector.broadcast %mul3A_835 : f32 to vector<16xf32>
        %mul3A_837 = arith.mulf %get3A_730, %mul3A_836 : vector<16xf32>
        %add3A_838 = arith.addf %mul3A_837, %get3A_766 : vector<16xf32>
        %mul3A_839 = arith.mulf %add3A_838, %select_n3A_692 : vector<16xf32>
        %swap3A_840 = arith.constant 2 : i32
        %swap3A_841 = arith.index_cast %swap3A_840 : i32 to index
        %swap3A_842 = arith.index_cast %scan3A_638 : i32 to index
        %swap3A_843 = arith.constant 80 : index
        %swap3A_844 = tpu.vector_load %arg7[%swap3A_841, %swap3A_842, %swap3A_843] {strides = array<i32>} : memref<4x112x128xf32, #tpu.memory_space<vmem>>, vector<1x1x16xf32>,
        %swap3A_845 = vector.shape_cast %swap3A_844 : vector<1x1x16xf32> to vector<16xf32>
        %swap3A_846 = vector.shape_cast %mul3A_839 : vector<16xf32> to vector<1x1x16xf32>
        tpu.vector_store %arg7[%swap3A_841, %swap3A_842, %swap3A_843], %swap3A_846 {strides = array<i32>} : memref<4x112x128xf32, #tpu.memory_space<vmem>>, vector<1x1x16xf32>,
        %mul3A_847 = arith.constant 11.3137083 : f32
        %mul3A_848 = vector.broadcast %mul3A_847 : f32 to vector<16xf32>
        %mul3A_849 = arith.mulf %get3A_736, %mul3A_848 : vector<16xf32>
        %add3A_850 = arith.addf %mul3A_849, %get3A_770 : vector<16xf32>
        %mul3A_851 = arith.mulf %add3A_850, %select_n3A_692 : vector<16xf32>
        %swap3A_852 = arith.constant 2 : i32
        %swap3A_853 = arith.index_cast %swap3A_852 : i32 to index
        %swap3A_854 = arith.index_cast %scan3A_638 : i32 to index
        %swap3A_855 = arith.constant 96 : index
        %swap3A_856 = tpu.vector_load %arg7[%swap3A_853, %swap3A_854, %swap3A_855] {strides = array<i32>} : memref<4x112x128xf32, #tpu.memory_space<vmem>>, vector<1x1x16xf32>,
        %swap3A_857 = vector.shape_cast %swap3A_856 : vector<1x1x16xf32> to vector<16xf32>
        %swap3A_858 = vector.shape_cast %mul3A_851 : vector<16xf32> to vector<1x1x16xf32>
        tpu.vector_store %arg7[%swap3A_853, %swap3A_854, %swap3A_855], %swap3A_858 {strides = array<i32>} : memref<4x112x128xf32, #tpu.memory_space<vmem>>, vector<1x1x16xf32>,
        %mul3A_859 = arith.constant 11.3137083 : f32
        %mul3A_860 = vector.broadcast %mul3A_859 : f32 to vector<16xf32>
        %mul3A_861 = arith.mulf %get3A_742, %mul3A_860 : vector<16xf32>
        %add3A_862 = arith.addf %mul3A_861, %get3A_774 : vector<16xf32>
        %mul3A_863 = arith.mulf %add3A_862, %select_n3A_692 : vector<16xf32>
        %swap3A_864 = arith.constant 2 : i32
        %swap3A_865 = arith.index_cast %swap3A_864 : i32 to index
        %swap3A_866 = arith.index_cast %scan3A_638 : i32 to index
        %swap3A_867 = arith.constant 112 : index
        %swap3A_868 = tpu.vector_load %arg7[%swap3A_865, %swap3A_866, %swap3A_867] {strides = array<i32>} : memref<4x112x128xf32, #tpu.memory_space<vmem>>, vector<1x1x16xf32>,
        %swap3A_869 = vector.shape_cast %swap3A_868 : vector<1x1x16xf32> to vector<16xf32>
        %swap3A_870 = vector.shape_cast %mul3A_863 : vector<16xf32> to vector<1x1x16xf32>
        tpu.vector_store %arg7[%swap3A_865, %swap3A_866, %swap3A_867], %swap3A_870 {strides = array<i32>} : memref<4x112x128xf32, #tpu.memory_space<vmem>>, vector<1x1x16xf32>,
        %scan3A_871 = arith.constant 2 : i32
        %scan3A_872 = arith.addi %scan3A_417, %scan3A_871 : i32
        %jit3A_873 = arith.constant 16 : i32
        %div3A_874 = arith.divsi %scan3A_872, %jit3A_873 : i32
        %sign3A_875 = arith.constant 0 : i32
        %sign3A_876 = arith.cmpi sgt, %scan3A_872, %sign3A_875 : i32
        %sign3A_877 = arith.extui %sign3A_876 : i1 to i32
        %sign3A_878 = arith.constant 0 : i32
        %sign3A_879 = arith.cmpi slt, %scan3A_872, %sign3A_878 : i32
        %sign3A_880 = arith.extui %sign3A_879 : i1 to i32
        %sign3A_881 = arith.subi %sign3A_877, %sign3A_880 : i32
        %sign3A_882 = arith.constant 0 : i32
        %sign3A_883 = arith.cmpi sgt, %jit3A_873, %sign3A_882 : i32
        %sign3A_884 = arith.extui %sign3A_883 : i1 to i32
        %sign3A_885 = arith.constant 0 : i32
        %sign3A_886 = arith.cmpi slt, %jit3A_873, %sign3A_885 : i32
        %sign3A_887 = arith.extui %sign3A_886 : i1 to i32
        %sign3A_888 = arith.subi %sign3A_884, %sign3A_887 : i32
        %ne3A_889 = arith.cmpi ne, %sign3A_881, %sign3A_888 : i32
        %rem3A_890 = arith.remsi %scan3A_872, %jit3A_873 : i32
        %ne3A_891 = arith.constant 0 : i32
        %ne3A_892 = arith.cmpi ne, %rem3A_890, %ne3A_891 : i32
        %and3A_893 = arith.andi %ne3A_889, %ne3A_892 : i1
        %sub3A_894 = arith.constant 1 : i32
        %sub3A_895 = arith.subi %div3A_874, %sub3A_894 : i32
        %select_n3A_896 = arith.select %and3A_893, %sub3A_895, %div3A_874 : i32
        %mul3A_897 = arith.constant 16 : i32
        %mul3A_898 = arith.muli %select_n3A_896, %mul3A_897 : i32
        %sub3A_899 = arith.subi %scan3A_872, %mul3A_898 : i32
        %mul3A_900 = arith.constant 16 : i32
        %mul3A_901 = arith.muli %select_n3A_896, %mul3A_900 : i32
        %get3A_902 = arith.constant 0 : i32
        %get3A_903 = arith.index_cast %add3A_305 : i32 to index
        %get3A_904 = arith.index_cast %get3A_902 : i32 to index
        %get3A_905 = arith.index_cast %mul3A_901 : i32 to index
        %get3A_906 = tpu.vector_load %arg6[%get3A_903, %get3A_904, %get3A_905] {strides = array<i32>} : memref<128x2x128xi32, #tpu.memory_space<vmem>>, vector<1x1x16xi32>,
        %get3A_907 = vector.shape_cast %get3A_906 : vector<1x1x16xi32> to vector<16xi32>
        %broadcast_in_dim3A_908 = vector.broadcast %sub3A_899 : i32 to vector<16xi32>
        %lt3A_909 = arith.constant 0 : i32
        %lt3A_910 = vector.broadcast %lt3A_909 : i32 to vector<16xi32>
        %lt3A_911 = arith.cmpi slt, %broadcast_in_dim3A_908, %lt3A_910 : vector<16xi32>
        %add3A_912 = arith.constant 16 : i32
        %add3A_913 = vector.broadcast %add3A_912 : i32 to vector<16xi32>
        %add3A_914 = arith.addi %broadcast_in_dim3A_908, %add3A_913 : vector<16xi32>
        %select_n3A_915 = arith.select %lt3A_911, %add3A_914, %broadcast_in_dim3A_908 : vector<16xi1>, vector<16xi32>
        %reshape3A_916 = vector.shape_cast %select_n3A_915 : vector<16xi32> to vector<16x1xi32>
        %gather3A_917 = vector.shape_cast %reshape3A_916 : vector<16x1xi32> to vector<16xi32>
        %gather3A_918 = tpu.dynamic_gather %get3A_907[%gather3A_917] in [0] : vector<16xi32>, vector<16xi32> -> vector<16xi32>
        %ne3A_919 = arith.constant 0 : i32
        %ne3A_920 = vector.broadcast %ne3A_919 : i32 to vector<16xi32>
        %ne3A_921 = arith.cmpi ne, %gather3A_918, %ne3A_920 : vector<16xi32>
        %jit3A_922 = arith.constant 1.000000e+00 : f32
        %jit3A_923 = arith.constant 0.000000e+00 : f32
        %broadcast_in_dim3A_924 = vector.broadcast %jit3A_922 : f32 to vector<16xf32>
        %broadcast_in_dim3A_925 = vector.broadcast %jit3A_923 : f32 to vector<16xf32>
        %select_n3A_926 = arith.select %ne3A_921, %broadcast_in_dim3A_924, %broadcast_in_dim3A_925 : vector<16xi1>, vector<16xf32>
        %add3A_927 = arith.constant 0 : i32
        %add3A_928 = arith.addi %add3A_927, %scan3A_872 : i32
        %get3A_929 = arith.constant 2 : i32
        %get3A_930 = arith.index_cast %get3A_929 : i32 to index
        %get3A_931 = arith.index_cast %scan3A_872 : i32 to index
        %get3A_932 = arith.constant 0 : index
        %get3A_933 = tpu.vector_load %arg7[%get3A_930, %get3A_931, %get3A_932] {strides = array<i32>} : memref<4x112x128xf32, #tpu.memory_space<vmem>>, vector<1x1x16xf32>,
        %get3A_934 = vector.shape_cast %get3A_933 : vector<1x1x16xf32> to vector<16xf32>
        %get3A_935 = arith.constant 2 : i32
        %get3A_936 = arith.index_cast %get3A_935 : i32 to index
        %get3A_937 = arith.index_cast %scan3A_872 : i32 to index
        %get3A_938 = arith.constant 16 : index
        %get3A_939 = tpu.vector_load %arg7[%get3A_936, %get3A_937, %get3A_938] {strides = array<i32>} : memref<4x112x128xf32, #tpu.memory_space<vmem>>, vector<1x1x16xf32>,
        %get3A_940 = vector.shape_cast %get3A_939 : vector<1x1x16xf32> to vector<16xf32>
        %get3A_941 = arith.constant 2 : i32
        %get3A_942 = arith.index_cast %get3A_941 : i32 to index
        %get3A_943 = arith.index_cast %scan3A_872 : i32 to index
        %get3A_944 = arith.constant 32 : index
        %get3A_945 = tpu.vector_load %arg7[%get3A_942, %get3A_943, %get3A_944] {strides = array<i32>} : memref<4x112x128xf32, #tpu.memory_space<vmem>>, vector<1x1x16xf32>,
        %get3A_946 = vector.shape_cast %get3A_945 : vector<1x1x16xf32> to vector<16xf32>
        %get3A_947 = arith.constant 2 : i32
        %get3A_948 = arith.index_cast %get3A_947 : i32 to index
        %get3A_949 = arith.index_cast %scan3A_872 : i32 to index
        %get3A_950 = arith.constant 48 : index
        %get3A_951 = tpu.vector_load %arg7[%get3A_948, %get3A_949, %get3A_950] {strides = array<i32>} : memref<4x112x128xf32, #tpu.memory_space<vmem>>, vector<1x1x16xf32>,
        %get3A_952 = vector.shape_cast %get3A_951 : vector<1x1x16xf32> to vector<16xf32>
        %get3A_953 = arith.constant 2 : i32
        %get3A_954 = arith.index_cast %get3A_953 : i32 to index
        %get3A_955 = arith.index_cast %scan3A_872 : i32 to index
        %get3A_956 = arith.constant 64 : index
        %get3A_957 = tpu.vector_load %arg7[%get3A_954, %get3A_955, %get3A_956] {strides = array<i32>} : memref<4x112x128xf32, #tpu.memory_space<vmem>>, vector<1x1x16xf32>,
        %get3A_958 = vector.shape_cast %get3A_957 : vector<1x1x16xf32> to vector<16xf32>
        %get3A_959 = arith.constant 2 : i32
        %get3A_960 = arith.index_cast %get3A_959 : i32 to index
        %get3A_961 = arith.index_cast %scan3A_872 : i32 to index
        %get3A_962 = arith.constant 80 : index
        %get3A_963 = tpu.vector_load %arg7[%get3A_960, %get3A_961, %get3A_962] {strides = array<i32>} : memref<4x112x128xf32, #tpu.memory_space<vmem>>, vector<1x1x16xf32>,
        %get3A_964 = vector.shape_cast %get3A_963 : vector<1x1x16xf32> to vector<16xf32>
        %get3A_965 = arith.constant 2 : i32
        %get3A_966 = arith.index_cast %get3A_965 : i32 to index
        %get3A_967 = arith.index_cast %scan3A_872 : i32 to index
        %get3A_968 = arith.constant 96 : index
        %get3A_969 = tpu.vector_load %arg7[%get3A_966, %get3A_967, %get3A_968] {strides = array<i32>} : memref<4x112x128xf32, #tpu.memory_space<vmem>>, vector<1x1x16xf32>,
        %get3A_970 = vector.shape_cast %get3A_969 : vector<1x1x16xf32> to vector<16xf32>
        %get3A_971 = arith.constant 2 : i32
        %get3A_972 = arith.index_cast %get3A_971 : i32 to index
        %get3A_973 = arith.index_cast %scan3A_872 : i32 to index
        %get3A_974 = arith.constant 112 : index
        %get3A_975 = tpu.vector_load %arg7[%get3A_972, %get3A_973, %get3A_974] {strides = array<i32>} : memref<4x112x128xf32, #tpu.memory_space<vmem>>, vector<1x1x16xf32>,
        %get3A_976 = vector.shape_cast %get3A_975 : vector<1x1x16xf32> to vector<16xf32>
        %get3A_977 = arith.index_cast %add3A_928 : i32 to index
        %get3A_978 = arith.constant 0 : index
        %get3A_979 = tpu.vector_load %arg8[%get3A_977, %get3A_978] {strides = array<i32>} : memref<224x128xf32, #tpu.memory_space<vmem>>, vector<1x16xf32>,
        %get3A_980 = vector.shape_cast %get3A_979 : vector<1x16xf32> to vector<16xf32>
        %get3A_981 = arith.index_cast %add3A_928 : i32 to index
        %get3A_982 = arith.constant 16 : index
        %get3A_983 = tpu.vector_load %arg8[%get3A_981, %get3A_982] {strides = array<i32>} : memref<224x128xf32, #tpu.memory_space<vmem>>, vector<1x16xf32>,
        %get3A_984 = vector.shape_cast %get3A_983 : vector<1x16xf32> to vector<16xf32>
        %get3A_985 = arith.index_cast %add3A_928 : i32 to index
        %get3A_986 = arith.constant 32 : index
        %get3A_987 = tpu.vector_load %arg8[%get3A_985, %get3A_986] {strides = array<i32>} : memref<224x128xf32, #tpu.memory_space<vmem>>, vector<1x16xf32>,
        %get3A_988 = vector.shape_cast %get3A_987 : vector<1x16xf32> to vector<16xf32>
        %get3A_989 = arith.index_cast %add3A_928 : i32 to index
        %get3A_990 = arith.constant 48 : index
        %get3A_991 = tpu.vector_load %arg8[%get3A_989, %get3A_990] {strides = array<i32>} : memref<224x128xf32, #tpu.memory_space<vmem>>, vector<1x16xf32>,
        %get3A_992 = vector.shape_cast %get3A_991 : vector<1x16xf32> to vector<16xf32>
        %get3A_993 = arith.index_cast %add3A_928 : i32 to index
        %get3A_994 = arith.constant 64 : index
        %get3A_995 = tpu.vector_load %arg8[%get3A_993, %get3A_994] {strides = array<i32>} : memref<224x128xf32, #tpu.memory_space<vmem>>, vector<1x16xf32>,
        %get3A_996 = vector.shape_cast %get3A_995 : vector<1x16xf32> to vector<16xf32>
        %get3A_997 = arith.index_cast %add3A_928 : i32 to index
        %get3A_998 = arith.constant 80 : index
        %get3A_999 = tpu.vector_load %arg8[%get3A_997, %get3A_998] {strides = array<i32>} : memref<224x128xf32, #tpu.memory_space<vmem>>, vector<1x16xf32>,
        %get3A_1000 = vector.shape_cast %get3A_999 : vector<1x16xf32> to vector<16xf32>
        %get3A_1001 = arith.index_cast %add3A_928 : i32 to index
        %get3A_1002 = arith.constant 96 : index
        %get3A_1003 = tpu.vector_load %arg8[%get3A_1001, %get3A_1002] {strides = array<i32>} : memref<224x128xf32, #tpu.memory_space<vmem>>, vector<1x16xf32>,
        %get3A_1004 = vector.shape_cast %get3A_1003 : vector<1x16xf32> to vector<16xf32>
        %get3A_1005 = arith.index_cast %add3A_928 : i32 to index
        %get3A_1006 = arith.constant 112 : index
        %get3A_1007 = tpu.vector_load %arg8[%get3A_1005, %get3A_1006] {strides = array<i32>} : memref<224x128xf32, #tpu.memory_space<vmem>>, vector<1x16xf32>,
        %get3A_1008 = vector.shape_cast %get3A_1007 : vector<1x16xf32> to vector<16xf32>
        %mul3A_1009 = arith.constant 11.3137083 : f32
        %mul3A_1010 = vector.broadcast %mul3A_1009 : f32 to vector<16xf32>
        %mul3A_1011 = arith.mulf %get3A_934, %mul3A_1010 : vector<16xf32>
        %add3A_1012 = arith.addf %mul3A_1011, %get3A_980 : vector<16xf32>
        %mul3A_1013 = arith.mulf %add3A_1012, %select_n3A_926 : vector<16xf32>
        %swap3A_1014 = arith.constant 2 : i32
        %swap3A_1015 = arith.index_cast %swap3A_1014 : i32 to index
        %swap3A_1016 = arith.index_cast %scan3A_872 : i32 to index
        %swap3A_1017 = arith.constant 0 : index
        %swap3A_1018 = tpu.vector_load %arg7[%swap3A_1015, %swap3A_1016, %swap3A_1017] {strides = array<i32>} : memref<4x112x128xf32, #tpu.memory_space<vmem>>, vector<1x1x16xf32>,
        %swap3A_1019 = vector.shape_cast %swap3A_1018 : vector<1x1x16xf32> to vector<16xf32>
        %swap3A_1020 = vector.shape_cast %mul3A_1013 : vector<16xf32> to vector<1x1x16xf32>
        tpu.vector_store %arg7[%swap3A_1015, %swap3A_1016, %swap3A_1017], %swap3A_1020 {strides = array<i32>} : memref<4x112x128xf32, #tpu.memory_space<vmem>>, vector<1x1x16xf32>,
        %mul3A_1021 = arith.constant 11.3137083 : f32
        %mul3A_1022 = vector.broadcast %mul3A_1021 : f32 to vector<16xf32>
        %mul3A_1023 = arith.mulf %get3A_940, %mul3A_1022 : vector<16xf32>
        %add3A_1024 = arith.addf %mul3A_1023, %get3A_984 : vector<16xf32>
        %mul3A_1025 = arith.mulf %add3A_1024, %select_n3A_926 : vector<16xf32>
        %swap3A_1026 = arith.constant 2 : i32
        %swap3A_1027 = arith.index_cast %swap3A_1026 : i32 to index
        %swap3A_1028 = arith.index_cast %scan3A_872 : i32 to index
        %swap3A_1029 = arith.constant 16 : index
        %swap3A_1030 = tpu.vector_load %arg7[%swap3A_1027, %swap3A_1028, %swap3A_1029] {strides = array<i32>} : memref<4x112x128xf32, #tpu.memory_space<vmem>>, vector<1x1x16xf32>,
        %swap3A_1031 = vector.shape_cast %swap3A_1030 : vector<1x1x16xf32> to vector<16xf32>
        %swap3A_1032 = vector.shape_cast %mul3A_1025 : vector<16xf32> to vector<1x1x16xf32>
        tpu.vector_store %arg7[%swap3A_1027, %swap3A_1028, %swap3A_1029], %swap3A_1032 {strides = array<i32>} : memref<4x112x128xf32, #tpu.memory_space<vmem>>, vector<1x1x16xf32>,
        %mul3A_1033 = arith.constant 11.3137083 : f32
        %mul3A_1034 = vector.broadcast %mul3A_1033 : f32 to vector<16xf32>
        %mul3A_1035 = arith.mulf %get3A_946, %mul3A_1034 : vector<16xf32>
        %add3A_1036 = arith.addf %mul3A_1035, %get3A_988 : vector<16xf32>
        %mul3A_1037 = arith.mulf %add3A_1036, %select_n3A_926 : vector<16xf32>
        %swap3A_1038 = arith.constant 2 : i32
        %swap3A_1039 = arith.index_cast %swap3A_1038 : i32 to index
        %swap3A_1040 = arith.index_cast %scan3A_872 : i32 to index
        %swap3A_1041 = arith.constant 32 : index
        %swap3A_1042 = tpu.vector_load %arg7[%swap3A_1039, %swap3A_1040, %swap3A_1041] {strides = array<i32>} : memref<4x112x128xf32, #tpu.memory_space<vmem>>, vector<1x1x16xf32>,
        %swap3A_1043 = vector.shape_cast %swap3A_1042 : vector<1x1x16xf32> to vector<16xf32>
        %swap3A_1044 = vector.shape_cast %mul3A_1037 : vector<16xf32> to vector<1x1x16xf32>
        tpu.vector_store %arg7[%swap3A_1039, %swap3A_1040, %swap3A_1041], %swap3A_1044 {strides = array<i32>} : memref<4x112x128xf32, #tpu.memory_space<vmem>>, vector<1x1x16xf32>,
        %mul3A_1045 = arith.constant 11.3137083 : f32
        %mul3A_1046 = vector.broadcast %mul3A_1045 : f32 to vector<16xf32>
        %mul3A_1047 = arith.mulf %get3A_952, %mul3A_1046 : vector<16xf32>
        %add3A_1048 = arith.addf %mul3A_1047, %get3A_992 : vector<16xf32>
        %mul3A_1049 = arith.mulf %add3A_1048, %select_n3A_926 : vector<16xf32>
        %swap3A_1050 = arith.constant 2 : i32
        %swap3A_1051 = arith.index_cast %swap3A_1050 : i32 to index
        %swap3A_1052 = arith.index_cast %scan3A_872 : i32 to index
        %swap3A_1053 = arith.constant 48 : index
        %swap3A_1054 = tpu.vector_load %arg7[%swap3A_1051, %swap3A_1052, %swap3A_1053] {strides = array<i32>} : memref<4x112x128xf32, #tpu.memory_space<vmem>>, vector<1x1x16xf32>,
        %swap3A_1055 = vector.shape_cast %swap3A_1054 : vector<1x1x16xf32> to vector<16xf32>
        %swap3A_1056 = vector.shape_cast %mul3A_1049 : vector<16xf32> to vector<1x1x16xf32>
        tpu.vector_store %arg7[%swap3A_1051, %swap3A_1052, %swap3A_1053], %swap3A_1056 {strides = array<i32>} : memref<4x112x128xf32, #tpu.memory_space<vmem>>, vector<1x1x16xf32>,
        %mul3A_1057 = arith.constant 11.3137083 : f32
        %mul3A_1058 = vector.broadcast %mul3A_1057 : f32 to vector<16xf32>
        %mul3A_1059 = arith.mulf %get3A_958, %mul3A_1058 : vector<16xf32>
        %add3A_1060 = arith.addf %mul3A_1059, %get3A_996 : vector<16xf32>
        %mul3A_1061 = arith.mulf %add3A_1060, %select_n3A_926 : vector<16xf32>
        %swap3A_1062 = arith.constant 2 : i32
        %swap3A_1063 = arith.index_cast %swap3A_1062 : i32 to index
        %swap3A_1064 = arith.index_cast %scan3A_872 : i32 to index
        %swap3A_1065 = arith.constant 64 : index
        %swap3A_1066 = tpu.vector_load %arg7[%swap3A_1063, %swap3A_1064, %swap3A_1065] {strides = array<i32>} : memref<4x112x128xf32, #tpu.memory_space<vmem>>, vector<1x1x16xf32>,
        %swap3A_1067 = vector.shape_cast %swap3A_1066 : vector<1x1x16xf32> to vector<16xf32>
        %swap3A_1068 = vector.shape_cast %mul3A_1061 : vector<16xf32> to vector<1x1x16xf32>
        tpu.vector_store %arg7[%swap3A_1063, %swap3A_1064, %swap3A_1065], %swap3A_1068 {strides = array<i32>} : memref<4x112x128xf32, #tpu.memory_space<vmem>>, vector<1x1x16xf32>,
        %mul3A_1069 = arith.constant 11.3137083 : f32
        %mul3A_1070 = vector.broadcast %mul3A_1069 : f32 to vector<16xf32>
        %mul3A_1071 = arith.mulf %get3A_964, %mul3A_1070 : vector<16xf32>
        %add3A_1072 = arith.addf %mul3A_1071, %get3A_1000 : vector<16xf32>
        %mul3A_1073 = arith.mulf %add3A_1072, %select_n3A_926 : vector<16xf32>
        %swap3A_1074 = arith.constant 2 : i32
        %swap3A_1075 = arith.index_cast %swap3A_1074 : i32 to index
        %swap3A_1076 = arith.index_cast %scan3A_872 : i32 to index
        %swap3A_1077 = arith.constant 80 : index
        %swap3A_1078 = tpu.vector_load %arg7[%swap3A_1075, %swap3A_1076, %swap3A_1077] {strides = array<i32>} : memref<4x112x128xf32, #tpu.memory_space<vmem>>, vector<1x1x16xf32>,
        %swap3A_1079 = vector.shape_cast %swap3A_1078 : vector<1x1x16xf32> to vector<16xf32>
        %swap3A_1080 = vector.shape_cast %mul3A_1073 : vector<16xf32> to vector<1x1x16xf32>
        tpu.vector_store %arg7[%swap3A_1075, %swap3A_1076, %swap3A_1077], %swap3A_1080 {strides = array<i32>} : memref<4x112x128xf32, #tpu.memory_space<vmem>>, vector<1x1x16xf32>,
        %mul3A_1081 = arith.constant 11.3137083 : f32
        %mul3A_1082 = vector.broadcast %mul3A_1081 : f32 to vector<16xf32>
        %mul3A_1083 = arith.mulf %get3A_970, %mul3A_1082 : vector<16xf32>
        %add3A_1084 = arith.addf %mul3A_1083, %get3A_1004 : vector<16xf32>
        %mul3A_1085 = arith.mulf %add3A_1084, %select_n3A_926 : vector<16xf32>
        %swap3A_1086 = arith.constant 2 : i32
        %swap3A_1087 = arith.index_cast %swap3A_1086 : i32 to index
        %swap3A_1088 = arith.index_cast %scan3A_872 : i32 to index
        %swap3A_1089 = arith.constant 96 : index
        %swap3A_1090 = tpu.vector_load %arg7[%swap3A_1087, %swap3A_1088, %swap3A_1089] {strides = array<i32>} : memref<4x112x128xf32, #tpu.memory_space<vmem>>, vector<1x1x16xf32>,
        %swap3A_1091 = vector.shape_cast %swap3A_1090 : vector<1x1x16xf32> to vector<16xf32>
        %swap3A_1092 = vector.shape_cast %mul3A_1085 : vector<16xf32> to vector<1x1x16xf32>
        tpu.vector_store %arg7[%swap3A_1087, %swap3A_1088, %swap3A_1089], %swap3A_1092 {strides = array<i32>} : memref<4x112x128xf32, #tpu.memory_space<vmem>>, vector<1x1x16xf32>,
        %mul3A_1093 = arith.constant 11.3137083 : f32
        %mul3A_1094 = vector.broadcast %mul3A_1093 : f32 to vector<16xf32>
        %mul3A_1095 = arith.mulf %get3A_976, %mul3A_1094 : vector<16xf32>
        %add3A_1096 = arith.addf %mul3A_1095, %get3A_1008 : vector<16xf32>
        %mul3A_1097 = arith.mulf %add3A_1096, %select_n3A_926 : vector<16xf32>
        %swap3A_1098 = arith.constant 2 : i32
        %swap3A_1099 = arith.index_cast %swap3A_1098 : i32 to index
        %swap3A_1100 = arith.index_cast %scan3A_872 : i32 to index
        %swap3A_1101 = arith.constant 112 : index
        %swap3A_1102 = tpu.vector_load %arg7[%swap3A_1099, %swap3A_1100, %swap3A_1101] {strides = array<i32>} : memref<4x112x128xf32, #tpu.memory_space<vmem>>, vector<1x1x16xf32>,
        %swap3A_1103 = vector.shape_cast %swap3A_1102 : vector<1x1x16xf32> to vector<16xf32>
        %swap3A_1104 = vector.shape_cast %mul3A_1097 : vector<16xf32> to vector<1x1x16xf32>
        tpu.vector_store %arg7[%swap3A_1099, %swap3A_1100, %swap3A_1101], %swap3A_1104 {strides = array<i32>} : memref<4x112x128xf32, #tpu.memory_space<vmem>>, vector<1x1x16xf32>,
        %scan3A_1105 = arith.constant 3 : i32
        %scan3A_1106 = arith.addi %scan3A_417, %scan3A_1105 : i32
        %jit3A_1107 = arith.constant 16 : i32
        %div3A_1108 = arith.divsi %scan3A_1106, %jit3A_1107 : i32
        %sign3A_1109 = arith.constant 0 : i32
        %sign3A_1110 = arith.cmpi sgt, %scan3A_1106, %sign3A_1109 : i32
        %sign3A_1111 = arith.extui %sign3A_1110 : i1 to i32
        %sign3A_1112 = arith.constant 0 : i32
        %sign3A_1113 = arith.cmpi slt, %scan3A_1106, %sign3A_1112 : i32
        %sign3A_1114 = arith.extui %sign3A_1113 : i1 to i32
        %sign3A_1115 = arith.subi %sign3A_1111, %sign3A_1114 : i32
        %sign3A_1116 = arith.constant 0 : i32
        %sign3A_1117 = arith.cmpi sgt, %jit3A_1107, %sign3A_1116 : i32
        %sign3A_1118 = arith.extui %sign3A_1117 : i1 to i32
        %sign3A_1119 = arith.constant 0 : i32
        %sign3A_1120 = arith.cmpi slt, %jit3A_1107, %sign3A_1119 : i32
        %sign3A_1121 = arith.extui %sign3A_1120 : i1 to i32
        %sign3A_1122 = arith.subi %sign3A_1118, %sign3A_1121 : i32
        %ne3A_1123 = arith.cmpi ne, %sign3A_1115, %sign3A_1122 : i32
        %rem3A_1124 = arith.remsi %scan3A_1106, %jit3A_1107 : i32
        %ne3A_1125 = arith.constant 0 : i32
        %ne3A_1126 = arith.cmpi ne, %rem3A_1124, %ne3A_1125 : i32
        %and3A_1127 = arith.andi %ne3A_1123, %ne3A_1126 : i1
        %sub3A_1128 = arith.constant 1 : i32
        %sub3A_1129 = arith.subi %div3A_1108, %sub3A_1128 : i32
        %select_n3A_1130 = arith.select %and3A_1127, %sub3A_1129, %div3A_1108 : i32
        %mul3A_1131 = arith.constant 16 : i32
        %mul3A_1132 = arith.muli %select_n3A_1130, %mul3A_1131 : i32
        %sub3A_1133 = arith.subi %scan3A_1106, %mul3A_1132 : i32
        %mul3A_1134 = arith.constant 16 : i32
        %mul3A_1135 = arith.muli %select_n3A_1130, %mul3A_1134 : i32
        %get3A_1136 = arith.constant 0 : i32
        %get3A_1137 = arith.index_cast %add3A_305 : i32 to index
        %get3A_1138 = arith.index_cast %get3A_1136 : i32 to index
        %get3A_1139 = arith.index_cast %mul3A_1135 : i32 to index
        %get3A_1140 = tpu.vector_load %arg6[%get3A_1137, %get3A_1138, %get3A_1139] {strides = array<i32>} : memref<128x2x128xi32, #tpu.memory_space<vmem>>, vector<1x1x16xi32>,
        %get3A_1141 = vector.shape_cast %get3A_1140 : vector<1x1x16xi32> to vector<16xi32>
        %broadcast_in_dim3A_1142 = vector.broadcast %sub3A_1133 : i32 to vector<16xi32>
        %lt3A_1143 = arith.constant 0 : i32
        %lt3A_1144 = vector.broadcast %lt3A_1143 : i32 to vector<16xi32>
        %lt3A_1145 = arith.cmpi slt, %broadcast_in_dim3A_1142, %lt3A_1144 : vector<16xi32>
        %add3A_1146 = arith.constant 16 : i32
        %add3A_1147 = vector.broadcast %add3A_1146 : i32 to vector<16xi32>
        %add3A_1148 = arith.addi %broadcast_in_dim3A_1142, %add3A_1147 : vector<16xi32>
        %select_n3A_1149 = arith.select %lt3A_1145, %add3A_1148, %broadcast_in_dim3A_1142 : vector<16xi1>, vector<16xi32>
        %reshape3A_1150 = vector.shape_cast %select_n3A_1149 : vector<16xi32> to vector<16x1xi32>
        %gather3A_1151 = vector.shape_cast %reshape3A_1150 : vector<16x1xi32> to vector<16xi32>
        %gather3A_1152 = tpu.dynamic_gather %get3A_1141[%gather3A_1151] in [0] : vector<16xi32>, vector<16xi32> -> vector<16xi32>
        %ne3A_1153 = arith.constant 0 : i32
        %ne3A_1154 = vector.broadcast %ne3A_1153 : i32 to vector<16xi32>
        %ne3A_1155 = arith.cmpi ne, %gather3A_1152, %ne3A_1154 : vector<16xi32>
        %jit3A_1156 = arith.constant 1.000000e+00 : f32
        %jit3A_1157 = arith.constant 0.000000e+00 : f32
        %broadcast_in_dim3A_1158 = vector.broadcast %jit3A_1156 : f32 to vector<16xf32>
        %broadcast_in_dim3A_1159 = vector.broadcast %jit3A_1157 : f32 to vector<16xf32>
        %select_n3A_1160 = arith.select %ne3A_1155, %broadcast_in_dim3A_1158, %broadcast_in_dim3A_1159 : vector<16xi1>, vector<16xf32>
        %add3A_1161 = arith.constant 0 : i32
        %add3A_1162 = arith.addi %add3A_1161, %scan3A_1106 : i32
        %get3A_1163 = arith.constant 2 : i32
        %get3A_1164 = arith.index_cast %get3A_1163 : i32 to index
        %get3A_1165 = arith.index_cast %scan3A_1106 : i32 to index
        %get3A_1166 = arith.constant 0 : index
        %get3A_1167 = tpu.vector_load %arg7[%get3A_1164, %get3A_1165, %get3A_1166] {strides = array<i32>} : memref<4x112x128xf32, #tpu.memory_space<vmem>>, vector<1x1x16xf32>,
        %get3A_1168 = vector.shape_cast %get3A_1167 : vector<1x1x16xf32> to vector<16xf32>
        %get3A_1169 = arith.constant 2 : i32
        %get3A_1170 = arith.index_cast %get3A_1169 : i32 to index
        %get3A_1171 = arith.index_cast %scan3A_1106 : i32 to index
        %get3A_1172 = arith.constant 16 : index
        %get3A_1173 = tpu.vector_load %arg7[%get3A_1170, %get3A_1171, %get3A_1172] {strides = array<i32>} : memref<4x112x128xf32, #tpu.memory_space<vmem>>, vector<1x1x16xf32>,
        %get3A_1174 = vector.shape_cast %get3A_1173 : vector<1x1x16xf32> to vector<16xf32>
        %get3A_1175 = arith.constant 2 : i32
        %get3A_1176 = arith.index_cast %get3A_1175 : i32 to index
        %get3A_1177 = arith.index_cast %scan3A_1106 : i32 to index
        %get3A_1178 = arith.constant 32 : index
        %get3A_1179 = tpu.vector_load %arg7[%get3A_1176, %get3A_1177, %get3A_1178] {strides = array<i32>} : memref<4x112x128xf32, #tpu.memory_space<vmem>>, vector<1x1x16xf32>,
        %get3A_1180 = vector.shape_cast %get3A_1179 : vector<1x1x16xf32> to vector<16xf32>
        %get3A_1181 = arith.constant 2 : i32
        %get3A_1182 = arith.index_cast %get3A_1181 : i32 to index
        %get3A_1183 = arith.index_cast %scan3A_1106 : i32 to index
        %get3A_1184 = arith.constant 48 : index
        %get3A_1185 = tpu.vector_load %arg7[%get3A_1182, %get3A_1183, %get3A_1184] {strides = array<i32>} : memref<4x112x128xf32, #tpu.memory_space<vmem>>, vector<1x1x16xf32>,
        %get3A_1186 = vector.shape_cast %get3A_1185 : vector<1x1x16xf32> to vector<16xf32>
        %get3A_1187 = arith.constant 2 : i32
        %get3A_1188 = arith.index_cast %get3A_1187 : i32 to index
        %get3A_1189 = arith.index_cast %scan3A_1106 : i32 to index
        %get3A_1190 = arith.constant 64 : index
        %get3A_1191 = tpu.vector_load %arg7[%get3A_1188, %get3A_1189, %get3A_1190] {strides = array<i32>} : memref<4x112x128xf32, #tpu.memory_space<vmem>>, vector<1x1x16xf32>,
        %get3A_1192 = vector.shape_cast %get3A_1191 : vector<1x1x16xf32> to vector<16xf32>
        %get3A_1193 = arith.constant 2 : i32
        %get3A_1194 = arith.index_cast %get3A_1193 : i32 to index
        %get3A_1195 = arith.index_cast %scan3A_1106 : i32 to index
        %get3A_1196 = arith.constant 80 : index
        %get3A_1197 = tpu.vector_load %arg7[%get3A_1194, %get3A_1195, %get3A_1196] {strides = array<i32>} : memref<4x112x128xf32, #tpu.memory_space<vmem>>, vector<1x1x16xf32>,
        %get3A_1198 = vector.shape_cast %get3A_1197 : vector<1x1x16xf32> to vector<16xf32>
        %get3A_1199 = arith.constant 2 : i32
        %get3A_1200 = arith.index_cast %get3A_1199 : i32 to index
        %get3A_1201 = arith.index_cast %scan3A_1106 : i32 to index
        %get3A_1202 = arith.constant 96 : index
        %get3A_1203 = tpu.vector_load %arg7[%get3A_1200, %get3A_1201, %get3A_1202] {strides = array<i32>} : memref<4x112x128xf32, #tpu.memory_space<vmem>>, vector<1x1x16xf32>,
        %get3A_1204 = vector.shape_cast %get3A_1203 : vector<1x1x16xf32> to vector<16xf32>
        %get3A_1205 = arith.constant 2 : i32
        %get3A_1206 = arith.index_cast %get3A_1205 : i32 to index
        %get3A_1207 = arith.index_cast %scan3A_1106 : i32 to index
        %get3A_1208 = arith.constant 112 : index
        %get3A_1209 = tpu.vector_load %arg7[%get3A_1206, %get3A_1207, %get3A_1208] {strides = array<i32>} : memref<4x112x128xf32, #tpu.memory_space<vmem>>, vector<1x1x16xf32>,
        %get3A_1210 = vector.shape_cast %get3A_1209 : vector<1x1x16xf32> to vector<16xf32>
        %get3A_1211 = arith.index_cast %add3A_1162 : i32 to index
        %get3A_1212 = arith.constant 0 : index
        %get3A_1213 = tpu.vector_load %arg8[%get3A_1211, %get3A_1212] {strides = array<i32>} : memref<224x128xf32, #tpu.memory_space<vmem>>, vector<1x16xf32>,
        %get3A_1214 = vector.shape_cast %get3A_1213 : vector<1x16xf32> to vector<16xf32>
        %get3A_1215 = arith.index_cast %add3A_1162 : i32 to index
        %get3A_1216 = arith.constant 16 : index
        %get3A_1217 = tpu.vector_load %arg8[%get3A_1215, %get3A_1216] {strides = array<i32>} : memref<224x128xf32, #tpu.memory_space<vmem>>, vector<1x16xf32>,
        %get3A_1218 = vector.shape_cast %get3A_1217 : vector<1x16xf32> to vector<16xf32>
        %get3A_1219 = arith.index_cast %add3A_1162 : i32 to index
        %get3A_1220 = arith.constant 32 : index
        %get3A_1221 = tpu.vector_load %arg8[%get3A_1219, %get3A_1220] {strides = array<i32>} : memref<224x128xf32, #tpu.memory_space<vmem>>, vector<1x16xf32>,
        %get3A_1222 = vector.shape_cast %get3A_1221 : vector<1x16xf32> to vector<16xf32>
        %get3A_1223 = arith.index_cast %add3A_1162 : i32 to index
        %get3A_1224 = arith.constant 48 : index
        %get3A_1225 = tpu.vector_load %arg8[%get3A_1223, %get3A_1224] {strides = array<i32>} : memref<224x128xf32, #tpu.memory_space<vmem>>, vector<1x16xf32>,
        %get3A_1226 = vector.shape_cast %get3A_1225 : vector<1x16xf32> to vector<16xf32>
        %get3A_1227 = arith.index_cast %add3A_1162 : i32 to index
        %get3A_1228 = arith.constant 64 : index
        %get3A_1229 = tpu.vector_load %arg8[%get3A_1227, %get3A_1228] {strides = array<i32>} : memref<224x128xf32, #tpu.memory_space<vmem>>, vector<1x16xf32>,
        %get3A_1230 = vector.shape_cast %get3A_1229 : vector<1x16xf32> to vector<16xf32>
        %get3A_1231 = arith.index_cast %add3A_1162 : i32 to index
        %get3A_1232 = arith.constant 80 : index
        %get3A_1233 = tpu.vector_load %arg8[%get3A_1231, %get3A_1232] {strides = array<i32>} : memref<224x128xf32, #tpu.memory_space<vmem>>, vector<1x16xf32>,
        %get3A_1234 = vector.shape_cast %get3A_1233 : vector<1x16xf32> to vector<16xf32>
        %get3A_1235 = arith.index_cast %add3A_1162 : i32 to index
        %get3A_1236 = arith.constant 96 : index
        %get3A_1237 = tpu.vector_load %arg8[%get3A_1235, %get3A_1236] {strides = array<i32>} : memref<224x128xf32, #tpu.memory_space<vmem>>, vector<1x16xf32>,
        %get3A_1238 = vector.shape_cast %get3A_1237 : vector<1x16xf32> to vector<16xf32>
        %get3A_1239 = arith.index_cast %add3A_1162 : i32 to index
        %get3A_1240 = arith.constant 112 : index
        %get3A_1241 = tpu.vector_load %arg8[%get3A_1239, %get3A_1240] {strides = array<i32>} : memref<224x128xf32, #tpu.memory_space<vmem>>, vector<1x16xf32>,
        %get3A_1242 = vector.shape_cast %get3A_1241 : vector<1x16xf32> to vector<16xf32>
        %mul3A_1243 = arith.constant 11.3137083 : f32
        %mul3A_1244 = vector.broadcast %mul3A_1243 : f32 to vector<16xf32>
        %mul3A_1245 = arith.mulf %get3A_1168, %mul3A_1244 : vector<16xf32>
        %add3A_1246 = arith.addf %mul3A_1245, %get3A_1214 : vector<16xf32>
        %mul3A_1247 = arith.mulf %add3A_1246, %select_n3A_1160 : vector<16xf32>
        %swap3A_1248 = arith.constant 2 : i32
        %swap3A_1249 = arith.index_cast %swap3A_1248 : i32 to index
        %swap3A_1250 = arith.index_cast %scan3A_1106 : i32 to index
        %swap3A_1251 = arith.constant 0 : index
        %swap3A_1252 = tpu.vector_load %arg7[%swap3A_1249, %swap3A_1250, %swap3A_1251] {strides = array<i32>} : memref<4x112x128xf32, #tpu.memory_space<vmem>>, vector<1x1x16xf32>,
        %swap3A_1253 = vector.shape_cast %swap3A_1252 : vector<1x1x16xf32> to vector<16xf32>
        %swap3A_1254 = vector.shape_cast %mul3A_1247 : vector<16xf32> to vector<1x1x16xf32>
        tpu.vector_store %arg7[%swap3A_1249, %swap3A_1250, %swap3A_1251], %swap3A_1254 {strides = array<i32>} : memref<4x112x128xf32, #tpu.memory_space<vmem>>, vector<1x1x16xf32>,
        %mul3A_1255 = arith.constant 11.3137083 : f32
        %mul3A_1256 = vector.broadcast %mul3A_1255 : f32 to vector<16xf32>
        %mul3A_1257 = arith.mulf %get3A_1174, %mul3A_1256 : vector<16xf32>
        %add3A_1258 = arith.addf %mul3A_1257, %get3A_1218 : vector<16xf32>
        %mul3A_1259 = arith.mulf %add3A_1258, %select_n3A_1160 : vector<16xf32>
        %swap3A_1260 = arith.constant 2 : i32
        %swap3A_1261 = arith.index_cast %swap3A_1260 : i32 to index
        %swap3A_1262 = arith.index_cast %scan3A_1106 : i32 to index
        %swap3A_1263 = arith.constant 16 : index
        %swap3A_1264 = tpu.vector_load %arg7[%swap3A_1261, %swap3A_1262, %swap3A_1263] {strides = array<i32>} : memref<4x112x128xf32, #tpu.memory_space<vmem>>, vector<1x1x16xf32>,
        %swap3A_1265 = vector.shape_cast %swap3A_1264 : vector<1x1x16xf32> to vector<16xf32>
        %swap3A_1266 = vector.shape_cast %mul3A_1259 : vector<16xf32> to vector<1x1x16xf32>
        tpu.vector_store %arg7[%swap3A_1261, %swap3A_1262, %swap3A_1263], %swap3A_1266 {strides = array<i32>} : memref<4x112x128xf32, #tpu.memory_space<vmem>>, vector<1x1x16xf32>,
        %mul3A_1267 = arith.constant 11.3137083 : f32
        %mul3A_1268 = vector.broadcast %mul3A_1267 : f32 to vector<16xf32>
        %mul3A_1269 = arith.mulf %get3A_1180, %mul3A_1268 : vector<16xf32>
        %add3A_1270 = arith.addf %mul3A_1269, %get3A_1222 : vector<16xf32>
        %mul3A_1271 = arith.mulf %add3A_1270, %select_n3A_1160 : vector<16xf32>
        %swap3A_1272 = arith.constant 2 : i32
        %swap3A_1273 = arith.index_cast %swap3A_1272 : i32 to index
        %swap3A_1274 = arith.index_cast %scan3A_1106 : i32 to index
        %swap3A_1275 = arith.constant 32 : index
        %swap3A_1276 = tpu.vector_load %arg7[%swap3A_1273, %swap3A_1274, %swap3A_1275] {strides = array<i32>} : memref<4x112x128xf32, #tpu.memory_space<vmem>>, vector<1x1x16xf32>,
        %swap3A_1277 = vector.shape_cast %swap3A_1276 : vector<1x1x16xf32> to vector<16xf32>
        %swap3A_1278 = vector.shape_cast %mul3A_1271 : vector<16xf32> to vector<1x1x16xf32>
        tpu.vector_store %arg7[%swap3A_1273, %swap3A_1274, %swap3A_1275], %swap3A_1278 {strides = array<i32>} : memref<4x112x128xf32, #tpu.memory_space<vmem>>, vector<1x1x16xf32>,
        %mul3A_1279 = arith.constant 11.3137083 : f32
        %mul3A_1280 = vector.broadcast %mul3A_1279 : f32 to vector<16xf32>
        %mul3A_1281 = arith.mulf %get3A_1186, %mul3A_1280 : vector<16xf32>
        %add3A_1282 = arith.addf %mul3A_1281, %get3A_1226 : vector<16xf32>
        %mul3A_1283 = arith.mulf %add3A_1282, %select_n3A_1160 : vector<16xf32>
        %swap3A_1284 = arith.constant 2 : i32
        %swap3A_1285 = arith.index_cast %swap3A_1284 : i32 to index
        %swap3A_1286 = arith.index_cast %scan3A_1106 : i32 to index
        %swap3A_1287 = arith.constant 48 : index
        %swap3A_1288 = tpu.vector_load %arg7[%swap3A_1285, %swap3A_1286, %swap3A_1287] {strides = array<i32>} : memref<4x112x128xf32, #tpu.memory_space<vmem>>, vector<1x1x16xf32>,
        %swap3A_1289 = vector.shape_cast %swap3A_1288 : vector<1x1x16xf32> to vector<16xf32>
        %swap3A_1290 = vector.shape_cast %mul3A_1283 : vector<16xf32> to vector<1x1x16xf32>
        tpu.vector_store %arg7[%swap3A_1285, %swap3A_1286, %swap3A_1287], %swap3A_1290 {strides = array<i32>} : memref<4x112x128xf32, #tpu.memory_space<vmem>>, vector<1x1x16xf32>,
        %mul3A_1291 = arith.constant 11.3137083 : f32
        %mul3A_1292 = vector.broadcast %mul3A_1291 : f32 to vector<16xf32>
        %mul3A_1293 = arith.mulf %get3A_1192, %mul3A_1292 : vector<16xf32>
        %add3A_1294 = arith.addf %mul3A_1293, %get3A_1230 : vector<16xf32>
        %mul3A_1295 = arith.mulf %add3A_1294, %select_n3A_1160 : vector<16xf32>
        %swap3A_1296 = arith.constant 2 : i32
        %swap3A_1297 = arith.index_cast %swap3A_1296 : i32 to index
        %swap3A_1298 = arith.index_cast %scan3A_1106 : i32 to index
        %swap3A_1299 = arith.constant 64 : index
        %swap3A_1300 = tpu.vector_load %arg7[%swap3A_1297, %swap3A_1298, %swap3A_1299] {strides = array<i32>} : memref<4x112x128xf32, #tpu.memory_space<vmem>>, vector<1x1x16xf32>,
        %swap3A_1301 = vector.shape_cast %swap3A_1300 : vector<1x1x16xf32> to vector<16xf32>
        %swap3A_1302 = vector.shape_cast %mul3A_1295 : vector<16xf32> to vector<1x1x16xf32>
        tpu.vector_store %arg7[%swap3A_1297, %swap3A_1298, %swap3A_1299], %swap3A_1302 {strides = array<i32>} : memref<4x112x128xf32, #tpu.memory_space<vmem>>, vector<1x1x16xf32>,
        %mul3A_1303 = arith.constant 11.3137083 : f32
        %mul3A_1304 = vector.broadcast %mul3A_1303 : f32 to vector<16xf32>
        %mul3A_1305 = arith.mulf %get3A_1198, %mul3A_1304 : vector<16xf32>
        %add3A_1306 = arith.addf %mul3A_1305, %get3A_1234 : vector<16xf32>
        %mul3A_1307 = arith.mulf %add3A_1306, %select_n3A_1160 : vector<16xf32>
        %swap3A_1308 = arith.constant 2 : i32
        %swap3A_1309 = arith.index_cast %swap3A_1308 : i32 to index
        %swap3A_1310 = arith.index_cast %scan3A_1106 : i32 to index
        %swap3A_1311 = arith.constant 80 : index
        %swap3A_1312 = tpu.vector_load %arg7[%swap3A_1309, %swap3A_1310, %swap3A_1311] {strides = array<i32>} : memref<4x112x128xf32, #tpu.memory_space<vmem>>, vector<1x1x16xf32>,
        %swap3A_1313 = vector.shape_cast %swap3A_1312 : vector<1x1x16xf32> to vector<16xf32>
        %swap3A_1314 = vector.shape_cast %mul3A_1307 : vector<16xf32> to vector<1x1x16xf32>
        tpu.vector_store %arg7[%swap3A_1309, %swap3A_1310, %swap3A_1311], %swap3A_1314 {strides = array<i32>} : memref<4x112x128xf32, #tpu.memory_space<vmem>>, vector<1x1x16xf32>,
        %mul3A_1315 = arith.constant 11.3137083 : f32
        %mul3A_1316 = vector.broadcast %mul3A_1315 : f32 to vector<16xf32>
        %mul3A_1317 = arith.mulf %get3A_1204, %mul3A_1316 : vector<16xf32>
        %add3A_1318 = arith.addf %mul3A_1317, %get3A_1238 : vector<16xf32>
        %mul3A_1319 = arith.mulf %add3A_1318, %select_n3A_1160 : vector<16xf32>
        %swap3A_1320 = arith.constant 2 : i32
        %swap3A_1321 = arith.index_cast %swap3A_1320 : i32 to index
        %swap3A_1322 = arith.index_cast %scan3A_1106 : i32 to index
        %swap3A_1323 = arith.constant 96 : index
        %swap3A_1324 = tpu.vector_load %arg7[%swap3A_1321, %swap3A_1322, %swap3A_1323] {strides = array<i32>} : memref<4x112x128xf32, #tpu.memory_space<vmem>>, vector<1x1x16xf32>,
        %swap3A_1325 = vector.shape_cast %swap3A_1324 : vector<1x1x16xf32> to vector<16xf32>
        %swap3A_1326 = vector.shape_cast %mul3A_1319 : vector<16xf32> to vector<1x1x16xf32>
        tpu.vector_store %arg7[%swap3A_1321, %swap3A_1322, %swap3A_1323], %swap3A_1326 {strides = array<i32>} : memref<4x112x128xf32, #tpu.memory_space<vmem>>, vector<1x1x16xf32>,
        %mul3A_1327 = arith.constant 11.3137083 : f32
        %mul3A_1328 = vector.broadcast %mul3A_1327 : f32 to vector<16xf32>
        %mul3A_1329 = arith.mulf %get3A_1210, %mul3A_1328 : vector<16xf32>
        %add3A_1330 = arith.addf %mul3A_1329, %get3A_1242 : vector<16xf32>
        %mul3A_1331 = arith.mulf %add3A_1330, %select_n3A_1160 : vector<16xf32>
        %swap3A_1332 = arith.constant 2 : i32
        %swap3A_1333 = arith.index_cast %swap3A_1332 : i32 to index
        %swap3A_1334 = arith.index_cast %scan3A_1106 : i32 to index
        %swap3A_1335 = arith.constant 112 : index
        %swap3A_1336 = tpu.vector_load %arg7[%swap3A_1333, %swap3A_1334, %swap3A_1335] {strides = array<i32>} : memref<4x112x128xf32, #tpu.memory_space<vmem>>, vector<1x1x16xf32>,
        %swap3A_1337 = vector.shape_cast %swap3A_1336 : vector<1x1x16xf32> to vector<16xf32>
        %swap3A_1338 = vector.shape_cast %mul3A_1331 : vector<16xf32> to vector<1x1x16xf32>
        tpu.vector_store %arg7[%swap3A_1333, %swap3A_1334, %swap3A_1335], %swap3A_1338 {strides = array<i32>} : memref<4x112x128xf32, #tpu.memory_space<vmem>>, vector<1x1x16xf32>,
      }
      %scan3A_332 = arith.constant 96 : i32
      %add3A_333 = arith.addi %mul3A_2, %add3A_305 : i32
      %dma_start3A_334 = arith.constant 2 : i32
      %dma_start3A_335 = arith.constant 0 : i32
      %dma_start3A_336 = arith.constant 0 : i32
      %dma_start3A_337 = tpu.memref_slice %arg7[%dma_start3A_334, %dma_start3A_335, %dma_start3A_336] : memref<4x112x128xf32, #tpu.memory_space<vmem>> -> memref<1x112x128xf32, #tpu.memory_space<vmem>>
      %dma_start3A_338 = tpu.memref_squeeze %dma_start3A_337 : memref<1x112x128xf32, #tpu.memory_space<vmem>> -> memref<112x128xf32, #tpu.memory_space<vmem>>
      %dma_start3A_339 = arith.constant 0 : i32
      %dma_start3A_340 = arith.constant 0 : i32
      %dma_start3A_341 = tpu.memref_slice %dma_start3A_338[%dma_start3A_339, %dma_start3A_340] : memref<112x128xf32, #tpu.memory_space<vmem>> -> memref<96x128xf32, #tpu.memory_space<vmem>>
      %dma_start3A_342 = arith.constant 0 : i32
      %dma_start3A_343 = arith.constant 0 : i32
      %dma_start3A_344 = tpu.memref_slice %arg5[%add3A_333, %dma_start3A_342, %dma_start3A_343] : memref<4096x200x128xf32, #tpu.memory_space<hbm>> -> memref<1x96x128xf32, #tpu.memory_space<hbm>>
      %dma_start3A_345 = tpu.memref_squeeze %dma_start3A_344 : memref<1x96x128xf32, #tpu.memory_space<hbm>> -> memref<96x128xf32, #tpu.memory_space<hbm>>
      %dma_start3A_346 = arith.constant 0 : i32
      %dma_start3A_347 = arith.constant 0 : i32
      %dma_start3A_348 = tpu.memref_slice %arg5[%add3A_333, %dma_start3A_346, %dma_start3A_347] : memref<4096x200x128xf32, #tpu.memory_space<hbm>> -> memref<1x96x128xf32, #tpu.memory_space<hbm>>
      %dma_start3A_349 = tpu.memref_squeeze %dma_start3A_348 : memref<1x96x128xf32, #tpu.memory_space<hbm>> -> memref<96x128xf32, #tpu.memory_space<hbm>>
      %dma_start3A_350 = arith.constant 0 : i32
      %dma_start3A_351 = arith.constant 0 : i32
      %dma_start3A_352 = tpu.memref_slice %arg7[%dma_start3A_334, %dma_start3A_350, %dma_start3A_351] : memref<4x112x128xf32, #tpu.memory_space<vmem>> -> memref<1x112x128xf32, #tpu.memory_space<vmem>>
      %dma_start3A_353 = tpu.memref_squeeze %dma_start3A_352 : memref<1x112x128xf32, #tpu.memory_space<vmem>> -> memref<112x128xf32, #tpu.memory_space<vmem>>
      %dma_start3A_354 = arith.constant 0 : i32
      %dma_start3A_355 = arith.constant 0 : i32
      %dma_start3A_356 = tpu.memref_slice %dma_start3A_353[%dma_start3A_354, %dma_start3A_355] : memref<112x128xf32, #tpu.memory_space<vmem>> -> memref<96x128xf32, #tpu.memory_space<vmem>>
      tpu.enqueue_dma source(%dma_start3A_356 : memref<96x128xf32, #tpu.memory_space<vmem>>) target(%dma_start3A_349 : memref<96x128xf32, #tpu.memory_space<hbm>>) target_semaphore(%arg15 : memref<!tpu.dma_semaphore, #tpu.memory_space<semaphore_mem>>)
      %mul3A_357 = arith.constant 4 : i32
      %mul3A_358 = arith.muli %scan3A_150, %mul3A_357 : i32
      %add3A_359 = arith.constant 3 : i32
      %add3A_360 = arith.addi %mul3A_358, %add3A_359 : i32
      %mul3A_361 = arith.constant 2 : i32
      %mul3A_362 = arith.muli %mul3A_361, %scan3A_150 : i32
      %add3A_363 = arith.constant 1 : i32
      %add3A_364 = arith.addi %mul3A_362, %add3A_363 : i32
      %dma_wait3A_365 = arith.constant 1 : i32
      %dma_wait3A_366 = arith.constant 3 : i32
      %dma_wait3A_367 = arith.constant 0 : i32
      %dma_wait3A_368 = arith.constant 0 : i32
      %dma_wait3A_369 = tpu.memref_slice %arg7[%dma_wait3A_366, %dma_wait3A_367, %dma_wait3A_368] : memref<4x112x128xf32, #tpu.memory_space<vmem>> -> memref<1x112x128xf32, #tpu.memory_space<vmem>>
      %dma_wait3A_370 = tpu.memref_squeeze %dma_wait3A_369 : memref<1x112x128xf32, #tpu.memory_space<vmem>> -> memref<112x128xf32, #tpu.memory_space<vmem>>
      %dma_wait3A_371 = arith.constant 0 : i32
      %dma_wait3A_372 = arith.constant 0 : i32
      %dma_wait3A_373 = tpu.memref_slice %dma_wait3A_370[%dma_wait3A_371, %dma_wait3A_372] : memref<112x128xf32, #tpu.memory_space<vmem>> -> memref<104x128xf32, #tpu.memory_space<vmem>>
      %dma_wait3A_374 = arith.constant 0 : i32
      %dma_wait3A_375 = tpu.memref_slice %arg6[%add3A_364, %dma_wait3A_365, %dma_wait3A_374] : memref<128x2x128xi32, #tpu.memory_space<vmem>> -> memref<1x1x104xi32, #tpu.memory_space<vmem>>
      %dma_wait3A_376 = tpu.memref_squeeze %dma_wait3A_375 : memref<1x1x104xi32, #tpu.memory_space<vmem>> -> memref<104xi32, #tpu.memory_space<vmem>>
      %dma_wait3A_377 = arith.constant 0 : i32
      %dma_wait3A_378 = arith.constant 0 : i32
      %dma_wait3A_379 = tpu.memref_slice %arg3[%dma_wait3A_377, %dma_wait3A_378] : memref<100000x128xf32, #tpu.memory_space<hbm>> -> memref<100000x128xf32, #tpu.memory_space<hbm>>
      tpu.wait_indirect_dma semaphore(%arg12 : memref<!tpu.dma_semaphore, #tpu.memory_space<semaphore_mem>>) src(%dma_wait3A_379 : memref<100000x128xf32, #tpu.memory_space<hbm>>) dst(%dma_wait3A_373 : memref<104x128xf32, #tpu.memory_space<vmem>>)
      %add3A_380 = arith.constant 2 : i32
      %add3A_381 = arith.addi %add3A_360, %add3A_380 : i32
      %lt3A_382 = arith.constant 256 : i32
      %lt3A_383 = arith.cmpi slt, %add3A_381, %lt3A_382 : i32
      %convert_element_type3A_384 = arith.extui %lt3A_383 : i1 to i32
      %cond3A_385 = arith.constant 0 : i32
      %cond3A_386 = arith.cmpi ne, %convert_element_type3A_384, %cond3A_385 : i32
      scf.if %cond3A_386 {
        %sub3A = arith.constant 1 : i32
        %sub3A_417 = arith.subi %add3A_364, %sub3A : i32
        %add3A_418 = arith.addi %mul3A_2, %sub3A_417 : i32
        %dma_wait3A_419 = arith.constant 1 : i32
        %dma_wait3A_420 = arith.constant 0 : i32
        %dma_wait3A_421 = arith.constant 0 : i32
        %dma_wait3A_422 = tpu.memref_slice %arg7[%dma_wait3A_419, %dma_wait3A_420, %dma_wait3A_421] : memref<4x112x128xf32, #tpu.memory_space<vmem>> -> memref<1x112x128xf32, #tpu.memory_space<vmem>>
        %dma_wait3A_423 = tpu.memref_squeeze %dma_wait3A_422 : memref<1x112x128xf32, #tpu.memory_space<vmem>> -> memref<112x128xf32, #tpu.memory_space<vmem>>
        %dma_wait3A_424 = arith.constant 0 : i32
        %dma_wait3A_425 = arith.constant 0 : i32
        %dma_wait3A_426 = tpu.memref_slice %dma_wait3A_423[%dma_wait3A_424, %dma_wait3A_425] : memref<112x128xf32, #tpu.memory_space<vmem>> -> memref<104x128xf32, #tpu.memory_space<vmem>>
        %dma_wait3A_427 = arith.constant 96 : i32
        %dma_wait3A_428 = arith.constant 0 : i32
        %dma_wait3A_429 = tpu.memref_slice %arg5[%add3A_418, %dma_wait3A_427, %dma_wait3A_428] : memref<4096x200x128xf32, #tpu.memory_space<hbm>> -> memref<1x104x128xf32, #tpu.memory_space<hbm>>
        %dma_wait3A_430 = tpu.memref_squeeze %dma_wait3A_429 : memref<1x104x128xf32, #tpu.memory_space<hbm>> -> memref<104x128xf32, #tpu.memory_space<hbm>>
        %dma_wait3A_431 = arith.constant 96 : i32
        %dma_wait3A_432 = arith.constant 0 : i32
        %dma_wait3A_433 = tpu.memref_slice %arg5[%add3A_418, %dma_wait3A_431, %dma_wait3A_432] : memref<4096x200x128xf32, #tpu.memory_space<hbm>> -> memref<1x104x128xf32, #tpu.memory_space<hbm>>
        %dma_wait3A_434 = tpu.memref_squeeze %dma_wait3A_433 : memref<1x104x128xf32, #tpu.memory_space<hbm>> -> memref<104x128xf32, #tpu.memory_space<hbm>>
        %dma_wait3A_435 = arith.constant 0 : i32
        %dma_wait3A_436 = arith.constant 0 : i32
        %dma_wait3A_437 = tpu.memref_slice %arg7[%dma_wait3A_419, %dma_wait3A_435, %dma_wait3A_436] : memref<4x112x128xf32, #tpu.memory_space<vmem>> -> memref<1x112x128xf32, #tpu.memory_space<vmem>>
        %dma_wait3A_438 = tpu.memref_squeeze %dma_wait3A_437 : memref<1x112x128xf32, #tpu.memory_space<vmem>> -> memref<112x128xf32, #tpu.memory_space<vmem>>
        %dma_wait3A_439 = arith.constant 0 : i32
        %dma_wait3A_440 = arith.constant 0 : i32
        %dma_wait3A_441 = tpu.memref_slice %dma_wait3A_438[%dma_wait3A_439, %dma_wait3A_440] : memref<112x128xf32, #tpu.memory_space<vmem>> -> memref<104x128xf32, #tpu.memory_space<vmem>>
        tpu.wait_dma2 semaphore(%arg14 : memref<!tpu.dma_semaphore, #tpu.memory_space<semaphore_mem>>) src(%dma_wait3A_441 : memref<104x128xf32, #tpu.memory_space<vmem>>) dst(%dma_wait3A_434 : memref<104x128xf32, #tpu.memory_space<hbm>>)
        %add3A_442 = arith.constant 1 : i32
        %add3A_443 = arith.addi %add3A_364, %add3A_442 : i32
        %dma_start3A_444 = arith.constant 1 : i32
        %dma_start3A_445 = arith.constant 1 : i32
        %dma_start3A_446 = arith.constant 0 : i32
        %dma_start3A_447 = arith.constant 0 : i32
        %dma_start3A_448 = tpu.memref_slice %arg7[%dma_start3A_445, %dma_start3A_446, %dma_start3A_447] : memref<4x112x128xf32, #tpu.memory_space<vmem>> -> memref<1x112x128xf32, #tpu.memory_space<vmem>>
        %dma_start3A_449 = tpu.memref_squeeze %dma_start3A_448 : memref<1x112x128xf32, #tpu.memory_space<vmem>> -> memref<112x128xf32, #tpu.memory_space<vmem>>
        %dma_start3A_450 = arith.constant 0 : i32
        %dma_start3A_451 = arith.constant 0 : i32
        %dma_start3A_452 = tpu.memref_slice %dma_start3A_449[%dma_start3A_450, %dma_start3A_451] : memref<112x128xf32, #tpu.memory_space<vmem>> -> memref<104x128xf32, #tpu.memory_space<vmem>>
        %dma_start3A_453 = arith.constant 0 : i32
        %dma_start3A_454 = tpu.memref_slice %arg6[%add3A_443, %dma_start3A_444, %dma_start3A_453] : memref<128x2x128xi32, #tpu.memory_space<vmem>> -> memref<1x1x104xi32, #tpu.memory_space<vmem>>
        %dma_start3A_455 = tpu.memref_squeeze %dma_start3A_454 : memref<1x1x104xi32, #tpu.memory_space<vmem>> -> memref<104xi32, #tpu.memory_space<vmem>>
        %dma_start3A_456 = arith.constant 0 : i32
        %dma_start3A_457 = arith.constant 0 : i32
        %dma_start3A_458 = tpu.memref_slice %arg3[%dma_start3A_456, %dma_start3A_457] : memref<100000x128xf32, #tpu.memory_space<hbm>> -> memref<100000x128xf32, #tpu.memory_space<hbm>>
        tpu.enqueue_indirect_dma source(%dma_start3A_458 : memref<100000x128xf32, #tpu.memory_space<hbm>>) target(%dma_start3A_452 : memref<104x128xf32, #tpu.memory_space<vmem>>) offsets(%dma_start3A_455 : memref<104xi32, #tpu.memory_space<vmem>>) semaphore(%arg10 : memref<!tpu.dma_semaphore, #tpu.memory_space<semaphore_mem>>)
      } else {
      }
      %scan3A_387 = arith.constant 0 : i32
      %scan3A_388 = arith.constant 0 : i32
      %scan3A_389 = arith.constant 104 : i32
      %scan3A_390 = arith.addi %scan3A_388, %scan3A_389 : i32
      %scan3A_391 = arith.constant 4 : i32
      scf.for %scan3A_417 = %scan3A_388 to %scan3A_390 step %scan3A_391  : i32 {
        %jit3A = arith.constant 16 : i32
        %div3A = arith.divsi %scan3A_417, %jit3A : i32
        %sign3A = arith.constant 0 : i32
        %sign3A_418 = arith.cmpi sgt, %scan3A_417, %sign3A : i32
        %sign3A_419 = arith.extui %sign3A_418 : i1 to i32
        %sign3A_420 = arith.constant 0 : i32
        %sign3A_421 = arith.cmpi slt, %scan3A_417, %sign3A_420 : i32
        %sign3A_422 = arith.extui %sign3A_421 : i1 to i32
        %sign3A_423 = arith.subi %sign3A_419, %sign3A_422 : i32
        %sign3A_424 = arith.constant 0 : i32
        %sign3A_425 = arith.cmpi sgt, %jit3A, %sign3A_424 : i32
        %sign3A_426 = arith.extui %sign3A_425 : i1 to i32
        %sign3A_427 = arith.constant 0 : i32
        %sign3A_428 = arith.cmpi slt, %jit3A, %sign3A_427 : i32
        %sign3A_429 = arith.extui %sign3A_428 : i1 to i32
        %sign3A_430 = arith.subi %sign3A_426, %sign3A_429 : i32
        %ne3A = arith.cmpi ne, %sign3A_423, %sign3A_430 : i32
        %rem3A = arith.remsi %scan3A_417, %jit3A : i32
        %ne3A_431 = arith.constant 0 : i32
        %ne3A_432 = arith.cmpi ne, %rem3A, %ne3A_431 : i32
        %and3A = arith.andi %ne3A, %ne3A_432 : i1
        %sub3A = arith.constant 1 : i32
        %sub3A_433 = arith.subi %div3A, %sub3A : i32
        %select_n3A = arith.select %and3A, %sub3A_433, %div3A : i32
        %mul3A_434 = arith.constant 16 : i32
        %mul3A_435 = arith.muli %select_n3A, %mul3A_434 : i32
        %sub3A_436 = arith.subi %scan3A_417, %mul3A_435 : i32
        %mul3A_437 = arith.constant 16 : i32
        %mul3A_438 = arith.muli %select_n3A, %mul3A_437 : i32
        %get3A = arith.constant 1 : i32
        %get3A_439 = arith.index_cast %add3A_364 : i32 to index
        %get3A_440 = arith.index_cast %get3A : i32 to index
        %get3A_441 = arith.index_cast %mul3A_438 : i32 to index
        %get3A_442 = tpu.vector_load %arg6[%get3A_439, %get3A_440, %get3A_441] {strides = array<i32>} : memref<128x2x128xi32, #tpu.memory_space<vmem>>, vector<1x1x16xi32>,
        %get3A_443 = vector.shape_cast %get3A_442 : vector<1x1x16xi32> to vector<16xi32>
        %broadcast_in_dim3A = vector.broadcast %sub3A_436 : i32 to vector<16xi32>
        %lt3A_444 = arith.constant 0 : i32
        %lt3A_445 = vector.broadcast %lt3A_444 : i32 to vector<16xi32>
        %lt3A_446 = arith.cmpi slt, %broadcast_in_dim3A, %lt3A_445 : vector<16xi32>
        %add3A_447 = arith.constant 16 : i32
        %add3A_448 = vector.broadcast %add3A_447 : i32 to vector<16xi32>
        %add3A_449 = arith.addi %broadcast_in_dim3A, %add3A_448 : vector<16xi32>
        %select_n3A_450 = arith.select %lt3A_446, %add3A_449, %broadcast_in_dim3A : vector<16xi1>, vector<16xi32>
        %reshape3A = vector.shape_cast %select_n3A_450 : vector<16xi32> to vector<16x1xi32>
        %gather3A = vector.shape_cast %reshape3A : vector<16x1xi32> to vector<16xi32>
        %gather3A_451 = tpu.dynamic_gather %get3A_443[%gather3A] in [0] : vector<16xi32>, vector<16xi32> -> vector<16xi32>
        %ne3A_452 = arith.constant 0 : i32
        %ne3A_453 = vector.broadcast %ne3A_452 : i32 to vector<16xi32>
        %ne3A_454 = arith.cmpi ne, %gather3A_451, %ne3A_453 : vector<16xi32>
        %jit3A_455 = arith.constant 1.000000e+00 : f32
        %jit3A_456 = arith.constant 0.000000e+00 : f32
        %broadcast_in_dim3A_457 = vector.broadcast %jit3A_455 : f32 to vector<16xf32>
        %broadcast_in_dim3A_458 = vector.broadcast %jit3A_456 : f32 to vector<16xf32>
        %select_n3A_459 = arith.select %ne3A_454, %broadcast_in_dim3A_457, %broadcast_in_dim3A_458 : vector<16xi1>, vector<16xf32>
        %add3A_460 = arith.constant 96 : i32
        %add3A_461 = arith.addi %add3A_460, %scan3A_417 : i32
        %get3A_462 = arith.constant 3 : i32
        %get3A_463 = arith.index_cast %get3A_462 : i32 to index
        %get3A_464 = arith.index_cast %scan3A_417 : i32 to index
        %get3A_465 = arith.constant 0 : index
        %get3A_466 = tpu.vector_load %arg7[%get3A_463, %get3A_464, %get3A_465] {strides = array<i32>} : memref<4x112x128xf32, #tpu.memory_space<vmem>>, vector<1x1x16xf32>,
        %get3A_467 = vector.shape_cast %get3A_466 : vector<1x1x16xf32> to vector<16xf32>
        %get3A_468 = arith.constant 3 : i32
        %get3A_469 = arith.index_cast %get3A_468 : i32 to index
        %get3A_470 = arith.index_cast %scan3A_417 : i32 to index
        %get3A_471 = arith.constant 16 : index
        %get3A_472 = tpu.vector_load %arg7[%get3A_469, %get3A_470, %get3A_471] {strides = array<i32>} : memref<4x112x128xf32, #tpu.memory_space<vmem>>, vector<1x1x16xf32>,
        %get3A_473 = vector.shape_cast %get3A_472 : vector<1x1x16xf32> to vector<16xf32>
        %get3A_474 = arith.constant 3 : i32
        %get3A_475 = arith.index_cast %get3A_474 : i32 to index
        %get3A_476 = arith.index_cast %scan3A_417 : i32 to index
        %get3A_477 = arith.constant 32 : index
        %get3A_478 = tpu.vector_load %arg7[%get3A_475, %get3A_476, %get3A_477] {strides = array<i32>} : memref<4x112x128xf32, #tpu.memory_space<vmem>>, vector<1x1x16xf32>,
        %get3A_479 = vector.shape_cast %get3A_478 : vector<1x1x16xf32> to vector<16xf32>
        %get3A_480 = arith.constant 3 : i32
        %get3A_481 = arith.index_cast %get3A_480 : i32 to index
        %get3A_482 = arith.index_cast %scan3A_417 : i32 to index
        %get3A_483 = arith.constant 48 : index
        %get3A_484 = tpu.vector_load %arg7[%get3A_481, %get3A_482, %get3A_483] {strides = array<i32>} : memref<4x112x128xf32, #tpu.memory_space<vmem>>, vector<1x1x16xf32>,
        %get3A_485 = vector.shape_cast %get3A_484 : vector<1x1x16xf32> to vector<16xf32>
        %get3A_486 = arith.constant 3 : i32
        %get3A_487 = arith.index_cast %get3A_486 : i32 to index
        %get3A_488 = arith.index_cast %scan3A_417 : i32 to index
        %get3A_489 = arith.constant 64 : index
        %get3A_490 = tpu.vector_load %arg7[%get3A_487, %get3A_488, %get3A_489] {strides = array<i32>} : memref<4x112x128xf32, #tpu.memory_space<vmem>>, vector<1x1x16xf32>,
        %get3A_491 = vector.shape_cast %get3A_490 : vector<1x1x16xf32> to vector<16xf32>
        %get3A_492 = arith.constant 3 : i32
        %get3A_493 = arith.index_cast %get3A_492 : i32 to index
        %get3A_494 = arith.index_cast %scan3A_417 : i32 to index
        %get3A_495 = arith.constant 80 : index
        %get3A_496 = tpu.vector_load %arg7[%get3A_493, %get3A_494, %get3A_495] {strides = array<i32>} : memref<4x112x128xf32, #tpu.memory_space<vmem>>, vector<1x1x16xf32>,
        %get3A_497 = vector.shape_cast %get3A_496 : vector<1x1x16xf32> to vector<16xf32>
        %get3A_498 = arith.constant 3 : i32
        %get3A_499 = arith.index_cast %get3A_498 : i32 to index
        %get3A_500 = arith.index_cast %scan3A_417 : i32 to index
        %get3A_501 = arith.constant 96 : index
        %get3A_502 = tpu.vector_load %arg7[%get3A_499, %get3A_500, %get3A_501] {strides = array<i32>} : memref<4x112x128xf32, #tpu.memory_space<vmem>>, vector<1x1x16xf32>,
        %get3A_503 = vector.shape_cast %get3A_502 : vector<1x1x16xf32> to vector<16xf32>
        %get3A_504 = arith.constant 3 : i32
        %get3A_505 = arith.index_cast %get3A_504 : i32 to index
        %get3A_506 = arith.index_cast %scan3A_417 : i32 to index
        %get3A_507 = arith.constant 112 : index
        %get3A_508 = tpu.vector_load %arg7[%get3A_505, %get3A_506, %get3A_507] {strides = array<i32>} : memref<4x112x128xf32, #tpu.memory_space<vmem>>, vector<1x1x16xf32>,
        %get3A_509 = vector.shape_cast %get3A_508 : vector<1x1x16xf32> to vector<16xf32>
        %get3A_510 = arith.index_cast %add3A_461 : i32 to index
        %get3A_511 = arith.constant 0 : index
        %get3A_512 = tpu.vector_load %arg8[%get3A_510, %get3A_511] {strides = array<i32>} : memref<224x128xf32, #tpu.memory_space<vmem>>, vector<1x16xf32>,
        %get3A_513 = vector.shape_cast %get3A_512 : vector<1x16xf32> to vector<16xf32>
        %get3A_514 = arith.index_cast %add3A_461 : i32 to index
        %get3A_515 = arith.constant 16 : index
        %get3A_516 = tpu.vector_load %arg8[%get3A_514, %get3A_515] {strides = array<i32>} : memref<224x128xf32, #tpu.memory_space<vmem>>, vector<1x16xf32>,
        %get3A_517 = vector.shape_cast %get3A_516 : vector<1x16xf32> to vector<16xf32>
        %get3A_518 = arith.index_cast %add3A_461 : i32 to index
        %get3A_519 = arith.constant 32 : index
        %get3A_520 = tpu.vector_load %arg8[%get3A_518, %get3A_519] {strides = array<i32>} : memref<224x128xf32, #tpu.memory_space<vmem>>, vector<1x16xf32>,
        %get3A_521 = vector.shape_cast %get3A_520 : vector<1x16xf32> to vector<16xf32>
        %get3A_522 = arith.index_cast %add3A_461 : i32 to index
        %get3A_523 = arith.constant 48 : index
        %get3A_524 = tpu.vector_load %arg8[%get3A_522, %get3A_523] {strides = array<i32>} : memref<224x128xf32, #tpu.memory_space<vmem>>, vector<1x16xf32>,
        %get3A_525 = vector.shape_cast %get3A_524 : vector<1x16xf32> to vector<16xf32>
        %get3A_526 = arith.index_cast %add3A_461 : i32 to index
        %get3A_527 = arith.constant 64 : index
        %get3A_528 = tpu.vector_load %arg8[%get3A_526, %get3A_527] {strides = array<i32>} : memref<224x128xf32, #tpu.memory_space<vmem>>, vector<1x16xf32>,
        %get3A_529 = vector.shape_cast %get3A_528 : vector<1x16xf32> to vector<16xf32>
        %get3A_530 = arith.index_cast %add3A_461 : i32 to index
        %get3A_531 = arith.constant 80 : index
        %get3A_532 = tpu.vector_load %arg8[%get3A_530, %get3A_531] {strides = array<i32>} : memref<224x128xf32, #tpu.memory_space<vmem>>, vector<1x16xf32>,
        %get3A_533 = vector.shape_cast %get3A_532 : vector<1x16xf32> to vector<16xf32>
        %get3A_534 = arith.index_cast %add3A_461 : i32 to index
        %get3A_535 = arith.constant 96 : index
        %get3A_536 = tpu.vector_load %arg8[%get3A_534, %get3A_535] {strides = array<i32>} : memref<224x128xf32, #tpu.memory_space<vmem>>, vector<1x16xf32>,
        %get3A_537 = vector.shape_cast %get3A_536 : vector<1x16xf32> to vector<16xf32>
        %get3A_538 = arith.index_cast %add3A_461 : i32 to index
        %get3A_539 = arith.constant 112 : index
        %get3A_540 = tpu.vector_load %arg8[%get3A_538, %get3A_539] {strides = array<i32>} : memref<224x128xf32, #tpu.memory_space<vmem>>, vector<1x16xf32>,
        %get3A_541 = vector.shape_cast %get3A_540 : vector<1x16xf32> to vector<16xf32>
        %mul3A_542 = arith.constant 11.3137083 : f32
        %mul3A_543 = vector.broadcast %mul3A_542 : f32 to vector<16xf32>
        %mul3A_544 = arith.mulf %get3A_467, %mul3A_543 : vector<16xf32>
        %add3A_545 = arith.addf %mul3A_544, %get3A_513 : vector<16xf32>
        %mul3A_546 = arith.mulf %add3A_545, %select_n3A_459 : vector<16xf32>
        %swap3A = arith.constant 3 : i32
        %swap3A_547 = arith.index_cast %swap3A : i32 to index
        %swap3A_548 = arith.index_cast %scan3A_417 : i32 to index
        %swap3A_549 = arith.constant 0 : index
        %swap3A_550 = tpu.vector_load %arg7[%swap3A_547, %swap3A_548, %swap3A_549] {strides = array<i32>} : memref<4x112x128xf32, #tpu.memory_space<vmem>>, vector<1x1x16xf32>,
        %swap3A_551 = vector.shape_cast %swap3A_550 : vector<1x1x16xf32> to vector<16xf32>
        %swap3A_552 = vector.shape_cast %mul3A_546 : vector<16xf32> to vector<1x1x16xf32>
        tpu.vector_store %arg7[%swap3A_547, %swap3A_548, %swap3A_549], %swap3A_552 {strides = array<i32>} : memref<4x112x128xf32, #tpu.memory_space<vmem>>, vector<1x1x16xf32>,
        %mul3A_553 = arith.constant 11.3137083 : f32
        %mul3A_554 = vector.broadcast %mul3A_553 : f32 to vector<16xf32>
        %mul3A_555 = arith.mulf %get3A_473, %mul3A_554 : vector<16xf32>
        %add3A_556 = arith.addf %mul3A_555, %get3A_517 : vector<16xf32>
        %mul3A_557 = arith.mulf %add3A_556, %select_n3A_459 : vector<16xf32>
        %swap3A_558 = arith.constant 3 : i32
        %swap3A_559 = arith.index_cast %swap3A_558 : i32 to index
        %swap3A_560 = arith.index_cast %scan3A_417 : i32 to index
        %swap3A_561 = arith.constant 16 : index
        %swap3A_562 = tpu.vector_load %arg7[%swap3A_559, %swap3A_560, %swap3A_561] {strides = array<i32>} : memref<4x112x128xf32, #tpu.memory_space<vmem>>, vector<1x1x16xf32>,
        %swap3A_563 = vector.shape_cast %swap3A_562 : vector<1x1x16xf32> to vector<16xf32>
        %swap3A_564 = vector.shape_cast %mul3A_557 : vector<16xf32> to vector<1x1x16xf32>
        tpu.vector_store %arg7[%swap3A_559, %swap3A_560, %swap3A_561], %swap3A_564 {strides = array<i32>} : memref<4x112x128xf32, #tpu.memory_space<vmem>>, vector<1x1x16xf32>,
        %mul3A_565 = arith.constant 11.3137083 : f32
        %mul3A_566 = vector.broadcast %mul3A_565 : f32 to vector<16xf32>
        %mul3A_567 = arith.mulf %get3A_479, %mul3A_566 : vector<16xf32>
        %add3A_568 = arith.addf %mul3A_567, %get3A_521 : vector<16xf32>
        %mul3A_569 = arith.mulf %add3A_568, %select_n3A_459 : vector<16xf32>
        %swap3A_570 = arith.constant 3 : i32
        %swap3A_571 = arith.index_cast %swap3A_570 : i32 to index
        %swap3A_572 = arith.index_cast %scan3A_417 : i32 to index
        %swap3A_573 = arith.constant 32 : index
        %swap3A_574 = tpu.vector_load %arg7[%swap3A_571, %swap3A_572, %swap3A_573] {strides = array<i32>} : memref<4x112x128xf32, #tpu.memory_space<vmem>>, vector<1x1x16xf32>,
        %swap3A_575 = vector.shape_cast %swap3A_574 : vector<1x1x16xf32> to vector<16xf32>
        %swap3A_576 = vector.shape_cast %mul3A_569 : vector<16xf32> to vector<1x1x16xf32>
        tpu.vector_store %arg7[%swap3A_571, %swap3A_572, %swap3A_573], %swap3A_576 {strides = array<i32>} : memref<4x112x128xf32, #tpu.memory_space<vmem>>, vector<1x1x16xf32>,
        %mul3A_577 = arith.constant 11.3137083 : f32
        %mul3A_578 = vector.broadcast %mul3A_577 : f32 to vector<16xf32>
        %mul3A_579 = arith.mulf %get3A_485, %mul3A_578 : vector<16xf32>
        %add3A_580 = arith.addf %mul3A_579, %get3A_525 : vector<16xf32>
        %mul3A_581 = arith.mulf %add3A_580, %select_n3A_459 : vector<16xf32>
        %swap3A_582 = arith.constant 3 : i32
        %swap3A_583 = arith.index_cast %swap3A_582 : i32 to index
        %swap3A_584 = arith.index_cast %scan3A_417 : i32 to index
        %swap3A_585 = arith.constant 48 : index
        %swap3A_586 = tpu.vector_load %arg7[%swap3A_583, %swap3A_584, %swap3A_585] {strides = array<i32>} : memref<4x112x128xf32, #tpu.memory_space<vmem>>, vector<1x1x16xf32>,
        %swap3A_587 = vector.shape_cast %swap3A_586 : vector<1x1x16xf32> to vector<16xf32>
        %swap3A_588 = vector.shape_cast %mul3A_581 : vector<16xf32> to vector<1x1x16xf32>
        tpu.vector_store %arg7[%swap3A_583, %swap3A_584, %swap3A_585], %swap3A_588 {strides = array<i32>} : memref<4x112x128xf32, #tpu.memory_space<vmem>>, vector<1x1x16xf32>,
        %mul3A_589 = arith.constant 11.3137083 : f32
        %mul3A_590 = vector.broadcast %mul3A_589 : f32 to vector<16xf32>
        %mul3A_591 = arith.mulf %get3A_491, %mul3A_590 : vector<16xf32>
        %add3A_592 = arith.addf %mul3A_591, %get3A_529 : vector<16xf32>
        %mul3A_593 = arith.mulf %add3A_592, %select_n3A_459 : vector<16xf32>
        %swap3A_594 = arith.constant 3 : i32
        %swap3A_595 = arith.index_cast %swap3A_594 : i32 to index
        %swap3A_596 = arith.index_cast %scan3A_417 : i32 to index
        %swap3A_597 = arith.constant 64 : index
        %swap3A_598 = tpu.vector_load %arg7[%swap3A_595, %swap3A_596, %swap3A_597] {strides = array<i32>} : memref<4x112x128xf32, #tpu.memory_space<vmem>>, vector<1x1x16xf32>,
        %swap3A_599 = vector.shape_cast %swap3A_598 : vector<1x1x16xf32> to vector<16xf32>
        %swap3A_600 = vector.shape_cast %mul3A_593 : vector<16xf32> to vector<1x1x16xf32>
        tpu.vector_store %arg7[%swap3A_595, %swap3A_596, %swap3A_597], %swap3A_600 {strides = array<i32>} : memref<4x112x128xf32, #tpu.memory_space<vmem>>, vector<1x1x16xf32>,
        %mul3A_601 = arith.constant 11.3137083 : f32
        %mul3A_602 = vector.broadcast %mul3A_601 : f32 to vector<16xf32>
        %mul3A_603 = arith.mulf %get3A_497, %mul3A_602 : vector<16xf32>
        %add3A_604 = arith.addf %mul3A_603, %get3A_533 : vector<16xf32>
        %mul3A_605 = arith.mulf %add3A_604, %select_n3A_459 : vector<16xf32>
        %swap3A_606 = arith.constant 3 : i32
        %swap3A_607 = arith.index_cast %swap3A_606 : i32 to index
        %swap3A_608 = arith.index_cast %scan3A_417 : i32 to index
        %swap3A_609 = arith.constant 80 : index
        %swap3A_610 = tpu.vector_load %arg7[%swap3A_607, %swap3A_608, %swap3A_609] {strides = array<i32>} : memref<4x112x128xf32, #tpu.memory_space<vmem>>, vector<1x1x16xf32>,
        %swap3A_611 = vector.shape_cast %swap3A_610 : vector<1x1x16xf32> to vector<16xf32>
        %swap3A_612 = vector.shape_cast %mul3A_605 : vector<16xf32> to vector<1x1x16xf32>
        tpu.vector_store %arg7[%swap3A_607, %swap3A_608, %swap3A_609], %swap3A_612 {strides = array<i32>} : memref<4x112x128xf32, #tpu.memory_space<vmem>>, vector<1x1x16xf32>,
        %mul3A_613 = arith.constant 11.3137083 : f32
        %mul3A_614 = vector.broadcast %mul3A_613 : f32 to vector<16xf32>
        %mul3A_615 = arith.mulf %get3A_503, %mul3A_614 : vector<16xf32>
        %add3A_616 = arith.addf %mul3A_615, %get3A_537 : vector<16xf32>
        %mul3A_617 = arith.mulf %add3A_616, %select_n3A_459 : vector<16xf32>
        %swap3A_618 = arith.constant 3 : i32
        %swap3A_619 = arith.index_cast %swap3A_618 : i32 to index
        %swap3A_620 = arith.index_cast %scan3A_417 : i32 to index
        %swap3A_621 = arith.constant 96 : index
        %swap3A_622 = tpu.vector_load %arg7[%swap3A_619, %swap3A_620, %swap3A_621] {strides = array<i32>} : memref<4x112x128xf32, #tpu.memory_space<vmem>>, vector<1x1x16xf32>,
        %swap3A_623 = vector.shape_cast %swap3A_622 : vector<1x1x16xf32> to vector<16xf32>
        %swap3A_624 = vector.shape_cast %mul3A_617 : vector<16xf32> to vector<1x1x16xf32>
        tpu.vector_store %arg7[%swap3A_619, %swap3A_620, %swap3A_621], %swap3A_624 {strides = array<i32>} : memref<4x112x128xf32, #tpu.memory_space<vmem>>, vector<1x1x16xf32>,
        %mul3A_625 = arith.constant 11.3137083 : f32
        %mul3A_626 = vector.broadcast %mul3A_625 : f32 to vector<16xf32>
        %mul3A_627 = arith.mulf %get3A_509, %mul3A_626 : vector<16xf32>
        %add3A_628 = arith.addf %mul3A_627, %get3A_541 : vector<16xf32>
        %mul3A_629 = arith.mulf %add3A_628, %select_n3A_459 : vector<16xf32>
        %swap3A_630 = arith.constant 3 : i32
        %swap3A_631 = arith.index_cast %swap3A_630 : i32 to index
        %swap3A_632 = arith.index_cast %scan3A_417 : i32 to index
        %swap3A_633 = arith.constant 112 : index
        %swap3A_634 = tpu.vector_load %arg7[%swap3A_631, %swap3A_632, %swap3A_633] {strides = array<i32>} : memref<4x112x128xf32, #tpu.memory_space<vmem>>, vector<1x1x16xf32>,
        %swap3A_635 = vector.shape_cast %swap3A_634 : vector<1x1x16xf32> to vector<16xf32>
        %swap3A_636 = vector.shape_cast %mul3A_629 : vector<16xf32> to vector<1x1x16xf32>
        tpu.vector_store %arg7[%swap3A_631, %swap3A_632, %swap3A_633], %swap3A_636 {strides = array<i32>} : memref<4x112x128xf32, #tpu.memory_space<vmem>>, vector<1x1x16xf32>,
        %scan3A_637 = arith.constant 1 : i32
        %scan3A_638 = arith.addi %scan3A_417, %scan3A_637 : i32
        %jit3A_639 = arith.constant 16 : i32
        %div3A_640 = arith.divsi %scan3A_638, %jit3A_639 : i32
        %sign3A_641 = arith.constant 0 : i32
        %sign3A_642 = arith.cmpi sgt, %scan3A_638, %sign3A_641 : i32
        %sign3A_643 = arith.extui %sign3A_642 : i1 to i32
        %sign3A_644 = arith.constant 0 : i32
        %sign3A_645 = arith.cmpi slt, %scan3A_638, %sign3A_644 : i32
        %sign3A_646 = arith.extui %sign3A_645 : i1 to i32
        %sign3A_647 = arith.subi %sign3A_643, %sign3A_646 : i32
        %sign3A_648 = arith.constant 0 : i32
        %sign3A_649 = arith.cmpi sgt, %jit3A_639, %sign3A_648 : i32
        %sign3A_650 = arith.extui %sign3A_649 : i1 to i32
        %sign3A_651 = arith.constant 0 : i32
        %sign3A_652 = arith.cmpi slt, %jit3A_639, %sign3A_651 : i32
        %sign3A_653 = arith.extui %sign3A_652 : i1 to i32
        %sign3A_654 = arith.subi %sign3A_650, %sign3A_653 : i32
        %ne3A_655 = arith.cmpi ne, %sign3A_647, %sign3A_654 : i32
        %rem3A_656 = arith.remsi %scan3A_638, %jit3A_639 : i32
        %ne3A_657 = arith.constant 0 : i32
        %ne3A_658 = arith.cmpi ne, %rem3A_656, %ne3A_657 : i32
        %and3A_659 = arith.andi %ne3A_655, %ne3A_658 : i1
        %sub3A_660 = arith.constant 1 : i32
        %sub3A_661 = arith.subi %div3A_640, %sub3A_660 : i32
        %select_n3A_662 = arith.select %and3A_659, %sub3A_661, %div3A_640 : i32
        %mul3A_663 = arith.constant 16 : i32
        %mul3A_664 = arith.muli %select_n3A_662, %mul3A_663 : i32
        %sub3A_665 = arith.subi %scan3A_638, %mul3A_664 : i32
        %mul3A_666 = arith.constant 16 : i32
        %mul3A_667 = arith.muli %select_n3A_662, %mul3A_666 : i32
        %get3A_668 = arith.constant 1 : i32
        %get3A_669 = arith.index_cast %add3A_364 : i32 to index
        %get3A_670 = arith.index_cast %get3A_668 : i32 to index
        %get3A_671 = arith.index_cast %mul3A_667 : i32 to index
        %get3A_672 = tpu.vector_load %arg6[%get3A_669, %get3A_670, %get3A_671] {strides = array<i32>} : memref<128x2x128xi32, #tpu.memory_space<vmem>>, vector<1x1x16xi32>,
        %get3A_673 = vector.shape_cast %get3A_672 : vector<1x1x16xi32> to vector<16xi32>
        %broadcast_in_dim3A_674 = vector.broadcast %sub3A_665 : i32 to vector<16xi32>
        %lt3A_675 = arith.constant 0 : i32
        %lt3A_676 = vector.broadcast %lt3A_675 : i32 to vector<16xi32>
        %lt3A_677 = arith.cmpi slt, %broadcast_in_dim3A_674, %lt3A_676 : vector<16xi32>
        %add3A_678 = arith.constant 16 : i32
        %add3A_679 = vector.broadcast %add3A_678 : i32 to vector<16xi32>
        %add3A_680 = arith.addi %broadcast_in_dim3A_674, %add3A_679 : vector<16xi32>
        %select_n3A_681 = arith.select %lt3A_677, %add3A_680, %broadcast_in_dim3A_674 : vector<16xi1>, vector<16xi32>
        %reshape3A_682 = vector.shape_cast %select_n3A_681 : vector<16xi32> to vector<16x1xi32>
        %gather3A_683 = vector.shape_cast %reshape3A_682 : vector<16x1xi32> to vector<16xi32>
        %gather3A_684 = tpu.dynamic_gather %get3A_673[%gather3A_683] in [0] : vector<16xi32>, vector<16xi32> -> vector<16xi32>
        %ne3A_685 = arith.constant 0 : i32
        %ne3A_686 = vector.broadcast %ne3A_685 : i32 to vector<16xi32>
        %ne3A_687 = arith.cmpi ne, %gather3A_684, %ne3A_686 : vector<16xi32>
        %jit3A_688 = arith.constant 1.000000e+00 : f32
        %jit3A_689 = arith.constant 0.000000e+00 : f32
        %broadcast_in_dim3A_690 = vector.broadcast %jit3A_688 : f32 to vector<16xf32>
        %broadcast_in_dim3A_691 = vector.broadcast %jit3A_689 : f32 to vector<16xf32>
        %select_n3A_692 = arith.select %ne3A_687, %broadcast_in_dim3A_690, %broadcast_in_dim3A_691 : vector<16xi1>, vector<16xf32>
        %add3A_693 = arith.constant 96 : i32
        %add3A_694 = arith.addi %add3A_693, %scan3A_638 : i32
        %get3A_695 = arith.constant 3 : i32
        %get3A_696 = arith.index_cast %get3A_695 : i32 to index
        %get3A_697 = arith.index_cast %scan3A_638 : i32 to index
        %get3A_698 = arith.constant 0 : index
        %get3A_699 = tpu.vector_load %arg7[%get3A_696, %get3A_697, %get3A_698] {strides = array<i32>} : memref<4x112x128xf32, #tpu.memory_space<vmem>>, vector<1x1x16xf32>,
        %get3A_700 = vector.shape_cast %get3A_699 : vector<1x1x16xf32> to vector<16xf32>
        %get3A_701 = arith.constant 3 : i32
        %get3A_702 = arith.index_cast %get3A_701 : i32 to index
        %get3A_703 = arith.index_cast %scan3A_638 : i32 to index
        %get3A_704 = arith.constant 16 : index
        %get3A_705 = tpu.vector_load %arg7[%get3A_702, %get3A_703, %get3A_704] {strides = array<i32>} : memref<4x112x128xf32, #tpu.memory_space<vmem>>, vector<1x1x16xf32>,
        %get3A_706 = vector.shape_cast %get3A_705 : vector<1x1x16xf32> to vector<16xf32>
        %get3A_707 = arith.constant 3 : i32
        %get3A_708 = arith.index_cast %get3A_707 : i32 to index
        %get3A_709 = arith.index_cast %scan3A_638 : i32 to index
        %get3A_710 = arith.constant 32 : index
        %get3A_711 = tpu.vector_load %arg7[%get3A_708, %get3A_709, %get3A_710] {strides = array<i32>} : memref<4x112x128xf32, #tpu.memory_space<vmem>>, vector<1x1x16xf32>,
        %get3A_712 = vector.shape_cast %get3A_711 : vector<1x1x16xf32> to vector<16xf32>
        %get3A_713 = arith.constant 3 : i32
        %get3A_714 = arith.index_cast %get3A_713 : i32 to index
        %get3A_715 = arith.index_cast %scan3A_638 : i32 to index
        %get3A_716 = arith.constant 48 : index
        %get3A_717 = tpu.vector_load %arg7[%get3A_714, %get3A_715, %get3A_716] {strides = array<i32>} : memref<4x112x128xf32, #tpu.memory_space<vmem>>, vector<1x1x16xf32>,
        %get3A_718 = vector.shape_cast %get3A_717 : vector<1x1x16xf32> to vector<16xf32>
        %get3A_719 = arith.constant 3 : i32
        %get3A_720 = arith.index_cast %get3A_719 : i32 to index
        %get3A_721 = arith.index_cast %scan3A_638 : i32 to index
        %get3A_722 = arith.constant 64 : index
        %get3A_723 = tpu.vector_load %arg7[%get3A_720, %get3A_721, %get3A_722] {strides = array<i32>} : memref<4x112x128xf32, #tpu.memory_space<vmem>>, vector<1x1x16xf32>,
        %get3A_724 = vector.shape_cast %get3A_723 : vector<1x1x16xf32> to vector<16xf32>
        %get3A_725 = arith.constant 3 : i32
        %get3A_726 = arith.index_cast %get3A_725 : i32 to index
        %get3A_727 = arith.index_cast %scan3A_638 : i32 to index
        %get3A_728 = arith.constant 80 : index
        %get3A_729 = tpu.vector_load %arg7[%get3A_726, %get3A_727, %get3A_728] {strides = array<i32>} : memref<4x112x128xf32, #tpu.memory_space<vmem>>, vector<1x1x16xf32>,
        %get3A_730 = vector.shape_cast %get3A_729 : vector<1x1x16xf32> to vector<16xf32>
        %get3A_731 = arith.constant 3 : i32
        %get3A_732 = arith.index_cast %get3A_731 : i32 to index
        %get3A_733 = arith.index_cast %scan3A_638 : i32 to index
        %get3A_734 = arith.constant 96 : index
        %get3A_735 = tpu.vector_load %arg7[%get3A_732, %get3A_733, %get3A_734] {strides = array<i32>} : memref<4x112x128xf32, #tpu.memory_space<vmem>>, vector<1x1x16xf32>,
        %get3A_736 = vector.shape_cast %get3A_735 : vector<1x1x16xf32> to vector<16xf32>
        %get3A_737 = arith.constant 3 : i32
        %get3A_738 = arith.index_cast %get3A_737 : i32 to index
        %get3A_739 = arith.index_cast %scan3A_638 : i32 to index
        %get3A_740 = arith.constant 112 : index
        %get3A_741 = tpu.vector_load %arg7[%get3A_738, %get3A_739, %get3A_740] {strides = array<i32>} : memref<4x112x128xf32, #tpu.memory_space<vmem>>, vector<1x1x16xf32>,
        %get3A_742 = vector.shape_cast %get3A_741 : vector<1x1x16xf32> to vector<16xf32>
        %get3A_743 = arith.index_cast %add3A_694 : i32 to index
        %get3A_744 = arith.constant 0 : index
        %get3A_745 = tpu.vector_load %arg8[%get3A_743, %get3A_744] {strides = array<i32>} : memref<224x128xf32, #tpu.memory_space<vmem>>, vector<1x16xf32>,
        %get3A_746 = vector.shape_cast %get3A_745 : vector<1x16xf32> to vector<16xf32>
        %get3A_747 = arith.index_cast %add3A_694 : i32 to index
        %get3A_748 = arith.constant 16 : index
        %get3A_749 = tpu.vector_load %arg8[%get3A_747, %get3A_748] {strides = array<i32>} : memref<224x128xf32, #tpu.memory_space<vmem>>, vector<1x16xf32>,
        %get3A_750 = vector.shape_cast %get3A_749 : vector<1x16xf32> to vector<16xf32>
        %get3A_751 = arith.index_cast %add3A_694 : i32 to index
        %get3A_752 = arith.constant 32 : index
        %get3A_753 = tpu.vector_load %arg8[%get3A_751, %get3A_752] {strides = array<i32>} : memref<224x128xf32, #tpu.memory_space<vmem>>, vector<1x16xf32>,
        %get3A_754 = vector.shape_cast %get3A_753 : vector<1x16xf32> to vector<16xf32>
        %get3A_755 = arith.index_cast %add3A_694 : i32 to index
        %get3A_756 = arith.constant 48 : index
        %get3A_757 = tpu.vector_load %arg8[%get3A_755, %get3A_756] {strides = array<i32>} : memref<224x128xf32, #tpu.memory_space<vmem>>, vector<1x16xf32>,
        %get3A_758 = vector.shape_cast %get3A_757 : vector<1x16xf32> to vector<16xf32>
        %get3A_759 = arith.index_cast %add3A_694 : i32 to index
        %get3A_760 = arith.constant 64 : index
        %get3A_761 = tpu.vector_load %arg8[%get3A_759, %get3A_760] {strides = array<i32>} : memref<224x128xf32, #tpu.memory_space<vmem>>, vector<1x16xf32>,
        %get3A_762 = vector.shape_cast %get3A_761 : vector<1x16xf32> to vector<16xf32>
        %get3A_763 = arith.index_cast %add3A_694 : i32 to index
        %get3A_764 = arith.constant 80 : index
        %get3A_765 = tpu.vector_load %arg8[%get3A_763, %get3A_764] {strides = array<i32>} : memref<224x128xf32, #tpu.memory_space<vmem>>, vector<1x16xf32>,
        %get3A_766 = vector.shape_cast %get3A_765 : vector<1x16xf32> to vector<16xf32>
        %get3A_767 = arith.index_cast %add3A_694 : i32 to index
        %get3A_768 = arith.constant 96 : index
        %get3A_769 = tpu.vector_load %arg8[%get3A_767, %get3A_768] {strides = array<i32>} : memref<224x128xf32, #tpu.memory_space<vmem>>, vector<1x16xf32>,
        %get3A_770 = vector.shape_cast %get3A_769 : vector<1x16xf32> to vector<16xf32>
        %get3A_771 = arith.index_cast %add3A_694 : i32 to index
        %get3A_772 = arith.constant 112 : index
        %get3A_773 = tpu.vector_load %arg8[%get3A_771, %get3A_772] {strides = array<i32>} : memref<224x128xf32, #tpu.memory_space<vmem>>, vector<1x16xf32>,
        %get3A_774 = vector.shape_cast %get3A_773 : vector<1x16xf32> to vector<16xf32>
        %mul3A_775 = arith.constant 11.3137083 : f32
        %mul3A_776 = vector.broadcast %mul3A_775 : f32 to vector<16xf32>
        %mul3A_777 = arith.mulf %get3A_700, %mul3A_776 : vector<16xf32>
        %add3A_778 = arith.addf %mul3A_777, %get3A_746 : vector<16xf32>
        %mul3A_779 = arith.mulf %add3A_778, %select_n3A_692 : vector<16xf32>
        %swap3A_780 = arith.constant 3 : i32
        %swap3A_781 = arith.index_cast %swap3A_780 : i32 to index
        %swap3A_782 = arith.index_cast %scan3A_638 : i32 to index
        %swap3A_783 = arith.constant 0 : index
        %swap3A_784 = tpu.vector_load %arg7[%swap3A_781, %swap3A_782, %swap3A_783] {strides = array<i32>} : memref<4x112x128xf32, #tpu.memory_space<vmem>>, vector<1x1x16xf32>,
        %swap3A_785 = vector.shape_cast %swap3A_784 : vector<1x1x16xf32> to vector<16xf32>
        %swap3A_786 = vector.shape_cast %mul3A_779 : vector<16xf32> to vector<1x1x16xf32>
        tpu.vector_store %arg7[%swap3A_781, %swap3A_782, %swap3A_783], %swap3A_786 {strides = array<i32>} : memref<4x112x128xf32, #tpu.memory_space<vmem>>, vector<1x1x16xf32>,
        %mul3A_787 = arith.constant 11.3137083 : f32
        %mul3A_788 = vector.broadcast %mul3A_787 : f32 to vector<16xf32>
        %mul3A_789 = arith.mulf %get3A_706, %mul3A_788 : vector<16xf32>
        %add3A_790 = arith.addf %mul3A_789, %get3A_750 : vector<16xf32>
        %mul3A_791 = arith.mulf %add3A_790, %select_n3A_692 : vector<16xf32>
        %swap3A_792 = arith.constant 3 : i32
        %swap3A_793 = arith.index_cast %swap3A_792 : i32 to index
        %swap3A_794 = arith.index_cast %scan3A_638 : i32 to index
        %swap3A_795 = arith.constant 16 : index
        %swap3A_796 = tpu.vector_load %arg7[%swap3A_793, %swap3A_794, %swap3A_795] {strides = array<i32>} : memref<4x112x128xf32, #tpu.memory_space<vmem>>, vector<1x1x16xf32>,
        %swap3A_797 = vector.shape_cast %swap3A_796 : vector<1x1x16xf32> to vector<16xf32>
        %swap3A_798 = vector.shape_cast %mul3A_791 : vector<16xf32> to vector<1x1x16xf32>
        tpu.vector_store %arg7[%swap3A_793, %swap3A_794, %swap3A_795], %swap3A_798 {strides = array<i32>} : memref<4x112x128xf32, #tpu.memory_space<vmem>>, vector<1x1x16xf32>,
        %mul3A_799 = arith.constant 11.3137083 : f32
        %mul3A_800 = vector.broadcast %mul3A_799 : f32 to vector<16xf32>
        %mul3A_801 = arith.mulf %get3A_712, %mul3A_800 : vector<16xf32>
        %add3A_802 = arith.addf %mul3A_801, %get3A_754 : vector<16xf32>
        %mul3A_803 = arith.mulf %add3A_802, %select_n3A_692 : vector<16xf32>
        %swap3A_804 = arith.constant 3 : i32
        %swap3A_805 = arith.index_cast %swap3A_804 : i32 to index
        %swap3A_806 = arith.index_cast %scan3A_638 : i32 to index
        %swap3A_807 = arith.constant 32 : index
        %swap3A_808 = tpu.vector_load %arg7[%swap3A_805, %swap3A_806, %swap3A_807] {strides = array<i32>} : memref<4x112x128xf32, #tpu.memory_space<vmem>>, vector<1x1x16xf32>,
        %swap3A_809 = vector.shape_cast %swap3A_808 : vector<1x1x16xf32> to vector<16xf32>
        %swap3A_810 = vector.shape_cast %mul3A_803 : vector<16xf32> to vector<1x1x16xf32>
        tpu.vector_store %arg7[%swap3A_805, %swap3A_806, %swap3A_807], %swap3A_810 {strides = array<i32>} : memref<4x112x128xf32, #tpu.memory_space<vmem>>, vector<1x1x16xf32>,
        %mul3A_811 = arith.constant 11.3137083 : f32
        %mul3A_812 = vector.broadcast %mul3A_811 : f32 to vector<16xf32>
        %mul3A_813 = arith.mulf %get3A_718, %mul3A_812 : vector<16xf32>
        %add3A_814 = arith.addf %mul3A_813, %get3A_758 : vector<16xf32>
        %mul3A_815 = arith.mulf %add3A_814, %select_n3A_692 : vector<16xf32>
        %swap3A_816 = arith.constant 3 : i32
        %swap3A_817 = arith.index_cast %swap3A_816 : i32 to index
        %swap3A_818 = arith.index_cast %scan3A_638 : i32 to index
        %swap3A_819 = arith.constant 48 : index
        %swap3A_820 = tpu.vector_load %arg7[%swap3A_817, %swap3A_818, %swap3A_819] {strides = array<i32>} : memref<4x112x128xf32, #tpu.memory_space<vmem>>, vector<1x1x16xf32>,
        %swap3A_821 = vector.shape_cast %swap3A_820 : vector<1x1x16xf32> to vector<16xf32>
        %swap3A_822 = vector.shape_cast %mul3A_815 : vector<16xf32> to vector<1x1x16xf32>
        tpu.vector_store %arg7[%swap3A_817, %swap3A_818, %swap3A_819], %swap3A_822 {strides = array<i32>} : memref<4x112x128xf32, #tpu.memory_space<vmem>>, vector<1x1x16xf32>,
        %mul3A_823 = arith.constant 11.3137083 : f32
        %mul3A_824 = vector.broadcast %mul3A_823 : f32 to vector<16xf32>
        %mul3A_825 = arith.mulf %get3A_724, %mul3A_824 : vector<16xf32>
        %add3A_826 = arith.addf %mul3A_825, %get3A_762 : vector<16xf32>
        %mul3A_827 = arith.mulf %add3A_826, %select_n3A_692 : vector<16xf32>
        %swap3A_828 = arith.constant 3 : i32
        %swap3A_829 = arith.index_cast %swap3A_828 : i32 to index
        %swap3A_830 = arith.index_cast %scan3A_638 : i32 to index
        %swap3A_831 = arith.constant 64 : index
        %swap3A_832 = tpu.vector_load %arg7[%swap3A_829, %swap3A_830, %swap3A_831] {strides = array<i32>} : memref<4x112x128xf32, #tpu.memory_space<vmem>>, vector<1x1x16xf32>,
        %swap3A_833 = vector.shape_cast %swap3A_832 : vector<1x1x16xf32> to vector<16xf32>
        %swap3A_834 = vector.shape_cast %mul3A_827 : vector<16xf32> to vector<1x1x16xf32>
        tpu.vector_store %arg7[%swap3A_829, %swap3A_830, %swap3A_831], %swap3A_834 {strides = array<i32>} : memref<4x112x128xf32, #tpu.memory_space<vmem>>, vector<1x1x16xf32>,
        %mul3A_835 = arith.constant 11.3137083 : f32
        %mul3A_836 = vector.broadcast %mul3A_835 : f32 to vector<16xf32>
        %mul3A_837 = arith.mulf %get3A_730, %mul3A_836 : vector<16xf32>
        %add3A_838 = arith.addf %mul3A_837, %get3A_766 : vector<16xf32>
        %mul3A_839 = arith.mulf %add3A_838, %select_n3A_692 : vector<16xf32>
        %swap3A_840 = arith.constant 3 : i32
        %swap3A_841 = arith.index_cast %swap3A_840 : i32 to index
        %swap3A_842 = arith.index_cast %scan3A_638 : i32 to index
        %swap3A_843 = arith.constant 80 : index
        %swap3A_844 = tpu.vector_load %arg7[%swap3A_841, %swap3A_842, %swap3A_843] {strides = array<i32>} : memref<4x112x128xf32, #tpu.memory_space<vmem>>, vector<1x1x16xf32>,
        %swap3A_845 = vector.shape_cast %swap3A_844 : vector<1x1x16xf32> to vector<16xf32>
        %swap3A_846 = vector.shape_cast %mul3A_839 : vector<16xf32> to vector<1x1x16xf32>
        tpu.vector_store %arg7[%swap3A_841, %swap3A_842, %swap3A_843], %swap3A_846 {strides = array<i32>} : memref<4x112x128xf32, #tpu.memory_space<vmem>>, vector<1x1x16xf32>,
        %mul3A_847 = arith.constant 11.3137083 : f32
        %mul3A_848 = vector.broadcast %mul3A_847 : f32 to vector<16xf32>
        %mul3A_849 = arith.mulf %get3A_736, %mul3A_848 : vector<16xf32>
        %add3A_850 = arith.addf %mul3A_849, %get3A_770 : vector<16xf32>
        %mul3A_851 = arith.mulf %add3A_850, %select_n3A_692 : vector<16xf32>
        %swap3A_852 = arith.constant 3 : i32
        %swap3A_853 = arith.index_cast %swap3A_852 : i32 to index
        %swap3A_854 = arith.index_cast %scan3A_638 : i32 to index
        %swap3A_855 = arith.constant 96 : index
        %swap3A_856 = tpu.vector_load %arg7[%swap3A_853, %swap3A_854, %swap3A_855] {strides = array<i32>} : memref<4x112x128xf32, #tpu.memory_space<vmem>>, vector<1x1x16xf32>,
        %swap3A_857 = vector.shape_cast %swap3A_856 : vector<1x1x16xf32> to vector<16xf32>
        %swap3A_858 = vector.shape_cast %mul3A_851 : vector<16xf32> to vector<1x1x16xf32>
        tpu.vector_store %arg7[%swap3A_853, %swap3A_854, %swap3A_855], %swap3A_858 {strides = array<i32>} : memref<4x112x128xf32, #tpu.memory_space<vmem>>, vector<1x1x16xf32>,
        %mul3A_859 = arith.constant 11.3137083 : f32
        %mul3A_860 = vector.broadcast %mul3A_859 : f32 to vector<16xf32>
        %mul3A_861 = arith.mulf %get3A_742, %mul3A_860 : vector<16xf32>
        %add3A_862 = arith.addf %mul3A_861, %get3A_774 : vector<16xf32>
        %mul3A_863 = arith.mulf %add3A_862, %select_n3A_692 : vector<16xf32>
        %swap3A_864 = arith.constant 3 : i32
        %swap3A_865 = arith.index_cast %swap3A_864 : i32 to index
        %swap3A_866 = arith.index_cast %scan3A_638 : i32 to index
        %swap3A_867 = arith.constant 112 : index
        %swap3A_868 = tpu.vector_load %arg7[%swap3A_865, %swap3A_866, %swap3A_867] {strides = array<i32>} : memref<4x112x128xf32, #tpu.memory_space<vmem>>, vector<1x1x16xf32>,
        %swap3A_869 = vector.shape_cast %swap3A_868 : vector<1x1x16xf32> to vector<16xf32>
        %swap3A_870 = vector.shape_cast %mul3A_863 : vector<16xf32> to vector<1x1x16xf32>
        tpu.vector_store %arg7[%swap3A_865, %swap3A_866, %swap3A_867], %swap3A_870 {strides = array<i32>} : memref<4x112x128xf32, #tpu.memory_space<vmem>>, vector<1x1x16xf32>,
        %scan3A_871 = arith.constant 2 : i32
        %scan3A_872 = arith.addi %scan3A_417, %scan3A_871 : i32
        %jit3A_873 = arith.constant 16 : i32
        %div3A_874 = arith.divsi %scan3A_872, %jit3A_873 : i32
        %sign3A_875 = arith.constant 0 : i32
        %sign3A_876 = arith.cmpi sgt, %scan3A_872, %sign3A_875 : i32
        %sign3A_877 = arith.extui %sign3A_876 : i1 to i32
        %sign3A_878 = arith.constant 0 : i32
        %sign3A_879 = arith.cmpi slt, %scan3A_872, %sign3A_878 : i32
        %sign3A_880 = arith.extui %sign3A_879 : i1 to i32
        %sign3A_881 = arith.subi %sign3A_877, %sign3A_880 : i32
        %sign3A_882 = arith.constant 0 : i32
        %sign3A_883 = arith.cmpi sgt, %jit3A_873, %sign3A_882 : i32
        %sign3A_884 = arith.extui %sign3A_883 : i1 to i32
        %sign3A_885 = arith.constant 0 : i32
        %sign3A_886 = arith.cmpi slt, %jit3A_873, %sign3A_885 : i32
        %sign3A_887 = arith.extui %sign3A_886 : i1 to i32
        %sign3A_888 = arith.subi %sign3A_884, %sign3A_887 : i32
        %ne3A_889 = arith.cmpi ne, %sign3A_881, %sign3A_888 : i32
        %rem3A_890 = arith.remsi %scan3A_872, %jit3A_873 : i32
        %ne3A_891 = arith.constant 0 : i32
        %ne3A_892 = arith.cmpi ne, %rem3A_890, %ne3A_891 : i32
        %and3A_893 = arith.andi %ne3A_889, %ne3A_892 : i1
        %sub3A_894 = arith.constant 1 : i32
        %sub3A_895 = arith.subi %div3A_874, %sub3A_894 : i32
        %select_n3A_896 = arith.select %and3A_893, %sub3A_895, %div3A_874 : i32
        %mul3A_897 = arith.constant 16 : i32
        %mul3A_898 = arith.muli %select_n3A_896, %mul3A_897 : i32
        %sub3A_899 = arith.subi %scan3A_872, %mul3A_898 : i32
        %mul3A_900 = arith.constant 16 : i32
        %mul3A_901 = arith.muli %select_n3A_896, %mul3A_900 : i32
        %get3A_902 = arith.constant 1 : i32
        %get3A_903 = arith.index_cast %add3A_364 : i32 to index
        %get3A_904 = arith.index_cast %get3A_902 : i32 to index
        %get3A_905 = arith.index_cast %mul3A_901 : i32 to index
        %get3A_906 = tpu.vector_load %arg6[%get3A_903, %get3A_904, %get3A_905] {strides = array<i32>} : memref<128x2x128xi32, #tpu.memory_space<vmem>>, vector<1x1x16xi32>,
        %get3A_907 = vector.shape_cast %get3A_906 : vector<1x1x16xi32> to vector<16xi32>
        %broadcast_in_dim3A_908 = vector.broadcast %sub3A_899 : i32 to vector<16xi32>
        %lt3A_909 = arith.constant 0 : i32
        %lt3A_910 = vector.broadcast %lt3A_909 : i32 to vector<16xi32>
        %lt3A_911 = arith.cmpi slt, %broadcast_in_dim3A_908, %lt3A_910 : vector<16xi32>
        %add3A_912 = arith.constant 16 : i32
        %add3A_913 = vector.broadcast %add3A_912 : i32 to vector<16xi32>
        %add3A_914 = arith.addi %broadcast_in_dim3A_908, %add3A_913 : vector<16xi32>
        %select_n3A_915 = arith.select %lt3A_911, %add3A_914, %broadcast_in_dim3A_908 : vector<16xi1>, vector<16xi32>
        %reshape3A_916 = vector.shape_cast %select_n3A_915 : vector<16xi32> to vector<16x1xi32>
        %gather3A_917 = vector.shape_cast %reshape3A_916 : vector<16x1xi32> to vector<16xi32>
        %gather3A_918 = tpu.dynamic_gather %get3A_907[%gather3A_917] in [0] : vector<16xi32>, vector<16xi32> -> vector<16xi32>
        %ne3A_919 = arith.constant 0 : i32
        %ne3A_920 = vector.broadcast %ne3A_919 : i32 to vector<16xi32>
        %ne3A_921 = arith.cmpi ne, %gather3A_918, %ne3A_920 : vector<16xi32>
        %jit3A_922 = arith.constant 1.000000e+00 : f32
        %jit3A_923 = arith.constant 0.000000e+00 : f32
        %broadcast_in_dim3A_924 = vector.broadcast %jit3A_922 : f32 to vector<16xf32>
        %broadcast_in_dim3A_925 = vector.broadcast %jit3A_923 : f32 to vector<16xf32>
        %select_n3A_926 = arith.select %ne3A_921, %broadcast_in_dim3A_924, %broadcast_in_dim3A_925 : vector<16xi1>, vector<16xf32>
        %add3A_927 = arith.constant 96 : i32
        %add3A_928 = arith.addi %add3A_927, %scan3A_872 : i32
        %get3A_929 = arith.constant 3 : i32
        %get3A_930 = arith.index_cast %get3A_929 : i32 to index
        %get3A_931 = arith.index_cast %scan3A_872 : i32 to index
        %get3A_932 = arith.constant 0 : index
        %get3A_933 = tpu.vector_load %arg7[%get3A_930, %get3A_931, %get3A_932] {strides = array<i32>} : memref<4x112x128xf32, #tpu.memory_space<vmem>>, vector<1x1x16xf32>,
        %get3A_934 = vector.shape_cast %get3A_933 : vector<1x1x16xf32> to vector<16xf32>
        %get3A_935 = arith.constant 3 : i32
        %get3A_936 = arith.index_cast %get3A_935 : i32 to index
        %get3A_937 = arith.index_cast %scan3A_872 : i32 to index
        %get3A_938 = arith.constant 16 : index
        %get3A_939 = tpu.vector_load %arg7[%get3A_936, %get3A_937, %get3A_938] {strides = array<i32>} : memref<4x112x128xf32, #tpu.memory_space<vmem>>, vector<1x1x16xf32>,
        %get3A_940 = vector.shape_cast %get3A_939 : vector<1x1x16xf32> to vector<16xf32>
        %get3A_941 = arith.constant 3 : i32
        %get3A_942 = arith.index_cast %get3A_941 : i32 to index
        %get3A_943 = arith.index_cast %scan3A_872 : i32 to index
        %get3A_944 = arith.constant 32 : index
        %get3A_945 = tpu.vector_load %arg7[%get3A_942, %get3A_943, %get3A_944] {strides = array<i32>} : memref<4x112x128xf32, #tpu.memory_space<vmem>>, vector<1x1x16xf32>,
        %get3A_946 = vector.shape_cast %get3A_945 : vector<1x1x16xf32> to vector<16xf32>
        %get3A_947 = arith.constant 3 : i32
        %get3A_948 = arith.index_cast %get3A_947 : i32 to index
        %get3A_949 = arith.index_cast %scan3A_872 : i32 to index
        %get3A_950 = arith.constant 48 : index
        %get3A_951 = tpu.vector_load %arg7[%get3A_948, %get3A_949, %get3A_950] {strides = array<i32>} : memref<4x112x128xf32, #tpu.memory_space<vmem>>, vector<1x1x16xf32>,
        %get3A_952 = vector.shape_cast %get3A_951 : vector<1x1x16xf32> to vector<16xf32>
        %get3A_953 = arith.constant 3 : i32
        %get3A_954 = arith.index_cast %get3A_953 : i32 to index
        %get3A_955 = arith.index_cast %scan3A_872 : i32 to index
        %get3A_956 = arith.constant 64 : index
        %get3A_957 = tpu.vector_load %arg7[%get3A_954, %get3A_955, %get3A_956] {strides = array<i32>} : memref<4x112x128xf32, #tpu.memory_space<vmem>>, vector<1x1x16xf32>,
        %get3A_958 = vector.shape_cast %get3A_957 : vector<1x1x16xf32> to vector<16xf32>
        %get3A_959 = arith.constant 3 : i32
        %get3A_960 = arith.index_cast %get3A_959 : i32 to index
        %get3A_961 = arith.index_cast %scan3A_872 : i32 to index
        %get3A_962 = arith.constant 80 : index
        %get3A_963 = tpu.vector_load %arg7[%get3A_960, %get3A_961, %get3A_962] {strides = array<i32>} : memref<4x112x128xf32, #tpu.memory_space<vmem>>, vector<1x1x16xf32>,
        %get3A_964 = vector.shape_cast %get3A_963 : vector<1x1x16xf32> to vector<16xf32>
        %get3A_965 = arith.constant 3 : i32
        %get3A_966 = arith.index_cast %get3A_965 : i32 to index
        %get3A_967 = arith.index_cast %scan3A_872 : i32 to index
        %get3A_968 = arith.constant 96 : index
        %get3A_969 = tpu.vector_load %arg7[%get3A_966, %get3A_967, %get3A_968] {strides = array<i32>} : memref<4x112x128xf32, #tpu.memory_space<vmem>>, vector<1x1x16xf32>,
        %get3A_970 = vector.shape_cast %get3A_969 : vector<1x1x16xf32> to vector<16xf32>
        %get3A_971 = arith.constant 3 : i32
        %get3A_972 = arith.index_cast %get3A_971 : i32 to index
        %get3A_973 = arith.index_cast %scan3A_872 : i32 to index
        %get3A_974 = arith.constant 112 : index
        %get3A_975 = tpu.vector_load %arg7[%get3A_972, %get3A_973, %get3A_974] {strides = array<i32>} : memref<4x112x128xf32, #tpu.memory_space<vmem>>, vector<1x1x16xf32>,
        %get3A_976 = vector.shape_cast %get3A_975 : vector<1x1x16xf32> to vector<16xf32>
        %get3A_977 = arith.index_cast %add3A_928 : i32 to index
        %get3A_978 = arith.constant 0 : index
        %get3A_979 = tpu.vector_load %arg8[%get3A_977, %get3A_978] {strides = array<i32>} : memref<224x128xf32, #tpu.memory_space<vmem>>, vector<1x16xf32>,
        %get3A_980 = vector.shape_cast %get3A_979 : vector<1x16xf32> to vector<16xf32>
        %get3A_981 = arith.index_cast %add3A_928 : i32 to index
        %get3A_982 = arith.constant 16 : index
        %get3A_983 = tpu.vector_load %arg8[%get3A_981, %get3A_982] {strides = array<i32>} : memref<224x128xf32, #tpu.memory_space<vmem>>, vector<1x16xf32>,
        %get3A_984 = vector.shape_cast %get3A_983 : vector<1x16xf32> to vector<16xf32>
        %get3A_985 = arith.index_cast %add3A_928 : i32 to index
        %get3A_986 = arith.constant 32 : index
        %get3A_987 = tpu.vector_load %arg8[%get3A_985, %get3A_986] {strides = array<i32>} : memref<224x128xf32, #tpu.memory_space<vmem>>, vector<1x16xf32>,
        %get3A_988 = vector.shape_cast %get3A_987 : vector<1x16xf32> to vector<16xf32>
        %get3A_989 = arith.index_cast %add3A_928 : i32 to index
        %get3A_990 = arith.constant 48 : index
        %get3A_991 = tpu.vector_load %arg8[%get3A_989, %get3A_990] {strides = array<i32>} : memref<224x128xf32, #tpu.memory_space<vmem>>, vector<1x16xf32>,
        %get3A_992 = vector.shape_cast %get3A_991 : vector<1x16xf32> to vector<16xf32>
        %get3A_993 = arith.index_cast %add3A_928 : i32 to index
        %get3A_994 = arith.constant 64 : index
        %get3A_995 = tpu.vector_load %arg8[%get3A_993, %get3A_994] {strides = array<i32>} : memref<224x128xf32, #tpu.memory_space<vmem>>, vector<1x16xf32>,
        %get3A_996 = vector.shape_cast %get3A_995 : vector<1x16xf32> to vector<16xf32>
        %get3A_997 = arith.index_cast %add3A_928 : i32 to index
        %get3A_998 = arith.constant 80 : index
        %get3A_999 = tpu.vector_load %arg8[%get3A_997, %get3A_998] {strides = array<i32>} : memref<224x128xf32, #tpu.memory_space<vmem>>, vector<1x16xf32>,
        %get3A_1000 = vector.shape_cast %get3A_999 : vector<1x16xf32> to vector<16xf32>
        %get3A_1001 = arith.index_cast %add3A_928 : i32 to index
        %get3A_1002 = arith.constant 96 : index
        %get3A_1003 = tpu.vector_load %arg8[%get3A_1001, %get3A_1002] {strides = array<i32>} : memref<224x128xf32, #tpu.memory_space<vmem>>, vector<1x16xf32>,
        %get3A_1004 = vector.shape_cast %get3A_1003 : vector<1x16xf32> to vector<16xf32>
        %get3A_1005 = arith.index_cast %add3A_928 : i32 to index
        %get3A_1006 = arith.constant 112 : index
        %get3A_1007 = tpu.vector_load %arg8[%get3A_1005, %get3A_1006] {strides = array<i32>} : memref<224x128xf32, #tpu.memory_space<vmem>>, vector<1x16xf32>,
        %get3A_1008 = vector.shape_cast %get3A_1007 : vector<1x16xf32> to vector<16xf32>
        %mul3A_1009 = arith.constant 11.3137083 : f32
        %mul3A_1010 = vector.broadcast %mul3A_1009 : f32 to vector<16xf32>
        %mul3A_1011 = arith.mulf %get3A_934, %mul3A_1010 : vector<16xf32>
        %add3A_1012 = arith.addf %mul3A_1011, %get3A_980 : vector<16xf32>
        %mul3A_1013 = arith.mulf %add3A_1012, %select_n3A_926 : vector<16xf32>
        %swap3A_1014 = arith.constant 3 : i32
        %swap3A_1015 = arith.index_cast %swap3A_1014 : i32 to index
        %swap3A_1016 = arith.index_cast %scan3A_872 : i32 to index
        %swap3A_1017 = arith.constant 0 : index
        %swap3A_1018 = tpu.vector_load %arg7[%swap3A_1015, %swap3A_1016, %swap3A_1017] {strides = array<i32>} : memref<4x112x128xf32, #tpu.memory_space<vmem>>, vector<1x1x16xf32>,
        %swap3A_1019 = vector.shape_cast %swap3A_1018 : vector<1x1x16xf32> to vector<16xf32>
        %swap3A_1020 = vector.shape_cast %mul3A_1013 : vector<16xf32> to vector<1x1x16xf32>
        tpu.vector_store %arg7[%swap3A_1015, %swap3A_1016, %swap3A_1017], %swap3A_1020 {strides = array<i32>} : memref<4x112x128xf32, #tpu.memory_space<vmem>>, vector<1x1x16xf32>,
        %mul3A_1021 = arith.constant 11.3137083 : f32
        %mul3A_1022 = vector.broadcast %mul3A_1021 : f32 to vector<16xf32>
        %mul3A_1023 = arith.mulf %get3A_940, %mul3A_1022 : vector<16xf32>
        %add3A_1024 = arith.addf %mul3A_1023, %get3A_984 : vector<16xf32>
        %mul3A_1025 = arith.mulf %add3A_1024, %select_n3A_926 : vector<16xf32>
        %swap3A_1026 = arith.constant 3 : i32
        %swap3A_1027 = arith.index_cast %swap3A_1026 : i32 to index
        %swap3A_1028 = arith.index_cast %scan3A_872 : i32 to index
        %swap3A_1029 = arith.constant 16 : index
        %swap3A_1030 = tpu.vector_load %arg7[%swap3A_1027, %swap3A_1028, %swap3A_1029] {strides = array<i32>} : memref<4x112x128xf32, #tpu.memory_space<vmem>>, vector<1x1x16xf32>,
        %swap3A_1031 = vector.shape_cast %swap3A_1030 : vector<1x1x16xf32> to vector<16xf32>
        %swap3A_1032 = vector.shape_cast %mul3A_1025 : vector<16xf32> to vector<1x1x16xf32>
        tpu.vector_store %arg7[%swap3A_1027, %swap3A_1028, %swap3A_1029], %swap3A_1032 {strides = array<i32>} : memref<4x112x128xf32, #tpu.memory_space<vmem>>, vector<1x1x16xf32>,
        %mul3A_1033 = arith.constant 11.3137083 : f32
        %mul3A_1034 = vector.broadcast %mul3A_1033 : f32 to vector<16xf32>
        %mul3A_1035 = arith.mulf %get3A_946, %mul3A_1034 : vector<16xf32>
        %add3A_1036 = arith.addf %mul3A_1035, %get3A_988 : vector<16xf32>
        %mul3A_1037 = arith.mulf %add3A_1036, %select_n3A_926 : vector<16xf32>
        %swap3A_1038 = arith.constant 3 : i32
        %swap3A_1039 = arith.index_cast %swap3A_1038 : i32 to index
        %swap3A_1040 = arith.index_cast %scan3A_872 : i32 to index
        %swap3A_1041 = arith.constant 32 : index
        %swap3A_1042 = tpu.vector_load %arg7[%swap3A_1039, %swap3A_1040, %swap3A_1041] {strides = array<i32>} : memref<4x112x128xf32, #tpu.memory_space<vmem>>, vector<1x1x16xf32>,
        %swap3A_1043 = vector.shape_cast %swap3A_1042 : vector<1x1x16xf32> to vector<16xf32>
        %swap3A_1044 = vector.shape_cast %mul3A_1037 : vector<16xf32> to vector<1x1x16xf32>
        tpu.vector_store %arg7[%swap3A_1039, %swap3A_1040, %swap3A_1041], %swap3A_1044 {strides = array<i32>} : memref<4x112x128xf32, #tpu.memory_space<vmem>>, vector<1x1x16xf32>,
        %mul3A_1045 = arith.constant 11.3137083 : f32
        %mul3A_1046 = vector.broadcast %mul3A_1045 : f32 to vector<16xf32>
        %mul3A_1047 = arith.mulf %get3A_952, %mul3A_1046 : vector<16xf32>
        %add3A_1048 = arith.addf %mul3A_1047, %get3A_992 : vector<16xf32>
        %mul3A_1049 = arith.mulf %add3A_1048, %select_n3A_926 : vector<16xf32>
        %swap3A_1050 = arith.constant 3 : i32
        %swap3A_1051 = arith.index_cast %swap3A_1050 : i32 to index
        %swap3A_1052 = arith.index_cast %scan3A_872 : i32 to index
        %swap3A_1053 = arith.constant 48 : index
        %swap3A_1054 = tpu.vector_load %arg7[%swap3A_1051, %swap3A_1052, %swap3A_1053] {strides = array<i32>} : memref<4x112x128xf32, #tpu.memory_space<vmem>>, vector<1x1x16xf32>,
        %swap3A_1055 = vector.shape_cast %swap3A_1054 : vector<1x1x16xf32> to vector<16xf32>
        %swap3A_1056 = vector.shape_cast %mul3A_1049 : vector<16xf32> to vector<1x1x16xf32>
        tpu.vector_store %arg7[%swap3A_1051, %swap3A_1052, %swap3A_1053], %swap3A_1056 {strides = array<i32>} : memref<4x112x128xf32, #tpu.memory_space<vmem>>, vector<1x1x16xf32>,
        %mul3A_1057 = arith.constant 11.3137083 : f32
        %mul3A_1058 = vector.broadcast %mul3A_1057 : f32 to vector<16xf32>
        %mul3A_1059 = arith.mulf %get3A_958, %mul3A_1058 : vector<16xf32>
        %add3A_1060 = arith.addf %mul3A_1059, %get3A_996 : vector<16xf32>
        %mul3A_1061 = arith.mulf %add3A_1060, %select_n3A_926 : vector<16xf32>
        %swap3A_1062 = arith.constant 3 : i32
        %swap3A_1063 = arith.index_cast %swap3A_1062 : i32 to index
        %swap3A_1064 = arith.index_cast %scan3A_872 : i32 to index
        %swap3A_1065 = arith.constant 64 : index
        %swap3A_1066 = tpu.vector_load %arg7[%swap3A_1063, %swap3A_1064, %swap3A_1065] {strides = array<i32>} : memref<4x112x128xf32, #tpu.memory_space<vmem>>, vector<1x1x16xf32>,
        %swap3A_1067 = vector.shape_cast %swap3A_1066 : vector<1x1x16xf32> to vector<16xf32>
        %swap3A_1068 = vector.shape_cast %mul3A_1061 : vector<16xf32> to vector<1x1x16xf32>
        tpu.vector_store %arg7[%swap3A_1063, %swap3A_1064, %swap3A_1065], %swap3A_1068 {strides = array<i32>} : memref<4x112x128xf32, #tpu.memory_space<vmem>>, vector<1x1x16xf32>,
        %mul3A_1069 = arith.constant 11.3137083 : f32
        %mul3A_1070 = vector.broadcast %mul3A_1069 : f32 to vector<16xf32>
        %mul3A_1071 = arith.mulf %get3A_964, %mul3A_1070 : vector<16xf32>
        %add3A_1072 = arith.addf %mul3A_1071, %get3A_1000 : vector<16xf32>
        %mul3A_1073 = arith.mulf %add3A_1072, %select_n3A_926 : vector<16xf32>
        %swap3A_1074 = arith.constant 3 : i32
        %swap3A_1075 = arith.index_cast %swap3A_1074 : i32 to index
        %swap3A_1076 = arith.index_cast %scan3A_872 : i32 to index
        %swap3A_1077 = arith.constant 80 : index
        %swap3A_1078 = tpu.vector_load %arg7[%swap3A_1075, %swap3A_1076, %swap3A_1077] {strides = array<i32>} : memref<4x112x128xf32, #tpu.memory_space<vmem>>, vector<1x1x16xf32>,
        %swap3A_1079 = vector.shape_cast %swap3A_1078 : vector<1x1x16xf32> to vector<16xf32>
        %swap3A_1080 = vector.shape_cast %mul3A_1073 : vector<16xf32> to vector<1x1x16xf32>
        tpu.vector_store %arg7[%swap3A_1075, %swap3A_1076, %swap3A_1077], %swap3A_1080 {strides = array<i32>} : memref<4x112x128xf32, #tpu.memory_space<vmem>>, vector<1x1x16xf32>,
        %mul3A_1081 = arith.constant 11.3137083 : f32
        %mul3A_1082 = vector.broadcast %mul3A_1081 : f32 to vector<16xf32>
        %mul3A_1083 = arith.mulf %get3A_970, %mul3A_1082 : vector<16xf32>
        %add3A_1084 = arith.addf %mul3A_1083, %get3A_1004 : vector<16xf32>
        %mul3A_1085 = arith.mulf %add3A_1084, %select_n3A_926 : vector<16xf32>
        %swap3A_1086 = arith.constant 3 : i32
        %swap3A_1087 = arith.index_cast %swap3A_1086 : i32 to index
        %swap3A_1088 = arith.index_cast %scan3A_872 : i32 to index
        %swap3A_1089 = arith.constant 96 : index
        %swap3A_1090 = tpu.vector_load %arg7[%swap3A_1087, %swap3A_1088, %swap3A_1089] {strides = array<i32>} : memref<4x112x128xf32, #tpu.memory_space<vmem>>, vector<1x1x16xf32>,
        %swap3A_1091 = vector.shape_cast %swap3A_1090 : vector<1x1x16xf32> to vector<16xf32>
        %swap3A_1092 = vector.shape_cast %mul3A_1085 : vector<16xf32> to vector<1x1x16xf32>
        tpu.vector_store %arg7[%swap3A_1087, %swap3A_1088, %swap3A_1089], %swap3A_1092 {strides = array<i32>} : memref<4x112x128xf32, #tpu.memory_space<vmem>>, vector<1x1x16xf32>,
        %mul3A_1093 = arith.constant 11.3137083 : f32
        %mul3A_1094 = vector.broadcast %mul3A_1093 : f32 to vector<16xf32>
        %mul3A_1095 = arith.mulf %get3A_976, %mul3A_1094 : vector<16xf32>
        %add3A_1096 = arith.addf %mul3A_1095, %get3A_1008 : vector<16xf32>
        %mul3A_1097 = arith.mulf %add3A_1096, %select_n3A_926 : vector<16xf32>
        %swap3A_1098 = arith.constant 3 : i32
        %swap3A_1099 = arith.index_cast %swap3A_1098 : i32 to index
        %swap3A_1100 = arith.index_cast %scan3A_872 : i32 to index
        %swap3A_1101 = arith.constant 112 : index
        %swap3A_1102 = tpu.vector_load %arg7[%swap3A_1099, %swap3A_1100, %swap3A_1101] {strides = array<i32>} : memref<4x112x128xf32, #tpu.memory_space<vmem>>, vector<1x1x16xf32>,
        %swap3A_1103 = vector.shape_cast %swap3A_1102 : vector<1x1x16xf32> to vector<16xf32>
        %swap3A_1104 = vector.shape_cast %mul3A_1097 : vector<16xf32> to vector<1x1x16xf32>
        tpu.vector_store %arg7[%swap3A_1099, %swap3A_1100, %swap3A_1101], %swap3A_1104 {strides = array<i32>} : memref<4x112x128xf32, #tpu.memory_space<vmem>>, vector<1x1x16xf32>,
        %scan3A_1105 = arith.constant 3 : i32
        %scan3A_1106 = arith.addi %scan3A_417, %scan3A_1105 : i32
        %jit3A_1107 = arith.constant 16 : i32
        %div3A_1108 = arith.divsi %scan3A_1106, %jit3A_1107 : i32
        %sign3A_1109 = arith.constant 0 : i32
        %sign3A_1110 = arith.cmpi sgt, %scan3A_1106, %sign3A_1109 : i32
        %sign3A_1111 = arith.extui %sign3A_1110 : i1 to i32
        %sign3A_1112 = arith.constant 0 : i32
        %sign3A_1113 = arith.cmpi slt, %scan3A_1106, %sign3A_1112 : i32
        %sign3A_1114 = arith.extui %sign3A_1113 : i1 to i32
        %sign3A_1115 = arith.subi %sign3A_1111, %sign3A_1114 : i32
        %sign3A_1116 = arith.constant 0 : i32
        %sign3A_1117 = arith.cmpi sgt, %jit3A_1107, %sign3A_1116 : i32
        %sign3A_1118 = arith.extui %sign3A_1117 : i1 to i32
        %sign3A_1119 = arith.constant 0 : i32
        %sign3A_1120 = arith.cmpi slt, %jit3A_1107, %sign3A_1119 : i32
        %sign3A_1121 = arith.extui %sign3A_1120 : i1 to i32
        %sign3A_1122 = arith.subi %sign3A_1118, %sign3A_1121 : i32
        %ne3A_1123 = arith.cmpi ne, %sign3A_1115, %sign3A_1122 : i32
        %rem3A_1124 = arith.remsi %scan3A_1106, %jit3A_1107 : i32
        %ne3A_1125 = arith.constant 0 : i32
        %ne3A_1126 = arith.cmpi ne, %rem3A_1124, %ne3A_1125 : i32
        %and3A_1127 = arith.andi %ne3A_1123, %ne3A_1126 : i1
        %sub3A_1128 = arith.constant 1 : i32
        %sub3A_1129 = arith.subi %div3A_1108, %sub3A_1128 : i32
        %select_n3A_1130 = arith.select %and3A_1127, %sub3A_1129, %div3A_1108 : i32
        %mul3A_1131 = arith.constant 16 : i32
        %mul3A_1132 = arith.muli %select_n3A_1130, %mul3A_1131 : i32
        %sub3A_1133 = arith.subi %scan3A_1106, %mul3A_1132 : i32
        %mul3A_1134 = arith.constant 16 : i32
        %mul3A_1135 = arith.muli %select_n3A_1130, %mul3A_1134 : i32
        %get3A_1136 = arith.constant 1 : i32
        %get3A_1137 = arith.index_cast %add3A_364 : i32 to index
        %get3A_1138 = arith.index_cast %get3A_1136 : i32 to index
        %get3A_1139 = arith.index_cast %mul3A_1135 : i32 to index
        %get3A_1140 = tpu.vector_load %arg6[%get3A_1137, %get3A_1138, %get3A_1139] {strides = array<i32>} : memref<128x2x128xi32, #tpu.memory_space<vmem>>, vector<1x1x16xi32>,
        %get3A_1141 = vector.shape_cast %get3A_1140 : vector<1x1x16xi32> to vector<16xi32>
        %broadcast_in_dim3A_1142 = vector.broadcast %sub3A_1133 : i32 to vector<16xi32>
        %lt3A_1143 = arith.constant 0 : i32
        %lt3A_1144 = vector.broadcast %lt3A_1143 : i32 to vector<16xi32>
        %lt3A_1145 = arith.cmpi slt, %broadcast_in_dim3A_1142, %lt3A_1144 : vector<16xi32>
        %add3A_1146 = arith.constant 16 : i32
        %add3A_1147 = vector.broadcast %add3A_1146 : i32 to vector<16xi32>
        %add3A_1148 = arith.addi %broadcast_in_dim3A_1142, %add3A_1147 : vector<16xi32>
        %select_n3A_1149 = arith.select %lt3A_1145, %add3A_1148, %broadcast_in_dim3A_1142 : vector<16xi1>, vector<16xi32>
        %reshape3A_1150 = vector.shape_cast %select_n3A_1149 : vector<16xi32> to vector<16x1xi32>
        %gather3A_1151 = vector.shape_cast %reshape3A_1150 : vector<16x1xi32> to vector<16xi32>
        %gather3A_1152 = tpu.dynamic_gather %get3A_1141[%gather3A_1151] in [0] : vector<16xi32>, vector<16xi32> -> vector<16xi32>
        %ne3A_1153 = arith.constant 0 : i32
        %ne3A_1154 = vector.broadcast %ne3A_1153 : i32 to vector<16xi32>
        %ne3A_1155 = arith.cmpi ne, %gather3A_1152, %ne3A_1154 : vector<16xi32>
        %jit3A_1156 = arith.constant 1.000000e+00 : f32
        %jit3A_1157 = arith.constant 0.000000e+00 : f32
        %broadcast_in_dim3A_1158 = vector.broadcast %jit3A_1156 : f32 to vector<16xf32>
        %broadcast_in_dim3A_1159 = vector.broadcast %jit3A_1157 : f32 to vector<16xf32>
        %select_n3A_1160 = arith.select %ne3A_1155, %broadcast_in_dim3A_1158, %broadcast_in_dim3A_1159 : vector<16xi1>, vector<16xf32>
        %add3A_1161 = arith.constant 96 : i32
        %add3A_1162 = arith.addi %add3A_1161, %scan3A_1106 : i32
        %get3A_1163 = arith.constant 3 : i32
        %get3A_1164 = arith.index_cast %get3A_1163 : i32 to index
        %get3A_1165 = arith.index_cast %scan3A_1106 : i32 to index
        %get3A_1166 = arith.constant 0 : index
        %get3A_1167 = tpu.vector_load %arg7[%get3A_1164, %get3A_1165, %get3A_1166] {strides = array<i32>} : memref<4x112x128xf32, #tpu.memory_space<vmem>>, vector<1x1x16xf32>,
        %get3A_1168 = vector.shape_cast %get3A_1167 : vector<1x1x16xf32> to vector<16xf32>
        %get3A_1169 = arith.constant 3 : i32
        %get3A_1170 = arith.index_cast %get3A_1169 : i32 to index
        %get3A_1171 = arith.index_cast %scan3A_1106 : i32 to index
        %get3A_1172 = arith.constant 16 : index
        %get3A_1173 = tpu.vector_load %arg7[%get3A_1170, %get3A_1171, %get3A_1172] {strides = array<i32>} : memref<4x112x128xf32, #tpu.memory_space<vmem>>, vector<1x1x16xf32>,
        %get3A_1174 = vector.shape_cast %get3A_1173 : vector<1x1x16xf32> to vector<16xf32>
        %get3A_1175 = arith.constant 3 : i32
        %get3A_1176 = arith.index_cast %get3A_1175 : i32 to index
        %get3A_1177 = arith.index_cast %scan3A_1106 : i32 to index
        %get3A_1178 = arith.constant 32 : index
        %get3A_1179 = tpu.vector_load %arg7[%get3A_1176, %get3A_1177, %get3A_1178] {strides = array<i32>} : memref<4x112x128xf32, #tpu.memory_space<vmem>>, vector<1x1x16xf32>,
        %get3A_1180 = vector.shape_cast %get3A_1179 : vector<1x1x16xf32> to vector<16xf32>
        %get3A_1181 = arith.constant 3 : i32
        %get3A_1182 = arith.index_cast %get3A_1181 : i32 to index
        %get3A_1183 = arith.index_cast %scan3A_1106 : i32 to index
        %get3A_1184 = arith.constant 48 : index
        %get3A_1185 = tpu.vector_load %arg7[%get3A_1182, %get3A_1183, %get3A_1184] {strides = array<i32>} : memref<4x112x128xf32, #tpu.memory_space<vmem>>, vector<1x1x16xf32>,
        %get3A_1186 = vector.shape_cast %get3A_1185 : vector<1x1x16xf32> to vector<16xf32>
        %get3A_1187 = arith.constant 3 : i32
        %get3A_1188 = arith.index_cast %get3A_1187 : i32 to index
        %get3A_1189 = arith.index_cast %scan3A_1106 : i32 to index
        %get3A_1190 = arith.constant 64 : index
        %get3A_1191 = tpu.vector_load %arg7[%get3A_1188, %get3A_1189, %get3A_1190] {strides = array<i32>} : memref<4x112x128xf32, #tpu.memory_space<vmem>>, vector<1x1x16xf32>,
        %get3A_1192 = vector.shape_cast %get3A_1191 : vector<1x1x16xf32> to vector<16xf32>
        %get3A_1193 = arith.constant 3 : i32
        %get3A_1194 = arith.index_cast %get3A_1193 : i32 to index
        %get3A_1195 = arith.index_cast %scan3A_1106 : i32 to index
        %get3A_1196 = arith.constant 80 : index
        %get3A_1197 = tpu.vector_load %arg7[%get3A_1194, %get3A_1195, %get3A_1196] {strides = array<i32>} : memref<4x112x128xf32, #tpu.memory_space<vmem>>, vector<1x1x16xf32>,
        %get3A_1198 = vector.shape_cast %get3A_1197 : vector<1x1x16xf32> to vector<16xf32>
        %get3A_1199 = arith.constant 3 : i32
        %get3A_1200 = arith.index_cast %get3A_1199 : i32 to index
        %get3A_1201 = arith.index_cast %scan3A_1106 : i32 to index
        %get3A_1202 = arith.constant 96 : index
        %get3A_1203 = tpu.vector_load %arg7[%get3A_1200, %get3A_1201, %get3A_1202] {strides = array<i32>} : memref<4x112x128xf32, #tpu.memory_space<vmem>>, vector<1x1x16xf32>,
        %get3A_1204 = vector.shape_cast %get3A_1203 : vector<1x1x16xf32> to vector<16xf32>
        %get3A_1205 = arith.constant 3 : i32
        %get3A_1206 = arith.index_cast %get3A_1205 : i32 to index
        %get3A_1207 = arith.index_cast %scan3A_1106 : i32 to index
        %get3A_1208 = arith.constant 112 : index
        %get3A_1209 = tpu.vector_load %arg7[%get3A_1206, %get3A_1207, %get3A_1208] {strides = array<i32>} : memref<4x112x128xf32, #tpu.memory_space<vmem>>, vector<1x1x16xf32>,
        %get3A_1210 = vector.shape_cast %get3A_1209 : vector<1x1x16xf32> to vector<16xf32>
        %get3A_1211 = arith.index_cast %add3A_1162 : i32 to index
        %get3A_1212 = arith.constant 0 : index
        %get3A_1213 = tpu.vector_load %arg8[%get3A_1211, %get3A_1212] {strides = array<i32>} : memref<224x128xf32, #tpu.memory_space<vmem>>, vector<1x16xf32>,
        %get3A_1214 = vector.shape_cast %get3A_1213 : vector<1x16xf32> to vector<16xf32>
        %get3A_1215 = arith.index_cast %add3A_1162 : i32 to index
        %get3A_1216 = arith.constant 16 : index
        %get3A_1217 = tpu.vector_load %arg8[%get3A_1215, %get3A_1216] {strides = array<i32>} : memref<224x128xf32, #tpu.memory_space<vmem>>, vector<1x16xf32>,
        %get3A_1218 = vector.shape_cast %get3A_1217 : vector<1x16xf32> to vector<16xf32>
        %get3A_1219 = arith.index_cast %add3A_1162 : i32 to index
        %get3A_1220 = arith.constant 32 : index
        %get3A_1221 = tpu.vector_load %arg8[%get3A_1219, %get3A_1220] {strides = array<i32>} : memref<224x128xf32, #tpu.memory_space<vmem>>, vector<1x16xf32>,
        %get3A_1222 = vector.shape_cast %get3A_1221 : vector<1x16xf32> to vector<16xf32>
        %get3A_1223 = arith.index_cast %add3A_1162 : i32 to index
        %get3A_1224 = arith.constant 48 : index
        %get3A_1225 = tpu.vector_load %arg8[%get3A_1223, %get3A_1224] {strides = array<i32>} : memref<224x128xf32, #tpu.memory_space<vmem>>, vector<1x16xf32>,
        %get3A_1226 = vector.shape_cast %get3A_1225 : vector<1x16xf32> to vector<16xf32>
        %get3A_1227 = arith.index_cast %add3A_1162 : i32 to index
        %get3A_1228 = arith.constant 64 : index
        %get3A_1229 = tpu.vector_load %arg8[%get3A_1227, %get3A_1228] {strides = array<i32>} : memref<224x128xf32, #tpu.memory_space<vmem>>, vector<1x16xf32>,
        %get3A_1230 = vector.shape_cast %get3A_1229 : vector<1x16xf32> to vector<16xf32>
        %get3A_1231 = arith.index_cast %add3A_1162 : i32 to index
        %get3A_1232 = arith.constant 80 : index
        %get3A_1233 = tpu.vector_load %arg8[%get3A_1231, %get3A_1232] {strides = array<i32>} : memref<224x128xf32, #tpu.memory_space<vmem>>, vector<1x16xf32>,
        %get3A_1234 = vector.shape_cast %get3A_1233 : vector<1x16xf32> to vector<16xf32>
        %get3A_1235 = arith.index_cast %add3A_1162 : i32 to index
        %get3A_1236 = arith.constant 96 : index
        %get3A_1237 = tpu.vector_load %arg8[%get3A_1235, %get3A_1236] {strides = array<i32>} : memref<224x128xf32, #tpu.memory_space<vmem>>, vector<1x16xf32>,
        %get3A_1238 = vector.shape_cast %get3A_1237 : vector<1x16xf32> to vector<16xf32>
        %get3A_1239 = arith.index_cast %add3A_1162 : i32 to index
        %get3A_1240 = arith.constant 112 : index
        %get3A_1241 = tpu.vector_load %arg8[%get3A_1239, %get3A_1240] {strides = array<i32>} : memref<224x128xf32, #tpu.memory_space<vmem>>, vector<1x16xf32>,
        %get3A_1242 = vector.shape_cast %get3A_1241 : vector<1x16xf32> to vector<16xf32>
        %mul3A_1243 = arith.constant 11.3137083 : f32
        %mul3A_1244 = vector.broadcast %mul3A_1243 : f32 to vector<16xf32>
        %mul3A_1245 = arith.mulf %get3A_1168, %mul3A_1244 : vector<16xf32>
        %add3A_1246 = arith.addf %mul3A_1245, %get3A_1214 : vector<16xf32>
        %mul3A_1247 = arith.mulf %add3A_1246, %select_n3A_1160 : vector<16xf32>
        %swap3A_1248 = arith.constant 3 : i32
        %swap3A_1249 = arith.index_cast %swap3A_1248 : i32 to index
        %swap3A_1250 = arith.index_cast %scan3A_1106 : i32 to index
        %swap3A_1251 = arith.constant 0 : index
        %swap3A_1252 = tpu.vector_load %arg7[%swap3A_1249, %swap3A_1250, %swap3A_1251] {strides = array<i32>} : memref<4x112x128xf32, #tpu.memory_space<vmem>>, vector<1x1x16xf32>,
        %swap3A_1253 = vector.shape_cast %swap3A_1252 : vector<1x1x16xf32> to vector<16xf32>
        %swap3A_1254 = vector.shape_cast %mul3A_1247 : vector<16xf32> to vector<1x1x16xf32>
        tpu.vector_store %arg7[%swap3A_1249, %swap3A_1250, %swap3A_1251], %swap3A_1254 {strides = array<i32>} : memref<4x112x128xf32, #tpu.memory_space<vmem>>, vector<1x1x16xf32>,
        %mul3A_1255 = arith.constant 11.3137083 : f32
        %mul3A_1256 = vector.broadcast %mul3A_1255 : f32 to vector<16xf32>
        %mul3A_1257 = arith.mulf %get3A_1174, %mul3A_1256 : vector<16xf32>
        %add3A_1258 = arith.addf %mul3A_1257, %get3A_1218 : vector<16xf32>
        %mul3A_1259 = arith.mulf %add3A_1258, %select_n3A_1160 : vector<16xf32>
        %swap3A_1260 = arith.constant 3 : i32
        %swap3A_1261 = arith.index_cast %swap3A_1260 : i32 to index
        %swap3A_1262 = arith.index_cast %scan3A_1106 : i32 to index
        %swap3A_1263 = arith.constant 16 : index
        %swap3A_1264 = tpu.vector_load %arg7[%swap3A_1261, %swap3A_1262, %swap3A_1263] {strides = array<i32>} : memref<4x112x128xf32, #tpu.memory_space<vmem>>, vector<1x1x16xf32>,
        %swap3A_1265 = vector.shape_cast %swap3A_1264 : vector<1x1x16xf32> to vector<16xf32>
        %swap3A_1266 = vector.shape_cast %mul3A_1259 : vector<16xf32> to vector<1x1x16xf32>
        tpu.vector_store %arg7[%swap3A_1261, %swap3A_1262, %swap3A_1263], %swap3A_1266 {strides = array<i32>} : memref<4x112x128xf32, #tpu.memory_space<vmem>>, vector<1x1x16xf32>,
        %mul3A_1267 = arith.constant 11.3137083 : f32
        %mul3A_1268 = vector.broadcast %mul3A_1267 : f32 to vector<16xf32>
        %mul3A_1269 = arith.mulf %get3A_1180, %mul3A_1268 : vector<16xf32>
        %add3A_1270 = arith.addf %mul3A_1269, %get3A_1222 : vector<16xf32>
        %mul3A_1271 = arith.mulf %add3A_1270, %select_n3A_1160 : vector<16xf32>
        %swap3A_1272 = arith.constant 3 : i32
        %swap3A_1273 = arith.index_cast %swap3A_1272 : i32 to index
        %swap3A_1274 = arith.index_cast %scan3A_1106 : i32 to index
        %swap3A_1275 = arith.constant 32 : index
        %swap3A_1276 = tpu.vector_load %arg7[%swap3A_1273, %swap3A_1274, %swap3A_1275] {strides = array<i32>} : memref<4x112x128xf32, #tpu.memory_space<vmem>>, vector<1x1x16xf32>,
        %swap3A_1277 = vector.shape_cast %swap3A_1276 : vector<1x1x16xf32> to vector<16xf32>
        %swap3A_1278 = vector.shape_cast %mul3A_1271 : vector<16xf32> to vector<1x1x16xf32>
        tpu.vector_store %arg7[%swap3A_1273, %swap3A_1274, %swap3A_1275], %swap3A_1278 {strides = array<i32>} : memref<4x112x128xf32, #tpu.memory_space<vmem>>, vector<1x1x16xf32>,
        %mul3A_1279 = arith.constant 11.3137083 : f32
        %mul3A_1280 = vector.broadcast %mul3A_1279 : f32 to vector<16xf32>
        %mul3A_1281 = arith.mulf %get3A_1186, %mul3A_1280 : vector<16xf32>
        %add3A_1282 = arith.addf %mul3A_1281, %get3A_1226 : vector<16xf32>
        %mul3A_1283 = arith.mulf %add3A_1282, %select_n3A_1160 : vector<16xf32>
        %swap3A_1284 = arith.constant 3 : i32
        %swap3A_1285 = arith.index_cast %swap3A_1284 : i32 to index
        %swap3A_1286 = arith.index_cast %scan3A_1106 : i32 to index
        %swap3A_1287 = arith.constant 48 : index
        %swap3A_1288 = tpu.vector_load %arg7[%swap3A_1285, %swap3A_1286, %swap3A_1287] {strides = array<i32>} : memref<4x112x128xf32, #tpu.memory_space<vmem>>, vector<1x1x16xf32>,
        %swap3A_1289 = vector.shape_cast %swap3A_1288 : vector<1x1x16xf32> to vector<16xf32>
        %swap3A_1290 = vector.shape_cast %mul3A_1283 : vector<16xf32> to vector<1x1x16xf32>
        tpu.vector_store %arg7[%swap3A_1285, %swap3A_1286, %swap3A_1287], %swap3A_1290 {strides = array<i32>} : memref<4x112x128xf32, #tpu.memory_space<vmem>>, vector<1x1x16xf32>,
        %mul3A_1291 = arith.constant 11.3137083 : f32
        %mul3A_1292 = vector.broadcast %mul3A_1291 : f32 to vector<16xf32>
        %mul3A_1293 = arith.mulf %get3A_1192, %mul3A_1292 : vector<16xf32>
        %add3A_1294 = arith.addf %mul3A_1293, %get3A_1230 : vector<16xf32>
        %mul3A_1295 = arith.mulf %add3A_1294, %select_n3A_1160 : vector<16xf32>
        %swap3A_1296 = arith.constant 3 : i32
        %swap3A_1297 = arith.index_cast %swap3A_1296 : i32 to index
        %swap3A_1298 = arith.index_cast %scan3A_1106 : i32 to index
        %swap3A_1299 = arith.constant 64 : index
        %swap3A_1300 = tpu.vector_load %arg7[%swap3A_1297, %swap3A_1298, %swap3A_1299] {strides = array<i32>} : memref<4x112x128xf32, #tpu.memory_space<vmem>>, vector<1x1x16xf32>,
        %swap3A_1301 = vector.shape_cast %swap3A_1300 : vector<1x1x16xf32> to vector<16xf32>
        %swap3A_1302 = vector.shape_cast %mul3A_1295 : vector<16xf32> to vector<1x1x16xf32>
        tpu.vector_store %arg7[%swap3A_1297, %swap3A_1298, %swap3A_1299], %swap3A_1302 {strides = array<i32>} : memref<4x112x128xf32, #tpu.memory_space<vmem>>, vector<1x1x16xf32>,
        %mul3A_1303 = arith.constant 11.3137083 : f32
        %mul3A_1304 = vector.broadcast %mul3A_1303 : f32 to vector<16xf32>
        %mul3A_1305 = arith.mulf %get3A_1198, %mul3A_1304 : vector<16xf32>
        %add3A_1306 = arith.addf %mul3A_1305, %get3A_1234 : vector<16xf32>
        %mul3A_1307 = arith.mulf %add3A_1306, %select_n3A_1160 : vector<16xf32>
        %swap3A_1308 = arith.constant 3 : i32
        %swap3A_1309 = arith.index_cast %swap3A_1308 : i32 to index
        %swap3A_1310 = arith.index_cast %scan3A_1106 : i32 to index
        %swap3A_1311 = arith.constant 80 : index
        %swap3A_1312 = tpu.vector_load %arg7[%swap3A_1309, %swap3A_1310, %swap3A_1311] {strides = array<i32>} : memref<4x112x128xf32, #tpu.memory_space<vmem>>, vector<1x1x16xf32>,
        %swap3A_1313 = vector.shape_cast %swap3A_1312 : vector<1x1x16xf32> to vector<16xf32>
        %swap3A_1314 = vector.shape_cast %mul3A_1307 : vector<16xf32> to vector<1x1x16xf32>
        tpu.vector_store %arg7[%swap3A_1309, %swap3A_1310, %swap3A_1311], %swap3A_1314 {strides = array<i32>} : memref<4x112x128xf32, #tpu.memory_space<vmem>>, vector<1x1x16xf32>,
        %mul3A_1315 = arith.constant 11.3137083 : f32
        %mul3A_1316 = vector.broadcast %mul3A_1315 : f32 to vector<16xf32>
        %mul3A_1317 = arith.mulf %get3A_1204, %mul3A_1316 : vector<16xf32>
        %add3A_1318 = arith.addf %mul3A_1317, %get3A_1238 : vector<16xf32>
        %mul3A_1319 = arith.mulf %add3A_1318, %select_n3A_1160 : vector<16xf32>
        %swap3A_1320 = arith.constant 3 : i32
        %swap3A_1321 = arith.index_cast %swap3A_1320 : i32 to index
        %swap3A_1322 = arith.index_cast %scan3A_1106 : i32 to index
        %swap3A_1323 = arith.constant 96 : index
        %swap3A_1324 = tpu.vector_load %arg7[%swap3A_1321, %swap3A_1322, %swap3A_1323] {strides = array<i32>} : memref<4x112x128xf32, #tpu.memory_space<vmem>>, vector<1x1x16xf32>,
        %swap3A_1325 = vector.shape_cast %swap3A_1324 : vector<1x1x16xf32> to vector<16xf32>
        %swap3A_1326 = vector.shape_cast %mul3A_1319 : vector<16xf32> to vector<1x1x16xf32>
        tpu.vector_store %arg7[%swap3A_1321, %swap3A_1322, %swap3A_1323], %swap3A_1326 {strides = array<i32>} : memref<4x112x128xf32, #tpu.memory_space<vmem>>, vector<1x1x16xf32>,
        %mul3A_1327 = arith.constant 11.3137083 : f32
        %mul3A_1328 = vector.broadcast %mul3A_1327 : f32 to vector<16xf32>
        %mul3A_1329 = arith.mulf %get3A_1210, %mul3A_1328 : vector<16xf32>
        %add3A_1330 = arith.addf %mul3A_1329, %get3A_1242 : vector<16xf32>
        %mul3A_1331 = arith.mulf %add3A_1330, %select_n3A_1160 : vector<16xf32>
        %swap3A_1332 = arith.constant 3 : i32
        %swap3A_1333 = arith.index_cast %swap3A_1332 : i32 to index
        %swap3A_1334 = arith.index_cast %scan3A_1106 : i32 to index
        %swap3A_1335 = arith.constant 112 : index
        %swap3A_1336 = tpu.vector_load %arg7[%swap3A_1333, %swap3A_1334, %swap3A_1335] {strides = array<i32>} : memref<4x112x128xf32, #tpu.memory_space<vmem>>, vector<1x1x16xf32>,
        %swap3A_1337 = vector.shape_cast %swap3A_1336 : vector<1x1x16xf32> to vector<16xf32>
        %swap3A_1338 = vector.shape_cast %mul3A_1331 : vector<16xf32> to vector<1x1x16xf32>
        tpu.vector_store %arg7[%swap3A_1333, %swap3A_1334, %swap3A_1335], %swap3A_1338 {strides = array<i32>} : memref<4x112x128xf32, #tpu.memory_space<vmem>>, vector<1x1x16xf32>,
      }
      %scan3A_392 = arith.constant 104 : i32
      %add3A_393 = arith.addi %mul3A_2, %add3A_364 : i32
      %dma_start3A_394 = arith.constant 3 : i32
      %dma_start3A_395 = arith.constant 0 : i32
      %dma_start3A_396 = arith.constant 0 : i32
      %dma_start3A_397 = tpu.memref_slice %arg7[%dma_start3A_394, %dma_start3A_395, %dma_start3A_396] : memref<4x112x128xf32, #tpu.memory_space<vmem>> -> memref<1x112x128xf32, #tpu.memory_space<vmem>>
      %dma_start3A_398 = tpu.memref_squeeze %dma_start3A_397 : memref<1x112x128xf32, #tpu.memory_space<vmem>> -> memref<112x128xf32, #tpu.memory_space<vmem>>
      %dma_start3A_399 = arith.constant 0 : i32
      %dma_start3A_400 = arith.constant 0 : i32
      %dma_start3A_401 = tpu.memref_slice %dma_start3A_398[%dma_start3A_399, %dma_start3A_400] : memref<112x128xf32, #tpu.memory_space<vmem>> -> memref<104x128xf32, #tpu.memory_space<vmem>>
      %dma_start3A_402 = arith.constant 96 : i32
      %dma_start3A_403 = arith.constant 0 : i32
      %dma_start3A_404 = tpu.memref_slice %arg5[%add3A_393, %dma_start3A_402, %dma_start3A_403] : memref<4096x200x128xf32, #tpu.memory_space<hbm>> -> memref<1x104x128xf32, #tpu.memory_space<hbm>>
      %dma_start3A_405 = tpu.memref_squeeze %dma_start3A_404 : memref<1x104x128xf32, #tpu.memory_space<hbm>> -> memref<104x128xf32, #tpu.memory_space<hbm>>
      %dma_start3A_406 = arith.constant 96 : i32
      %dma_start3A_407 = arith.constant 0 : i32
      %dma_start3A_408 = tpu.memref_slice %arg5[%add3A_393, %dma_start3A_406, %dma_start3A_407] : memref<4096x200x128xf32, #tpu.memory_space<hbm>> -> memref<1x104x128xf32, #tpu.memory_space<hbm>>
      %dma_start3A_409 = tpu.memref_squeeze %dma_start3A_408 : memref<1x104x128xf32, #tpu.memory_space<hbm>> -> memref<104x128xf32, #tpu.memory_space<hbm>>
      %dma_start3A_410 = arith.constant 0 : i32
      %dma_start3A_411 = arith.constant 0 : i32
      %dma_start3A_412 = tpu.memref_slice %arg7[%dma_start3A_394, %dma_start3A_410, %dma_start3A_411] : memref<4x112x128xf32, #tpu.memory_space<vmem>> -> memref<1x112x128xf32, #tpu.memory_space<vmem>>
      %dma_start3A_413 = tpu.memref_squeeze %dma_start3A_412 : memref<1x112x128xf32, #tpu.memory_space<vmem>> -> memref<112x128xf32, #tpu.memory_space<vmem>>
      %dma_start3A_414 = arith.constant 0 : i32
      %dma_start3A_415 = arith.constant 0 : i32
      %dma_start3A_416 = tpu.memref_slice %dma_start3A_413[%dma_start3A_414, %dma_start3A_415] : memref<112x128xf32, #tpu.memory_space<vmem>> -> memref<104x128xf32, #tpu.memory_space<vmem>>
      tpu.enqueue_dma source(%dma_start3A_416 : memref<104x128xf32, #tpu.memory_space<vmem>>) target(%dma_start3A_409 : memref<104x128xf32, #tpu.memory_space<hbm>>) target_semaphore(%arg16 : memref<!tpu.dma_semaphore, #tpu.memory_space<semaphore_mem>>)
    }
    %scan3A_49 = arith.constant 64 : i32
    %add3A_50 = arith.constant 126 : i32
    %add3A_51 = arith.addi %mul3A_2, %add3A_50 : i32
    %dma_wait3A_52 = arith.constant 0 : i32
    %dma_wait3A_53 = arith.constant 0 : i32
    %dma_wait3A_54 = arith.constant 0 : i32
    %dma_wait3A_55 = tpu.memref_slice %arg7[%dma_wait3A_52, %dma_wait3A_53, %dma_wait3A_54] : memref<4x112x128xf32, #tpu.memory_space<vmem>> -> memref<1x112x128xf32, #tpu.memory_space<vmem>>
    %dma_wait3A_56 = tpu.memref_squeeze %dma_wait3A_55 : memref<1x112x128xf32, #tpu.memory_space<vmem>> -> memref<112x128xf32, #tpu.memory_space<vmem>>
    %dma_wait3A_57 = arith.constant 0 : i32
    %dma_wait3A_58 = arith.constant 0 : i32
    %dma_wait3A_59 = tpu.memref_slice %dma_wait3A_56[%dma_wait3A_57, %dma_wait3A_58] : memref<112x128xf32, #tpu.memory_space<vmem>> -> memref<96x128xf32, #tpu.memory_space<vmem>>
    %dma_wait3A_60 = arith.constant 0 : i32
    %dma_wait3A_61 = arith.constant 0 : i32
    %dma_wait3A_62 = tpu.memref_slice %arg5[%add3A_51, %dma_wait3A_60, %dma_wait3A_61] : memref<4096x200x128xf32, #tpu.memory_space<hbm>> -> memref<1x96x128xf32, #tpu.memory_space<hbm>>
    %dma_wait3A_63 = tpu.memref_squeeze %dma_wait3A_62 : memref<1x96x128xf32, #tpu.memory_space<hbm>> -> memref<96x128xf32, #tpu.memory_space<hbm>>
    %dma_wait3A_64 = arith.constant 0 : i32
    %dma_wait3A_65 = arith.constant 0 : i32
    %dma_wait3A_66 = tpu.memref_slice %arg5[%add3A_51, %dma_wait3A_64, %dma_wait3A_65] : memref<4096x200x128xf32, #tpu.memory_space<hbm>> -> memref<1x96x128xf32, #tpu.memory_space<hbm>>
    %dma_wait3A_67 = tpu.memref_squeeze %dma_wait3A_66 : memref<1x96x128xf32, #tpu.memory_space<hbm>> -> memref<96x128xf32, #tpu.memory_space<hbm>>
    %dma_wait3A_68 = arith.constant 0 : i32
    %dma_wait3A_69 = arith.constant 0 : i32
    %dma_wait3A_70 = tpu.memref_slice %arg7[%dma_wait3A_52, %dma_wait3A_68, %dma_wait3A_69] : memref<4x112x128xf32, #tpu.memory_space<vmem>> -> memref<1x112x128xf32, #tpu.memory_space<vmem>>
    %dma_wait3A_71 = tpu.memref_squeeze %dma_wait3A_70 : memref<1x112x128xf32, #tpu.memory_space<vmem>> -> memref<112x128xf32, #tpu.memory_space<vmem>>
    %dma_wait3A_72 = arith.constant 0 : i32
    %dma_wait3A_73 = arith.constant 0 : i32
    %dma_wait3A_74 = tpu.memref_slice %dma_wait3A_71[%dma_wait3A_72, %dma_wait3A_73] : memref<112x128xf32, #tpu.memory_space<vmem>> -> memref<96x128xf32, #tpu.memory_space<vmem>>
    tpu.wait_dma2 semaphore(%arg13 : memref<!tpu.dma_semaphore, #tpu.memory_space<semaphore_mem>>) src(%dma_wait3A_74 : memref<96x128xf32, #tpu.memory_space<vmem>>) dst(%dma_wait3A_67 : memref<96x128xf32, #tpu.memory_space<hbm>>)
    %add3A_75 = arith.constant 126 : i32
    %add3A_76 = arith.addi %mul3A_2, %add3A_75 : i32
    %dma_wait3A_77 = arith.constant 1 : i32
    %dma_wait3A_78 = arith.constant 0 : i32
    %dma_wait3A_79 = arith.constant 0 : i32
    %dma_wait3A_80 = tpu.memref_slice %arg7[%dma_wait3A_77, %dma_wait3A_78, %dma_wait3A_79] : memref<4x112x128xf32, #tpu.memory_space<vmem>> -> memref<1x112x128xf32, #tpu.memory_space<vmem>>
    %dma_wait3A_81 = tpu.memref_squeeze %dma_wait3A_80 : memref<1x112x128xf32, #tpu.memory_space<vmem>> -> memref<112x128xf32, #tpu.memory_space<vmem>>
    %dma_wait3A_82 = arith.constant 0 : i32
    %dma_wait3A_83 = arith.constant 0 : i32
    %dma_wait3A_84 = tpu.memref_slice %dma_wait3A_81[%dma_wait3A_82, %dma_wait3A_83] : memref<112x128xf32, #tpu.memory_space<vmem>> -> memref<104x128xf32, #tpu.memory_space<vmem>>
    %dma_wait3A_85 = arith.constant 96 : i32
    %dma_wait3A_86 = arith.constant 0 : i32
    %dma_wait3A_87 = tpu.memref_slice %arg5[%add3A_76, %dma_wait3A_85, %dma_wait3A_86] : memref<4096x200x128xf32, #tpu.memory_space<hbm>> -> memref<1x104x128xf32, #tpu.memory_space<hbm>>
    %dma_wait3A_88 = tpu.memref_squeeze %dma_wait3A_87 : memref<1x104x128xf32, #tpu.memory_space<hbm>> -> memref<104x128xf32, #tpu.memory_space<hbm>>
    %dma_wait3A_89 = arith.constant 96 : i32
    %dma_wait3A_90 = arith.constant 0 : i32
    %dma_wait3A_91 = tpu.memref_slice %arg5[%add3A_76, %dma_wait3A_89, %dma_wait3A_90] : memref<4096x200x128xf32, #tpu.memory_space<hbm>> -> memref<1x104x128xf32, #tpu.memory_space<hbm>>
    %dma_wait3A_92 = tpu.memref_squeeze %dma_wait3A_91 : memref<1x104x128xf32, #tpu.memory_space<hbm>> -> memref<104x128xf32, #tpu.memory_space<hbm>>
    %dma_wait3A_93 = arith.constant 0 : i32
    %dma_wait3A_94 = arith.constant 0 : i32
    %dma_wait3A_95 = tpu.memref_slice %arg7[%dma_wait3A_77, %dma_wait3A_93, %dma_wait3A_94] : memref<4x112x128xf32, #tpu.memory_space<vmem>> -> memref<1x112x128xf32, #tpu.memory_space<vmem>>
    %dma_wait3A_96 = tpu.memref_squeeze %dma_wait3A_95 : memref<1x112x128xf32, #tpu.memory_space<vmem>> -> memref<112x128xf32, #tpu.memory_space<vmem>>
    %dma_wait3A_97 = arith.constant 0 : i32
    %dma_wait3A_98 = arith.constant 0 : i32
    %dma_wait3A_99 = tpu.memref_slice %dma_wait3A_96[%dma_wait3A_97, %dma_wait3A_98] : memref<112x128xf32, #tpu.memory_space<vmem>> -> memref<104x128xf32, #tpu.memory_space<vmem>>
    tpu.wait_dma2 semaphore(%arg14 : memref<!tpu.dma_semaphore, #tpu.memory_space<semaphore_mem>>) src(%dma_wait3A_99 : memref<104x128xf32, #tpu.memory_space<vmem>>) dst(%dma_wait3A_92 : memref<104x128xf32, #tpu.memory_space<hbm>>)
    %add3A_100 = arith.constant 127 : i32
    %add3A_101 = arith.addi %mul3A_2, %add3A_100 : i32
    %dma_wait3A_102 = arith.constant 2 : i32
    %dma_wait3A_103 = arith.constant 0 : i32
    %dma_wait3A_104 = arith.constant 0 : i32
    %dma_wait3A_105 = tpu.memref_slice %arg7[%dma_wait3A_102, %dma_wait3A_103, %dma_wait3A_104] : memref<4x112x128xf32, #tpu.memory_space<vmem>> -> memref<1x112x128xf32, #tpu.memory_space<vmem>>
    %dma_wait3A_106 = tpu.memref_squeeze %dma_wait3A_105 : memref<1x112x128xf32, #tpu.memory_space<vmem>> -> memref<112x128xf32, #tpu.memory_space<vmem>>
    %dma_wait3A_107 = arith.constant 0 : i32
    %dma_wait3A_108 = arith.constant 0 : i32
    %dma_wait3A_109 = tpu.memref_slice %dma_wait3A_106[%dma_wait3A_107, %dma_wait3A_108] : memref<112x128xf32, #tpu.memory_space<vmem>> -> memref<96x128xf32, #tpu.memory_space<vmem>>
    %dma_wait3A_110 = arith.constant 0 : i32
    %dma_wait3A_111 = arith.constant 0 : i32
    %dma_wait3A_112 = tpu.memref_slice %arg5[%add3A_101, %dma_wait3A_110, %dma_wait3A_111] : memref<4096x200x128xf32, #tpu.memory_space<hbm>> -> memref<1x96x128xf32, #tpu.memory_space<hbm>>
    %dma_wait3A_113 = tpu.memref_squeeze %dma_wait3A_112 : memref<1x96x128xf32, #tpu.memory_space<hbm>> -> memref<96x128xf32, #tpu.memory_space<hbm>>
    %dma_wait3A_114 = arith.constant 0 : i32
    %dma_wait3A_115 = arith.constant 0 : i32
    %dma_wait3A_116 = tpu.memref_slice %arg5[%add3A_101, %dma_wait3A_114, %dma_wait3A_115] : memref<4096x200x128xf32, #tpu.memory_space<hbm>> -> memref<1x96x128xf32, #tpu.memory_space<hbm>>
    %dma_wait3A_117 = tpu.memref_squeeze %dma_wait3A_116 : memref<1x96x128xf32, #tpu.memory_space<hbm>> -> memref<96x128xf32, #tpu.memory_space<hbm>>
    %dma_wait3A_118 = arith.constant 0 : i32
    %dma_wait3A_119 = arith.constant 0 : i32
    %dma_wait3A_120 = tpu.memref_slice %arg7[%dma_wait3A_102, %dma_wait3A_118, %dma_wait3A_119] : memref<4x112x128xf32, #tpu.memory_space<vmem>> -> memref<1x112x128xf32, #tpu.memory_space<vmem>>
    %dma_wait3A_121 = tpu.memref_squeeze %dma_wait3A_120 : memref<1x112x128xf32, #tpu.memory_space<vmem>> -> memref<112x128xf32, #tpu.memory_space<vmem>>
    %dma_wait3A_122 = arith.constant 0 : i32
    %dma_wait3A_123 = arith.constant 0 : i32
    %dma_wait3A_124 = tpu.memref_slice %dma_wait3A_121[%dma_wait3A_122, %dma_wait3A_123] : memref<112x128xf32, #tpu.memory_space<vmem>> -> memref<96x128xf32, #tpu.memory_space<vmem>>
    tpu.wait_dma2 semaphore(%arg15 : memref<!tpu.dma_semaphore, #tpu.memory_space<semaphore_mem>>) src(%dma_wait3A_124 : memref<96x128xf32, #tpu.memory_space<vmem>>) dst(%dma_wait3A_117 : memref<96x128xf32, #tpu.memory_space<hbm>>)
    %add3A_125 = arith.constant 127 : i32
    %add3A_126 = arith.addi %mul3A_2, %add3A_125 : i32
    %dma_wait3A_127 = arith.constant 3 : i32
    %dma_wait3A_128 = arith.constant 0 : i32
    %dma_wait3A_129 = arith.constant 0 : i32
    %dma_wait3A_130 = tpu.memref_slice %arg7[%dma_wait3A_127, %dma_wait3A_128, %dma_wait3A_129] : memref<4x112x128xf32, #tpu.memory_space<vmem>> -> memref<1x112x128xf32, #tpu.memory_space<vmem>>
    %dma_wait3A_131 = tpu.memref_squeeze %dma_wait3A_130 : memref<1x112x128xf32, #tpu.memory_space<vmem>> -> memref<112x128xf32, #tpu.memory_space<vmem>>
    %dma_wait3A_132 = arith.constant 0 : i32
    %dma_wait3A_133 = arith.constant 0 : i32
    %dma_wait3A_134 = tpu.memref_slice %dma_wait3A_131[%dma_wait3A_132, %dma_wait3A_133] : memref<112x128xf32, #tpu.memory_space<vmem>> -> memref<104x128xf32, #tpu.memory_space<vmem>>
    %dma_wait3A_135 = arith.constant 96 : i32
    %dma_wait3A_136 = arith.constant 0 : i32
    %dma_wait3A_137 = tpu.memref_slice %arg5[%add3A_126, %dma_wait3A_135, %dma_wait3A_136] : memref<4096x200x128xf32, #tpu.memory_space<hbm>> -> memref<1x104x128xf32, #tpu.memory_space<hbm>>
    %dma_wait3A_138 = tpu.memref_squeeze %dma_wait3A_137 : memref<1x104x128xf32, #tpu.memory_space<hbm>> -> memref<104x128xf32, #tpu.memory_space<hbm>>
    %dma_wait3A_139 = arith.constant 96 : i32
    %dma_wait3A_140 = arith.constant 0 : i32
    %dma_wait3A_141 = tpu.memref_slice %arg5[%add3A_126, %dma_wait3A_139, %dma_wait3A_140] : memref<4096x200x128xf32, #tpu.memory_space<hbm>> -> memref<1x104x128xf32, #tpu.memory_space<hbm>>
    %dma_wait3A_142 = tpu.memref_squeeze %dma_wait3A_141 : memref<1x104x128xf32, #tpu.memory_space<hbm>> -> memref<104x128xf32, #tpu.memory_space<hbm>>
    %dma_wait3A_143 = arith.constant 0 : i32
    %dma_wait3A_144 = arith.constant 0 : i32
    %dma_wait3A_145 = tpu.memref_slice %arg7[%dma_wait3A_127, %dma_wait3A_143, %dma_wait3A_144] : memref<4x112x128xf32, #tpu.memory_space<vmem>> -> memref<1x112x128xf32, #tpu.memory_space<vmem>>
    %dma_wait3A_146 = tpu.memref_squeeze %dma_wait3A_145 : memref<1x112x128xf32, #tpu.memory_space<vmem>> -> memref<112x128xf32, #tpu.memory_space<vmem>>
    %dma_wait3A_147 = arith.constant 0 : i32
    %dma_wait3A_148 = arith.constant 0 : i32
    %dma_wait3A_149 = tpu.memref_slice %dma_wait3A_146[%dma_wait3A_147, %dma_wait3A_148] : memref<112x128xf32, #tpu.memory_space<vmem>> -> memref<104x128xf32, #tpu.memory_space<vmem>>
    tpu.wait_dma2 semaphore(%arg16 : memref<!tpu.dma_semaphore, #tpu.memory_space<semaphore_mem>>) src(%dma_wait3A_149 : memref<104x128xf32, #tpu.memory_space<vmem>>) dst(%dma_wait3A_142 : memref<104x128xf32, #tpu.memory_space<hbm>>)
    return
  }
}

</mosaic_0001>

<sc_bundles>
// kernel: kernel.3.cloned.1.call-start
scs
__scs_entry_jumppad:
0x0: {  	(pc) =	sbr.rel $0x88, $3  }
0x1: {  	(tag) =	ssettag $0x0;
	lr =	simm.s32 $0x1  }
0x2: {  	[smem:$0x3F9E] =	sst lr;
	_ =	strace $0xD0000000  }
0x3: {  	_ = 	snop  }
0x4: {  	_ = 	snop  }
0x5: {  	_ = 	snop  }
0x6: {  	_ = 	snop  }
0x7: {  	_ = 	snop  }
__scs_overlays_trampoline_lowered:
0x8: {  	[smem:$0x3FAD] =	sst s0  }
0x9: {  	[smem:$0x3FAE] =	sst s1  }
0xa: {  	[smem:$0x3FAF] =	sst s2  }
0xb: {  	[smem:$0x3FB0] =	sst s3  }
0xc: {  	[smem:$0x3FB1] =	sst s4  }
0xd: {  	[smem:$0x3FB2] =	sst s5  }
0xe: {  	[smem:$0x3FB3] =	sst s6  }
0xf: {  	[smem:$0x3FB4] =	sst s7  }
0x10: {  	[smem:$0x3FB5] =	sst s8  }
0x11: {  	[smem:$0x3FB6] =	sst s9;
	s0 =	simm.s32 @!p0 $0x0  }
0x12: {  	s1 =	sld [smem:$0x3F9C];
	s0 =	simm.s32 @p0 $0x1  }
0x13: {  	[smem:$0x3FB7] =	sst s0;
	s0 =	simm.s32 @!p1 $0x0  }
0x14: {  	s2 =	sld [smem:$0x3F9B];
	s0 =	simm.s32 @p1 $0x1  }
0x15: {  	[smem:$0x3FB8] =	sst s0;
	s0 =	simm.s32 @!p2 $0x0  }
0x16: {  	s3 =	sld [smem:$0x3FDB];
	s0 =	simm.s32 @p2 $0x1  }
0x17: {  	s4 =	simm.s32 $0x1BF5;
	[smem:$0x3FBA] =	sst s0  }
0x18: {  	s0 =	sld [smem:$0x3F9D];
	_ =	swait.ge [sflag:s4], $0x0  }
0x19: {  	s7 =	sld [smem:$0x3F9E]  }
0x1a: {  	s8 =	sadd.s32 $0xFFFFE003, lr  }
0x1b: {  	s9 =	sadd.s32 $0xFFFFFEF7, lr;
	s5 =	simm.s32 $0xFFFFFFFF;
	p2 =	slt.u32 s8, $0xFFFFF086  }
0x1c: {  	p1 =	slt.u32 s9, $0xF7A;
	s5 =	simm.s32 @!p2 $0x0  }
0x1d: {  	s5 =	simm.s32 @p1 $0x1;
	p0 =	seq.s32 s7, s2  }
0x1e: {  	s7 =	smul.u32 @!p0 $0xF7A, s2;
	p2 =	seq.s32 @!p0 s5, $0x0  }
0x1f: {  	s9 =	smul.u32 $0xF7A, s1;
	s8 =	simm.s32 @!p0 $0x1BF5;
	p2 =	por !p2, p0  }
0x20: {  	[sflag:s8] =	ssyncset.s32 @!p0 $0xFFFFF086;
	s6 =	sadd.s32 @!p0 s3, s7;
	s7 =	simm.s32 @!p0 $0x108  }
0x21: {  	s3 =	sadd.s32 s3, s9;
	s6 =	sadd.s32 @!p0 $0x88, s6;
	s7 =	simm.s32 @p2 $0x1082  }
0x22: {  	[simem:s7], [sflag:s8] =	dma.local @!p0 [hbm:s6], $0xF7A  }
0x23: {  	s9 =	sor.u32 $0xD0000000, s2;
	s6 =	simm.s32 $0x108;
	_ =	swait.ge @!p0 [sflag:s8], $0x0  }
0x24: {  	s3 =	sadd.s32 $0x88, s3;
	s6 =	simm.s32 @!p1 $0x1082;
	[sflag:s4] =	ssyncset.s32 $0xFFFFF086  }
0x25: {  	[simem:s6], [sflag:s4] =	dma.local [hbm:s3], $0xF7A  }
0x26: {  	[smem:$0x3F9E] =	sst s1;
	(tag) =	ssettag s2;
	_ =	strace s9  }
0x27: {  	s1 =	sld [smem:$0x3FAE]  }
0x28: {  	s2 =	sld [smem:$0x3FAF]  }
0x29: {  	s4 =	sld [smem:$0x3FB1]  }
0x2a: {  	p0 =	seq.s32 s5, $0x0;
	s5 =	sld [smem:$0x3FB2]  }
0x2b: {  	s6 =	sld [smem:$0x3FB3]  }
0x2c: {  	s7 =	sld [smem:$0x3FB4]  }
0x2d: {  	s3 =	simm.s32 $0x108;
	s8 =	sld [smem:$0x3FB5]  }
0x2e: {  	s3 =	simm.s32 @!p0 $0x1082;
	s9 =	sld [smem:$0x3FB6]  }
0x2f: {  	lr =	sadd.s32 s0, s3;
	s0 =	sld [smem:$0x3FAD]  }
0x30: {  	s3 =	sld [smem:$0x3FB0]  }
0x31: {  	[smem:$0x3FB9] =	sst s10  }
0x32: {  	s10 =	sld [smem:$0x3FB7];
	_ =	sdelay $0x3  }
0x33: {  	p0 =	seq.s32 s10, $0x1;
	s10 =	sld [smem:$0x3FB9];
	_ =	sdelay $0x3  }
0x34: {  	[smem:$0x3FB9] =	sst s10  }
0x35: {  	s10 =	sld [smem:$0x3FB8];
	_ =	sdelay $0x3  }
0x36: {  	p1 =	seq.s32 s10, $0x1;
	s10 =	sld [smem:$0x3FB9];
	_ =	sdelay $0x3  }
0x37: {  	[smem:$0x3FB9] =	sst s10  }
0x38: {  	s10 =	sld [smem:$0x3FBA]  }
0x39: {  	_ = 	snop;
	(pc) =	sbr.ind lr, $3  }
0x3a: {  	_ = 	snop  }
0x3b: {  	_ = 	snop  }
0x3c: {  	p2 =	seq.s32 s10, $0x1;
	s10 =	sld [smem:$0x3FB9]  }
0x3d: {  	_ =	shalt  }
0x3e: {  	_ =	shalt  }
0x3f: {  	_ =	shalt  }
0x40: {  	_ =	shalt  }
0x41: {  	_ =	shalt  }
0x42: {  	_ =	shalt  }
0x43: {  	_ =	shalt  }
0x44: {  	_ =	shalt  }
0x45: {  	_ =	shalt  }
0x46: {  	_ =	shalt  }
0x47: {  	_ =	shalt  }
0x48: {  	_ =	shalt  }
0x49: {  	_ =	shalt  }
0x4a: {  	_ =	shalt  }
0x4b: {  	_ =	shalt  }
0x4c: {  	_ =	shalt  }
0x4d: {  	_ =	shalt  }
0x4e: {  	_ =	shalt  }
0x4f: {  	_ =	shalt  }
0x50: {  	_ =	shalt  }
0x51: {  	_ =	shalt  }
0x52: {  	_ =	shalt  }
0x53: {  	_ =	shalt  }
0x54: {  	_ =	shalt  }
0x55: {  	_ =	shalt  }
0x56: {  	_ =	shalt  }
0x57: {  	_ =	shalt  }
0x58: {  	_ =	shalt  }
0x59: {  	_ =	shalt  }
0x5a: {  	_ =	shalt  }
0x5b: {  	_ =	shalt  }
0x5c: {  	_ =	shalt  }
0x5d: {  	_ =	shalt  }
0x5e: {  	_ =	shalt  }
0x5f: {  	_ =	shalt  }
0x60: {  	_ =	shalt  }
0x61: {  	_ =	shalt  }
0x62: {  	_ =	shalt  }
0x63: {  	_ =	shalt  }
0x64: {  	_ =	shalt  }
0x65: {  	_ =	shalt  }
0x66: {  	_ =	shalt  }
0x67: {  	_ =	shalt  }
0x68: {  	_ =	shalt  }
0x69: {  	_ =	shalt  }
0x6a: {  	_ =	shalt  }
0x6b: {  	_ =	shalt  }
0x6c: {  	_ =	shalt  }
0x6d: {  	_ =	shalt  }
0x6e: {  	_ =	shalt  }
0x6f: {  	_ =	shalt  }
0x70: {  	_ =	shalt  }
0x71: {  	_ =	shalt  }
0x72: {  	_ =	shalt  }
0x73: {  	_ =	shalt  }
0x74: {  	_ =	shalt  }
0x75: {  	_ =	shalt  }
0x76: {  	_ =	shalt  }
0x77: {  	_ =	shalt  }
0x78: {  	_ =	shalt  }
0x79: {  	_ =	shalt  }
0x7a: {  	_ =	shalt  }
0x7b: {  	_ =	shalt  }
0x7c: {  	_ =	shalt  }
0x7d: {  	_ =	shalt  }
0x7e: {  	_ =	shalt  }
0x7f: {  	_ =	shalt  }
0x80: {  	_ =	shalt  }
0x81: {  	_ =	shalt  }
0x82: {  	_ =	shalt  }
0x83: {  	_ =	shalt  }
0x84: {  	_ =	shalt  }
0x85: {  	_ =	shalt  }
0x86: {  	_ =	shalt  }
0x87: {  	_ =	shalt  }
.Lfunc_end0:
.L_simem_size_0:
called_computation_lowered:
.L_overlay_start_0:
0x88: {  	s2 =	sld [smem:$0x3FD9]  }
0x89: {  	s3 =	sld [smem:$0x3FFE];
	_ =	sdelay $0x1  }
0x8a: {  	s1 =	srdreg.scid  }
0x8b: {  	s0 =	sand.u32 $0x1, s1  }
0x8c: {  	s17 =	sshll.u32 s0, $0xA;
	s2 =	sadd.s32 s3, s2  }
0x8d: {  	s2 =	sadd.s32 s2, s17  }
0x8e: {  	[smem:$0x3FC5] =	sst s2  }
0x8f: {  	_ = 	snop  }
0x90: {  	s2 =	sld [smem:$0x3FC8]  }
0x91: {  	s18 =	sld [smem:$0x3FC7]  }
0x92: {  	s4 =	sld [smem:$0x3FD0];
	(tm) =	ssettm $0x1  }
0x93: {  	s5 =	sld [smem:$0x3FFB];
	_ =	sdelay $0x3  }
0x94: {  	_ =	strace s5  }
0x95: {  	s5 =	sld [smem:$0x3FFC];
	_ =	sdelay $0x3  }
0x96: {  	_ =	strace s5  }
0x97: {  	s5 =	sld [smem:$0x3FFD];
	_ =	sdelay $0x3  }
0x98: {  	_ =	strace s5  }
0x99: {  	_ =	strace $0x8FFFFFFF  }
0x9a: {  	s19 =	sld [smem:$0x3FDB];
	_ =	sdelay $0x1  }
0x9b: {  	s6 =	simm.s32 $_scs_section_size  }
0x9c: {  	s7 =	simm.s32 $_size__tile_overlayer_lowered;
	s8 =	simm.s32 $_tile_overlayer_lowered  }
0x9d: {  	s22 =	simm.s32 $0x1BFF;
	s21 =	sshll.u32 s8, $0x1;
	s5 =	sadd.s32 s6, s19  }
0x9e: {  	s9 =	simm.s32 $0x0;
	s20 =	sshll.u32 s7, $0x1;
	s7 =	sadd.s32 s21, s5  }
0x9f: {  	[timem:s9], [sflag:s22] =	dma.local [hbm:s7], s20  }
0xa0: {  	_ =	swait.ge [sflag:s22], s20  }
0xa1: {  	s6 =	ssub.s32 $0x0, s20;
	[sflag:s22] =	ssyncset.done $0x0  }
0xa2: {  	[sflag:s22] =	ssyncadd.s32 s6;
	_ =	sdelay $0x1  }
0xa3: {  	s23 =	simm.s32 $0x1B8B  }
0xa4: {  	_ =	swait.ge [sflag:s23], $0x1  }
0xa5: {  	[sflag:s23] =	ssyncset.done $0x0  }
0xa6: {  	s25 =	simm.s32 $0x1B8E;
	s24 =	sld [smem:$0x3FFE];
	[sflag:s23] =	ssyncadd.s32 $0xFFFFFFFF  }
0xa7: {  	s26 =	simm.s32 $execute0_lowered;
	[smem:$0x3FD2] =	sst s25  }
0xa8: {  	s7 =	sshll.u32 s26, $0x1;
	_ =	strace $0x80000046;
	[dreg:$0x1] =	wrdreg $0xFFFFFFFF  }
0xa9: {  	s28 =	simm.s32 $_size_execute0_lowered;
	s5 =	sadd.s32 s5, s7;
	[dreg:$0x0] =	wrdreg $0x0  }
0xaa: {  	s7 =	sshll.u32 s28, $0x1;
	[dreg:$0x2] =	wrdreg s5  }
0xab: {  	[dreg:$0x3] =	wrdreg s7  }
0xac: {  	[dreg:$0x4] =	wrdreg $0xC0  }
0xad: {  	_ =	task [dreg:s9], $0x5FFFF  }
0xae: {  	[dreg:$0x1] =	wrdreg $0xFFFFFFFF  }
0xaf: {  	[dreg:$0x0] =	wrdreg $0x60  }
0xb0: {  	[dreg:$0x2] =	wrdreg s24  }
0xb1: {  	[dreg:$0x3] =	wrdreg s2  }
0xb2: {  	[dreg:$0x4] =	wrdreg s18  }
0xb3: {  	[dreg:$0x5] =	wrdreg s4  }
0xb4: {  	[dreg:$0x6] =	wrdreg $0x9  }
0xb5: {  	_ =	task.clear_ibuf [dreg:s9], $0x7FFFF;
	_ =	strace $0x90000046  }
0xb6: {  	s29 =	simm.s32 $0x9;
	_ =	strace $0x80000048  }
0xb7: {  	_ =	swait.ge [sflag:s29], $0x1  }
0xb8: {  	[sflag:s29] =	ssyncadd.s32 $0xFFFFFFFF  }
0xb9: {  	_ =	strace $0x90000048  }
0xba: {  	_ =	sfence  }
0xbb: {  	s30 =	sld [smem:$0x0];
	_ =	sdelay $0x2  }
0xbc: {  	s31 =	sshll.u32 s1, $0xD;
	s1 =	sshrl.u32 s1, $0x2  }
0xbd: {  	s3 =	sand.u32 $0x4000, s31;
	s1 =	sadd.s32 s1, s30  }
0xbe: {  	s0 =	sor.u32 s3, s0;
	s1 =	sshll.u32 s1, $0x11  }
0xbf: {  	s0 =	sor.u32 s1, s0  }
0xc0: {  	s0 =	sadd.s32 $0x8F2B, s0  }
0xc1: {  	[sflag:s0] =	ssyncadd.remote.s32 $0x1  }
0xc2: {  	_ =	sfence.sel $0xFFFF  }
0xc3: {  	[dreg:$0x0] =	wrdreg $0xFFFFFFFF;
	(pc) =	sbr.abs _section_cstart, $3  }
0xc4: {  	[dreg:$0x1] =	wrdreg $0xFFFFFFFF  }
0xc5: {  	_ =	task.clear_ibuf [dreg:s9], $0x2FFFF;
	_ =	strace $0x9FFFFFFF  }
0xc6: {  	(tm) =	ssettm $0x7FFFFFFF  }
0xc7: {  	_ =	shalt  }
tec
execute0_lowered:
.L_overlay_start_1:
0x0: {  	(tag) =	ssettag $0x1  }
0x1: {  	s0 =	rddreg [dreg:$0x0]  }
0x2: {  	s2 =	rddreg [dreg:$0x1];
	s1 =	srdreg.scid  }
0x3: {  	s4 =	rddreg [dreg:$0x3];
	s5 =	stileid.u32;
	s12 =	simm.s32 $0x60  }
0x4: {  	s13 =	simm.s32 $0x8000;
	s14 =	simm.s32 $0x68;
	s16 =	simm.s32 $0xB800  }
0x5: {  	s17 =	simm.s32 $0x1;
	s18 =	simm.s32 $0xF000;
	s19 =	simm.s32 $0x2  }
0x6: {  	s20 =	simm.s32 $0x12800;
	s21 =	simm.s32 $0x3;
	s1 =	sand.u32 $0x1, s1  }
0x7: {  	s6 =	sshll.u32 s5, $0x7;
	s3 =	sshll.u32 s1, $0xB;
	s1 =	ssub.s32 $0x2, s1  }
0x8: {  	s22 =	simm.s32 $0x4;
	s6 =	sor.u32 s6, s3;
	s7 =	sshrl.u32 s1, $0x1  }
0x9: {  	s5 =	simm.s32 $0x0;
	s3 =	sshll.u32 s6, $0x5;
	s1 =	ssub.s32 s1, s7  }
0xa: {  	[smem:$0x7FF] =	sst s5;
	s0 =	sadd.s32 s3, s0;
	s31 =	smax.u32 s1, $0x1  }
0xb: {  	_ =	strace $0x80000047;
	s0 =	sadd.s32 $0xE00, s0;
	[dreg:$0x6] =	wrdreg s31  }
0xc: {  	v0 =	vimm.f32 $1.000000000e+00;
	s26 =	simm.s32 $0x8;
	s28 =	simm.s32 $0x0;
	[dreg:$0x5] =	wrdreg s0  }
.LBB2_1:
0xd: {  	s0 =	rddreg [dreg:$0x5]  }
0xe: {  	[tilespmem:s5], [sflag:$0x9] =	stream.linear.gather [hbm4b:s0+s5], $0x8000, $0x38;
	[tilespmem:$0x1D000] =	vst v63  }
0xf: {  	s24 =	rddreg [dreg:$0x2];
	s1 =	simm.s32 $0x16000;
	s25 =	simm.s32 $0xA  }
0x10: {  	[tilespmem:s1], [sflag:$0xA] =	stream.linear.gather [hbm4b:s24+s5], $0x6400, $0x38;
	[tilespmem:$0x1D000] =	vst v63  }
0x11: {  	_ =	swait.ge [sflag:s25], $0x6400  }
0x12: {  	[sflag:s25] =	ssyncset.done $0x0  }
0x13: {  	s30 =	simm.s32 $0x9;
	[sflag:s25] =	ssyncadd.s32 $0xFFFF9C00  }
0x14: {  	_ =	swait.ge [sflag:s30], $0x8000  }
0x15: {  	[sflag:s30] =	ssyncset.done $0x0  }
0x16: {  	[sflag:s30] =	ssyncadd.s32 $0xFFFF8000  }
0x17: {  	[tilespmem:s13], [sflag:$0x1] =	stream.indirect.gather [hbm4b:s2+s12], $0x80, s5, s12, $0xb8;
	[tilespmem:$0x1D000] =	vst v63  }
0x18: {  	s31 =	simm.s32 $0x80;
	s29 =	simm.s32 $0x0  }
0x19: {  	[tilespmem:s16], [sflag:$0x2] =	stream.indirect.gather [hbm4b:s2+s14], $0x80, s31, s14, $0xb8;
	[tilespmem:$0x1D000] =	vst v63  }
.LBB2_2:
0x1a: {  	_ =	swait.ge [sflag:s17], $0x3000  }
0x1b: {  	p0 =	seq.s32 s29, $0x0;
	[sflag:s17] =	ssyncset.done $0x0  }
0x1c: {  	s1 =	sshll.u32 s29, $0x1;
	s0 =	simm.s32 @!p0 $0x7;
	[sflag:s17] =	ssyncadd.s32 $0xFFFFD000  }
0x1d: {  	s23 =	sshll.u32 s29, $0x9;
	s31 =	sor.u32 $0x1, s1;
	_ =	swait.ge @!p0 [sflag:s0], $0x3000  }
0x1e: {  	s30 =	sand.u32 $0x3FFFFE00, s23;
	s3 =	sshll.u32 s31, $0xA;
	[sflag:s0] =	ssyncset.done @!p0 $0x0  }
0x1f: {  	[sflag:s0] =	ssyncadd.s32 @!p0 $0xFFFFD000;
	s0 =	sshra.s32 s3, $0x2;
	s3 =	simm.s32 $0x8100  }
0x20: {  	[tilespmem:s18], [sflag:$0x3] =	stream.indirect.gather [hbm4b:s2+s12], $0x80, s0, s12, $0xb8;
	[tilespmem:$0x1D000] =	vst v63  }
0x21: {  	v1 =	vmov s30;
	v2 =	vld [tilespmem:s3+$0xFFFFFF30]  }
0x22: {  	v3 =	vld [tilespmem:s3+$0xFFFFFF20]  }
0x23: {  	v4 =	vld [tilespmem:s3+$0xFFFFFF40]  }
0x24: {  	s9 =	simm.s32 $0x0;
	v5 =	vld [tilespmem:s3+$0xFFFFFF00]  }
0x25: {  	s8 =	sand.u32 $0x70, s9;
	v6 =	vld [tilespmem:s3+$0xFFFFFF10]  }
0x26: {  	s15 =	simm.s32 $0x16100;
	v7 =	vld.idx.msk [tilespmem:v1+s8+$0x0 ss:$0x1], $0xffff  }
0x27: {  	v8 =	vld [tilespmem:s15+$0xFFFFFF00]  }
0x28: {  	v9 =	vld [tilespmem:s3+$0xFFFFFF70]  }
0x29: {  	v10 =	vld [tilespmem:s3+$0xFFFFFF60]  }
0x2a: {  	v11 =	vld [tilespmem:s15+$0xFFFFFF70]  }
0x2b: {  	s7 =	sand.u32 $0xC, s9;
	v12 =	vld [tilespmem:s15+$0xFFFFFF40]  }
0x2c: {  	v14 =	vmov s7;
	v13 =	vld [tilespmem:s15+$0xFFFFFF20]  }
0x2d: {  	v15 =	vld [tilespmem:s15+$0xFFFFFF60];
	v7 =	vperm.xlane v7, v14;
	v9 =	vmul.f32 $1.131370830e+01, v9  }
0x2e: {  	v30 =	vld [tilespmem:s15+$0xFFFFFF30];
	v4 =	vmul.f32 $1.131370830e+01, v4  }
0x2f: {  	v26 =	vld [tilespmem:s3+$0xFFFFFF50];
	v5 =	vmul.f32 $1.131370830e+01, v5;
	vm0 =	veq.s32 v7, $0x0;
	v7 =	vadd.f32 v11, v9  }
0x30: {  	v16 =	vld [tilespmem:s15+$0xFFFFFF10];
	v3 =	vmul.f32 $1.131370830e+01, v3;
	v4 =	vadd.f32 v12, v4;
	v29 =	vsel vm0, $0x0, v0  }
0x31: {  	v28 =	vld [tilespmem:s15+$0xFFFFFF50];
	v2 =	vmul.f32 $1.131370830e+01, v2;
	v5 =	vadd.f32 v8, v5;
	v7 =	vmul.f32 v7, v29  }
0x32: {  	v27 =	vmul.f32 $1.131370830e+01, v10;
	v3 =	vadd.f32 v13, v3;
	v4 =	vmul.f32 v4, v29  }
0x33: {  	v6 =	vmul.f32 $1.131370830e+01, v6;
	v2 =	vadd.f32 v30, v2;
	v5 =	vmul.f32 v5, v29;
	[tilespmem:s3+$0xFFFFFF70] =	vst v7  }
0x34: {  	v32 =	vld [tilespmem:s3+$0xFFFFFF90];
	v31 =	vmul.f32 $1.131370830e+01, v26;
	v8 =	vadd.f32 v15, v27;
	v3 =	vmul.f32 v3, v29;
	[tilespmem:s3+$0xFFFFFF40] =	vst v4  }
0x35: {  	v33 =	vld [tilespmem:s3+$0xFFFFFFA0];
	v6 =	vadd.f32 v16, v6;
	v2 =	vmul.f32 v2, v29;
	[tilespmem:s3+$0xFFFFFF00] =	vst v5  }
0x36: {  	v7 =	vld [tilespmem:s3+$0xFFFFFFD0];
	v4 =	vmul.f32 v8, v29;
	v8 =	vadd.f32 v28, v31;
	[tilespmem:s3+$0xFFFFFF20] =	vst v3  }
0x37: {  	v5 =	vmul.f32 v6, v29;
	v6 =	vld [tilespmem:s3+$0xFFFFFFE0];
	[tilespmem:s3+$0xFFFFFF30] =	vst v2  }
0x38: {  	v3 =	vld [tilespmem:s3+$0xFFFFFF80];
	[tilespmem:s3+$0xFFFFFF60] =	vst v4;
	v4 =	vmul.f32 v8, v29  }
0x39: {  	v2 =	vld [tilespmem:s3+$0xFFFFFFF0];
	[tilespmem:s3+$0xFFFFFF10] =	vst v5  }
0x3a: {  	v8 =	vld [tilespmem:s3+$0xFFFFFFC0];
	[tilespmem:s3+$0xFFFFFF50] =	vst v4  }
0x3b: {  	s7 =	simm.s32 $0x0;
	v4 =	vld.idx.msk [tilespmem:v1+s8+$0x0 ss:$0x1], $0xffff  }
0x3c: {  	s10 =	sand.u32 $0xFFFFFFF0, s7;
	v5 =	vld [tilespmem:s3+$0xFFFFFFB0]  }
0x3d: {  	s10 =	ssub.s32 $0xFFFFFFFC, s10;
	v34 =	vld [tilespmem:s15+$0xFFFFFFF0]  }
0x3e: {  	s11 =	sadd.s32 $0x5, s10;
	v35 =	vld [tilespmem:s15+$0xFFFFFFB0]  }
0x3f: {  	v37 =	vmov s11;
	v36 =	vld [tilespmem:s15+$0xFFFFFFA0]  }
0x40: {  	v38 =	vld [tilespmem:s15+$0xFFFFFFE0];
	v2 =	vmul.f32 $1.131370830e+01, v2;
	v4 =	vperm.xlane v4, v37  }
0x41: {  	v39 =	vld [tilespmem:s15+$0xFFFFFF90];
	v5 =	vmul.f32 $1.131370830e+01, v5  }
0x42: {  	v10 =	vmul.f32 $1.131370830e+01, v33;
	v2 =	vadd.f32 v34, v2;
	vm13 =	veq.s32 v4, $0x0;
	v4 =	vld [tilespmem:s15+$0xFFFFFFD0]  }
0x43: {  	v40 =	vld [tilespmem:s15+$0xFFFFFFC0];
	v6 =	vmul.f32 $1.131370830e+01, v6;
	v5 =	vadd.f32 v35, v5;
	v41 =	vsel vm13, $0x0, v0  }
0x44: {  	v9 =	vmul.f32 $1.131370830e+01, v32;
	v42 =	vld [tilespmem:s15+$0xFFFFFF80];
	v10 =	vadd.f32 v36, v10;
	v2 =	vmul.f32 v2, v41  }
0x45: {  	v7 =	vmul.f32 $1.131370830e+01, v7;
	v6 =	vadd.f32 v38, v6;
	v5 =	vmul.f32 v5, v41  }
0x46: {  	v8 =	vmul.f32 $1.131370830e+01, v8;
	v9 =	vadd.f32 v39, v9;
	v10 =	vmul.f32 v10, v41;
	[tilespmem:s3+$0xFFFFFFF0] =	vst v2  }
0x47: {  	v43 =	vld [tilespmem:s3+$0x20];
	v2 =	vmul.f32 $1.131370830e+01, v3;
	[tilespmem:s3+$0xFFFFFFB0] =	vst v5;
	v3 =	vadd.f32 v4, v7;
	v4 =	vmul.f32 v6, v41  }
0x48: {  	v49 =	vld [tilespmem:s3+$0x10];
	v5 =	vadd.f32 v40, v8;
	[tilespmem:s3+$0xFFFFFFA0] =	vst v10;
	v7 =	vmul.f32 v9, v41  }
0x49: {  	v8 =	vld [tilespmem:s3+$0x50];
	v2 =	vadd.f32 v42, v2;
	v3 =	vmul.f32 v3, v41;
	[tilespmem:s3+$0xFFFFFFE0] =	vst v4  }
0x4a: {  	v6 =	vld [tilespmem:s3+$0x70];
	v4 =	vmul.f32 v5, v41;
	[tilespmem:s3+$0xFFFFFF90] =	vst v7  }
0x4b: {  	v5 =	vld [tilespmem:s3+$0x60];
	v2 =	vmul.f32 v2, v41;
	[tilespmem:s3+$0xFFFFFFD0] =	vst v3  }
0x4c: {  	v7 =	vld [tilespmem:s3+$0x40];
	[tilespmem:s3+$0xFFFFFFC0] =	vst v4  }
0x4d: {  	[tilespmem:s3+$0xFFFFFF80] =	vst v2;
	v2 =	vld [tilespmem:s3+$0x0]  }
0x4e: {  	v4 =	vld.idx.msk [tilespmem:v1+s8+$0x0 ss:$0x1], $0xffff  }
0x4f: {  	v3 =	vld [tilespmem:s3+$0x30]  }
0x50: {  	v10 =	vld [tilespmem:s15+$0x0]  }
0x51: {  	s24 =	sadd.s32 $0x6, s10;
	v47 =	vld [tilespmem:s15+$0x60]  }
0x52: {  	v45 =	vmov s24;
	v46 =	vld [tilespmem:s15+$0x40]  }
0x53: {  	v48 =	vld [tilespmem:s15+$0x30];
	v2 =	vmul.f32 $1.131370830e+01, v2;
	v4 =	vperm.xlane v4, v45  }
0x54: {  	v44 =	vld [tilespmem:s15+$0x20];
	v5 =	vmul.f32 $1.131370830e+01, v5  }
0x55: {  	v7 =	vmul.f32 $1.131370830e+01, v7;
	v2 =	vadd.f32 v10, v2;
	vm14 =	veq.s32 v4, $0x0;
	v4 =	vld [tilespmem:s15+$0x50]  }
0x56: {  	v51 =	vld [tilespmem:s15+$0x70];
	v3 =	vmul.f32 $1.131370830e+01, v3;
	v5 =	vadd.f32 v47, v5;
	v50 =	vsel vm14, $0x0, v0  }
0x57: {  	v9 =	vmul.f32 $1.131370830e+01, v43;
	v52 =	vld [tilespmem:s15+$0x10];
	v7 =	vadd.f32 v46, v7;
	v2 =	vmul.f32 v2, v50  }
0x58: {  	v8 =	vmul.f32 $1.131370830e+01, v8;
	v3 =	vadd.f32 v48, v3;
	v5 =	vmul.f32 v5, v50  }
0x59: {  	v53 =	vld [tilespmem:s3+$0xF0];
	v6 =	vmul.f32 $1.131370830e+01, v6;
	v9 =	vadd.f32 v44, v9;
	[tilespmem:s3+$0x0] =	vst v2;
	v2 =	vmul.f32 v7, v50  }
0x5a: {  	v54 =	vld [tilespmem:s3+$0xC0];
	v3 =	vmul.f32 v3, v50;
	[tilespmem:s3+$0x60] =	vst v5;
	v4 =	vadd.f32 v4, v8;
	v8 =	vmul.f32 $1.131370830e+01, v49  }
0x5b: {  	v9 =	vmul.f32 v9, v50;
	v7 =	vld [tilespmem:s3+$0xD0];
	[tilespmem:s3+$0x40] =	vst v2;
	v2 =	vadd.f32 v51, v6  }
0x5c: {  	[tilespmem:s3+$0x30] =	vst v3;
	v3 =	vld [tilespmem:s3+$0xA0];
	v4 =	vmul.f32 v4, v50;
	v5 =	vadd.f32 v52, v8  }
0x5d: {  	[tilespmem:s3+$0x20] =	vst v9;
	v6 =	vld [tilespmem:s3+$0xB0];
	v2 =	vmul.f32 v2, v50  }
0x5e: {  	v8 =	vld [tilespmem:s3+$0xE0];
	[tilespmem:s3+$0x50] =	vst v4;
	v4 =	vmul.f32 v5, v50  }
0x5f: {  	v5 =	vld [tilespmem:s3+$0x80];
	[tilespmem:s3+$0x70] =	vst v2  }
0x60: {  	v2 =	vld [tilespmem:s3+$0x90];
	[tilespmem:s3+$0x10] =	vst v4  }
0x61: {  	v4 =	vld [tilespmem:s15+$0xC0]  }
0x62: {  	v55 =	vld [tilespmem:s15+$0x80]  }
0x63: {  	v56 =	vld [tilespmem:s15+$0x90]  }
0x64: {  	v57 =	vld.idx.msk [tilespmem:v1+s8+$0x0 ss:$0x1], $0xffff  }
0x65: {  	v58 =	vld [tilespmem:s15+$0xA0]  }
0x66: {  	v10 =	vmul.f32 $1.131370830e+01, v54;
	v9 =	vmul.f32 $1.131370830e+01, v53;
	v59 =	vld [tilespmem:s15+$0xE0]  }
0x67: {  	s25 =	sadd.s32 $0x7, s10;
	v3 =	vmul.f32 $1.131370830e+01, v3;
	v7 =	vmul.f32 $1.131370830e+01, v7;
	v60 =	vld [tilespmem:s15+$0xB0]  }
0x68: {  	v61 =	vmov s25;
	v17 =	vld [tilespmem:s15+$0xD0];
	v5 =	vmul.f32 $1.131370830e+01, v5;
	v2 =	vmul.f32 $1.131370830e+01, v2  }
0x69: {  	v6 =	vmul.f32 $1.131370830e+01, v6;
	v18 =	vld [tilespmem:s15+$0xF0];
	v11 =	vperm.xlane v57, v61  }
0x6a: {  	v8 =	vmul.f32 $1.131370830e+01, v8;
	v5 =	vadd.f32 v55, v5;
	v2 =	vadd.f32 v56, v2  }
0x6b: {  	v3 =	vadd.f32 v58, v3;
	v4 =	vadd.f32 v4, v10;
	vm15 =	veq.s32 v11, $0x0  }
0x6c: {  	v8 =	vadd.f32 v59, v8;
	v6 =	vadd.f32 v60, v6;
	v62 =	vsel vm15, $0x0, v0  }
0x6d: {  	v7 =	vadd.f32 v17, v7;
	v63 =	vmul.f32 v5, v62;
	v12 =	vmul.f32 v2, v62  }
0x6e: {  	v5 =	vmul.f32 v3, v62;
	v3 =	vmul.f32 v6, v62;
	v6 =	vadd.f32 v18, v9  }
0x6f: {  	v2 =	vmul.f32 v4, v62;
	v4 =	vmul.f32 v7, v62;
	[tilespmem:s3+$0x80] =	vst v63  }
0x70: {  	s8 =	simm.s32 $0x8300;
	v7 =	vmul.f32 v8, v62;
	[tilespmem:s3+$0x90] =	vst v12;
	v6 =	vmul.f32 v6, v62  }
.LBB2_3:
0x71: {  	s7 =	sadd.s32 $0x4, s7  }
0x72: {  	v8 =	vld [tilespmem:s8+$0xFFFFFF30];
	[tilespmem:s3+$0xA0] =	vst v5;
	s15 =	sadd.s32 $0x200, s15;
	s11 =	smov.u32 s9;
	s9 =	sadd.s32 $0x4, s9  }
0x73: {  	s10 =	sand.u32 $0x70, s9;
	s23 =	sand.u32 $0xC, s9;
	v5 =	vld [tilespmem:s8+$0xFFFFFF20];
	p1 =	slt.u32 s9, $0x5C;
	[tilespmem:s3+$0xE0] =	vst v7  }
0x74: {  	v7 =	vld [tilespmem:s8+$0xFFFFFF40];
	[tilespmem:s3+$0xF0] =	vst v6  }
0x75: {  	v6 =	vld [tilespmem:s8+$0xFFFFFF00];
	[tilespmem:s3+$0xB0] =	vst v3  }
0x76: {  	v3 =	vld [tilespmem:s8+$0xFFFFFF10];
	[tilespmem:s3+$0xD0] =	vst v4  }
0x77: {  	v4 =	vmul.f32 $1.131370830e+01, v8;
	[tilespmem:s3+$0xC0] =	vst v2;
	s3 =	smov.u32 s8  }
0x78: {  	v2 =	vld.idx.msk [tilespmem:v1+s10+$0x0 ss:$0x1], $0xffff  }
0x79: {  	v8 =	vld [tilespmem:s15+$0xFFFFFF00]  }
0x7a: {  	v9 =	vld [tilespmem:s15+$0xFFFFFF10]  }
0x7b: {  	v10 =	vld [tilespmem:s15+$0xFFFFFF20]  }
0x7c: {  	v7 =	vmul.f32 $1.131370830e+01, v7;
	v3 =	vmul.f32 $1.131370830e+01, v3;
	v11 =	vld [tilespmem:s15+$0xFFFFFF30]  }
0x7d: {  	v12 =	vld [tilespmem:s8+$0xFFFFFF60]  }
0x7e: {  	v13 =	vld [tilespmem:s8+$0xFFFFFF70]  }
0x7f: {  	v14 =	vmov s23;
	v15 =	vld [tilespmem:s15+$0xFFFFFF60]  }
0x80: {  	v6 =	vmul.f32 $1.131370830e+01, v6;
	v2 =	vperm.xlane v2, v14;
	v3 =	vadd.f32 v9, v3;
	v14 =	vld [tilespmem:s15+$0xFFFFFF70]  }
0x81: {  	v5 =	vmul.f32 $1.131370830e+01, v5;
	v9 =	vld [tilespmem:s15+$0xFFFFFF40];
	v4 =	vadd.f32 v11, v4  }
0x82: {  	v6 =	vadd.f32 v8, v6;
	vm0 =	veq.s32 v2, $0x0;
	v2 =	vld [tilespmem:s8+$0xFFFFFF50];
	v8 =	vmul.f32 $1.131370830e+01, v12  }
0x83: {  	v5 =	vadd.f32 v10, v5;
	v10 =	vmul.f32 $1.131370830e+01, v13  }
0x84: {  	v11 =	vld [tilespmem:s15+$0xFFFFFF50];
	v8 =	vadd.f32 v15, v8  }
0x85: {  	v10 =	vadd.f32 v14, v10  }
0x86: {  	v12 =	vsel vm0, $0x0, v0;
	v7 =	vadd.f32 v9, v7  }
0x87: {  	v2 =	vmul.f32 $1.131370830e+01, v2;
	v9 =	vmul.f32 v10, v12  }
0x88: {  	v6 =	vmul.f32 v6, v12;
	v7 =	vmul.f32 v7, v12  }
0x89: {  	v3 =	vmul.f32 v3, v12;
	v5 =	vmul.f32 v5, v12;
	v2 =	vadd.f32 v11, v2;
	[tilespmem:s8+$0xFFFFFF70] =	vst v9;
	v9 =	vld [tilespmem:s8+$0xFFFFFFD0]  }
0x8a: {  	[tilespmem:s8+$0xFFFFFF40] =	vst v7;
	v7 =	vmul.f32 v8, v12;
	v8 =	vld [tilespmem:s8+$0xFFFFFF90]  }
0x8b: {  	[tilespmem:s8+$0xFFFFFF00] =	vst v6;
	v2 =	vmul.f32 v2, v12;
	v6 =	vld [tilespmem:s8+$0xFFFFFFE0]  }
0x8c: {  	[tilespmem:s8+$0xFFFFFF60] =	vst v7;
	v7 =	vld [tilespmem:s8+$0xFFFFFFC0]  }
0x8d: {  	v4 =	vmul.f32 v4, v12;
	[tilespmem:s8+$0xFFFFFF20] =	vst v5;
	v5 =	vld [tilespmem:s8+$0xFFFFFF80]  }
0x8e: {  	[tilespmem:s8+$0xFFFFFF10] =	vst v3;
	v3 =	vld [tilespmem:s8+$0xFFFFFFB0]  }
0x8f: {  	[tilespmem:s8+$0xFFFFFF50] =	vst v2;
	v2 =	vld [tilespmem:s8+$0xFFFFFFA0]  }
0x90: {  	[tilespmem:s8+$0xFFFFFF30] =	vst v4;
	v4 =	vld [tilespmem:s8+$0xFFFFFFF0]  }
0x91: {  	v10 =	vld.idx.msk [tilespmem:v1+s10+$0x0 ss:$0x1], $0xffff  }
0x92: {  	v11 =	vld [tilespmem:s15+$0xFFFFFFC0]  }
0x93: {  	s23 =	sand.u32 $0xFFFFFFF0, s7;
	v12 =	vld [tilespmem:s15+$0xFFFFFFF0]  }
0x94: {  	s23 =	ssub.s32 s11, s23;
	v13 =	vld [tilespmem:s15+$0xFFFFFFB0]  }
0x95: {  	s24 =	sadd.s32 $0x5, s23;
	s11 =	sadd.s32 $0x7, s23;
	v9 =	vmul.f32 $1.131370830e+01, v9;
	v8 =	vmul.f32 $1.131370830e+01, v8;
	v14 =	vld [tilespmem:s15+$0xFFFFFFA0]  }
0x96: {  	v15 =	vmov s24;
	v6 =	vmul.f32 $1.131370830e+01, v6;
	v7 =	vmul.f32 $1.131370830e+01, v7;
	v16 =	vld [tilespmem:s15+$0xFFFFFF80]  }
0x97: {  	v4 =	vmul.f32 $1.131370830e+01, v4;
	v10 =	vperm.xlane v10, v15;
	v15 =	vld [tilespmem:s15+$0xFFFFFFE0]  }
0x98: {  	v3 =	vmul.f32 $1.131370830e+01, v3;
	v2 =	vmul.f32 $1.131370830e+01, v2;
	v17 =	vld [tilespmem:s15+$0xFFFFFF90]  }
0x99: {  	v5 =	vmul.f32 $1.131370830e+01, v5;
	vm0 =	veq.s32 v10, $0x0;
	v4 =	vadd.f32 v12, v4;
	v10 =	vld [tilespmem:s15+$0xFFFFFFD0]  }
0x9a: {  	v12 =	vsel vm0, $0x0, v0;
	v3 =	vadd.f32 v13, v3;
	v2 =	vadd.f32 v14, v2  }
0x9b: {  	v7 =	vadd.f32 v11, v7;
	v4 =	vmul.f32 v4, v12;
	v5 =	vadd.f32 v16, v5  }
0x9c: {  	v3 =	vmul.f32 v3, v12;
	v2 =	vmul.f32 v2, v12;
	v6 =	vadd.f32 v15, v6  }
0x9d: {  	v7 =	vmul.f32 v7, v12;
	v8 =	vadd.f32 v17, v8;
	[tilespmem:s8+$0xFFFFFFF0] =	vst v4;
	v4 =	vld [tilespmem:s8+$0x70]  }
0x9e: {  	v5 =	vmul.f32 v5, v12;
	[tilespmem:s8+$0xFFFFFFB0] =	vst v3;
	v3 =	vadd.f32 v10, v9;
	v6 =	vmul.f32 v6, v12;
	v9 =	vld [tilespmem:s8+$0x50]  }
0x9f: {  	v8 =	vmul.f32 v8, v12;
	[tilespmem:s8+$0xFFFFFFA0] =	vst v2;
	v2 =	vld [tilespmem:s8+$0x60]  }
0xa0: {  	v3 =	vmul.f32 v3, v12;
	[tilespmem:s8+$0xFFFFFFE0] =	vst v6;
	v6 =	vld [tilespmem:s8+$0x40]  }
0xa1: {  	[tilespmem:s8+$0xFFFFFF90] =	vst v8;
	v8 =	vld [tilespmem:s8+$0x30]  }
0xa2: {  	[tilespmem:s8+$0xFFFFFFD0] =	vst v3;
	v3 =	vld [tilespmem:s8+$0x20]  }
0xa3: {  	[tilespmem:s8+$0xFFFFFFC0] =	vst v7;
	v7 =	vld [tilespmem:s8+$0x10]  }
0xa4: {  	[tilespmem:s8+$0xFFFFFF80] =	vst v5;
	v5 =	vld [tilespmem:s8+$0x0]  }
0xa5: {  	v10 =	vld.idx.msk [tilespmem:v1+s10+$0x0 ss:$0x1], $0xffff  }
0xa6: {  	v11 =	vld [tilespmem:s15+$0x0]  }
0xa7: {  	v12 =	vld [tilespmem:s15+$0x10]  }
0xa8: {  	v13 =	vld [tilespmem:s15+$0x20]  }
0xa9: {  	s23 =	sadd.s32 $0x6, s23;
	v4 =	vmul.f32 $1.131370830e+01, v4;
	v2 =	vmul.f32 $1.131370830e+01, v2;
	v14 =	vld [tilespmem:s15+$0x30]  }
0xaa: {  	v15 =	vmov s23;
	v6 =	vmul.f32 $1.131370830e+01, v6;
	v7 =	vmul.f32 $1.131370830e+01, v7;
	v16 =	vld [tilespmem:s15+$0x40]  }
0xab: {  	v5 =	vmul.f32 $1.131370830e+01, v5;
	v10 =	vperm.xlane v10, v15;
	v15 =	vld [tilespmem:s15+$0x60]  }
0xac: {  	v8 =	vmul.f32 $1.131370830e+01, v8;
	v3 =	vmul.f32 $1.131370830e+01, v3;
	v17 =	vld [tilespmem:s15+$0x70]  }
0xad: {  	v5 =	vadd.f32 v11, v5;
	vm0 =	veq.s32 v10, $0x0;
	v7 =	vadd.f32 v12, v7  }
0xae: {  	v10 =	vsel vm0, $0x0, v0;
	v3 =	vadd.f32 v13, v3;
	v11 =	vld [tilespmem:s15+$0x50];
	v8 =	vadd.f32 v14, v8  }
0xaf: {  	v5 =	vmul.f32 v5, v10;
	v7 =	vmul.f32 v7, v10;
	v6 =	vadd.f32 v16, v6  }
0xb0: {  	v3 =	vmul.f32 v3, v10;
	v8 =	vmul.f32 v8, v10;
	v2 =	vadd.f32 v15, v2  }
0xb1: {  	[tilespmem:s8+$0x0] =	vst v5;
	v5 =	vmul.f32 v6, v10;
	v6 =	vmul.f32 $1.131370830e+01, v9;
	v9 =	vld [tilespmem:s8+$0xD0]  }
0xb2: {  	[tilespmem:s8+$0x20] =	vst v3;
	v2 =	vmul.f32 v2, v10;
	v3 =	vld [tilespmem:s8+$0xF0]  }
0xb3: {  	v4 =	vadd.f32 v17, v4;
	[tilespmem:s8+$0x40] =	vst v5;
	v5 =	vadd.f32 v11, v6;
	v6 =	vld [tilespmem:s8+$0xB0]  }
0xb4: {  	[tilespmem:s8+$0x60] =	vst v2;
	v2 =	vld [tilespmem:s8+$0xE0]  }
0xb5: {  	v4 =	vmul.f32 v4, v10;
	[tilespmem:s8+$0x30] =	vst v8;
	v5 =	vmul.f32 v5, v10;
	v8 =	vld [tilespmem:s8+$0xC0]  }
0xb6: {  	[tilespmem:s8+$0x10] =	vst v7;
	v7 =	vld [tilespmem:s8+$0xA0]  }
0xb7: {  	[tilespmem:s8+$0x50] =	vst v5;
	v5 =	vld [tilespmem:s8+$0x80]  }
0xb8: {  	[tilespmem:s8+$0x70] =	vst v4;
	v4 =	vld [tilespmem:s8+$0x90]  }
0xb9: {  	v10 =	vld [tilespmem:s15+$0xC0]  }
0xba: {  	v11 =	vld [tilespmem:s15+$0x80]  }
0xbb: {  	v12 =	vld [tilespmem:s15+$0x90]  }
0xbc: {  	v13 =	vld [tilespmem:s15+$0xA0]  }
0xbd: {  	v14 =	vld.idx.msk [tilespmem:v1+s10+$0x0 ss:$0x1], $0xffff  }
0xbe: {  	v15 =	vld [tilespmem:s15+$0xD0]  }
0xbf: {  	v5 =	vmul.f32 $1.131370830e+01, v5;
	v4 =	vmul.f32 $1.131370830e+01, v4;
	v16 =	vld [tilespmem:s15+$0xE0]  }
0xc0: {  	v7 =	vmul.f32 $1.131370830e+01, v7;
	v17 =	vld [tilespmem:s15+$0xB0]  }
0xc1: {  	v8 =	vmul.f32 $1.131370830e+01, v8;
	v5 =	vadd.f32 v11, v5;
	v4 =	vadd.f32 v12, v4;
	v18 =	vld [tilespmem:s15+$0xF0]  }
0xc2: {  	v2 =	vmul.f32 $1.131370830e+01, v2;
	v11 =	vmov s11;
	v7 =	vadd.f32 v13, v7  }
0xc3: {  	v8 =	vadd.f32 v10, v8;
	v11 =	vperm.xlane v14, v11  }
0xc4: {  	v6 =	vmul.f32 $1.131370830e+01, v6;
	v10 =	vadd.f32 v16, v2  }
0xc5: {  	vm0 =	veq.s32 v11, $0x0;
	v2 =	vmul.f32 $1.131370830e+01, v9  }
.Ltmp0:
0xc6: {  	v11 =	vmul.f32 $1.131370830e+01, v3;
	v9 =	vsel vm0, $0x0, v0;
	v6 =	vadd.f32 v17, v6;
	(pc) =	sbr.rel @p1 .LBB2_3-.Ltmp0, $4  }
0xc7: {  	v12 =	vmul.f32 v5, v9;
	v13 =	vmul.f32 v4, v9;
	v4 =	vadd.f32 v15, v2  }
0xc8: {  	v5 =	vmul.f32 v7, v9;
	v3 =	vmul.f32 v6, v9;
	v6 =	vadd.f32 v18, v11  }
0xc9: {  	v2 =	vmul.f32 v8, v9;
	v4 =	vmul.f32 v4, v9;
	[tilespmem:s8+$0x80] =	vst v12  }
0xca: {  	v7 =	vmul.f32 v10, v9;
	v6 =	vmul.f32 v6, v9;
	s8 =	sadd.s32 $0x200, s8;
	[tilespmem:s3+$0x90] =	vst v13  }
0xcb: {  	[tilespmem:s3+$0xA0] =	vst v5  }
0xcc: {  	s1 =	sor.u32 s6, s1;
	[tilespmem:s3+$0xB0] =	vst v3  }
0xcd: {  	[tilespmem:s3+$0xD0] =	vst v4;
	s1 =	smul.u32 $0x6400, s1  }
0xce: {  	[tilespmem:s3+$0xC0] =	vst v2  }
0xcf: {  	[tilespmem:s3+$0xE0] =	vst v7;
	s1 =	sshrl.u32 s1, $0x3  }
0xd0: {  	[tilespmem:s3+$0xF0] =	vst v6;
	s3 =	sadd.s32 s4, s1  }
0xd1: {  	[hbm4b:s3+s5] =	stream.linear.scatter [tilespmem:s13], [sflag:$0x5], $0x3000, $0x38;
	[tilespmem:$0x1D000] =	vst v63  }
0xd2: {  	_ =	swait.ge [sflag:s19], $0x3400  }
0xd3: {  	[sflag:s19] =	ssyncset.done $0x0  }
0xd4: {  	s1 =	simm.s32 @!p0 $0x8;
	[sflag:s19] =	ssyncadd.s32 $0xFFFFCC00  }
0xd5: {  	_ =	swait.ge @!p0 [sflag:s1], $0x3400  }
0xd6: {  	s7 =	sadd.s32 $0x80, s30;
	[sflag:s1] =	ssyncset.done @!p0 $0x0  }
0xd7: {  	s9 =	simm.s32 $0xB9F0;
	[sflag:s1] =	ssyncadd.s32 @!p0 $0xFFFFCC00;
	s1 =	sadd.s32 $0x80, s0  }
0xd8: {  	[tilespmem:s20], [sflag:$0x4] =	stream.indirect.gather [hbm4b:s2+s14], $0x80, s1, s14, $0xb8;
	[tilespmem:$0x1D000] =	vst v63  }
0xd9: {  	v1 =	vmov s7;
	v2 =	vld [tilespmem:s9+$0xFFFFFE40]  }
0xda: {  	v3 =	vld [tilespmem:s9+$0xFFFFFE30]  }
0xdb: {  	v4 =	vld [tilespmem:s9+$0xFFFFFE50]  }
0xdc: {  	s15 =	simm.s32 $0x0;
	v5 =	vld [tilespmem:s9+$0xFFFFFE10]  }
0xdd: {  	s10 =	sand.u32 $0x70, s15;
	v6 =	vld [tilespmem:s9+$0xFFFFFE20]  }
0xde: {  	s7 =	simm.s32 $0x191F0;
	v7 =	vld.idx.msk [tilespmem:v1+s10+$0x0 ss:$0x1], $0xffff  }
0xdf: {  	v8 =	vld [tilespmem:s7+$0xFFFFFE10]  }
0xe0: {  	v9 =	vld [tilespmem:s9+$0xFFFFFE80]  }
0xe1: {  	v10 =	vld [tilespmem:s9+$0xFFFFFE70]  }
0xe2: {  	v11 =	vld [tilespmem:s7+$0xFFFFFE80]  }
0xe3: {  	s8 =	sand.u32 $0xC, s15;
	v12 =	vld [tilespmem:s7+$0xFFFFFE50]  }
0xe4: {  	v14 =	vmov s8;
	v13 =	vld [tilespmem:s7+$0xFFFFFE30]  }
0xe5: {  	v15 =	vld [tilespmem:s7+$0xFFFFFE70];
	v7 =	vperm.xlane v7, v14;
	v9 =	vmul.f32 $1.131370830e+01, v9  }
0xe6: {  	v30 =	vld [tilespmem:s7+$0xFFFFFE40];
	v4 =	vmul.f32 $1.131370830e+01, v4  }
0xe7: {  	v26 =	vld [tilespmem:s9+$0xFFFFFE60];
	v5 =	vmul.f32 $1.131370830e+01, v5;
	vm0 =	veq.s32 v7, $0x0;
	v7 =	vadd.f32 v11, v9  }
0xe8: {  	v16 =	vld [tilespmem:s7+$0xFFFFFE20];
	v3 =	vmul.f32 $1.131370830e+01, v3;
	v4 =	vadd.f32 v12, v4;
	v29 =	vsel vm0, $0x0, v0  }
0xe9: {  	v28 =	vld [tilespmem:s7+$0xFFFFFE60];
	v2 =	vmul.f32 $1.131370830e+01, v2;
	v5 =	vadd.f32 v8, v5;
	v7 =	vmul.f32 v7, v29  }
0xea: {  	v27 =	vmul.f32 $1.131370830e+01, v10;
	v3 =	vadd.f32 v13, v3;
	v4 =	vmul.f32 v4, v29  }
0xeb: {  	v6 =	vmul.f32 $1.131370830e+01, v6;
	v2 =	vadd.f32 v30, v2;
	v5 =	vmul.f32 v5, v29;
	[tilespmem:s9+$0xFFFFFE80] =	vst v7  }
0xec: {  	v32 =	vld [tilespmem:s9+$0xFFFFFEA0];
	v31 =	vmul.f32 $1.131370830e+01, v26;
	v8 =	vadd.f32 v15, v27;
	v3 =	vmul.f32 v3, v29;
	[tilespmem:s9+$0xFFFFFE50] =	vst v4  }
0xed: {  	v33 =	vld [tilespmem:s9+$0xFFFFFEB0];
	v6 =	vadd.f32 v16, v6;
	v2 =	vmul.f32 v2, v29;
	[tilespmem:s9+$0xFFFFFE10] =	vst v5  }
0xee: {  	v7 =	vld [tilespmem:s9+$0xFFFFFEE0];
	v4 =	vmul.f32 v8, v29;
	v8 =	vadd.f32 v28, v31;
	[tilespmem:s9+$0xFFFFFE30] =	vst v3  }
0xef: {  	v5 =	vmul.f32 v6, v29;
	v6 =	vld [tilespmem:s9+$0xFFFFFEF0];
	[tilespmem:s9+$0xFFFFFE40] =	vst v2  }
0xf0: {  	v3 =	vld [tilespmem:s9+$0xFFFFFE90];
	[tilespmem:s9+$0xFFFFFE70] =	vst v4;
	v4 =	vmul.f32 v8, v29  }
0xf1: {  	v2 =	vld [tilespmem:s9+$0xFFFFFF00];
	[tilespmem:s9+$0xFFFFFE20] =	vst v5  }
0xf2: {  	v8 =	vld [tilespmem:s9+$0xFFFFFED0];
	[tilespmem:s9+$0xFFFFFE60] =	vst v4  }
0xf3: {  	s8 =	simm.s32 $0x0;
	v4 =	vld.idx.msk [tilespmem:v1+s10+$0x0 ss:$0x1], $0xffff  }
0xf4: {  	s11 =	sand.u32 $0xFFFFFFF0, s8;
	v5 =	vld [tilespmem:s9+$0xFFFFFEC0]  }
0xf5: {  	s11 =	ssub.s32 $0xFFFFFFFC, s11;
	v34 =	vld [tilespmem:s7+$0xFFFFFF00]  }
0xf6: {  	s23 =	sadd.s32 $0x5, s11;
	v35 =	vld [tilespmem:s7+$0xFFFFFEC0]  }
0xf7: {  	v37 =	vmov s23;
	v36 =	vld [tilespmem:s7+$0xFFFFFEB0]  }
0xf8: {  	v38 =	vld [tilespmem:s7+$0xFFFFFEF0];
	v2 =	vmul.f32 $1.131370830e+01, v2;
	v4 =	vperm.xlane v4, v37  }
0xf9: {  	v39 =	vld [tilespmem:s7+$0xFFFFFEA0];
	v5 =	vmul.f32 $1.131370830e+01, v5  }
0xfa: {  	v10 =	vmul.f32 $1.131370830e+01, v33;
	v2 =	vadd.f32 v34, v2;
	vm13 =	veq.s32 v4, $0x0;
	v4 =	vld [tilespmem:s7+$0xFFFFFEE0]  }
0xfb: {  	v40 =	vld [tilespmem:s7+$0xFFFFFED0];
	v6 =	vmul.f32 $1.131370830e+01, v6;
	v5 =	vadd.f32 v35, v5;
	v41 =	vsel vm13, $0x0, v0  }
0xfc: {  	v9 =	vmul.f32 $1.131370830e+01, v32;
	v42 =	vld [tilespmem:s7+$0xFFFFFE90];
	v10 =	vadd.f32 v36, v10;
	v2 =	vmul.f32 v2, v41  }
0xfd: {  	v7 =	vmul.f32 $1.131370830e+01, v7;
	v6 =	vadd.f32 v38, v6;
	v5 =	vmul.f32 v5, v41  }
0xfe: {  	v8 =	vmul.f32 $1.131370830e+01, v8;
	v9 =	vadd.f32 v39, v9;
	v10 =	vmul.f32 v10, v41;
	[tilespmem:s9+$0xFFFFFF00] =	vst v2  }
0xff: {  	v43 =	vld [tilespmem:s9+$0xFFFFFF30];
	v2 =	vmul.f32 $1.131370830e+01, v3;
	[tilespmem:s9+$0xFFFFFEC0] =	vst v5;
	v3 =	vadd.f32 v4, v7;
	v4 =	vmul.f32 v6, v41  }
0x100: {  	v49 =	vld [tilespmem:s9+$0xFFFFFF20];
	v5 =	vadd.f32 v40, v8;
	[tilespmem:s9+$0xFFFFFEB0] =	vst v10;
	v7 =	vmul.f32 v9, v41  }
0x101: {  	v8 =	vld [tilespmem:s9+$0xFFFFFF60];
	v2 =	vadd.f32 v42, v2;
	v3 =	vmul.f32 v3, v41;
	[tilespmem:s9+$0xFFFFFEF0] =	vst v4  }
0x102: {  	v6 =	vld [tilespmem:s9+$0xFFFFFF80];
	v4 =	vmul.f32 v5, v41;
	[tilespmem:s9+$0xFFFFFEA0] =	vst v7  }
0x103: {  	v5 =	vld [tilespmem:s9+$0xFFFFFF70];
	v2 =	vmul.f32 v2, v41;
	[tilespmem:s9+$0xFFFFFEE0] =	vst v3  }
0x104: {  	v7 =	vld [tilespmem:s9+$0xFFFFFF50];
	[tilespmem:s9+$0xFFFFFED0] =	vst v4  }
0x105: {  	[tilespmem:s9+$0xFFFFFE90] =	vst v2;
	v2 =	vld [tilespmem:s9+$0xFFFFFF10]  }
0x106: {  	v4 =	vld.idx.msk [tilespmem:v1+s10+$0x0 ss:$0x1], $0xffff  }
0x107: {  	v3 =	vld [tilespmem:s9+$0xFFFFFF40]  }
0x108: {  	v10 =	vld [tilespmem:s7+$0xFFFFFF10]  }
0x109: {  	s24 =	sadd.s32 $0x6, s11;
	v47 =	vld [tilespmem:s7+$0xFFFFFF70]  }
0x10a: {  	v45 =	vmov s24;
	v46 =	vld [tilespmem:s7+$0xFFFFFF50]  }
0x10b: {  	v48 =	vld [tilespmem:s7+$0xFFFFFF40];
	v2 =	vmul.f32 $1.131370830e+01, v2;
	v4 =	vperm.xlane v4, v45  }
0x10c: {  	v44 =	vld [tilespmem:s7+$0xFFFFFF30];
	v5 =	vmul.f32 $1.131370830e+01, v5  }
0x10d: {  	v7 =	vmul.f32 $1.131370830e+01, v7;
	v2 =	vadd.f32 v10, v2;
	vm14 =	veq.s32 v4, $0x0;
	v4 =	vld [tilespmem:s7+$0xFFFFFF60]  }
0x10e: {  	v51 =	vld [tilespmem:s7+$0xFFFFFF80];
	v3 =	vmul.f32 $1.131370830e+01, v3;
	v5 =	vadd.f32 v47, v5;
	v50 =	vsel vm14, $0x0, v0  }
0x10f: {  	v9 =	vmul.f32 $1.131370830e+01, v43;
	v52 =	vld [tilespmem:s7+$0xFFFFFF20];
	v7 =	vadd.f32 v46, v7;
	v2 =	vmul.f32 v2, v50  }
0x110: {  	v8 =	vmul.f32 $1.131370830e+01, v8;
	v3 =	vadd.f32 v48, v3;
	v5 =	vmul.f32 v5, v50  }
0x111: {  	v53 =	vld [tilespmem:s9+$0xFFFFFFE0];
	v6 =	vmul.f32 $1.131370830e+01, v6;
	v9 =	vadd.f32 v44, v9;
	[tilespmem:s9+$0xFFFFFF10] =	vst v2;
	v2 =	vmul.f32 v7, v50  }
0x112: {  	v54 =	vld [tilespmem:s9+$0xFFFFFFD0];
	v3 =	vmul.f32 v3, v50;
	[tilespmem:s9+$0xFFFFFF70] =	vst v5;
	v4 =	vadd.f32 v4, v8;
	v8 =	vmul.f32 $1.131370830e+01, v49  }
0x113: {  	v9 =	vmul.f32 v9, v50;
	v7 =	vld [tilespmem:s9+$0xFFFFFFF0];
	[tilespmem:s9+$0xFFFFFF50] =	vst v2;
	v2 =	vadd.f32 v51, v6  }
0x114: {  	[tilespmem:s9+$0xFFFFFF40] =	vst v3;
	v3 =	vld [tilespmem:s9+$0xFFFFFFB0];
	v4 =	vmul.f32 v4, v50;
	v5 =	vadd.f32 v52, v8  }
0x115: {  	[tilespmem:s9+$0xFFFFFF30] =	vst v9;
	v6 =	vld [tilespmem:s9+$0x0];
	v2 =	vmul.f32 v2, v50  }
0x116: {  	v8 =	vld [tilespmem:s9+$0xFFFFFFC0];
	[tilespmem:s9+$0xFFFFFF60] =	vst v4;
	v4 =	vmul.f32 v5, v50  }
0x117: {  	v5 =	vld [tilespmem:s9+$0xFFFFFF90];
	[tilespmem:s9+$0xFFFFFF80] =	vst v2  }
0x118: {  	v2 =	vld [tilespmem:s9+$0xFFFFFFA0];
	[tilespmem:s9+$0xFFFFFF20] =	vst v4  }
0x119: {  	v4 =	vld [tilespmem:s7+$0xFFFFFFD0]  }
0x11a: {  	v55 =	vld [tilespmem:s7+$0xFFFFFF90]  }
0x11b: {  	v56 =	vld [tilespmem:s7+$0xFFFFFFA0]  }
0x11c: {  	v57 =	vld.idx.msk [tilespmem:v1+s10+$0x0 ss:$0x1], $0xffff  }
0x11d: {  	v58 =	vld [tilespmem:s7+$0xFFFFFFB0]  }
0x11e: {  	v10 =	vmul.f32 $1.131370830e+01, v54;
	v9 =	vmul.f32 $1.131370830e+01, v53;
	v59 =	vld [tilespmem:s7+$0xFFFFFFF0]  }
0x11f: {  	s25 =	sadd.s32 $0x7, s11;
	v3 =	vmul.f32 $1.131370830e+01, v3;
	v7 =	vmul.f32 $1.131370830e+01, v7;
	v60 =	vld [tilespmem:s7+$0xFFFFFFC0]  }
0x120: {  	v61 =	vmov s25;
	v17 =	vld [tilespmem:s7+$0xFFFFFFE0];
	v5 =	vmul.f32 $1.131370830e+01, v5;
	v2 =	vmul.f32 $1.131370830e+01, v2  }
0x121: {  	v6 =	vmul.f32 $1.131370830e+01, v6;
	v18 =	vld [tilespmem:s7+$0x0];
	v11 =	vperm.xlane v57, v61  }
0x122: {  	v8 =	vmul.f32 $1.131370830e+01, v8;
	v5 =	vadd.f32 v55, v5;
	v2 =	vadd.f32 v56, v2  }
0x123: {  	v3 =	vadd.f32 v58, v3;
	v4 =	vadd.f32 v4, v10;
	vm15 =	veq.s32 v11, $0x0  }
0x124: {  	v7 =	vadd.f32 v59, v7;
	v8 =	vadd.f32 v60, v8;
	v62 =	vsel vm15, $0x0, v0  }
0x125: {  	v9 =	vadd.f32 v17, v9;
	v63 =	vmul.f32 v5, v62;
	v12 =	vmul.f32 v2, v62  }
0x126: {  	v6 =	vadd.f32 v18, v6;
	v5 =	vmul.f32 v3, v62;
	v3 =	vmul.f32 v8, v62  }
0x127: {  	v2 =	vmul.f32 v4, v62;
	v4 =	vmul.f32 v9, v62;
	[tilespmem:s9+$0xFFFFFF90] =	vst v63  }
0x128: {  	s10 =	simm.s32 $0xBBF0;
	v7 =	vmul.f32 v7, v62;
	v6 =	vmul.f32 v6, v62;
	[tilespmem:s9+$0xFFFFFFA0] =	vst v12  }
.LBB2_5:
0x129: {  	s8 =	sadd.s32 $0x4, s8  }
0x12a: {  	v8 =	vld [tilespmem:s10+$0xFFFFFE40];
	[tilespmem:s9+$0xFFFFFFB0] =	vst v5;
	s7 =	sadd.s32 $0x200, s7;
	s23 =	smov.u32 s15;
	s15 =	sadd.s32 $0x4, s15  }
0x12b: {  	s11 =	sand.u32 $0x70, s15;
	s24 =	sand.u32 $0xC, s15;
	v5 =	vld [tilespmem:s10+$0xFFFFFE30];
	p0 =	slt.u32 s15, $0x64;
	[tilespmem:s9+$0xFFFFFFF0] =	vst v7  }
0x12c: {  	v7 =	vld [tilespmem:s10+$0xFFFFFE50];
	[tilespmem:s9+$0x0] =	vst v6  }
0x12d: {  	v6 =	vld [tilespmem:s10+$0xFFFFFE10];
	[tilespmem:s9+$0xFFFFFFC0] =	vst v3  }
0x12e: {  	v3 =	vld [tilespmem:s10+$0xFFFFFE20];
	[tilespmem:s9+$0xFFFFFFE0] =	vst v4  }
0x12f: {  	v4 =	vmul.f32 $1.131370830e+01, v8;
	[tilespmem:s9+$0xFFFFFFD0] =	vst v2;
	s9 =	smov.u32 s10  }
0x130: {  	v2 =	vld.idx.msk [tilespmem:v1+s11+$0x0 ss:$0x1], $0xffff  }
0x131: {  	v8 =	vld [tilespmem:s7+$0xFFFFFE10]  }
0x132: {  	v9 =	vld [tilespmem:s7+$0xFFFFFE20]  }
0x133: {  	v10 =	vld [tilespmem:s7+$0xFFFFFE30]  }
0x134: {  	v7 =	vmul.f32 $1.131370830e+01, v7;
	v3 =	vmul.f32 $1.131370830e+01, v3;
	v11 =	vld [tilespmem:s7+$0xFFFFFE40]  }
0x135: {  	v12 =	vld [tilespmem:s10+$0xFFFFFE70]  }
0x136: {  	v13 =	vld [tilespmem:s10+$0xFFFFFE80]  }
0x137: {  	v14 =	vmov s24;
	v15 =	vld [tilespmem:s7+$0xFFFFFE70]  }
0x138: {  	v6 =	vmul.f32 $1.131370830e+01, v6;
	v2 =	vperm.xlane v2, v14;
	v3 =	vadd.f32 v9, v3;
	v14 =	vld [tilespmem:s7+$0xFFFFFE80]  }
0x139: {  	v5 =	vmul.f32 $1.131370830e+01, v5;
	v9 =	vld [tilespmem:s7+$0xFFFFFE50];
	v4 =	vadd.f32 v11, v4  }
0x13a: {  	v6 =	vadd.f32 v8, v6;
	vm0 =	veq.s32 v2, $0x0;
	v2 =	vld [tilespmem:s10+$0xFFFFFE60];
	v8 =	vmul.f32 $1.131370830e+01, v12  }
0x13b: {  	v5 =	vadd.f32 v10, v5;
	v10 =	vmul.f32 $1.131370830e+01, v13  }
0x13c: {  	v11 =	vld [tilespmem:s7+$0xFFFFFE60];
	v8 =	vadd.f32 v15, v8  }
0x13d: {  	v10 =	vadd.f32 v14, v10  }
0x13e: {  	v12 =	vsel vm0, $0x0, v0;
	v7 =	vadd.f32 v9, v7  }
0x13f: {  	v2 =	vmul.f32 $1.131370830e+01, v2;
	v9 =	vmul.f32 v10, v12  }
0x140: {  	v6 =	vmul.f32 v6, v12;
	v7 =	vmul.f32 v7, v12  }
0x141: {  	v3 =	vmul.f32 v3, v12;
	v5 =	vmul.f32 v5, v12;
	v2 =	vadd.f32 v11, v2;
	[tilespmem:s10+$0xFFFFFE80] =	vst v9;
	v9 =	vld [tilespmem:s10+$0xFFFFFEE0]  }
0x142: {  	[tilespmem:s10+$0xFFFFFE50] =	vst v7;
	v7 =	vmul.f32 v8, v12;
	v8 =	vld [tilespmem:s10+$0xFFFFFEA0]  }
0x143: {  	[tilespmem:s10+$0xFFFFFE10] =	vst v6;
	v2 =	vmul.f32 v2, v12;
	v6 =	vld [tilespmem:s10+$0xFFFFFEF0]  }
0x144: {  	[tilespmem:s10+$0xFFFFFE70] =	vst v7;
	v7 =	vld [tilespmem:s10+$0xFFFFFED0]  }
0x145: {  	v4 =	vmul.f32 v4, v12;
	[tilespmem:s10+$0xFFFFFE30] =	vst v5;
	v5 =	vld [tilespmem:s10+$0xFFFFFE90]  }
0x146: {  	[tilespmem:s10+$0xFFFFFE20] =	vst v3;
	v3 =	vld [tilespmem:s10+$0xFFFFFEC0]  }
0x147: {  	[tilespmem:s10+$0xFFFFFE60] =	vst v2;
	v2 =	vld [tilespmem:s10+$0xFFFFFEB0]  }
0x148: {  	[tilespmem:s10+$0xFFFFFE40] =	vst v4;
	v4 =	vld [tilespmem:s10+$0xFFFFFF00]  }
0x149: {  	v10 =	vld.idx.msk [tilespmem:v1+s11+$0x0 ss:$0x1], $0xffff  }
0x14a: {  	v11 =	vld [tilespmem:s7+$0xFFFFFED0]  }
0x14b: {  	s24 =	sand.u32 $0xFFFFFFF0, s8;
	v12 =	vld [tilespmem:s7+$0xFFFFFF00]  }
0x14c: {  	s24 =	ssub.s32 s23, s24;
	v13 =	vld [tilespmem:s7+$0xFFFFFEC0]  }
0x14d: {  	s25 =	sadd.s32 $0x5, s24;
	s23 =	sadd.s32 $0x7, s24;
	v9 =	vmul.f32 $1.131370830e+01, v9;
	v8 =	vmul.f32 $1.131370830e+01, v8;
	v14 =	vld [tilespmem:s7+$0xFFFFFEB0]  }
0x14e: {  	v15 =	vmov s25;
	v6 =	vmul.f32 $1.131370830e+01, v6;
	v7 =	vmul.f32 $1.131370830e+01, v7;
	v16 =	vld [tilespmem:s7+$0xFFFFFE90]  }
0x14f: {  	v4 =	vmul.f32 $1.131370830e+01, v4;
	v10 =	vperm.xlane v10, v15;
	v15 =	vld [tilespmem:s7+$0xFFFFFEF0]  }
0x150: {  	v3 =	vmul.f32 $1.131370830e+01, v3;
	v2 =	vmul.f32 $1.131370830e+01, v2;
	v17 =	vld [tilespmem:s7+$0xFFFFFEA0]  }
0x151: {  	v5 =	vmul.f32 $1.131370830e+01, v5;
	vm0 =	veq.s32 v10, $0x0;
	v4 =	vadd.f32 v12, v4;
	v10 =	vld [tilespmem:s7+$0xFFFFFEE0]  }
0x152: {  	v12 =	vsel vm0, $0x0, v0;
	v3 =	vadd.f32 v13, v3;
	v2 =	vadd.f32 v14, v2  }
0x153: {  	v7 =	vadd.f32 v11, v7;
	v4 =	vmul.f32 v4, v12;
	v5 =	vadd.f32 v16, v5  }
0x154: {  	v3 =	vmul.f32 v3, v12;
	v2 =	vmul.f32 v2, v12;
	v6 =	vadd.f32 v15, v6  }
0x155: {  	v7 =	vmul.f32 v7, v12;
	v8 =	vadd.f32 v17, v8;
	[tilespmem:s10+$0xFFFFFF00] =	vst v4;
	v4 =	vld [tilespmem:s10+$0xFFFFFF80]  }
0x156: {  	v5 =	vmul.f32 v5, v12;
	[tilespmem:s10+$0xFFFFFEC0] =	vst v3;
	v3 =	vadd.f32 v10, v9;
	v6 =	vmul.f32 v6, v12;
	v9 =	vld [tilespmem:s10+$0xFFFFFF60]  }
0x157: {  	v8 =	vmul.f32 v8, v12;
	[tilespmem:s10+$0xFFFFFEB0] =	vst v2;
	v2 =	vld [tilespmem:s10+$0xFFFFFF70]  }
0x158: {  	v3 =	vmul.f32 v3, v12;
	[tilespmem:s10+$0xFFFFFEF0] =	vst v6;
	v6 =	vld [tilespmem:s10+$0xFFFFFF50]  }
0x159: {  	[tilespmem:s10+$0xFFFFFEA0] =	vst v8;
	v8 =	vld [tilespmem:s10+$0xFFFFFF40]  }
0x15a: {  	[tilespmem:s10+$0xFFFFFEE0] =	vst v3;
	v3 =	vld [tilespmem:s10+$0xFFFFFF30]  }
0x15b: {  	[tilespmem:s10+$0xFFFFFED0] =	vst v7;
	v7 =	vld [tilespmem:s10+$0xFFFFFF20]  }
0x15c: {  	[tilespmem:s10+$0xFFFFFE90] =	vst v5;
	v5 =	vld [tilespmem:s10+$0xFFFFFF10]  }
0x15d: {  	v10 =	vld.idx.msk [tilespmem:v1+s11+$0x0 ss:$0x1], $0xffff  }
0x15e: {  	v11 =	vld [tilespmem:s7+$0xFFFFFF10]  }
0x15f: {  	v12 =	vld [tilespmem:s7+$0xFFFFFF20]  }
0x160: {  	v13 =	vld [tilespmem:s7+$0xFFFFFF30]  }
0x161: {  	s24 =	sadd.s32 $0x6, s24;
	v4 =	vmul.f32 $1.131370830e+01, v4;
	v2 =	vmul.f32 $1.131370830e+01, v2;
	v14 =	vld [tilespmem:s7+$0xFFFFFF40]  }
0x162: {  	v15 =	vmov s24;
	v6 =	vmul.f32 $1.131370830e+01, v6;
	v7 =	vmul.f32 $1.131370830e+01, v7;
	v16 =	vld [tilespmem:s7+$0xFFFFFF50]  }
0x163: {  	v5 =	vmul.f32 $1.131370830e+01, v5;
	v10 =	vperm.xlane v10, v15;
	v15 =	vld [tilespmem:s7+$0xFFFFFF70]  }
0x164: {  	v8 =	vmul.f32 $1.131370830e+01, v8;
	v3 =	vmul.f32 $1.131370830e+01, v3;
	v17 =	vld [tilespmem:s7+$0xFFFFFF80]  }
0x165: {  	v5 =	vadd.f32 v11, v5;
	vm0 =	veq.s32 v10, $0x0;
	v7 =	vadd.f32 v12, v7  }
0x166: {  	v10 =	vsel vm0, $0x0, v0;
	v3 =	vadd.f32 v13, v3;
	v11 =	vld [tilespmem:s7+$0xFFFFFF60];
	v8 =	vadd.f32 v14, v8  }
0x167: {  	v5 =	vmul.f32 v5, v10;
	v7 =	vmul.f32 v7, v10;
	v6 =	vadd.f32 v16, v6  }
0x168: {  	v3 =	vmul.f32 v3, v10;
	v8 =	vmul.f32 v8, v10;
	v2 =	vadd.f32 v15, v2  }
0x169: {  	[tilespmem:s10+$0xFFFFFF10] =	vst v5;
	v5 =	vmul.f32 v6, v10;
	v6 =	vmul.f32 $1.131370830e+01, v9;
	v9 =	vld [tilespmem:s10+$0xFFFFFFF0]  }
0x16a: {  	[tilespmem:s10+$0xFFFFFF30] =	vst v3;
	v2 =	vmul.f32 v2, v10;
	v3 =	vld [tilespmem:s10+$0xFFFFFFE0]  }
0x16b: {  	v4 =	vadd.f32 v17, v4;
	[tilespmem:s10+$0xFFFFFF50] =	vst v5;
	v5 =	vadd.f32 v11, v6;
	v6 =	vld [tilespmem:s10+$0x0]  }
0x16c: {  	[tilespmem:s10+$0xFFFFFF70] =	vst v2;
	v2 =	vld [tilespmem:s10+$0xFFFFFFC0]  }
0x16d: {  	v4 =	vmul.f32 v4, v10;
	[tilespmem:s10+$0xFFFFFF40] =	vst v8;
	v5 =	vmul.f32 v5, v10;
	v8 =	vld [tilespmem:s10+$0xFFFFFFD0]  }
0x16e: {  	[tilespmem:s10+$0xFFFFFF20] =	vst v7;
	v7 =	vld [tilespmem:s10+$0xFFFFFFB0]  }
0x16f: {  	[tilespmem:s10+$0xFFFFFF60] =	vst v5;
	v5 =	vld [tilespmem:s10+$0xFFFFFF90]  }
0x170: {  	[tilespmem:s10+$0xFFFFFF80] =	vst v4;
	v4 =	vld [tilespmem:s10+$0xFFFFFFA0]  }
0x171: {  	v10 =	vld [tilespmem:s7+$0xFFFFFFD0]  }
0x172: {  	v11 =	vld [tilespmem:s7+$0xFFFFFF90]  }
0x173: {  	v12 =	vld [tilespmem:s7+$0xFFFFFFA0]  }
0x174: {  	v13 =	vld [tilespmem:s7+$0xFFFFFFB0]  }
0x175: {  	v14 =	vld.idx.msk [tilespmem:v1+s11+$0x0 ss:$0x1], $0xffff  }
0x176: {  	v15 =	vld [tilespmem:s7+$0xFFFFFFE0]  }
0x177: {  	v5 =	vmul.f32 $1.131370830e+01, v5;
	v4 =	vmul.f32 $1.131370830e+01, v4;
	v16 =	vld [tilespmem:s7+$0xFFFFFFF0]  }
0x178: {  	v7 =	vmul.f32 $1.131370830e+01, v7;
	v17 =	vld [tilespmem:s7+$0xFFFFFFC0]  }
0x179: {  	v8 =	vmul.f32 $1.131370830e+01, v8;
	v5 =	vadd.f32 v11, v5;
	v4 =	vadd.f32 v12, v4;
	v18 =	vld [tilespmem:s7+$0x0]  }
0x17a: {  	v9 =	vmul.f32 $1.131370830e+01, v9;
	v11 =	vmov s23;
	v7 =	vadd.f32 v13, v7  }
0x17b: {  	v8 =	vadd.f32 v10, v8;
	v11 =	vperm.xlane v14, v11  }
0x17c: {  	v2 =	vmul.f32 $1.131370830e+01, v2;
	v9 =	vadd.f32 v16, v9  }
0x17d: {  	v3 =	vmul.f32 $1.131370830e+01, v3;
	vm0 =	veq.s32 v11, $0x0  }
.Ltmp1:
0x17e: {  	v6 =	vmul.f32 $1.131370830e+01, v6;
	v10 =	vsel vm0, $0x0, v0;
	v2 =	vadd.f32 v17, v2;
	(pc) =	sbr.rel @p0 .LBB2_5-.Ltmp1, $4  }
0x17f: {  	v11 =	vmul.f32 v5, v10;
	v12 =	vmul.f32 v4, v10;
	v4 =	vadd.f32 v15, v3  }
0x180: {  	v5 =	vmul.f32 v7, v10;
	v6 =	vadd.f32 v18, v6;
	v3 =	vmul.f32 v2, v10  }
0x181: {  	v2 =	vmul.f32 v8, v10;
	v4 =	vmul.f32 v4, v10;
	[tilespmem:s10+$0xFFFFFF90] =	vst v11  }
0x182: {  	v7 =	vmul.f32 v9, v10;
	v6 =	vmul.f32 v6, v10;
	s10 =	sadd.s32 $0x200, s10;
	[tilespmem:s9+$0xFFFFFFA0] =	vst v12  }
0x183: {  	[tilespmem:s9+$0xFFFFFFB0] =	vst v5  }
0x184: {  	[tilespmem:s9+$0xFFFFFFC0] =	vst v3  }
0x185: {  	[tilespmem:s9+$0xFFFFFFE0] =	vst v4  }
0x186: {  	[tilespmem:s9+$0xFFFFFFD0] =	vst v2  }
0x187: {  	[tilespmem:s9+$0xFFFFFFF0] =	vst v7  }
0x188: {  	s3 =	sadd.s32 $0x600, s3;
	[tilespmem:s9+$0x0] =	vst v6  }
0x189: {  	[hbm4b:s3+s5] =	stream.linear.scatter [tilespmem:s16], [sflag:$0x6], $0x3400, $0x38;
	[tilespmem:$0x1D000] =	vst v63  }
0x18a: {  	_ =	swait.ge [sflag:s21], $0x3000  }
0x18b: {  	p0 =	seq.s32 s29, $0x3F;
	[sflag:s21] =	ssyncset.done $0x0  }
0x18c: {  	s3 =	simm.s32 @!p0 $0x5;
	[sflag:s21] =	ssyncadd.s32 $0xFFFFD000  }
0x18d: {  	_ =	swait.ge @!p0 [sflag:s3], $0x3000  }
0x18e: {  	s7 =	simm.s32 @!p0 $0x60;
	[sflag:s3] =	ssyncset.done @!p0 $0x0  }
0x18f: {  	s8 =	simm.s32 @!p0 $0x8000;
	[sflag:s3] =	ssyncadd.s32 @!p0 $0xFFFFD000;
	s3 =	sadd.s32 @!p0 $0x200, s30  }
0x190: {  	[tilespmem:s8], [sflag:$0x1] =	stream.indirect.gather @!p0 [hbm4b:s2+s7], $0x80, s3, s7, $0xb8;
	[tilespmem:$0x1D000] =	vst v63  }
0x191: {  	s3 =	simm.s32 $0x0  }
0x192: {  	v4 =	vld [tilespmem:s3+$0xF050]  }
0x193: {  	v1 =	vmov s0;
	v5 =	vld [tilespmem:s3+$0x16000]  }
0x194: {  	v6 =	vld [tilespmem:s3+$0xF040]  }
0x195: {  	v7 =	vld [tilespmem:s3+$0xF060]  }
0x196: {  	s0 =	simm.s32 $0x0;
	v8 =	vld [tilespmem:s3+$0xF010]  }
0x197: {  	s11 =	sand.u32 $0x70, s0;
	v9 =	vld [tilespmem:s3+$0xF070]  }
0x198: {  	v10 =	vld.idx.msk [tilespmem:v1+s11+$0x0 ss:$0x1], $0xffff  }
0x199: {  	v11 =	vld [tilespmem:s3+$0xF000]  }
0x19a: {  	v12 =	vld [tilespmem:s3+$0x16010]  }
0x19b: {  	v13 =	vld [tilespmem:s3+$0xF020]  }
0x19c: {  	s15 =	sand.u32 $0xC, s0;
	v15 =	vld [tilespmem:s3+$0x16060]  }
0x19d: {  	v14 =	vmov s15;
	v16 =	vld [tilespmem:s3+$0x16020]  }
0x19e: {  	v17 =	vld [tilespmem:s3+$0x16050];
	v10 =	vperm.xlane v10, v14;
	v8 =	vmul.f32 $1.131370830e+01, v8  }
0x19f: {  	v18 =	vld [tilespmem:s3+$0x16070];
	v7 =	vmul.f32 $1.131370830e+01, v7  }
0x1a0: {  	v14 =	vld [tilespmem:s3+$0xF030];
	v11 =	vmul.f32 $1.131370830e+01, v11;
	vm0 =	veq.s32 v10, $0x0;
	v8 =	vadd.f32 v12, v8  }
0x1a1: {  	v2 =	vld [tilespmem:s3+$0x16040];
	v13 =	vmul.f32 $1.131370830e+01, v13;
	v7 =	vadd.f32 v15, v7;
	v12 =	vsel vm0, $0x0, v0  }
0x1a2: {  	v3 =	vld [tilespmem:s3+$0x16030];
	v9 =	vmul.f32 $1.131370830e+01, v9;
	v5 =	vadd.f32 v5, v11;
	v8 =	vmul.f32 v8, v12  }
0x1a3: {  	v4 =	vmul.f32 $1.131370830e+01, v4;
	v11 =	vadd.f32 v16, v13;
	v7 =	vmul.f32 v7, v12  }
0x1a4: {  	v6 =	vmul.f32 $1.131370830e+01, v6;
	v9 =	vadd.f32 v18, v9;
	v5 =	vmul.f32 v5, v12;
	[tilespmem:s3+$0xF010] =	vst v8  }
0x1a5: {  	v10 =	vld [tilespmem:s3+$0xF0B0];
	v4 =	vadd.f32 v17, v4;
	v11 =	vmul.f32 v11, v12;
	v13 =	vmul.f32 $1.131370830e+01, v14;
	[tilespmem:s3+$0xF060] =	vst v7  }
0x1a6: {  	v15 =	vld [tilespmem:s3+$0x160B0];
	v2 =	vadd.f32 v2, v6;
	v9 =	vmul.f32 v9, v12;
	[tilespmem:s3+$0xF000] =	vst v5  }
0x1a7: {  	v16 =	vld [tilespmem:s3+$0xF0C0];
	v4 =	vmul.f32 v4, v12;
	[tilespmem:s3+$0xF020] =	vst v11;
	v3 =	vadd.f32 v3, v13  }
0x1a8: {  	v2 =	vmul.f32 v2, v12;
	v8 =	vld [tilespmem:s3+$0x160E0];
	[tilespmem:s3+$0xF070] =	vst v9  }
0x1a9: {  	v7 =	vld [tilespmem:s3+$0x160A0];
	[tilespmem:s3+$0xF050] =	vst v4;
	v3 =	vmul.f32 v3, v12  }
0x1aa: {  	v4 =	vld [tilespmem:s3+$0x160F0];
	[tilespmem:s3+$0xF040] =	vst v2  }
0x1ab: {  	v2 =	vld [tilespmem:s3+$0xF0F0];
	[tilespmem:s3+$0xF030] =	vst v3  }
0x1ac: {  	s7 =	simm.s32 $0x0;
	v6 =	vld.idx.msk [tilespmem:v1+s11+$0x0 ss:$0x1], $0xffff  }
0x1ad: {  	s23 =	sand.u32 $0xFFFFFFF0, s7;
	v12 =	vld [tilespmem:s3+$0xF080]  }
0x1ae: {  	s9 =	ssub.s32 $0xFFFFFFFC, s23;
	v13 =	vld [tilespmem:s3+$0xF0A0]  }
0x1af: {  	s10 =	sadd.s32 $0x5, s9;
	v9 =	vld [tilespmem:s3+$0x16080]  }
0x1b0: {  	v14 =	vmov s10;
	v11 =	vld [tilespmem:s3+$0xF0E0]  }
0x1b1: {  	v3 =	vld [tilespmem:s3+$0xF0D0];
	v2 =	vmul.f32 $1.131370830e+01, v2;
	v6 =	vperm.xlane v6, v14  }
0x1b2: {  	v5 =	vld [tilespmem:s3+$0x160D0];
	v12 =	vmul.f32 $1.131370830e+01, v12  }
0x1b3: {  	v13 =	vmul.f32 $1.131370830e+01, v13;
	v2 =	vadd.f32 v4, v2;
	v14 =	vld [tilespmem:s3+$0xF090];
	vm14 =	veq.s32 v6, $0x0  }
0x1b4: {  	v17 =	vld [tilespmem:s3+$0x160C0];
	v10 =	vmul.f32 $1.131370830e+01, v10;
	v9 =	vadd.f32 v9, v12;
	v6 =	vsel vm14, $0x0, v0  }
0x1b5: {  	v11 =	vmul.f32 $1.131370830e+01, v11;
	v4 =	vld [tilespmem:s3+$0x16090];
	v7 =	vadd.f32 v7, v13;
	v2 =	vmul.f32 v2, v6  }
0x1b6: {  	v18 =	vld [tilespmem:s3+$0x16130];
	v10 =	vadd.f32 v15, v10;
	v3 =	vmul.f32 $1.131370830e+01, v3;
	v9 =	vmul.f32 v9, v6  }
0x1b7: {  	v16 =	vmul.f32 $1.131370830e+01, v16;
	v15 =	vld [tilespmem:s3+$0xF140];
	v8 =	vadd.f32 v8, v11;
	v7 =	vmul.f32 v7, v6;
	[tilespmem:s3+$0xF0F0] =	vst v2  }
0x1b8: {  	v11 =	vld [tilespmem:s3+$0xF170];
	v3 =	vadd.f32 v5, v3;
	v10 =	vmul.f32 v10, v6;
	v13 =	vmul.f32 $1.131370830e+01, v14;
	[tilespmem:s3+$0xF080] =	vst v9  }
0x1b9: {  	v12 =	vld [tilespmem:s3+$0x16150];
	v5 =	vmul.f32 v8, v6;
	v14 =	vadd.f32 v17, v16;
	[tilespmem:s3+$0xF0A0] =	vst v7  }
0x1ba: {  	v8 =	vld [tilespmem:s3+$0xF160];
	v3 =	vmul.f32 v3, v6;
	[tilespmem:s3+$0xF0B0] =	vst v10;
	v4 =	vadd.f32 v4, v13  }
0x1bb: {  	v2 =	vld [tilespmem:s3+$0x16120];
	[tilespmem:s3+$0xF0E0] =	vst v5;
	v13 =	vmul.f32 v14, v6  }
0x1bc: {  	v9 =	vld [tilespmem:s3+$0x16160];
	[tilespmem:s3+$0xF0D0] =	vst v3;
	v4 =	vmul.f32 v4, v6  }
0x1bd: {  	v7 =	vld [tilespmem:s3+$0xF150];
	[tilespmem:s3+$0xF0C0] =	vst v13  }
0x1be: {  	v6 =	vld [tilespmem:s3+$0xF100];
	[tilespmem:s3+$0xF090] =	vst v4  }
0x1bf: {  	v3 =	vld.idx.msk [tilespmem:v1+s11+$0x0 ss:$0x1], $0xffff  }
0x1c0: {  	v10 =	vld [tilespmem:s3+$0xF120]  }
0x1c1: {  	v4 =	vld [tilespmem:s3+$0x16100]  }
0x1c2: {  	s24 =	sadd.s32 $0x6, s9;
	v5 =	vld [tilespmem:s3+$0xF130]  }
0x1c3: {  	v16 =	vld [tilespmem:s3+$0x16140];
	v14 =	vmov s24;
	v8 =	vmul.f32 $1.131370830e+01, v8;
	v7 =	vmul.f32 $1.131370830e+01, v7  }
0x1c4: {  	v13 =	vld [tilespmem:s3+$0x16170];
	v6 =	vmul.f32 $1.131370830e+01, v6;
	v3 =	vperm.xlane v3, v14  }
0x1c5: {  	v10 =	vmul.f32 $1.131370830e+01, v10;
	v8 =	vadd.f32 v9, v8;
	v9 =	vmul.f32 $1.131370830e+01, v15;
	v14 =	vld [tilespmem:s3+$0xF110]  }
0x1c6: {  	v7 =	vadd.f32 v12, v7;
	v12 =	vld [tilespmem:s3+$0xF1A0];
	vm15 =	veq.s32 v3, $0x0;
	v3 =	vadd.f32 v4, v6  }
0x1c7: {  	v6 =	vld [tilespmem:s3+$0x16110];
	v4 =	vmul.f32 $1.131370830e+01, v5;
	v5 =	vadd.f32 v2, v10;
	v17 =	vsel vm15, $0x0, v0  }
0x1c8: {  	v11 =	vmul.f32 $1.131370830e+01, v11;
	v9 =	vadd.f32 v16, v9;
	v16 =	vld [tilespmem:s3+$0xF180];
	v10 =	vmul.f32 v3, v17  }
0x1c9: {  	v2 =	vld [tilespmem:s3+$0x161B0];
	v18 =	vadd.f32 v18, v4;
	v5 =	vmul.f32 v5, v17  }
0x1ca: {  	v3 =	vld [tilespmem:s3+$0x16180];
	v8 =	vmul.f32 v8, v17;
	[tilespmem:s3+$0xF100] =	vst v10;
	v10 =	vadd.f32 v13, v11;
	v11 =	vmul.f32 $1.131370830e+01, v14  }
0x1cb: {  	v4 =	vld [tilespmem:s3+$0x161A0];
	v7 =	vmul.f32 v7, v17;
	[tilespmem:s3+$0xF120] =	vst v5  }
0x1cc: {  	v13 =	vmul.f32 v18, v17;
	v5 =	vld [tilespmem:s3+$0x16190];
	[tilespmem:s3+$0xF160] =	vst v8;
	v6 =	vadd.f32 v6, v11  }
0x1cd: {  	v18 =	vld [tilespmem:s3+$0x161E0];
	v8 =	vmul.f32 v9, v17;
	[tilespmem:s3+$0xF150] =	vst v7  }
0x1ce: {  	v7 =	vld [tilespmem:s3+$0xF190];
	[tilespmem:s3+$0xF130] =	vst v13;
	v6 =	vmul.f32 v6, v17  }
0x1cf: {  	v10 =	vmul.f32 v10, v17;
	v11 =	vld [tilespmem:s3+$0xF1D0];
	[tilespmem:s3+$0xF140] =	vst v8  }
0x1d0: {  	[tilespmem:s3+$0xF110] =	vst v6;
	v6 =	vld [tilespmem:s3+$0xF1E0]  }
0x1d1: {  	[tilespmem:s3+$0xF170] =	vst v10;
	v10 =	vld [tilespmem:s3+$0x161D0]  }
0x1d2: {  	v15 =	vld.idx.msk [tilespmem:v1+s11+$0x0 ss:$0x1], $0xffff  }
0x1d3: {  	v9 =	vld [tilespmem:s3+$0xF1C0]  }
0x1d4: {  	v8 =	vld [tilespmem:s3+$0xF1B0];
	v14 =	vmul.f32 $1.131370830e+01, v7  }
0x1d5: {  	s25 =	sadd.s32 $0x7, s9;
	v7 =	vld [tilespmem:s3+$0x161C0];
	v17 =	vmul.f32 $1.131370830e+01, v11;
	v6 =	vmul.f32 $1.131370830e+01, v6  }
0x1d6: {  	v16 =	vmul.f32 $1.131370830e+01, v16;
	v13 =	vmul.f32 $1.131370830e+01, v12;
	v12 =	vmov s25;
	v11 =	vld [tilespmem:s3+$0xF1F0]  }
0x1d7: {  	s8 =	simm.s32 $0x800;
	v10 =	vadd.f32 v10, v17;
	v15 =	vperm.xlane v15, v12;
	v12 =	vld [tilespmem:s3+$0x161F0];
	v6 =	vadd.f32 v18, v6  }
.LBB2_7:
0x1d8: {  	s11 =	sshra.s32 s8, $0x2  }
0x1d9: {  	v5 =	vadd.f32 v5, v14;
	v4 =	vadd.f32 v4, v13;
	v8 =	vmul.f32 $1.131370830e+01, v8;
	s7 =	sadd.s32 $0x4, s7;
	s10 =	smov.u32 s0;
	s0 =	sadd.s32 $0x4, s0  }
0x1da: {  	s9 =	sand.u32 $0x70, s0;
	s15 =	sand.u32 $0xC, s0;
	v13 =	vld [tilespmem:s11+$0x16040];
	vm0 =	veq.s32 v15, $0x0;
	v3 =	vadd.f32 v3, v16;
	v9 =	vmul.f32 $1.131370830e+01, v9  }
0x1db: {  	p1 =	slt.u32 s0, $0x5C;
	v14 =	vld [tilespmem:s11+$0x16030];
	v15 =	vsel vm0, $0x0, v0;
	v2 =	vadd.f32 v2, v8;
	v8 =	vmul.f32 $1.131370830e+01, v11  }
0x1dc: {  	v11 =	vld [tilespmem:s11+$0xF050];
	v3 =	vmul.f32 v3, v15;
	v5 =	vmul.f32 v5, v15;
	v7 =	vadd.f32 v7, v9  }
0x1dd: {  	v4 =	vmul.f32 v4, v15;
	v9 =	vld [tilespmem:s11+$0x16000];
	v2 =	vmul.f32 v2, v15;
	v8 =	vadd.f32 v12, v8  }
0x1de: {  	v12 =	vld [tilespmem:s11+$0xF040];
	[tilespmem:s3+$0xF180] =	vst v3;
	v3 =	vmul.f32 v7, v15;
	v7 =	vmul.f32 v10, v15  }
0x1df: {  	v10 =	vld [tilespmem:s11+$0xF060];
	[tilespmem:s3+$0xF190] =	vst v5;
	v5 =	vmul.f32 v6, v15;
	v6 =	vmul.f32 v8, v15  }
0x1e0: {  	v8 =	vmov s15;
	v15 =	vld [tilespmem:s11+$0xF010];
	[tilespmem:s3+$0xF1D0] =	vst v7  }
0x1e1: {  	v7 =	vld [tilespmem:s11+$0xF070];
	[tilespmem:s3+$0xF1E0] =	vst v5  }
0x1e2: {  	v5 =	vld [tilespmem:s11+$0xF000];
	[tilespmem:s3+$0xF1F0] =	vst v6  }
0x1e3: {  	v6 =	vld [tilespmem:s11+$0xF020];
	[tilespmem:s3+$0xF1A0] =	vst v4  }
0x1e4: {  	v4 =	vld [tilespmem:s11+$0x16020];
	v10 =	vmul.f32 $1.131370830e+01, v10;
	[tilespmem:s3+$0xF1C0] =	vst v3  }
0x1e5: {  	v3 =	vld [tilespmem:s11+$0xF030];
	[tilespmem:s3+$0xF1B0] =	vst v2;
	s3 =	smov.u32 s11  }
0x1e6: {  	v12 =	vmul.f32 $1.131370830e+01, v12;
	v2 =	vld.idx.msk [tilespmem:v1+s9+$0x0 ss:$0x1], $0xffff;
	v7 =	vmul.f32 $1.131370830e+01, v7  }
0x1e7: {  	v16 =	vld [tilespmem:s3+$0x16050];
	v5 =	vmul.f32 $1.131370830e+01, v5  }
0x1e8: {  	v12 =	vadd.f32 v13, v12;
	v17 =	vld [tilespmem:s3+$0x16010];
	v6 =	vmul.f32 $1.131370830e+01, v6  }
0x1e9: {  	v13 =	vld [tilespmem:s3+$0x16060];
	v5 =	vadd.f32 v9, v5  }
0x1ea: {  	v9 =	vmul.f32 $1.131370830e+01, v11  }
0x1eb: {  	v4 =	vadd.f32 v4, v6;
	v3 =	vmul.f32 $1.131370830e+01, v3  }
0x1ec: {  	v6 =	vmul.f32 $1.131370830e+01, v15;
	v2 =	vperm.xlane v2, v8;
	v8 =	vadd.f32 v16, v9;
	v9 =	vld [tilespmem:s3+$0xF0B0]  }
0x1ed: {  	v3 =	vadd.f32 v14, v3;
	v11 =	vld [tilespmem:s3+$0x16070]  }
0x1ee: {  	vm0 =	veq.s32 v2, $0x0;
	v2 =	vadd.f32 v17, v6;
	v6 =	vadd.f32 v13, v10;
	v10 =	vld [tilespmem:s3+$0x160B0]  }
0x1ef: {  	v13 =	vsel vm0, $0x0, v0  }
0x1f0: {  	v2 =	vmul.f32 v2, v13;
	v6 =	vmul.f32 v6, v13  }
0x1f1: {  	v8 =	vmul.f32 v8, v13;
	v9 =	vmul.f32 $1.131370830e+01, v9  }
0x1f2: {  	v5 =	vmul.f32 v5, v13;
	[tilespmem:s3+$0xF010] =	vst v2;
	v2 =	vmul.f32 v4, v13;
	v4 =	vadd.f32 v11, v7;
	v7 =	vld [tilespmem:s3+$0x160E0]  }
0x1f3: {  	v3 =	vmul.f32 v3, v13;
	v11 =	vmul.f32 v12, v13;
	[tilespmem:s3+$0xF060] =	vst v6;
	v6 =	vld [tilespmem:s3+$0x160A0];
	v9 =	vadd.f32 v10, v9  }
0x1f4: {  	[tilespmem:s3+$0xF000] =	vst v5;
	v4 =	vmul.f32 v4, v13;
	v5 =	vld [tilespmem:s3+$0x160D0]  }
0x1f5: {  	[tilespmem:s3+$0xF020] =	vst v2;
	v2 =	vld [tilespmem:s3+$0xF0E0]  }
0x1f6: {  	[tilespmem:s3+$0xF070] =	vst v4;
	v4 =	vld [tilespmem:s3+$0x16080]  }
0x1f7: {  	[tilespmem:s3+$0xF050] =	vst v8;
	v8 =	vld [tilespmem:s3+$0x160F0]  }
0x1f8: {  	[tilespmem:s3+$0xF030] =	vst v3;
	v3 =	vld [tilespmem:s3+$0xF0D0]  }
0x1f9: {  	[tilespmem:s3+$0xF040] =	vst v11;
	v10 =	vld [tilespmem:s3+$0xF0F0]  }
0x1fa: {  	v11 =	vld.idx.msk [tilespmem:v1+s9+$0x0 ss:$0x1], $0xffff;
	v2 =	vmul.f32 $1.131370830e+01, v2  }
0x1fb: {  	v12 =	vld [tilespmem:s3+$0xF080]  }
0x1fc: {  	s11 =	sand.u32 $0xFFFFFFF0, s7;
	v13 =	vld [tilespmem:s3+$0xF0A0]  }
0x1fd: {  	s10 =	ssub.s32 s10, s11;
	v14 =	vld [tilespmem:s3+$0xF0C0];
	v3 =	vmul.f32 $1.131370830e+01, v3  }
0x1fe: {  	s15 =	sadd.s32 $0x5, s10;
	s11 =	sadd.s32 $0x6, s10;
	s10 =	sadd.s32 $0x7, s10;
	v15 =	vld [tilespmem:s3+$0xF090];
	v10 =	vmul.f32 $1.131370830e+01, v10  }
0x1ff: {  	v16 =	vmov s15;
	v17 =	vld [tilespmem:s3+$0x160C0]  }
0x200: {  	v2 =	vadd.f32 v7, v2;
	v11 =	vperm.xlane v11, v16;
	v16 =	vld [tilespmem:s3+$0x16090];
	v12 =	vmul.f32 $1.131370830e+01, v12  }
0x201: {  	v3 =	vadd.f32 v5, v3;
	v5 =	vadd.f32 v8, v10;
	v7 =	vmul.f32 $1.131370830e+01, v13  }
0x202: {  	vm0 =	veq.s32 v11, $0x0;
	v4 =	vadd.f32 v4, v12;
	v8 =	vmul.f32 $1.131370830e+01, v14  }
0x203: {  	v10 =	vsel vm0, $0x0, v0;
	v11 =	vmul.f32 $1.131370830e+01, v15;
	v6 =	vadd.f32 v6, v7  }
0x204: {  	v5 =	vmul.f32 v5, v10;
	v4 =	vmul.f32 v4, v10;
	v7 =	vadd.f32 v17, v8;
	v8 =	vld [tilespmem:s3+$0x16150]  }
0x205: {  	v9 =	vmul.f32 v9, v10;
	v11 =	vadd.f32 v16, v11;
	v6 =	vmul.f32 v6, v10;
	v12 =	vld [tilespmem:s3+$0x16130]  }
0x206: {  	v3 =	vmul.f32 v3, v10;
	v7 =	vmul.f32 v7, v10;
	[tilespmem:s3+$0xF0F0] =	vst v5;
	v5 =	vld [tilespmem:s3+$0x16120]  }
0x207: {  	v2 =	vmul.f32 v2, v10;
	[tilespmem:s3+$0xF080] =	vst v4;
	v4 =	vmul.f32 v11, v10;
	v10 =	vld [tilespmem:s3+$0x16160]  }
0x208: {  	[tilespmem:s3+$0xF0A0] =	vst v6;
	v6 =	vld [tilespmem:s3+$0xF150]  }
0x209: {  	[tilespmem:s3+$0xF0C0] =	vst v7;
	v7 =	vld [tilespmem:s3+$0x16170]  }
0x20a: {  	[tilespmem:s3+$0xF090] =	vst v4;
	v4 =	vld [tilespmem:s3+$0x16100]  }
0x20b: {  	[tilespmem:s3+$0xF0B0] =	vst v9;
	v9 =	vld [tilespmem:s3+$0xF160]  }
0x20c: {  	[tilespmem:s3+$0xF0E0] =	vst v2;
	v2 =	vld [tilespmem:s3+$0xF130]  }
0x20d: {  	[tilespmem:s3+$0xF0D0] =	vst v3;
	v3 =	vld [tilespmem:s3+$0xF170];
	v6 =	vmul.f32 $1.131370830e+01, v6  }
0x20e: {  	v11 =	vld.idx.msk [tilespmem:v1+s9+$0x0 ss:$0x1], $0xffff  }
0x20f: {  	v13 =	vld [tilespmem:s3+$0xF100]  }
0x210: {  	v14 =	vld [tilespmem:s3+$0xF120];
	v9 =	vmul.f32 $1.131370830e+01, v9  }
0x211: {  	v15 =	vld [tilespmem:s3+$0xF140];
	v2 =	vmul.f32 $1.131370830e+01, v2  }
0x212: {  	v16 =	vld [tilespmem:s3+$0xF110];
	v3 =	vmul.f32 $1.131370830e+01, v3  }
0x213: {  	v17 =	vmov s11;
	v18 =	vld [tilespmem:s3+$0x16140];
	v12 =	vadd.f32 v12, v2  }
0x214: {  	v6 =	vadd.f32 v8, v6;
	v2 =	vperm.xlane v11, v17;
	v11 =	vld [tilespmem:s3+$0x16110];
	v13 =	vmul.f32 $1.131370830e+01, v13  }
0x215: {  	v9 =	vadd.f32 v10, v9;
	v3 =	vadd.f32 v7, v3;
	v8 =	vmul.f32 $1.131370830e+01, v14  }
0x216: {  	vm0 =	veq.s32 v2, $0x0;
	v2 =	vadd.f32 v4, v13;
	v4 =	vmul.f32 $1.131370830e+01, v15  }
0x217: {  	v7 =	vsel vm0, $0x0, v0;
	v10 =	vmul.f32 $1.131370830e+01, v16;
	v5 =	vadd.f32 v5, v8  }
0x218: {  	v13 =	vmul.f32 v3, v7;
	v8 =	vmul.f32 v2, v7;
	v4 =	vadd.f32 v18, v4;
	v2 =	vld [tilespmem:s3+$0x161B0]  }
0x219: {  	v10 =	vadd.f32 v11, v10;
	v5 =	vmul.f32 v5, v7;
	v11 =	vmul.f32 v12, v7;
	v3 =	vld [tilespmem:s3+$0x16180]  }
0x21a: {  	v9 =	vmul.f32 v9, v7;
	[tilespmem:s3+$0xF100] =	vst v8;
	v8 =	vmul.f32 v4, v7;
	v4 =	vld [tilespmem:s3+$0x161A0]  }
0x21b: {  	v6 =	vmul.f32 v6, v7;
	v10 =	vmul.f32 v10, v7;
	[tilespmem:s3+$0xF120] =	vst v5;
	v5 =	vld [tilespmem:s3+$0x16190]  }
0x21c: {  	[tilespmem:s3+$0xF130] =	vst v11;
	v12 =	vld [tilespmem:s3+$0x161E0]  }
0x21d: {  	[tilespmem:s3+$0xF170] =	vst v13;
	v17 =	vld [tilespmem:s3+$0x161D0]  }
0x21e: {  	[tilespmem:s3+$0xF110] =	vst v10;
	v7 =	vld [tilespmem:s3+$0xF1E0]  }
0x21f: {  	[tilespmem:s3+$0xF160] =	vst v9;
	v9 =	vld [tilespmem:s3+$0xF1D0]  }
0x220: {  	[tilespmem:s3+$0xF150] =	vst v6;
	v6 =	vld [tilespmem:s3+$0xF190]  }
0x221: {  	[tilespmem:s3+$0xF140] =	vst v8;
	v10 =	vld [tilespmem:s3+$0xF1A0]  }
0x222: {  	v15 =	vld.idx.msk [tilespmem:v1+s9+$0x0 ss:$0x1], $0xffff  }
0x223: {  	v16 =	vld [tilespmem:s3+$0xF180];
	v18 =	vmul.f32 $1.131370830e+01, v7  }
.Ltmp2:
0x224: {  	v8 =	vld [tilespmem:s3+$0xF1B0];
	v19 =	vmul.f32 $1.131370830e+01, v9;
	(pc) =	sbr.rel @p1 .LBB2_7-.Ltmp2, $4  }
0x225: {  	v9 =	vld [tilespmem:s3+$0xF1C0];
	v14 =	vmul.f32 $1.131370830e+01, v6  }
0x226: {  	v11 =	vld [tilespmem:s3+$0xF1F0];
	v13 =	vmul.f32 $1.131370830e+01, v10  }
0x227: {  	v6 =	vadd.f32 v12, v18;
	v10 =	vmov s10;
	v7 =	vld [tilespmem:s3+$0x161C0]  }
0x228: {  	s8 =	sadd.s32 $0x800, s8;
	v15 =	vperm.xlane v15, v10;
	v10 =	vadd.f32 v17, v19;
	v12 =	vld [tilespmem:s3+$0x161F0];
	v16 =	vmul.f32 $1.131370830e+01, v16  }
0x229: {  	_ = 	snop  }
0x22a: {  	vm0 =	veq.s32 v15, $0x0;
	v1 =	vadd.f32 v3, v16  }
0x22b: {  	v3 =	vadd.f32 v5, v14;
	v5 =	vsel vm0, $0x0, v0  }
0x22c: {  	v11 =	vmul.f32 $1.131370830e+01, v11;
	v1 =	vmul.f32 v1, v5  }
0x22d: {  	v3 =	vmul.f32 v3, v5  }
0x22e: {  	v9 =	vmul.f32 $1.131370830e+01, v9;
	v11 =	vadd.f32 v12, v11;
	[tilespmem:s3+$0xF180] =	vst v1;
	v1 =	vmul.f32 v10, v5  }
0x22f: {  	v4 =	vadd.f32 v4, v13;
	v8 =	vmul.f32 $1.131370830e+01, v8;
	[tilespmem:s3+$0xF190] =	vst v3;
	v3 =	vmul.f32 v6, v5  }
0x230: {  	v6 =	vadd.f32 v7, v9;
	v7 =	vmul.f32 v11, v5;
	[tilespmem:s3+$0xF1D0] =	vst v1  }
0x231: {  	s0 =	sor.u32 s6, s31;
	v1 =	vadd.f32 v2, v8;
	v2 =	vmul.f32 v4, v5;
	[tilespmem:s3+$0xF1E0] =	vst v3  }
0x232: {  	s0 =	smul.u32 $0x6400, s0;
	v3 =	vmul.f32 v6, v5;
	[tilespmem:s3+$0xF1F0] =	vst v7  }
0x233: {  	v1 =	vmul.f32 v1, v5;
	[tilespmem:s3+$0xF1A0] =	vst v2  }
0x234: {  	s0 =	sshrl.u32 s0, $0x3;
	[tilespmem:s3+$0xF1C0] =	vst v3  }
0x235: {  	s0 =	sadd.s32 s4, s0;
	[tilespmem:s3+$0xF1B0] =	vst v1  }
0x236: {  	[hbm4b:s0+s5] =	stream.linear.scatter [tilespmem:s18], [sflag:$0x7], $0x3000, $0x38;
	[tilespmem:$0x1D000] =	vst v63  }
0x237: {  	_ =	swait.ge [sflag:s22], $0x3400  }
0x238: {  	[sflag:s22] =	ssyncset.done $0x0  }
0x239: {  	s3 =	simm.s32 @!p0 $0x6;
	[sflag:s22] =	ssyncadd.s32 $0xFFFFCC00  }
0x23a: {  	_ =	swait.ge @!p0 [sflag:s3], $0x3400  }
0x23b: {  	s7 =	simm.s32 @!p0 $0x68;
	[sflag:s3] =	ssyncset.done @!p0 $0x0  }
0x23c: {  	s8 =	simm.s32 @!p0 $0xB800;
	[sflag:s3] =	ssyncadd.s32 @!p0 $0xFFFFCC00;
	s3 =	sadd.s32 @!p0 $0x280, s30  }
0x23d: {  	[tilespmem:s8], [sflag:$0x2] =	stream.indirect.gather @!p0 [hbm4b:s2+s7], $0x80, s3, s7, $0xb8;
	[tilespmem:$0x1D000] =	vst v63  }
0x23e: {  	s3 =	simm.s32 $0x0  }
0x23f: {  	v4 =	vld [tilespmem:s3+$0x12850]  }
0x240: {  	v1 =	vmov s1;
	v5 =	vld [tilespmem:s3+$0x19000]  }
0x241: {  	v6 =	vld [tilespmem:s3+$0x12840]  }
0x242: {  	v7 =	vld [tilespmem:s3+$0x12860]  }
0x243: {  	s1 =	simm.s32 $0x0;
	v8 =	vld [tilespmem:s3+$0x12810]  }
0x244: {  	s24 =	sand.u32 $0x70, s1;
	v9 =	vld [tilespmem:s3+$0x12870]  }
0x245: {  	v10 =	vld.idx.msk [tilespmem:v1+s24+$0x0 ss:$0x1], $0xffff  }
0x246: {  	v11 =	vld [tilespmem:s3+$0x12800]  }
0x247: {  	v12 =	vld [tilespmem:s3+$0x19010]  }
0x248: {  	v13 =	vld [tilespmem:s3+$0x12820]  }
0x249: {  	s25 =	sand.u32 $0xC, s1;
	v15 =	vld [tilespmem:s3+$0x19060]  }
0x24a: {  	v14 =	vmov s25;
	v16 =	vld [tilespmem:s3+$0x19020]  }
0x24b: {  	v17 =	vld [tilespmem:s3+$0x19050];
	v10 =	vperm.xlane v10, v14;
	v8 =	vmul.f32 $1.131370830e+01, v8  }
0x24c: {  	v18 =	vld [tilespmem:s3+$0x19070];
	v7 =	vmul.f32 $1.131370830e+01, v7  }
0x24d: {  	v14 =	vld [tilespmem:s3+$0x12830];
	v11 =	vmul.f32 $1.131370830e+01, v11;
	vm13 =	veq.s32 v10, $0x0;
	v8 =	vadd.f32 v12, v8  }
0x24e: {  	v2 =	vld [tilespmem:s3+$0x19040];
	v13 =	vmul.f32 $1.131370830e+01, v13;
	v7 =	vadd.f32 v15, v7;
	v12 =	vsel vm13, $0x0, v0  }
0x24f: {  	v3 =	vld [tilespmem:s3+$0x19030];
	v9 =	vmul.f32 $1.131370830e+01, v9;
	v5 =	vadd.f32 v5, v11;
	v8 =	vmul.f32 v8, v12  }
0x250: {  	v4 =	vmul.f32 $1.131370830e+01, v4;
	v11 =	vadd.f32 v16, v13;
	v7 =	vmul.f32 v7, v12  }
0x251: {  	v6 =	vmul.f32 $1.131370830e+01, v6;
	v9 =	vadd.f32 v18, v9;
	v5 =	vmul.f32 v5, v12;
	[tilespmem:s3+$0x12810] =	vst v8  }
0x252: {  	v10 =	vld [tilespmem:s3+$0x128B0];
	v4 =	vadd.f32 v17, v4;
	v11 =	vmul.f32 v11, v12;
	v13 =	vmul.f32 $1.131370830e+01, v14;
	[tilespmem:s3+$0x12860] =	vst v7  }
0x253: {  	v15 =	vld [tilespmem:s3+$0x190B0];
	v2 =	vadd.f32 v2, v6;
	v9 =	vmul.f32 v9, v12;
	[tilespmem:s3+$0x12800] =	vst v5  }
0x254: {  	v16 =	vld [tilespmem:s3+$0x128C0];
	v4 =	vmul.f32 v4, v12;
	[tilespmem:s3+$0x12820] =	vst v11;
	v3 =	vadd.f32 v3, v13  }
0x255: {  	v2 =	vmul.f32 v2, v12;
	v8 =	vld [tilespmem:s3+$0x190E0];
	[tilespmem:s3+$0x12870] =	vst v9  }
0x256: {  	v7 =	vld [tilespmem:s3+$0x190A0];
	[tilespmem:s3+$0x12850] =	vst v4;
	v3 =	vmul.f32 v3, v12  }
0x257: {  	v4 =	vld [tilespmem:s3+$0x190F0];
	[tilespmem:s3+$0x12840] =	vst v2  }
0x258: {  	v2 =	vld [tilespmem:s3+$0x128F0];
	[tilespmem:s3+$0x12830] =	vst v3  }
0x259: {  	s7 =	simm.s32 $0x0;
	v6 =	vld.idx.msk [tilespmem:v1+s24+$0x0 ss:$0x1], $0xffff  }
0x25a: {  	s9 =	sand.u32 $0xFFFFFFF0, s7;
	v12 =	vld [tilespmem:s3+$0x12880]  }
0x25b: {  	s9 =	ssub.s32 $0xFFFFFFFC, s9;
	v13 =	vld [tilespmem:s3+$0x128A0]  }
0x25c: {  	s10 =	sadd.s32 $0x5, s9;
	v9 =	vld [tilespmem:s3+$0x19080]  }
0x25d: {  	v14 =	vmov s10;
	v11 =	vld [tilespmem:s3+$0x128E0]  }
0x25e: {  	v3 =	vld [tilespmem:s3+$0x128D0];
	v2 =	vmul.f32 $1.131370830e+01, v2;
	v6 =	vperm.xlane v6, v14  }
0x25f: {  	v5 =	vld [tilespmem:s3+$0x190D0];
	v12 =	vmul.f32 $1.131370830e+01, v12  }
0x260: {  	v13 =	vmul.f32 $1.131370830e+01, v13;
	v2 =	vadd.f32 v4, v2;
	v14 =	vld [tilespmem:s3+$0x12890];
	vm14 =	veq.s32 v6, $0x0  }
0x261: {  	v17 =	vld [tilespmem:s3+$0x190C0];
	v10 =	vmul.f32 $1.131370830e+01, v10;
	v9 =	vadd.f32 v9, v12;
	v6 =	vsel vm14, $0x0, v0  }
0x262: {  	v11 =	vmul.f32 $1.131370830e+01, v11;
	v4 =	vld [tilespmem:s3+$0x19090];
	v7 =	vadd.f32 v7, v13;
	v2 =	vmul.f32 v2, v6  }
0x263: {  	v18 =	vld [tilespmem:s3+$0x19130];
	v10 =	vadd.f32 v15, v10;
	v3 =	vmul.f32 $1.131370830e+01, v3;
	v9 =	vmul.f32 v9, v6  }
0x264: {  	v16 =	vmul.f32 $1.131370830e+01, v16;
	v15 =	vld [tilespmem:s3+$0x12940];
	v8 =	vadd.f32 v8, v11;
	v7 =	vmul.f32 v7, v6;
	[tilespmem:s3+$0x128F0] =	vst v2  }
0x265: {  	v11 =	vld [tilespmem:s3+$0x12970];
	v3 =	vadd.f32 v5, v3;
	v10 =	vmul.f32 v10, v6;
	v13 =	vmul.f32 $1.131370830e+01, v14;
	[tilespmem:s3+$0x12880] =	vst v9  }
0x266: {  	v12 =	vld [tilespmem:s3+$0x19150];
	v5 =	vmul.f32 v8, v6;
	v14 =	vadd.f32 v17, v16;
	[tilespmem:s3+$0x128A0] =	vst v7  }
0x267: {  	v8 =	vld [tilespmem:s3+$0x12960];
	v3 =	vmul.f32 v3, v6;
	[tilespmem:s3+$0x128B0] =	vst v10;
	v4 =	vadd.f32 v4, v13  }
0x268: {  	v2 =	vld [tilespmem:s3+$0x19120];
	[tilespmem:s3+$0x128E0] =	vst v5;
	v13 =	vmul.f32 v14, v6  }
0x269: {  	v9 =	vld [tilespmem:s3+$0x19160];
	[tilespmem:s3+$0x128D0] =	vst v3;
	v4 =	vmul.f32 v4, v6  }
0x26a: {  	v7 =	vld [tilespmem:s3+$0x12950];
	[tilespmem:s3+$0x128C0] =	vst v13  }
0x26b: {  	v6 =	vld [tilespmem:s3+$0x12900];
	[tilespmem:s3+$0x12890] =	vst v4  }
0x26c: {  	v3 =	vld.idx.msk [tilespmem:v1+s24+$0x0 ss:$0x1], $0xffff  }
0x26d: {  	v10 =	vld [tilespmem:s3+$0x12920]  }
0x26e: {  	v4 =	vld [tilespmem:s3+$0x19100]  }
0x26f: {  	s30 =	sadd.s32 $0x6, s9;
	v5 =	vld [tilespmem:s3+$0x12930]  }
0x270: {  	v16 =	vld [tilespmem:s3+$0x19140];
	v14 =	vmov s30;
	v8 =	vmul.f32 $1.131370830e+01, v8;
	v7 =	vmul.f32 $1.131370830e+01, v7  }
0x271: {  	v13 =	vld [tilespmem:s3+$0x19170];
	v6 =	vmul.f32 $1.131370830e+01, v6;
	v3 =	vperm.xlane v3, v14  }
0x272: {  	v10 =	vmul.f32 $1.131370830e+01, v10;
	v8 =	vadd.f32 v9, v8;
	v9 =	vmul.f32 $1.131370830e+01, v15;
	v14 =	vld [tilespmem:s3+$0x12910]  }
0x273: {  	v7 =	vadd.f32 v12, v7;
	v12 =	vld [tilespmem:s3+$0x129A0];
	vm15 =	veq.s32 v3, $0x0;
	v3 =	vadd.f32 v4, v6  }
0x274: {  	v6 =	vld [tilespmem:s3+$0x19110];
	v4 =	vmul.f32 $1.131370830e+01, v5;
	v5 =	vadd.f32 v2, v10;
	v17 =	vsel vm15, $0x0, v0  }
0x275: {  	v11 =	vmul.f32 $1.131370830e+01, v11;
	v9 =	vadd.f32 v16, v9;
	v16 =	vld [tilespmem:s3+$0x12980];
	v10 =	vmul.f32 v3, v17  }
0x276: {  	v2 =	vld [tilespmem:s3+$0x191B0];
	v18 =	vadd.f32 v18, v4;
	v5 =	vmul.f32 v5, v17  }
0x277: {  	v3 =	vld [tilespmem:s3+$0x19180];
	v8 =	vmul.f32 v8, v17;
	[tilespmem:s3+$0x12900] =	vst v10;
	v10 =	vadd.f32 v13, v11;
	v11 =	vmul.f32 $1.131370830e+01, v14  }
0x278: {  	v4 =	vld [tilespmem:s3+$0x191A0];
	v7 =	vmul.f32 v7, v17;
	[tilespmem:s3+$0x12920] =	vst v5  }
0x279: {  	v13 =	vmul.f32 v18, v17;
	v5 =	vld [tilespmem:s3+$0x19190];
	[tilespmem:s3+$0x12960] =	vst v8;
	v6 =	vadd.f32 v6, v11  }
0x27a: {  	v18 =	vld [tilespmem:s3+$0x191E0];
	v8 =	vmul.f32 v9, v17;
	[tilespmem:s3+$0x12950] =	vst v7  }
0x27b: {  	v7 =	vld [tilespmem:s3+$0x12990];
	[tilespmem:s3+$0x12930] =	vst v13;
	v6 =	vmul.f32 v6, v17  }
0x27c: {  	v10 =	vmul.f32 v10, v17;
	v11 =	vld [tilespmem:s3+$0x129D0];
	[tilespmem:s3+$0x12940] =	vst v8  }
0x27d: {  	[tilespmem:s3+$0x12910] =	vst v6;
	v6 =	vld [tilespmem:s3+$0x129E0]  }
0x27e: {  	[tilespmem:s3+$0x12970] =	vst v10;
	v10 =	vld [tilespmem:s3+$0x191D0]  }
0x27f: {  	v15 =	vld.idx.msk [tilespmem:v1+s24+$0x0 ss:$0x1], $0xffff  }
0x280: {  	v9 =	vld [tilespmem:s3+$0x129C0]  }
0x281: {  	v8 =	vld [tilespmem:s3+$0x129B0];
	v14 =	vmul.f32 $1.131370830e+01, v7  }
0x282: {  	s31 =	sadd.s32 $0x7, s9;
	v7 =	vld [tilespmem:s3+$0x191C0];
	v17 =	vmul.f32 $1.131370830e+01, v11;
	v6 =	vmul.f32 $1.131370830e+01, v6  }
0x283: {  	v16 =	vmul.f32 $1.131370830e+01, v16;
	v13 =	vmul.f32 $1.131370830e+01, v12;
	v12 =	vmov s31;
	v11 =	vld [tilespmem:s3+$0x129F0]  }
0x284: {  	s8 =	simm.s32 $0x800;
	v10 =	vadd.f32 v10, v17;
	v15 =	vperm.xlane v15, v12;
	v12 =	vld [tilespmem:s3+$0x191F0];
	v6 =	vadd.f32 v18, v6  }
.LBB2_9:
0x285: {  	s11 =	sshra.s32 s8, $0x2  }
0x286: {  	v5 =	vadd.f32 v5, v14;
	v4 =	vadd.f32 v4, v13;
	v8 =	vmul.f32 $1.131370830e+01, v8;
	s7 =	sadd.s32 $0x4, s7;
	s10 =	smov.u32 s1;
	s1 =	sadd.s32 $0x4, s1  }
0x287: {  	s9 =	sand.u32 $0x70, s1;
	s15 =	sand.u32 $0xC, s1;
	v13 =	vld [tilespmem:s11+$0x19040];
	vm0 =	veq.s32 v15, $0x0;
	v3 =	vadd.f32 v3, v16;
	v9 =	vmul.f32 $1.131370830e+01, v9  }
0x288: {  	p0 =	slt.u32 s1, $0x64;
	v14 =	vld [tilespmem:s11+$0x19030];
	v15 =	vsel vm0, $0x0, v0;
	v2 =	vadd.f32 v2, v8;
	v8 =	vmul.f32 $1.131370830e+01, v11  }
0x289: {  	v11 =	vld [tilespmem:s11+$0x12850];
	v3 =	vmul.f32 v3, v15;
	v5 =	vmul.f32 v5, v15;
	v7 =	vadd.f32 v7, v9  }
0x28a: {  	v4 =	vmul.f32 v4, v15;
	v9 =	vld [tilespmem:s11+$0x19000];
	v2 =	vmul.f32 v2, v15;
	v8 =	vadd.f32 v12, v8  }
0x28b: {  	v12 =	vld [tilespmem:s11+$0x12840];
	[tilespmem:s3+$0x12980] =	vst v3;
	v3 =	vmul.f32 v7, v15;
	v7 =	vmul.f32 v10, v15  }
0x28c: {  	v10 =	vld [tilespmem:s11+$0x12860];
	[tilespmem:s3+$0x12990] =	vst v5;
	v5 =	vmul.f32 v6, v15;
	v6 =	vmul.f32 v8, v15  }
0x28d: {  	v8 =	vmov s15;
	v15 =	vld [tilespmem:s11+$0x12810];
	[tilespmem:s3+$0x129D0] =	vst v7  }
0x28e: {  	v7 =	vld [tilespmem:s11+$0x12870];
	[tilespmem:s3+$0x129E0] =	vst v5  }
0x28f: {  	v5 =	vld [tilespmem:s11+$0x12800];
	[tilespmem:s3+$0x129F0] =	vst v6  }
0x290: {  	v6 =	vld [tilespmem:s11+$0x12820];
	[tilespmem:s3+$0x129A0] =	vst v4  }
0x291: {  	v4 =	vld [tilespmem:s11+$0x19020];
	v10 =	vmul.f32 $1.131370830e+01, v10;
	[tilespmem:s3+$0x129C0] =	vst v3  }
0x292: {  	v3 =	vld [tilespmem:s11+$0x12830];
	[tilespmem:s3+$0x129B0] =	vst v2;
	s3 =	smov.u32 s11  }
0x293: {  	v12 =	vmul.f32 $1.131370830e+01, v12;
	v2 =	vld.idx.msk [tilespmem:v1+s9+$0x0 ss:$0x1], $0xffff;
	v7 =	vmul.f32 $1.131370830e+01, v7  }
0x294: {  	v16 =	vld [tilespmem:s3+$0x19050];
	v5 =	vmul.f32 $1.131370830e+01, v5  }
0x295: {  	v12 =	vadd.f32 v13, v12;
	v17 =	vld [tilespmem:s3+$0x19010];
	v6 =	vmul.f32 $1.131370830e+01, v6  }
0x296: {  	v13 =	vld [tilespmem:s3+$0x19060];
	v5 =	vadd.f32 v9, v5  }
0x297: {  	v9 =	vmul.f32 $1.131370830e+01, v11  }
0x298: {  	v4 =	vadd.f32 v4, v6;
	v3 =	vmul.f32 $1.131370830e+01, v3  }
0x299: {  	v6 =	vmul.f32 $1.131370830e+01, v15;
	v2 =	vperm.xlane v2, v8;
	v8 =	vadd.f32 v16, v9;
	v9 =	vld [tilespmem:s3+$0x128B0]  }
0x29a: {  	v3 =	vadd.f32 v14, v3;
	v11 =	vld [tilespmem:s3+$0x19070]  }
0x29b: {  	vm0 =	veq.s32 v2, $0x0;
	v2 =	vadd.f32 v17, v6;
	v6 =	vadd.f32 v13, v10;
	v10 =	vld [tilespmem:s3+$0x190B0]  }
0x29c: {  	v13 =	vsel vm0, $0x0, v0  }
0x29d: {  	v2 =	vmul.f32 v2, v13;
	v6 =	vmul.f32 v6, v13  }
0x29e: {  	v8 =	vmul.f32 v8, v13;
	v9 =	vmul.f32 $1.131370830e+01, v9  }
0x29f: {  	v5 =	vmul.f32 v5, v13;
	[tilespmem:s3+$0x12810] =	vst v2;
	v2 =	vmul.f32 v4, v13;
	v4 =	vadd.f32 v11, v7;
	v7 =	vld [tilespmem:s3+$0x190E0]  }
0x2a0: {  	v3 =	vmul.f32 v3, v13;
	v11 =	vmul.f32 v12, v13;
	[tilespmem:s3+$0x12860] =	vst v6;
	v6 =	vld [tilespmem:s3+$0x190A0];
	v9 =	vadd.f32 v10, v9  }
0x2a1: {  	[tilespmem:s3+$0x12800] =	vst v5;
	v4 =	vmul.f32 v4, v13;
	v5 =	vld [tilespmem:s3+$0x190D0]  }
0x2a2: {  	[tilespmem:s3+$0x12820] =	vst v2;
	v2 =	vld [tilespmem:s3+$0x128E0]  }
0x2a3: {  	[tilespmem:s3+$0x12870] =	vst v4;
	v4 =	vld [tilespmem:s3+$0x19080]  }
0x2a4: {  	[tilespmem:s3+$0x12850] =	vst v8;
	v8 =	vld [tilespmem:s3+$0x190F0]  }
0x2a5: {  	[tilespmem:s3+$0x12830] =	vst v3;
	v3 =	vld [tilespmem:s3+$0x128D0]  }
0x2a6: {  	[tilespmem:s3+$0x12840] =	vst v11;
	v10 =	vld [tilespmem:s3+$0x128F0]  }
0x2a7: {  	v11 =	vld.idx.msk [tilespmem:v1+s9+$0x0 ss:$0x1], $0xffff;
	v2 =	vmul.f32 $1.131370830e+01, v2  }
0x2a8: {  	v12 =	vld [tilespmem:s3+$0x12880]  }
0x2a9: {  	s11 =	sand.u32 $0xFFFFFFF0, s7;
	v13 =	vld [tilespmem:s3+$0x128A0]  }
0x2aa: {  	s10 =	ssub.s32 s10, s11;
	v14 =	vld [tilespmem:s3+$0x128C0];
	v3 =	vmul.f32 $1.131370830e+01, v3  }
0x2ab: {  	s15 =	sadd.s32 $0x5, s10;
	s11 =	sadd.s32 $0x6, s10;
	s10 =	sadd.s32 $0x7, s10;
	v15 =	vld [tilespmem:s3+$0x12890];
	v10 =	vmul.f32 $1.131370830e+01, v10  }
0x2ac: {  	v16 =	vmov s15;
	v17 =	vld [tilespmem:s3+$0x190C0]  }
0x2ad: {  	v2 =	vadd.f32 v7, v2;
	v11 =	vperm.xlane v11, v16;
	v16 =	vld [tilespmem:s3+$0x19090];
	v12 =	vmul.f32 $1.131370830e+01, v12  }
0x2ae: {  	v3 =	vadd.f32 v5, v3;
	v5 =	vadd.f32 v8, v10;
	v7 =	vmul.f32 $1.131370830e+01, v13  }
0x2af: {  	vm0 =	veq.s32 v11, $0x0;
	v4 =	vadd.f32 v4, v12;
	v8 =	vmul.f32 $1.131370830e+01, v14  }
0x2b0: {  	v10 =	vsel vm0, $0x0, v0;
	v11 =	vmul.f32 $1.131370830e+01, v15;
	v6 =	vadd.f32 v6, v7  }
0x2b1: {  	v5 =	vmul.f32 v5, v10;
	v4 =	vmul.f32 v4, v10;
	v7 =	vadd.f32 v17, v8;
	v8 =	vld [tilespmem:s3+$0x19150]  }
0x2b2: {  	v9 =	vmul.f32 v9, v10;
	v11 =	vadd.f32 v16, v11;
	v6 =	vmul.f32 v6, v10;
	v12 =	vld [tilespmem:s3+$0x19130]  }
0x2b3: {  	v3 =	vmul.f32 v3, v10;
	v7 =	vmul.f32 v7, v10;
	[tilespmem:s3+$0x128F0] =	vst v5;
	v5 =	vld [tilespmem:s3+$0x19120]  }
0x2b4: {  	v2 =	vmul.f32 v2, v10;
	[tilespmem:s3+$0x12880] =	vst v4;
	v4 =	vmul.f32 v11, v10;
	v10 =	vld [tilespmem:s3+$0x19160]  }
0x2b5: {  	[tilespmem:s3+$0x128A0] =	vst v6;
	v6 =	vld [tilespmem:s3+$0x12950]  }
0x2b6: {  	[tilespmem:s3+$0x128C0] =	vst v7;
	v7 =	vld [tilespmem:s3+$0x19170]  }
0x2b7: {  	[tilespmem:s3+$0x12890] =	vst v4;
	v4 =	vld [tilespmem:s3+$0x19100]  }
0x2b8: {  	[tilespmem:s3+$0x128B0] =	vst v9;
	v9 =	vld [tilespmem:s3+$0x12960]  }
0x2b9: {  	[tilespmem:s3+$0x128E0] =	vst v2;
	v2 =	vld [tilespmem:s3+$0x12930]  }
0x2ba: {  	[tilespmem:s3+$0x128D0] =	vst v3;
	v3 =	vld [tilespmem:s3+$0x12970];
	v6 =	vmul.f32 $1.131370830e+01, v6  }
0x2bb: {  	v11 =	vld.idx.msk [tilespmem:v1+s9+$0x0 ss:$0x1], $0xffff  }
0x2bc: {  	v13 =	vld [tilespmem:s3+$0x12900]  }
0x2bd: {  	v14 =	vld [tilespmem:s3+$0x12920];
	v9 =	vmul.f32 $1.131370830e+01, v9  }
0x2be: {  	v15 =	vld [tilespmem:s3+$0x12940];
	v2 =	vmul.f32 $1.131370830e+01, v2  }
0x2bf: {  	v16 =	vld [tilespmem:s3+$0x12910];
	v3 =	vmul.f32 $1.131370830e+01, v3  }
0x2c0: {  	v17 =	vmov s11;
	v18 =	vld [tilespmem:s3+$0x19140];
	v12 =	vadd.f32 v12, v2  }
0x2c1: {  	v6 =	vadd.f32 v8, v6;
	v2 =	vperm.xlane v11, v17;
	v11 =	vld [tilespmem:s3+$0x19110];
	v13 =	vmul.f32 $1.131370830e+01, v13  }
0x2c2: {  	v9 =	vadd.f32 v10, v9;
	v3 =	vadd.f32 v7, v3;
	v8 =	vmul.f32 $1.131370830e+01, v14  }
0x2c3: {  	vm0 =	veq.s32 v2, $0x0;
	v2 =	vadd.f32 v4, v13;
	v4 =	vmul.f32 $1.131370830e+01, v15  }
0x2c4: {  	v7 =	vsel vm0, $0x0, v0;
	v10 =	vmul.f32 $1.131370830e+01, v16;
	v5 =	vadd.f32 v5, v8  }
0x2c5: {  	v13 =	vmul.f32 v3, v7;
	v8 =	vmul.f32 v2, v7;
	v4 =	vadd.f32 v18, v4;
	v2 =	vld [tilespmem:s3+$0x191B0]  }
0x2c6: {  	v10 =	vadd.f32 v11, v10;
	v5 =	vmul.f32 v5, v7;
	v11 =	vmul.f32 v12, v7;
	v3 =	vld [tilespmem:s3+$0x19180]  }
0x2c7: {  	v9 =	vmul.f32 v9, v7;
	[tilespmem:s3+$0x12900] =	vst v8;
	v8 =	vmul.f32 v4, v7;
	v4 =	vld [tilespmem:s3+$0x191A0]  }
0x2c8: {  	v6 =	vmul.f32 v6, v7;
	v10 =	vmul.f32 v10, v7;
	[tilespmem:s3+$0x12920] =	vst v5;
	v5 =	vld [tilespmem:s3+$0x19190]  }
0x2c9: {  	[tilespmem:s3+$0x12930] =	vst v11;
	v12 =	vld [tilespmem:s3+$0x191E0]  }
0x2ca: {  	[tilespmem:s3+$0x12970] =	vst v13;
	v17 =	vld [tilespmem:s3+$0x191D0]  }
0x2cb: {  	[tilespmem:s3+$0x12910] =	vst v10;
	v7 =	vld [tilespmem:s3+$0x129E0]  }
0x2cc: {  	[tilespmem:s3+$0x12960] =	vst v9;
	v9 =	vld [tilespmem:s3+$0x129D0]  }
0x2cd: {  	[tilespmem:s3+$0x12950] =	vst v6;
	v6 =	vld [tilespmem:s3+$0x12990]  }
0x2ce: {  	[tilespmem:s3+$0x12940] =	vst v8;
	v10 =	vld [tilespmem:s3+$0x129A0]  }
0x2cf: {  	v15 =	vld.idx.msk [tilespmem:v1+s9+$0x0 ss:$0x1], $0xffff  }
0x2d0: {  	v16 =	vld [tilespmem:s3+$0x12980];
	v18 =	vmul.f32 $1.131370830e+01, v7  }
.Ltmp3:
0x2d1: {  	v8 =	vld [tilespmem:s3+$0x129B0];
	v19 =	vmul.f32 $1.131370830e+01, v9;
	(pc) =	sbr.rel @p0 .LBB2_9-.Ltmp3, $4  }
0x2d2: {  	v9 =	vld [tilespmem:s3+$0x129C0];
	v14 =	vmul.f32 $1.131370830e+01, v6  }
0x2d3: {  	v11 =	vld [tilespmem:s3+$0x129F0];
	v13 =	vmul.f32 $1.131370830e+01, v10  }
0x2d4: {  	v6 =	vadd.f32 v12, v18;
	v10 =	vmov s10;
	v7 =	vld [tilespmem:s3+$0x191C0]  }
0x2d5: {  	s8 =	sadd.s32 $0x800, s8;
	v15 =	vperm.xlane v15, v10;
	v10 =	vadd.f32 v17, v19;
	v12 =	vld [tilespmem:s3+$0x191F0];
	v16 =	vmul.f32 $1.131370830e+01, v16  }
0x2d6: {  	_ = 	snop  }
0x2d7: {  	vm0 =	veq.s32 v15, $0x0;
	v1 =	vadd.f32 v3, v16  }
0x2d8: {  	v3 =	vadd.f32 v5, v14;
	v61 =	vsel vm0, $0x0, v0  }
0x2d9: {  	v11 =	vmul.f32 $1.131370830e+01, v11;
	v1 =	vmul.f32 v1, v61  }
0x2da: {  	v3 =	vmul.f32 v3, v61  }
0x2db: {  	v9 =	vmul.f32 $1.131370830e+01, v9;
	v11 =	vadd.f32 v12, v11;
	[tilespmem:s3+$0x12980] =	vst v1;
	v1 =	vmul.f32 v10, v61  }
0x2dc: {  	v4 =	vadd.f32 v4, v13;
	v8 =	vmul.f32 $1.131370830e+01, v8;
	[tilespmem:s3+$0x12990] =	vst v3;
	v3 =	vmul.f32 v6, v61  }
0x2dd: {  	s29 =	sadd.s32 $0x1, s29;
	v62 =	vadd.f32 v7, v9;
	v63 =	vmul.f32 v11, v61;
	[tilespmem:s3+$0x129D0] =	vst v1  }
0x2de: {  	p0 =	sne.s32 s29, $0x40;
	v1 =	vadd.f32 v2, v8;
	v2 =	vmul.f32 v4, v61;
	[tilespmem:s3+$0x129E0] =	vst v3  }
.Ltmp4:
0x2df: {  	v3 =	vmul.f32 v62, v61;
	[tilespmem:s3+$0x129F0] =	vst v63;
	(pc) =	sbr.rel @p0 .LBB2_2-.Ltmp4, $4  }
0x2e0: {  	v1 =	vmul.f32 v1, v61;
	[tilespmem:s3+$0x129A0] =	vst v2  }
0x2e1: {  	[tilespmem:s3+$0x129C0] =	vst v3  }
0x2e2: {  	s0 =	sadd.s32 $0x600, s0;
	[tilespmem:s3+$0x129B0] =	vst v1  }
0x2e3: {  	[hbm4b:s0+s5] =	stream.linear.scatter [tilespmem:s20], [sflag:$0x8], $0x3400, $0x38;
	[tilespmem:$0x1D000] =	vst v63  }
0x2e4: {  	s0 =	simm.s32 $0x5  }
0x2e5: {  	_ =	swait.ge [sflag:s0], $0x3000  }
0x2e6: {  	[sflag:s0] =	ssyncset.done $0x0  }
0x2e7: {  	s29 =	simm.s32 $0x6;
	[sflag:s0] =	ssyncadd.s32 $0xFFFFD000  }
0x2e8: {  	_ =	swait.ge [sflag:s29], $0x3400  }
0x2e9: {  	[sflag:s29] =	ssyncset.done $0x0  }
0x2ea: {  	s30 =	simm.s32 $0x7;
	[sflag:s29] =	ssyncadd.s32 $0xFFFFCC00  }
0x2eb: {  	_ =	swait.ge [sflag:s30], $0x3000  }
0x2ec: {  	[sflag:s30] =	ssyncset.done $0x0  }
0x2ed: {  	[sflag:s30] =	ssyncadd.s32 $0xFFFFD000  }
0x2ee: {  	_ =	swait.ge [sflag:s26], $0x3400  }
0x2ef: {  	s28 =	sadd.s32 $0x1, s28;
	s31 =	rddreg [dreg:$0x6]  }
0x2f0: {  	p0 =	sne.s32 s28, s31  }
.Ltmp5:
0x2f1: {  	_ = 	snop;
	(pc) =	sbr.rel @p0 .LBB2_1-.Ltmp5, $3  }
0x2f2: {  	_ =	sdelay $0x1  }
0x2f3: {  	[sflag:s26] =	ssyncset.done $0x0  }
0x2f4: {  	[sflag:s26] =	ssyncadd.s32 $0xFFFFCC00  }
0x2f5: {  	_ =	sfence.sel $0x180000  }
0x2f6: {  	[bflag:$0x0] =	sbarrier.arrive $0xFFFF  }
0x2f7: {  	_ =	strace $0x90000047  }
0x2f8: {  	s0 =	stileid.u32;
	[bflag:$0x2] =	sbarrier.arrive $0xFFFF  }
0x2f9: {  	p0 =	sne.s32 s0, $0x0;
	s0 =	rddreg [dreg:$0x4]  }
0x2fa: {  	s0 =	sadd.s32 @!p0 $0x100000, s0  }
0x2fb: {  	[sflag:s0] =	ssyncadd.tile.s32 @!p0 $0x1;
	_ =	shalt  }
.Lfunc_end2:
_tile_overlayer_lowered:
.L_overlay_start_2:
0x2fc: {  	(tag) =	ssettag $0x2  }
0x2fd: {  	s0 =	rddreg [dreg:$0x0];
	s2 =	stileid.u32  }
0x2fe: {  	s1 =	rddreg [dreg:$0x1];
	p0 =	sne.s32 s2, $0x0  }
0x2ff: {  	s3 =	rddreg [dreg:$0x2];
	[bflag:$0x3] =	sbarrier.arrive $0xFFFF;
	s2 =	simm.s32 @!p0 $0x1C0A  }
0x300: {  	[timem:s3], [sflag:s2] =	dma.local @!p0 [hbm:s0], s1  }
0x301: {  	s0 =	simm.s32 @!p0 $0xA  }
0x302: {  	_ =	swait.ge @!p0 [sflag:s0], s1  }
0x303: {  	s1 =	ssub.s32 @!p0 $0x0, s1;
	[sflag:s0] =	ssyncset.done @!p0 $0x0  }
0x304: {  	[sflag:s0] =	ssyncadd.s32 @!p0 s1  }
0x305: {  	[bflag:$0x3] =	sbarrier.arrive $0xFFFF  }
0x306: {  	_ =	shalt  }

</sc_bundles>
